<compile_context>
chip_gen: v7x
topology: tpu7x:2x2x1
jax: 0.10.2.dev20260603
libtpu: 0.0.44.dev20260713+nightly
codegen_flags: <defaults>
</compile_context>

<pallas_src>
import functools

import jax
import jax.numpy as jnp
from jax import lax
from jax.experimental import pallas as pl
from jax.experimental.pallas import tpu as pltpu
from jax.experimental.pallas import tpu_sc as plsc

NU = 10000
HD = 128
EK = 128
CNTW = 16
BLK = 1000


def _make_sc_agg(n_rel, e_total, with_cnt):
    info = plsc.get_sparse_core_info()
    NC, NS = info.num_cores, info.num_subcores
    NW = NC * NS
    assert e_total % EK == 0
    nch = e_total // EK
    jmax = (nch + NW - 1) // NW
    nzc = NU // EK + 1
    TAIL = NU - EK
    kmax = (nzc + NS - 1) // NS

    out_type = [jax.ShapeDtypeStruct((NC * n_rel * NU, HD), jnp.float32)]
    scratch = [
        pltpu.VMEM((EK,), jnp.int32),
        pltpu.VMEM((EK,), jnp.int32),
        pltpu.VMEM((EK,), jnp.int32),
        pltpu.VMEM((EK, HD), jnp.float32),
        pltpu.SemaphoreType.DMA,
        pltpu.VMEM_SHARED((NU, HD), jnp.float32),
    ]
    if with_cnt:
        out_type.append(jax.ShapeDtypeStruct((NC * n_rel * NU, HD), jnp.float32))

    mesh = plsc.VectorSubcoreMesh(core_axis_name="c", subcore_axis_name="s")

    @functools.partial(pl.kernel, mesh=mesh, out_type=out_type,
                       scratch_types=scratch)
    def sc_agg(x_hbm, src_hbm, dst_hbm, zg_hbm, iota_hbm, ones_hbm, *rest):
        if with_cnt:
            g_out, cnt_out, src_v, dst_v, idn_v, rows_v, sem, shared_g = rest
        else:
            g_out, src_v, dst_v, idn_v, rows_v, sem, shared_g = rest
        c = lax.axis_index("c")
        s = lax.axis_index("s")
        w = s * NC + c

        phases = [0, 1] if with_cnt else [0]
        for r in range(n_rel):
            for phase in phases:
                pltpu.sync_copy(zg_hbm.at[pl.ds(0, EK)], rows_v)

                def zero_chunk(k, _):
                    zc = k * NS + s
                    @pl.when(zc < nzc)
                    def _():
                        row = pl.multiple_of(jnp.minimum(zc * EK, TAIL), 8)
                        pltpu.sync_copy(iota_hbm.at[pl.ds(row, EK)], idn_v)
                        pltpu.sync_copy(rows_v, shared_g.at[idn_v])
                    return 0
                lax.fori_loop(0, kmax, zero_chunk, 0)
                if phase == 1:
                    pltpu.sync_copy(ones_hbm.at[pl.ds(0, EK)], rows_v)
                plsc.subcore_barrier()

                def chunk(j, _):
                    ch = j * NW + w
                    @pl.when(ch < nch)
                    def _():
                        base = pl.multiple_of(r * e_total + ch * EK, 8)
                        pltpu.sync_copy(dst_hbm.at[pl.ds(base, EK)], dst_v)
                        if phase == 0:
                            pltpu.sync_copy(src_hbm.at[pl.ds(base, EK)], src_v)
                            pltpu.async_copy(x_hbm.at[src_v], rows_v, sem).wait()
                        pltpu.sync_copy(rows_v, shared_g.at[dst_v], add=True)
                    return 0
                lax.fori_loop(0, jmax, chunk, 0)
                plsc.subcore_barrier()

                out_base = (c * n_rel + r) * NU
                out_ref = g_out if phase == 0 else cnt_out
                def write_chunk(k, _):
                    zc = k * NS + s
                    @pl.when(zc < nzc)
                    def _():
                        row = pl.multiple_of(jnp.minimum(zc * EK, TAIL), 8)
                        orow = pl.multiple_of(
                            out_base + jnp.minimum(zc * EK, TAIL), 8)
                        pltpu.sync_copy(iota_hbm.at[pl.ds(row, EK)], idn_v)
                        pltpu.async_copy(shared_g.at[idn_v], rows_v, sem).wait()
                        pltpu.sync_copy(rows_v, out_ref.at[pl.ds(orow, EK)])
                    return 0
                lax.fori_loop(0, kmax, write_chunk, 0)
                plsc.subcore_barrier()

    return sc_agg



def _proj_body(x_ref, w_ref, b_ref, o_ref):
    o_ref[...] = (jnp.dot(x_ref[...], w_ref[...],
                          preferred_element_type=jnp.float32) + b_ref[...])


def _inv(ca, cb):
    return 1.0 / jnp.maximum(ca[:, :1] + cb[:, :1], 1.0)


def _layer_user_body(x_ref, giuA, giuB, guuA, guuB, ciuA, ciuB, cuuA, cuuB,
                     wroot, w1, w2, b_ref, o_ref):
    acc = jnp.dot(x_ref[...], wroot[...], preferred_element_type=jnp.float32)
    giu = (giuA[...] + giuB[...]) * _inv(ciuA, ciuB)
    acc += jnp.dot(giu, w1[...], preferred_element_type=jnp.float32)
    guu = (guuA[...] + guuB[...]) * _inv(cuuA, cuuB)
    acc += jnp.dot(guu, w2[...], preferred_element_type=jnp.float32)
    o_ref[...] = jnp.maximum(acc + b_ref[...], 0.0)


def _layer_item_body(x_ref, gucA, gucB, cucA, cucB, wroot, w0, b_ref, o_ref):
    acc = jnp.dot(x_ref[...], wroot[...], preferred_element_type=jnp.float32)
    guc = (gucA[...] + gucB[...]) * _inv(cucA, cucB)
    acc += jnp.dot(guc, w0[...], preferred_element_type=jnp.float32)
    o_ref[...] = jnp.maximum(acc + b_ref[...], 0.0)


def _final_user_body(x_ref, giuA, giuB, guuA, guuB, ciuA, ciuB, cuuA, cuuB,
                     wroot, w1, w2, b_ref, wout, bout, o_ref):
    acc = jnp.dot(x_ref[...], wroot[...], preferred_element_type=jnp.float32)
    giu = (giuA[...] + giuB[...]) * _inv(ciuA, ciuB)
    acc += jnp.dot(giu, w1[...], preferred_element_type=jnp.float32)
    guu = (guuA[...] + guuB[...]) * _inv(cuuA, cuuB)
    acc += jnp.dot(guu, w2[...], preferred_element_type=jnp.float32)
    h = jnp.maximum(acc + b_ref[...], 0.0)
    o_ref[...] = jnp.dot(h, wout[...], preferred_element_type=jnp.float32) + bout[...]


def _g_spec(core, rel):
    return pl.BlockSpec((None, None, BLK, HD), lambda j, c=core, r=rel: (c, r, j, 0))


def _c_spec(core, rel):
    return pl.BlockSpec((None, None, BLK, CNTW), lambda j, c=core, r=rel: (c, r, j, 0))


def _w_spec():
    return pl.BlockSpec((HD, HD), lambda j: (0, 0))


def _b_spec(width=HD):
    return pl.BlockSpec((1, width), lambda j: (0, 0))


def kernel(x_user, x_item, edge_index_uc, edge_index_iu, edge_index_uu,
           lin_user_W, lin_user_b, lin_item_W, lin_item_b,
           W_rel, W_root, conv_b, out_W, out_b):
    n_user, d = x_user.shape
    n_item = x_item.shape[0]
    nn = n_user + n_item
    e = edge_index_uc.shape[1]
    h = W_root.shape[-1]
    cdim = out_W.shape[1]
    nub = n_user // BLK

    ei_uc = edge_index_uc.astype(jnp.int32)
    ei_iu = edge_index_iu.astype(jnp.int32)
    ei_uu = edge_index_uu.astype(jnp.int32)
    src1 = jnp.stack([ei_uc[0], ei_iu[0] + n_user, ei_uu[0]]).reshape(-1)
    dst1 = jnp.stack([ei_uc[1], ei_iu[1], ei_uu[1]]).reshape(-1)
    src2 = src1[e:]
    dst2 = dst1[e:]

    xs = jnp.stack([x_user, x_item])
    ws = jnp.stack([lin_user_W, lin_item_W])
    bs = jnp.stack([lin_user_b, lin_item_b]).reshape(2, 1, h)
    x0 = pl.pallas_call(
        _proj_body,
        grid=(2, nub),
        in_specs=[
            pl.BlockSpec((None, BLK, d), lambda i, j: (i, j, 0)),
            pl.BlockSpec((None, d, h), lambda i, j: (i, 0, 0)),
            pl.BlockSpec((None, 1, h), lambda i, j: (i, 0, 0)),
        ],
        out_specs=pl.BlockSpec((BLK, h), lambda i, j: (i * nub + j, 0)),
        out_shape=jax.ShapeDtypeStruct((nn, h), jnp.float32),
    )(xs, ws, bs)

    zg = jnp.zeros((NU, h), jnp.float32)
    iota = jnp.arange(NU, dtype=jnp.int32)
    ones128 = jnp.ones((EK, h), jnp.float32)
    g1, cntw = _make_sc_agg(3, e, True)(x0, src1, dst1, zg, iota, ones128)
    g1 = g1.reshape(2, 3, NU, h)
    cnt = cntw.reshape(2, 3, NU, h)[..., :CNTW]

    user_in_specs = [
        pl.BlockSpec((BLK, h), lambda j: (j, 0)),
        _g_spec(0, 1), _g_spec(1, 1), _g_spec(0, 2), _g_spec(1, 2),
        _c_spec(0, 1), _c_spec(1, 1), _c_spec(0, 2), _c_spec(1, 2),
        _w_spec(), _w_spec(), _w_spec(), _b_spec(),
    ]
    item_in_specs = [
        pl.BlockSpec((BLK, h), lambda j: (j + NU // BLK, 0)),
        _g_spec(0, 0), _g_spec(1, 0),
        _c_spec(0, 0), _c_spec(1, 0),
        _w_spec(), _w_spec(), _b_spec(),
    ]
    cb0 = conv_b[0].reshape(1, h)
    x1u = pl.pallas_call(
        _layer_user_body, grid=(nub,),
        in_specs=user_in_specs,
        out_specs=pl.BlockSpec((BLK, h), lambda j: (j, 0)),
        out_shape=jax.ShapeDtypeStruct((n_user, h), jnp.float32),
    )(x0, g1, g1, g1, g1, cnt, cnt, cnt, cnt,
      W_root[0], W_rel[0, 1], W_rel[0, 2], cb0)
    x1i = pl.pallas_call(
        _layer_item_body, grid=(nub,),
        in_specs=item_in_specs,
        out_specs=pl.BlockSpec((BLK, h), lambda j: (j, 0)),
        out_shape=jax.ShapeDtypeStruct((n_item, h), jnp.float32),
    )(x0, g1, g1, cnt, cnt, W_root[0], W_rel[0, 0], cb0)
    x1 = jnp.concatenate([x1u, x1i], axis=0)

    (g2,) = _make_sc_agg(2, e, False)(x1, src2, dst2, zg, iota, ones128)
    g2 = g2.reshape(2, 2, NU, h)

    final_in_specs = [
        pl.BlockSpec((BLK, h), lambda j: (j, 0)),
        _g_spec(0, 0), _g_spec(1, 0), _g_spec(0, 1), _g_spec(1, 1),
        _c_spec(0, 1), _c_spec(1, 1), _c_spec(0, 2), _c_spec(1, 2),
        _w_spec(), _w_spec(), _w_spec(), _b_spec(),
        pl.BlockSpec((h, cdim), lambda j: (0, 0)), _b_spec(cdim),
    ]
    out = pl.pallas_call(
        _final_user_body, grid=(nub,),
        in_specs=final_in_specs,
        out_specs=pl.BlockSpec((BLK, cdim), lambda j: (j, 0)),
        out_shape=jax.ShapeDtypeStruct((n_user, cdim), jnp.float32),
    )(x1, g2, g2, g2, g2, cnt, cnt, cnt, cnt,
      W_root[1], W_rel[1, 1], W_rel[1, 2], conv_b[1].reshape(1, h),
      out_W, out_b.reshape(1, cdim))
    return out

# --- scband reference (transcript-rebuilt; emitter-appended) ---
"""Pipeline reference for scband-rgcnmodel-50079318671420 (READ-ONLY COPY).

The authoritative reference and input builder live on the scoring server;
editing this copy changes nothing except your own understanding.
"""

import jax, jax.numpy as jnp
import numpy as np

N_USER, N_ITEM, D, H, R, L, C, E = 10000, 10000, 128, 128, 3, 2, 64, 160000

def setup_inputs(seed: int = 0) -> dict:
    key = jax.random.key(seed)
    ks = jax.random.split(key, 16)
    s = 1.0 / np.sqrt(H)
    inp = {}
    inp['x_user'] = jax.random.normal(ks[0], (N_USER, D), jnp.float32)
    inp['x_item'] = jax.random.normal(ks[1], (N_ITEM, D), jnp.float32)
    inp['edge_index_uc'] = jax.random.randint(ks[2], (2, E), 0, N_USER, dtype=jnp.int64) if jax.config.jax_enable_x64 else jax.random.randint(ks[2], (2, E), 0, N_USER)
    inp['edge_index_iu'] = jax.random.randint(ks[3], (2, E), 0, N_USER)
    inp['edge_index_uu'] = jax.random.randint(ks[4], (2, E), 0, N_USER)
    inp['lin_user_W'] = jax.random.normal(ks[5], (D, H), jnp.float32) * s
    inp['lin_user_b'] = jnp.zeros((H,), jnp.float32)
    inp['lin_item_W'] = jax.random.normal(ks[6], (D, H), jnp.float32) * s
    inp['lin_item_b'] = jnp.zeros((H,), jnp.float32)
    inp['W_rel'] = jax.random.normal(ks[7], (L, R, H, H), jnp.float32) * s
    inp['W_root'] = jax.random.normal(ks[8], (L, H, H), jnp.float32) * s
    inp['conv_b'] = jnp.zeros((L, H), jnp.float32)
    inp['out_W'] = jax.random.normal(ks[9], (H, C), jnp.float32) * s
    inp['out_b'] = jnp.zeros((C,), jnp.float32)
    return inp

def reference(x_user, x_item, edge_index_uc, edge_index_iu, edge_index_uu,
              lin_user_W, lin_user_b, lin_item_W, lin_item_b,
              W_rel, W_root, conv_b, out_W, out_b):
    n_user = x_user.shape[0]
    N = n_user + x_item.shape[0]
    # per-node-type input projections
    h_user = x_user @ lin_user_W + lin_user_b
    h_item = x_item @ lin_item_W + lin_item_b
    x = jnp.concatenate([h_user, h_item], axis=0)
    off_u, off_i = 0, n_user
    # (src_type_offset, dst_type_offset) per relation, matching edge_index_dict order
    rels = [
        (edge_index_uc[0] + off_u, edge_index_uc[1] + off_i),  # user -clicks-> item
        (edge_index_iu[0] + off_i, edge_index_iu[1] + off_u),  # item -clicked_by-> user
        (edge_index_uu[0] + off_u, edge_index_uu[1] + off_u),  # user -follows-> user
    ]
    for layer in range(W_root.shape[0]):
        # RGCNConv: root transform + per-relation mean-aggregated messages
        out = x @ W_root[layer] + conv_b[layer]
        for r, (src, dst) in enumerate(rels):
            msg = x[src] @ W_rel[layer, r]
            agg = jax.ops.segment_sum(msg, dst, num_segments=N)
            cnt = jax.ops.segment_sum(jnp.ones((dst.shape[0],), x.dtype), dst, num_segments=N)
            out = out + agg / jnp.maximum(cnt, 1.0)[:, None]
        x = jax.nn.relu(out)
        # dropout omitted: eval mode (training=False)
    out = x[0:n_user] @ out_W + out_b
    return out

if __name__ == "__main__":
    import jax
    _d = setup_inputs()
    print(jax.jit(kernel)(*tuple(_d.values())))

</pallas_src>

<mosaic_0001>
#map = affine_map<(d0, d1) -> (0, 0)>
#map1 = affine_map<(d0, d1) -> (0)>
module attributes {stable_mosaic.version = 14 : i64} {
  func.func @sc_agg(%arg0: i32, %arg1: i32, %arg2: memref<20000x128xf32, #tpu.memory_space<hbm>>, %arg3: memref<480000xi32, #tpu.memory_space<hbm>>, %arg4: memref<480000xi32, #tpu.memory_space<hbm>>, %arg5: memref<10000x128xf32, #tpu.memory_space<hbm>>, %arg6: memref<10000xi32, #tpu.memory_space<hbm>>, %arg7: memref<128x128xf32, #tpu.memory_space<hbm>>, %arg8: memref<60000x128xf32, #tpu.memory_space<hbm>>, %arg9: memref<60000x128xf32, #tpu.memory_space<hbm>>, %arg10: memref<128xi32, #tpu.memory_space<vmem>>, %arg11: memref<128xi32, #tpu.memory_space<vmem>>, %arg12: memref<128xi32, #tpu.memory_space<vmem>>, %arg13: memref<128x128xf32, #tpu.memory_space<vmem>>, %arg14: memref<!tpu.dma_semaphore, #tpu.memory_space<semaphore_mem>>, %arg15: memref<10000x128xf32, #tpu.memory_space<vmem_shared>>) attributes {dimension_semantics = [#tpu.dimension_semantics<core_parallel>, #tpu.dimension_semantics<subcore_parallel>], iteration_bounds = array<i64: 2, 16>, scalar_prefetch = 0 : i64, scratch_operands = 6 : i64, tpu.core_type = #tpu.core_type<sc_vector_subcore>, window_params = [{transform_indices = #map}, {transform_indices = #map1}, {transform_indices = #map1}, {transform_indices = #map}, {transform_indices = #map1}, {transform_indices = #map}, {transform_indices = #map}, {transform_indices = #map}]} {
    %mul3A = arith.constant 2 : i32
    %mul3A_0 = arith.muli %arg1, %mul3A : i32
    %add3A = arith.addi %mul3A_0, %arg0 : i32
    "tpu.region"() ({
      %run_scoped3A = tpu.sem_alloc : memref<!tpu.dma_semaphore, #tpu.memory_space<semaphore_mem>>
      %dma_start3A = arith.constant 0 : i32
      %dma_start3A_179 = arith.constant 0 : i32
      %dma_start3A_180 = tpu.memref_slice %arg5[%dma_start3A, %dma_start3A_179] : memref<10000x128xf32, #tpu.memory_space<hbm>> -> memref<128x128xf32, #tpu.memory_space<hbm>>
      %dma_start3A_181 = arith.constant 0 : i32
      %dma_start3A_182 = arith.constant 0 : i32
      %dma_start3A_183 = tpu.memref_slice %arg5[%dma_start3A_181, %dma_start3A_182] : memref<10000x128xf32, #tpu.memory_space<hbm>> -> memref<128x128xf32, #tpu.memory_space<hbm>>
      tpu.enqueue_dma source(%dma_start3A_183 : memref<128x128xf32, #tpu.memory_space<hbm>>) target(%arg13 : memref<128x128xf32, #tpu.memory_space<vmem>>) target_semaphore(%run_scoped3A : memref<!tpu.dma_semaphore, #tpu.memory_space<semaphore_mem>>)
      %dma_wait3A = arith.constant 0 : i32
      %dma_wait3A_184 = arith.constant 0 : i32
      %dma_wait3A_185 = tpu.memref_slice %arg5[%dma_wait3A, %dma_wait3A_184] : memref<10000x128xf32, #tpu.memory_space<hbm>> -> memref<128x128xf32, #tpu.memory_space<hbm>>
      %dma_wait3A_186 = arith.constant 0 : i32
      %dma_wait3A_187 = arith.constant 0 : i32
      %dma_wait3A_188 = tpu.memref_slice %arg5[%dma_wait3A_186, %dma_wait3A_187] : memref<10000x128xf32, #tpu.memory_space<hbm>> -> memref<128x128xf32, #tpu.memory_space<hbm>>
      tpu.wait_dma2 semaphore(%run_scoped3A : memref<!tpu.dma_semaphore, #tpu.memory_space<semaphore_mem>>) src(%dma_wait3A_188 : memref<128x128xf32, #tpu.memory_space<hbm>>) dst(%arg13 : memref<128x128xf32, #tpu.memory_space<vmem>>)
      tpu.yield
    }) : () -> ()
    %scan3A = arith.constant 0 : i32
    %scan3A_1 = arith.constant 0 : i32
    %scan3A_2 = arith.constant 5 : i32
    %scan3A_3 = arith.addi %scan3A_1, %scan3A_2 : i32
    %scan3A_4 = arith.constant 1 : i32
    %scan3A_5 = scf.for %scan3A_179 = %scan3A_1 to %scan3A_3 step %scan3A_4 iter_args(%scan3A_180 = %scan3A) -> (i32)  : i32 {
      %mul3A_181 = arith.constant 16 : i32
      %mul3A_182 = arith.muli %scan3A_179, %mul3A_181 : i32
      %add3A_183 = arith.addi %mul3A_182, %arg1 : i32
      %lt3A = arith.constant 79 : i32
      %lt3A_184 = arith.cmpi slt, %add3A_183, %lt3A : i32
      %convert_element_type3A = arith.extui %lt3A_184 : i1 to i32
      %cond3A = arith.constant 0 : i32
      %cond3A_185 = arith.cmpi ne, %convert_element_type3A, %cond3A : i32
      scf.if %cond3A_185 {
        %mul3A_187 = arith.constant 128 : i32
        %mul3A_188 = arith.muli %add3A_183, %mul3A_187 : i32
        %min3A = arith.constant 9872 : i32
        %min3A_189 = arith.minsi %mul3A_188, %min3A : i32
        %multiple_of3A = tpu.assume_multiple %min3A_189, 8 : i32
        "tpu.region"() ({
          %run_scoped3A = tpu.sem_alloc : memref<!tpu.dma_semaphore, #tpu.memory_space<semaphore_mem>>
          %dma_start3A = tpu.memref_slice %arg6[%multiple_of3A] : memref<10000xi32, #tpu.memory_space<hbm>> -> memref<128xi32, #tpu.memory_space<hbm>>
          %dma_start3A_190 = tpu.memref_slice %arg6[%multiple_of3A] : memref<10000xi32, #tpu.memory_space<hbm>> -> memref<128xi32, #tpu.memory_space<hbm>>
          tpu.enqueue_dma source(%dma_start3A_190 : memref<128xi32, #tpu.memory_space<hbm>>) target(%arg12 : memref<128xi32, #tpu.memory_space<vmem>>) target_semaphore(%run_scoped3A : memref<!tpu.dma_semaphore, #tpu.memory_space<semaphore_mem>>)
          %dma_wait3A = tpu.memref_slice %arg6[%multiple_of3A] : memref<10000xi32, #tpu.memory_space<hbm>> -> memref<128xi32, #tpu.memory_space<hbm>>
          %dma_wait3A_191 = tpu.memref_slice %arg6[%multiple_of3A] : memref<10000xi32, #tpu.memory_space<hbm>> -> memref<128xi32, #tpu.memory_space<hbm>>
          tpu.wait_dma2 semaphore(%run_scoped3A : memref<!tpu.dma_semaphore, #tpu.memory_space<semaphore_mem>>) src(%dma_wait3A_191 : memref<128xi32, #tpu.memory_space<hbm>>) dst(%arg12 : memref<128xi32, #tpu.memory_space<vmem>>)
          tpu.yield
        }) : () -> ()
        "tpu.region"() ({
          %run_scoped3A = tpu.sem_alloc : memref<!tpu.dma_semaphore, #tpu.memory_space<semaphore_mem>>
          %dma_start3A = arith.constant 0 : i32
          %dma_start3A_190 = arith.constant 0 : i32
          %dma_start3A_191 = tpu.memref_slice %arg15[%dma_start3A, %dma_start3A_190] : memref<10000x128xf32, #tpu.memory_space<vmem_shared>> -> memref<10000x128xf32, #tpu.memory_space<vmem_shared>>
          tpu.enqueue_indirect_dma source(%arg13 : memref<128x128xf32, #tpu.memory_space<vmem>>) target(%dma_start3A_191 : memref<10000x128xf32, #tpu.memory_space<vmem_shared>>) offsets(%arg12 : memref<128xi32, #tpu.memory_space<vmem>>) semaphore(%run_scoped3A : memref<!tpu.dma_semaphore, #tpu.memory_space<semaphore_mem>>)
          %dma_wait3A = arith.constant 0 : i32
          %dma_wait3A_192 = arith.constant 0 : i32
          %dma_wait3A_193 = tpu.memref_slice %arg15[%dma_wait3A, %dma_wait3A_192] : memref<10000x128xf32, #tpu.memory_space<vmem_shared>> -> memref<10000x128xf32, #tpu.memory_space<vmem_shared>>
          tpu.wait_indirect_dma semaphore(%run_scoped3A : memref<!tpu.dma_semaphore, #tpu.memory_space<semaphore_mem>>) src(%arg13 : memref<128x128xf32, #tpu.memory_space<vmem>>) dst(%dma_wait3A_193 : memref<10000x128xf32, #tpu.memory_space<vmem_shared>>)
          tpu.yield
        }) : () -> ()
      } else {
      }
      %scan3A_186 = arith.constant 0 : i32
      scf.yield %scan3A_186 : i32
    }
    %scan3A_6 = arith.constant 5 : i32
    %barrier3A = arith.constant 0 : index
    tpu.barrier barrier_id(%barrier3A)
    %scan3A_7 = arith.constant 0 : i32
    %scan3A_8 = arith.constant 0 : i32
    %scan3A_9 = arith.constant 40 : i32
    %scan3A_10 = arith.addi %scan3A_8, %scan3A_9 : i32
    %scan3A_11 = arith.constant 1 : i32
    %scan3A_12 = scf.for %scan3A_179 = %scan3A_8 to %scan3A_10 step %scan3A_11 iter_args(%scan3A_180 = %scan3A_7) -> (i32)  : i32 {
      %mul3A_181 = arith.constant 32 : i32
      %mul3A_182 = arith.muli %scan3A_179, %mul3A_181 : i32
      %add3A_183 = arith.addi %mul3A_182, %add3A : i32
      %lt3A = arith.constant 1250 : i32
      %lt3A_184 = arith.cmpi slt, %add3A_183, %lt3A : i32
      %convert_element_type3A = arith.extui %lt3A_184 : i1 to i32
      %cond3A = arith.constant 0 : i32
      %cond3A_185 = arith.cmpi ne, %convert_element_type3A, %cond3A : i32
      scf.if %cond3A_185 {
        %mul3A_187 = arith.constant 128 : i32
        %mul3A_188 = arith.muli %add3A_183, %mul3A_187 : i32
        %add3A_189 = arith.constant 0 : i32
        %add3A_190 = arith.addi %add3A_189, %mul3A_188 : i32
        %multiple_of3A = tpu.assume_multiple %add3A_190, 8 : i32
        "tpu.region"() ({
          %run_scoped3A = tpu.sem_alloc : memref<!tpu.dma_semaphore, #tpu.memory_space<semaphore_mem>>
          %dma_start3A_195 = tpu.memref_slice %arg4[%multiple_of3A] : memref<480000xi32, #tpu.memory_space<hbm>> -> memref<128xi32, #tpu.memory_space<hbm>>
          %dma_start3A_196 = tpu.memref_slice %arg4[%multiple_of3A] : memref<480000xi32, #tpu.memory_space<hbm>> -> memref<128xi32, #tpu.memory_space<hbm>>
          tpu.enqueue_dma source(%dma_start3A_196 : memref<128xi32, #tpu.memory_space<hbm>>) target(%arg11 : memref<128xi32, #tpu.memory_space<vmem>>) target_semaphore(%run_scoped3A : memref<!tpu.dma_semaphore, #tpu.memory_space<semaphore_mem>>)
          %dma_wait3A_197 = tpu.memref_slice %arg4[%multiple_of3A] : memref<480000xi32, #tpu.memory_space<hbm>> -> memref<128xi32, #tpu.memory_space<hbm>>
          %dma_wait3A_198 = tpu.memref_slice %arg4[%multiple_of3A] : memref<480000xi32, #tpu.memory_space<hbm>> -> memref<128xi32, #tpu.memory_space<hbm>>
          tpu.wait_dma2 semaphore(%run_scoped3A : memref<!tpu.dma_semaphore, #tpu.memory_space<semaphore_mem>>) src(%dma_wait3A_198 : memref<128xi32, #tpu.memory_space<hbm>>) dst(%arg11 : memref<128xi32, #tpu.memory_space<vmem>>)
          tpu.yield
        }) : () -> ()
        "tpu.region"() ({
          %run_scoped3A = tpu.sem_alloc : memref<!tpu.dma_semaphore, #tpu.memory_space<semaphore_mem>>
          %dma_start3A_195 = tpu.memref_slice %arg3[%multiple_of3A] : memref<480000xi32, #tpu.memory_space<hbm>> -> memref<128xi32, #tpu.memory_space<hbm>>
          %dma_start3A_196 = tpu.memref_slice %arg3[%multiple_of3A] : memref<480000xi32, #tpu.memory_space<hbm>> -> memref<128xi32, #tpu.memory_space<hbm>>
          tpu.enqueue_dma source(%dma_start3A_196 : memref<128xi32, #tpu.memory_space<hbm>>) target(%arg10 : memref<128xi32, #tpu.memory_space<vmem>>) target_semaphore(%run_scoped3A : memref<!tpu.dma_semaphore, #tpu.memory_space<semaphore_mem>>)
          %dma_wait3A_197 = tpu.memref_slice %arg3[%multiple_of3A] : memref<480000xi32, #tpu.memory_space<hbm>> -> memref<128xi32, #tpu.memory_space<hbm>>
          %dma_wait3A_198 = tpu.memref_slice %arg3[%multiple_of3A] : memref<480000xi32, #tpu.memory_space<hbm>> -> memref<128xi32, #tpu.memory_space<hbm>>
          tpu.wait_dma2 semaphore(%run_scoped3A : memref<!tpu.dma_semaphore, #tpu.memory_space<semaphore_mem>>) src(%dma_wait3A_198 : memref<128xi32, #tpu.memory_space<hbm>>) dst(%arg10 : memref<128xi32, #tpu.memory_space<vmem>>)
          tpu.yield
        }) : () -> ()
        %dma_start3A = arith.constant 0 : i32
        %dma_start3A_191 = arith.constant 0 : i32
        %dma_start3A_192 = tpu.memref_slice %arg2[%dma_start3A, %dma_start3A_191] : memref<20000x128xf32, #tpu.memory_space<hbm>> -> memref<20000x128xf32, #tpu.memory_space<hbm>>
        tpu.enqueue_indirect_dma source(%dma_start3A_192 : memref<20000x128xf32, #tpu.memory_space<hbm>>) target(%arg13 : memref<128x128xf32, #tpu.memory_space<vmem>>) offsets(%arg10 : memref<128xi32, #tpu.memory_space<vmem>>) semaphore(%arg14 : memref<!tpu.dma_semaphore, #tpu.memory_space<semaphore_mem>>)
        %dma_wait3A = arith.constant 0 : i32
        %dma_wait3A_193 = arith.constant 0 : i32
        %dma_wait3A_194 = tpu.memref_slice %arg2[%dma_wait3A, %dma_wait3A_193] : memref<20000x128xf32, #tpu.memory_space<hbm>> -> memref<20000x128xf32, #tpu.memory_space<hbm>>
        tpu.wait_indirect_dma semaphore(%arg14 : memref<!tpu.dma_semaphore, #tpu.memory_space<semaphore_mem>>) src(%dma_wait3A_194 : memref<20000x128xf32, #tpu.memory_space<hbm>>) dst(%arg13 : memref<128x128xf32, #tpu.memory_space<vmem>>)
        "tpu.region"() ({
          %run_scoped3A = tpu.sem_alloc : memref<!tpu.dma_semaphore, #tpu.memory_space<semaphore_mem>>
          %dma_start3A_195 = arith.constant 0 : i32
          %dma_start3A_196 = arith.constant 0 : i32
          %dma_start3A_197 = tpu.memref_slice %arg15[%dma_start3A_195, %dma_start3A_196] : memref<10000x128xf32, #tpu.memory_space<vmem_shared>> -> memref<10000x128xf32, #tpu.memory_space<vmem_shared>>
          tpu.enqueue_indirect_dma source(%arg13 : memref<128x128xf32, #tpu.memory_space<vmem>>) target(%dma_start3A_197 : memref<10000x128xf32, #tpu.memory_space<vmem_shared>>) offsets(%arg11 : memref<128xi32, #tpu.memory_space<vmem>>) semaphore(%run_scoped3A : memref<!tpu.dma_semaphore, #tpu.memory_space<semaphore_mem>>) {add = true}
          %dma_wait3A_198 = arith.constant 0 : i32
          %dma_wait3A_199 = arith.constant 0 : i32
          %dma_wait3A_200 = tpu.memref_slice %arg15[%dma_wait3A_198, %dma_wait3A_199] : memref<10000x128xf32, #tpu.memory_space<vmem_shared>> -> memref<10000x128xf32, #tpu.memory_space<vmem_shared>>
          tpu.wait_indirect_dma semaphore(%run_scoped3A : memref<!tpu.dma_semaphore, #tpu.memory_space<semaphore_mem>>) src(%arg13 : memref<128x128xf32, #tpu.memory_space<vmem>>) dst(%dma_wait3A_200 : memref<10000x128xf32, #tpu.memory_space<vmem_shared>>)
          tpu.yield
        }) : () -> ()
      } else {
      }
      %scan3A_186 = arith.constant 0 : i32
      scf.yield %scan3A_186 : i32
    }
    %scan3A_13 = arith.constant 40 : i32
    %barrier3A_14 = arith.constant 0 : index
    tpu.barrier barrier_id(%barrier3A_14)
    %mul3A_15 = arith.constant 3 : i32
    %mul3A_16 = arith.muli %arg0, %mul3A_15 : i32
    %add3A_17 = arith.constant 0 : i32
    %add3A_18 = arith.addi %mul3A_16, %add3A_17 : i32
    %mul3A_19 = arith.constant 10000 : i32
    %mul3A_20 = arith.muli %add3A_18, %mul3A_19 : i32
    %scan3A_21 = arith.constant 0 : i32
    %scan3A_22 = arith.constant 0 : i32
    %scan3A_23 = arith.constant 5 : i32
    %scan3A_24 = arith.addi %scan3A_22, %scan3A_23 : i32
    %scan3A_25 = arith.constant 1 : i32
    %scan3A_26 = scf.for %scan3A_179 = %scan3A_22 to %scan3A_24 step %scan3A_25 iter_args(%scan3A_180 = %scan3A_21) -> (i32)  : i32 {
      %mul3A_181 = arith.constant 16 : i32
      %mul3A_182 = arith.muli %scan3A_179, %mul3A_181 : i32
      %add3A_183 = arith.addi %mul3A_182, %arg1 : i32
      %lt3A = arith.constant 79 : i32
      %lt3A_184 = arith.cmpi slt, %add3A_183, %lt3A : i32
      %convert_element_type3A = arith.extui %lt3A_184 : i1 to i32
      %cond3A = arith.constant 0 : i32
      %cond3A_185 = arith.cmpi ne, %convert_element_type3A, %cond3A : i32
      scf.if %cond3A_185 {
        %mul3A_187 = arith.constant 128 : i32
        %mul3A_188 = arith.muli %add3A_183, %mul3A_187 : i32
        %min3A = arith.constant 9872 : i32
        %min3A_189 = arith.minsi %mul3A_188, %min3A : i32
        %multiple_of3A = tpu.assume_multiple %min3A_189, 8 : i32
        %mul3A_190 = arith.constant 128 : i32
        %mul3A_191 = arith.muli %add3A_183, %mul3A_190 : i32
        %min3A_192 = arith.constant 9872 : i32
        %min3A_193 = arith.minsi %mul3A_191, %min3A_192 : i32
        %add3A_194 = arith.addi %mul3A_20, %min3A_193 : i32
        %multiple_of3A_195 = tpu.assume_multiple %add3A_194, 8 : i32
        "tpu.region"() ({
          %run_scoped3A = tpu.sem_alloc : memref<!tpu.dma_semaphore, #tpu.memory_space<semaphore_mem>>
          %dma_start3A_200 = tpu.memref_slice %arg6[%multiple_of3A] : memref<10000xi32, #tpu.memory_space<hbm>> -> memref<128xi32, #tpu.memory_space<hbm>>
          %dma_start3A_201 = tpu.memref_slice %arg6[%multiple_of3A] : memref<10000xi32, #tpu.memory_space<hbm>> -> memref<128xi32, #tpu.memory_space<hbm>>
          tpu.enqueue_dma source(%dma_start3A_201 : memref<128xi32, #tpu.memory_space<hbm>>) target(%arg12 : memref<128xi32, #tpu.memory_space<vmem>>) target_semaphore(%run_scoped3A : memref<!tpu.dma_semaphore, #tpu.memory_space<semaphore_mem>>)
          %dma_wait3A_202 = tpu.memref_slice %arg6[%multiple_of3A] : memref<10000xi32, #tpu.memory_space<hbm>> -> memref<128xi32, #tpu.memory_space<hbm>>
          %dma_wait3A_203 = tpu.memref_slice %arg6[%multiple_of3A] : memref<10000xi32, #tpu.memory_space<hbm>> -> memref<128xi32, #tpu.memory_space<hbm>>
          tpu.wait_dma2 semaphore(%run_scoped3A : memref<!tpu.dma_semaphore, #tpu.memory_space<semaphore_mem>>) src(%dma_wait3A_203 : memref<128xi32, #tpu.memory_space<hbm>>) dst(%arg12 : memref<128xi32, #tpu.memory_space<vmem>>)
          tpu.yield
        }) : () -> ()
        %dma_start3A = arith.constant 0 : i32
        %dma_start3A_196 = arith.constant 0 : i32
        %dma_start3A_197 = tpu.memref_slice %arg15[%dma_start3A, %dma_start3A_196] : memref<10000x128xf32, #tpu.memory_space<vmem_shared>> -> memref<10000x128xf32, #tpu.memory_space<vmem_shared>>
        tpu.enqueue_indirect_dma source(%dma_start3A_197 : memref<10000x128xf32, #tpu.memory_space<vmem_shared>>) target(%arg13 : memref<128x128xf32, #tpu.memory_space<vmem>>) offsets(%arg12 : memref<128xi32, #tpu.memory_space<vmem>>) semaphore(%arg14 : memref<!tpu.dma_semaphore, #tpu.memory_space<semaphore_mem>>)
        %dma_wait3A = arith.constant 0 : i32
        %dma_wait3A_198 = arith.constant 0 : i32
        %dma_wait3A_199 = tpu.memref_slice %arg15[%dma_wait3A, %dma_wait3A_198] : memref<10000x128xf32, #tpu.memory_space<vmem_shared>> -> memref<10000x128xf32, #tpu.memory_space<vmem_shared>>
        tpu.wait_indirect_dma semaphore(%arg14 : memref<!tpu.dma_semaphore, #tpu.memory_space<semaphore_mem>>) src(%dma_wait3A_199 : memref<10000x128xf32, #tpu.memory_space<vmem_shared>>) dst(%arg13 : memref<128x128xf32, #tpu.memory_space<vmem>>)
        "tpu.region"() ({
          %run_scoped3A = tpu.sem_alloc : memref<!tpu.dma_semaphore, #tpu.memory_space<semaphore_mem>>
          %dma_start3A_200 = arith.constant 0 : i32
          %dma_start3A_201 = tpu.memref_slice %arg8[%multiple_of3A_195, %dma_start3A_200] : memref<60000x128xf32, #tpu.memory_space<hbm>> -> memref<128x128xf32, #tpu.memory_space<hbm>>
          %dma_start3A_202 = arith.constant 0 : i32
          %dma_start3A_203 = tpu.memref_slice %arg8[%multiple_of3A_195, %dma_start3A_202] : memref<60000x128xf32, #tpu.memory_space<hbm>> -> memref<128x128xf32, #tpu.memory_space<hbm>>
          tpu.enqueue_dma source(%arg13 : memref<128x128xf32, #tpu.memory_space<vmem>>) target(%dma_start3A_203 : memref<128x128xf32, #tpu.memory_space<hbm>>) target_semaphore(%run_scoped3A : memref<!tpu.dma_semaphore, #tpu.memory_space<semaphore_mem>>)
          %dma_wait3A_204 = arith.constant 0 : i32
          %dma_wait3A_205 = tpu.memref_slice %arg8[%multiple_of3A_195, %dma_wait3A_204] : memref<60000x128xf32, #tpu.memory_space<hbm>> -> memref<128x128xf32, #tpu.memory_space<hbm>>
          %dma_wait3A_206 = arith.constant 0 : i32
          %dma_wait3A_207 = tpu.memref_slice %arg8[%multiple_of3A_195, %dma_wait3A_206] : memref<60000x128xf32, #tpu.memory_space<hbm>> -> memref<128x128xf32, #tpu.memory_space<hbm>>
          tpu.wait_dma2 semaphore(%run_scoped3A : memref<!tpu.dma_semaphore, #tpu.memory_space<semaphore_mem>>) src(%arg13 : memref<128x128xf32, #tpu.memory_space<vmem>>) dst(%dma_wait3A_207 : memref<128x128xf32, #tpu.memory_space<hbm>>)
          tpu.yield
        }) : () -> ()
      } else {
      }
      %scan3A_186 = arith.constant 0 : i32
      scf.yield %scan3A_186 : i32
    }
    %scan3A_27 = arith.constant 5 : i32
    %barrier3A_28 = arith.constant 0 : index
    tpu.barrier barrier_id(%barrier3A_28)
    "tpu.region"() ({
      %run_scoped3A = tpu.sem_alloc : memref<!tpu.dma_semaphore, #tpu.memory_space<semaphore_mem>>
      %dma_start3A = arith.constant 0 : i32
      %dma_start3A_179 = arith.constant 0 : i32
      %dma_start3A_180 = tpu.memref_slice %arg5[%dma_start3A, %dma_start3A_179] : memref<10000x128xf32, #tpu.memory_space<hbm>> -> memref<128x128xf32, #tpu.memory_space<hbm>>
      %dma_start3A_181 = arith.constant 0 : i32
      %dma_start3A_182 = arith.constant 0 : i32
      %dma_start3A_183 = tpu.memref_slice %arg5[%dma_start3A_181, %dma_start3A_182] : memref<10000x128xf32, #tpu.memory_space<hbm>> -> memref<128x128xf32, #tpu.memory_space<hbm>>
      tpu.enqueue_dma source(%dma_start3A_183 : memref<128x128xf32, #tpu.memory_space<hbm>>) target(%arg13 : memref<128x128xf32, #tpu.memory_space<vmem>>) target_semaphore(%run_scoped3A : memref<!tpu.dma_semaphore, #tpu.memory_space<semaphore_mem>>)
      %dma_wait3A = arith.constant 0 : i32
      %dma_wait3A_184 = arith.constant 0 : i32
      %dma_wait3A_185 = tpu.memref_slice %arg5[%dma_wait3A, %dma_wait3A_184] : memref<10000x128xf32, #tpu.memory_space<hbm>> -> memref<128x128xf32, #tpu.memory_space<hbm>>
      %dma_wait3A_186 = arith.constant 0 : i32
      %dma_wait3A_187 = arith.constant 0 : i32
      %dma_wait3A_188 = tpu.memref_slice %arg5[%dma_wait3A_186, %dma_wait3A_187] : memref<10000x128xf32, #tpu.memory_space<hbm>> -> memref<128x128xf32, #tpu.memory_space<hbm>>
      tpu.wait_dma2 semaphore(%run_scoped3A : memref<!tpu.dma_semaphore, #tpu.memory_space<semaphore_mem>>) src(%dma_wait3A_188 : memref<128x128xf32, #tpu.memory_space<hbm>>) dst(%arg13 : memref<128x128xf32, #tpu.memory_space<vmem>>)
      tpu.yield
    }) : () -> ()
    %scan3A_29 = arith.constant 0 : i32
    %scan3A_30 = arith.constant 0 : i32
    %scan3A_31 = arith.constant 5 : i32
    %scan3A_32 = arith.addi %scan3A_30, %scan3A_31 : i32
    %scan3A_33 = arith.constant 1 : i32
    %scan3A_34 = scf.for %scan3A_179 = %scan3A_30 to %scan3A_32 step %scan3A_33 iter_args(%scan3A_180 = %scan3A_29) -> (i32)  : i32 {
      %mul3A_181 = arith.constant 16 : i32
      %mul3A_182 = arith.muli %scan3A_179, %mul3A_181 : i32
      %add3A_183 = arith.addi %mul3A_182, %arg1 : i32
      %lt3A = arith.constant 79 : i32
      %lt3A_184 = arith.cmpi slt, %add3A_183, %lt3A : i32
      %convert_element_type3A = arith.extui %lt3A_184 : i1 to i32
      %cond3A = arith.constant 0 : i32
      %cond3A_185 = arith.cmpi ne, %convert_element_type3A, %cond3A : i32
      scf.if %cond3A_185 {
        %mul3A_187 = arith.constant 128 : i32
        %mul3A_188 = arith.muli %add3A_183, %mul3A_187 : i32
        %min3A = arith.constant 9872 : i32
        %min3A_189 = arith.minsi %mul3A_188, %min3A : i32
        %multiple_of3A = tpu.assume_multiple %min3A_189, 8 : i32
        "tpu.region"() ({
          %run_scoped3A = tpu.sem_alloc : memref<!tpu.dma_semaphore, #tpu.memory_space<semaphore_mem>>
          %dma_start3A = tpu.memref_slice %arg6[%multiple_of3A] : memref<10000xi32, #tpu.memory_space<hbm>> -> memref<128xi32, #tpu.memory_space<hbm>>
          %dma_start3A_190 = tpu.memref_slice %arg6[%multiple_of3A] : memref<10000xi32, #tpu.memory_space<hbm>> -> memref<128xi32, #tpu.memory_space<hbm>>
          tpu.enqueue_dma source(%dma_start3A_190 : memref<128xi32, #tpu.memory_space<hbm>>) target(%arg12 : memref<128xi32, #tpu.memory_space<vmem>>) target_semaphore(%run_scoped3A : memref<!tpu.dma_semaphore, #tpu.memory_space<semaphore_mem>>)
          %dma_wait3A = tpu.memref_slice %arg6[%multiple_of3A] : memref<10000xi32, #tpu.memory_space<hbm>> -> memref<128xi32, #tpu.memory_space<hbm>>
          %dma_wait3A_191 = tpu.memref_slice %arg6[%multiple_of3A] : memref<10000xi32, #tpu.memory_space<hbm>> -> memref<128xi32, #tpu.memory_space<hbm>>
          tpu.wait_dma2 semaphore(%run_scoped3A : memref<!tpu.dma_semaphore, #tpu.memory_space<semaphore_mem>>) src(%dma_wait3A_191 : memref<128xi32, #tpu.memory_space<hbm>>) dst(%arg12 : memref<128xi32, #tpu.memory_space<vmem>>)
          tpu.yield
        }) : () -> ()
        "tpu.region"() ({
          %run_scoped3A = tpu.sem_alloc : memref<!tpu.dma_semaphore, #tpu.memory_space<semaphore_mem>>
          %dma_start3A = arith.constant 0 : i32
          %dma_start3A_190 = arith.constant 0 : i32
          %dma_start3A_191 = tpu.memref_slice %arg15[%dma_start3A, %dma_start3A_190] : memref<10000x128xf32, #tpu.memory_space<vmem_shared>> -> memref<10000x128xf32, #tpu.memory_space<vmem_shared>>
          tpu.enqueue_indirect_dma source(%arg13 : memref<128x128xf32, #tpu.memory_space<vmem>>) target(%dma_start3A_191 : memref<10000x128xf32, #tpu.memory_space<vmem_shared>>) offsets(%arg12 : memref<128xi32, #tpu.memory_space<vmem>>) semaphore(%run_scoped3A : memref<!tpu.dma_semaphore, #tpu.memory_space<semaphore_mem>>)
          %dma_wait3A = arith.constant 0 : i32
          %dma_wait3A_192 = arith.constant 0 : i32
          %dma_wait3A_193 = tpu.memref_slice %arg15[%dma_wait3A, %dma_wait3A_192] : memref<10000x128xf32, #tpu.memory_space<vmem_shared>> -> memref<10000x128xf32, #tpu.memory_space<vmem_shared>>
          tpu.wait_indirect_dma semaphore(%run_scoped3A : memref<!tpu.dma_semaphore, #tpu.memory_space<semaphore_mem>>) src(%arg13 : memref<128x128xf32, #tpu.memory_space<vmem>>) dst(%dma_wait3A_193 : memref<10000x128xf32, #tpu.memory_space<vmem_shared>>)
          tpu.yield
        }) : () -> ()
      } else {
      }
      %scan3A_186 = arith.constant 0 : i32
      scf.yield %scan3A_186 : i32
    }
    %scan3A_35 = arith.constant 5 : i32
    "tpu.region"() ({
      %run_scoped3A = tpu.sem_alloc : memref<!tpu.dma_semaphore, #tpu.memory_space<semaphore_mem>>
      %dma_start3A = arith.constant 0 : i32
      %dma_start3A_179 = arith.constant 0 : i32
      %dma_start3A_180 = tpu.memref_slice %arg7[%dma_start3A, %dma_start3A_179] : memref<128x128xf32, #tpu.memory_space<hbm>> -> memref<128x128xf32, #tpu.memory_space<hbm>>
      %dma_start3A_181 = arith.constant 0 : i32
      %dma_start3A_182 = arith.constant 0 : i32
      %dma_start3A_183 = tpu.memref_slice %arg7[%dma_start3A_181, %dma_start3A_182] : memref<128x128xf32, #tpu.memory_space<hbm>> -> memref<128x128xf32, #tpu.memory_space<hbm>>
      tpu.enqueue_dma source(%dma_start3A_183 : memref<128x128xf32, #tpu.memory_space<hbm>>) target(%arg13 : memref<128x128xf32, #tpu.memory_space<vmem>>) target_semaphore(%run_scoped3A : memref<!tpu.dma_semaphore, #tpu.memory_space<semaphore_mem>>)
      %dma_wait3A = arith.constant 0 : i32
      %dma_wait3A_184 = arith.constant 0 : i32
      %dma_wait3A_185 = tpu.memref_slice %arg7[%dma_wait3A, %dma_wait3A_184] : memref<128x128xf32, #tpu.memory_space<hbm>> -> memref<128x128xf32, #tpu.memory_space<hbm>>
      %dma_wait3A_186 = arith.constant 0 : i32
      %dma_wait3A_187 = arith.constant 0 : i32
      %dma_wait3A_188 = tpu.memref_slice %arg7[%dma_wait3A_186, %dma_wait3A_187] : memref<128x128xf32, #tpu.memory_space<hbm>> -> memref<128x128xf32, #tpu.memory_space<hbm>>
      tpu.wait_dma2 semaphore(%run_scoped3A : memref<!tpu.dma_semaphore, #tpu.memory_space<semaphore_mem>>) src(%dma_wait3A_188 : memref<128x128xf32, #tpu.memory_space<hbm>>) dst(%arg13 : memref<128x128xf32, #tpu.memory_space<vmem>>)
      tpu.yield
    }) : () -> ()
    %barrier3A_36 = arith.constant 0 : index
    tpu.barrier barrier_id(%barrier3A_36)
    %scan3A_37 = arith.constant 0 : i32
    %scan3A_38 = arith.constant 0 : i32
    %scan3A_39 = arith.constant 40 : i32
    %scan3A_40 = arith.addi %scan3A_38, %scan3A_39 : i32
    %scan3A_41 = arith.constant 1 : i32
    %scan3A_42 = scf.for %scan3A_179 = %scan3A_38 to %scan3A_40 step %scan3A_41 iter_args(%scan3A_180 = %scan3A_37) -> (i32)  : i32 {
      %mul3A_181 = arith.constant 32 : i32
      %mul3A_182 = arith.muli %scan3A_179, %mul3A_181 : i32
      %add3A_183 = arith.addi %mul3A_182, %add3A : i32
      %lt3A = arith.constant 1250 : i32
      %lt3A_184 = arith.cmpi slt, %add3A_183, %lt3A : i32
      %convert_element_type3A = arith.extui %lt3A_184 : i1 to i32
      %cond3A = arith.constant 0 : i32
      %cond3A_185 = arith.cmpi ne, %convert_element_type3A, %cond3A : i32
      scf.if %cond3A_185 {
        %mul3A_187 = arith.constant 128 : i32
        %mul3A_188 = arith.muli %add3A_183, %mul3A_187 : i32
        %add3A_189 = arith.constant 0 : i32
        %add3A_190 = arith.addi %add3A_189, %mul3A_188 : i32
        %multiple_of3A = tpu.assume_multiple %add3A_190, 8 : i32
        "tpu.region"() ({
          %run_scoped3A = tpu.sem_alloc : memref<!tpu.dma_semaphore, #tpu.memory_space<semaphore_mem>>
          %dma_start3A = tpu.memref_slice %arg4[%multiple_of3A] : memref<480000xi32, #tpu.memory_space<hbm>> -> memref<128xi32, #tpu.memory_space<hbm>>
          %dma_start3A_191 = tpu.memref_slice %arg4[%multiple_of3A] : memref<480000xi32, #tpu.memory_space<hbm>> -> memref<128xi32, #tpu.memory_space<hbm>>
          tpu.enqueue_dma source(%dma_start3A_191 : memref<128xi32, #tpu.memory_space<hbm>>) target(%arg11 : memref<128xi32, #tpu.memory_space<vmem>>) target_semaphore(%run_scoped3A : memref<!tpu.dma_semaphore, #tpu.memory_space<semaphore_mem>>)
          %dma_wait3A = tpu.memref_slice %arg4[%multiple_of3A] : memref<480000xi32, #tpu.memory_space<hbm>> -> memref<128xi32, #tpu.memory_space<hbm>>
          %dma_wait3A_192 = tpu.memref_slice %arg4[%multiple_of3A] : memref<480000xi32, #tpu.memory_space<hbm>> -> memref<128xi32, #tpu.memory_space<hbm>>
          tpu.wait_dma2 semaphore(%run_scoped3A : memref<!tpu.dma_semaphore, #tpu.memory_space<semaphore_mem>>) src(%dma_wait3A_192 : memref<128xi32, #tpu.memory_space<hbm>>) dst(%arg11 : memref<128xi32, #tpu.memory_space<vmem>>)
          tpu.yield
        }) : () -> ()
        "tpu.region"() ({
          %run_scoped3A = tpu.sem_alloc : memref<!tpu.dma_semaphore, #tpu.memory_space<semaphore_mem>>
          %dma_start3A = arith.constant 0 : i32
          %dma_start3A_191 = arith.constant 0 : i32
          %dma_start3A_192 = tpu.memref_slice %arg15[%dma_start3A, %dma_start3A_191] : memref<10000x128xf32, #tpu.memory_space<vmem_shared>> -> memref<10000x128xf32, #tpu.memory_space<vmem_shared>>
          tpu.enqueue_indirect_dma source(%arg13 : memref<128x128xf32, #tpu.memory_space<vmem>>) target(%dma_start3A_192 : memref<10000x128xf32, #tpu.memory_space<vmem_shared>>) offsets(%arg11 : memref<128xi32, #tpu.memory_space<vmem>>) semaphore(%run_scoped3A : memref<!tpu.dma_semaphore, #tpu.memory_space<semaphore_mem>>) {add = true}
          %dma_wait3A = arith.constant 0 : i32
          %dma_wait3A_193 = arith.constant 0 : i32
          %dma_wait3A_194 = tpu.memref_slice %arg15[%dma_wait3A, %dma_wait3A_193] : memref<10000x128xf32, #tpu.memory_space<vmem_shared>> -> memref<10000x128xf32, #tpu.memory_space<vmem_shared>>
          tpu.wait_indirect_dma semaphore(%run_scoped3A : memref<!tpu.dma_semaphore, #tpu.memory_space<semaphore_mem>>) src(%arg13 : memref<128x128xf32, #tpu.memory_space<vmem>>) dst(%dma_wait3A_194 : memref<10000x128xf32, #tpu.memory_space<vmem_shared>>)
          tpu.yield
        }) : () -> ()
      } else {
      }
      %scan3A_186 = arith.constant 0 : i32
      scf.yield %scan3A_186 : i32
    }
    %scan3A_43 = arith.constant 40 : i32
    %barrier3A_44 = arith.constant 0 : index
    tpu.barrier barrier_id(%barrier3A_44)
    %mul3A_45 = arith.constant 3 : i32
    %mul3A_46 = arith.muli %arg0, %mul3A_45 : i32
    %add3A_47 = arith.constant 0 : i32
    %add3A_48 = arith.addi %mul3A_46, %add3A_47 : i32
    %mul3A_49 = arith.constant 10000 : i32
    %mul3A_50 = arith.muli %add3A_48, %mul3A_49 : i32
    %scan3A_51 = arith.constant 0 : i32
    %scan3A_52 = arith.constant 0 : i32
    %scan3A_53 = arith.constant 5 : i32
    %scan3A_54 = arith.addi %scan3A_52, %scan3A_53 : i32
    %scan3A_55 = arith.constant 1 : i32
    %scan3A_56 = scf.for %scan3A_179 = %scan3A_52 to %scan3A_54 step %scan3A_55 iter_args(%scan3A_180 = %scan3A_51) -> (i32)  : i32 {
      %mul3A_181 = arith.constant 16 : i32
      %mul3A_182 = arith.muli %scan3A_179, %mul3A_181 : i32
      %add3A_183 = arith.addi %mul3A_182, %arg1 : i32
      %lt3A = arith.constant 79 : i32
      %lt3A_184 = arith.cmpi slt, %add3A_183, %lt3A : i32
      %convert_element_type3A = arith.extui %lt3A_184 : i1 to i32
      %cond3A = arith.constant 0 : i32
      %cond3A_185 = arith.cmpi ne, %convert_element_type3A, %cond3A : i32
      scf.if %cond3A_185 {
        %mul3A_187 = arith.constant 128 : i32
        %mul3A_188 = arith.muli %add3A_183, %mul3A_187 : i32
        %min3A = arith.constant 9872 : i32
        %min3A_189 = arith.minsi %mul3A_188, %min3A : i32
        %multiple_of3A = tpu.assume_multiple %min3A_189, 8 : i32
        %mul3A_190 = arith.constant 128 : i32
        %mul3A_191 = arith.muli %add3A_183, %mul3A_190 : i32
        %min3A_192 = arith.constant 9872 : i32
        %min3A_193 = arith.minsi %mul3A_191, %min3A_192 : i32
        %add3A_194 = arith.addi %mul3A_50, %min3A_193 : i32
        %multiple_of3A_195 = tpu.assume_multiple %add3A_194, 8 : i32
        "tpu.region"() ({
          %run_scoped3A = tpu.sem_alloc : memref<!tpu.dma_semaphore, #tpu.memory_space<semaphore_mem>>
          %dma_start3A_200 = tpu.memref_slice %arg6[%multiple_of3A] : memref<10000xi32, #tpu.memory_space<hbm>> -> memref<128xi32, #tpu.memory_space<hbm>>
          %dma_start3A_201 = tpu.memref_slice %arg6[%multiple_of3A] : memref<10000xi32, #tpu.memory_space<hbm>> -> memref<128xi32, #tpu.memory_space<hbm>>
          tpu.enqueue_dma source(%dma_start3A_201 : memref<128xi32, #tpu.memory_space<hbm>>) target(%arg12 : memref<128xi32, #tpu.memory_space<vmem>>) target_semaphore(%run_scoped3A : memref<!tpu.dma_semaphore, #tpu.memory_space<semaphore_mem>>)
          %dma_wait3A_202 = tpu.memref_slice %arg6[%multiple_of3A] : memref<10000xi32, #tpu.memory_space<hbm>> -> memref<128xi32, #tpu.memory_space<hbm>>
          %dma_wait3A_203 = tpu.memref_slice %arg6[%multiple_of3A] : memref<10000xi32, #tpu.memory_space<hbm>> -> memref<128xi32, #tpu.memory_space<hbm>>
          tpu.wait_dma2 semaphore(%run_scoped3A : memref<!tpu.dma_semaphore, #tpu.memory_space<semaphore_mem>>) src(%dma_wait3A_203 : memref<128xi32, #tpu.memory_space<hbm>>) dst(%arg12 : memref<128xi32, #tpu.memory_space<vmem>>)
          tpu.yield
        }) : () -> ()
        %dma_start3A = arith.constant 0 : i32
        %dma_start3A_196 = arith.constant 0 : i32
        %dma_start3A_197 = tpu.memref_slice %arg15[%dma_start3A, %dma_start3A_196] : memref<10000x128xf32, #tpu.memory_space<vmem_shared>> -> memref<10000x128xf32, #tpu.memory_space<vmem_shared>>
        tpu.enqueue_indirect_dma source(%dma_start3A_197 : memref<10000x128xf32, #tpu.memory_space<vmem_shared>>) target(%arg13 : memref<128x128xf32, #tpu.memory_space<vmem>>) offsets(%arg12 : memref<128xi32, #tpu.memory_space<vmem>>) semaphore(%arg14 : memref<!tpu.dma_semaphore, #tpu.memory_space<semaphore_mem>>)
        %dma_wait3A = arith.constant 0 : i32
        %dma_wait3A_198 = arith.constant 0 : i32
        %dma_wait3A_199 = tpu.memref_slice %arg15[%dma_wait3A, %dma_wait3A_198] : memref<10000x128xf32, #tpu.memory_space<vmem_shared>> -> memref<10000x128xf32, #tpu.memory_space<vmem_shared>>
        tpu.wait_indirect_dma semaphore(%arg14 : memref<!tpu.dma_semaphore, #tpu.memory_space<semaphore_mem>>) src(%dma_wait3A_199 : memref<10000x128xf32, #tpu.memory_space<vmem_shared>>) dst(%arg13 : memref<128x128xf32, #tpu.memory_space<vmem>>)
        "tpu.region"() ({
          %run_scoped3A = tpu.sem_alloc : memref<!tpu.dma_semaphore, #tpu.memory_space<semaphore_mem>>
          %dma_start3A_200 = arith.constant 0 : i32
          %dma_start3A_201 = tpu.memref_slice %arg9[%multiple_of3A_195, %dma_start3A_200] : memref<60000x128xf32, #tpu.memory_space<hbm>> -> memref<128x128xf32, #tpu.memory_space<hbm>>
          %dma_start3A_202 = arith.constant 0 : i32
          %dma_start3A_203 = tpu.memref_slice %arg9[%multiple_of3A_195, %dma_start3A_202] : memref<60000x128xf32, #tpu.memory_space<hbm>> -> memref<128x128xf32, #tpu.memory_space<hbm>>
          tpu.enqueue_dma source(%arg13 : memref<128x128xf32, #tpu.memory_space<vmem>>) target(%dma_start3A_203 : memref<128x128xf32, #tpu.memory_space<hbm>>) target_semaphore(%run_scoped3A : memref<!tpu.dma_semaphore, #tpu.memory_space<semaphore_mem>>)
          %dma_wait3A_204 = arith.constant 0 : i32
          %dma_wait3A_205 = tpu.memref_slice %arg9[%multiple_of3A_195, %dma_wait3A_204] : memref<60000x128xf32, #tpu.memory_space<hbm>> -> memref<128x128xf32, #tpu.memory_space<hbm>>
          %dma_wait3A_206 = arith.constant 0 : i32
          %dma_wait3A_207 = tpu.memref_slice %arg9[%multiple_of3A_195, %dma_wait3A_206] : memref<60000x128xf32, #tpu.memory_space<hbm>> -> memref<128x128xf32, #tpu.memory_space<hbm>>
          tpu.wait_dma2 semaphore(%run_scoped3A : memref<!tpu.dma_semaphore, #tpu.memory_space<semaphore_mem>>) src(%arg13 : memref<128x128xf32, #tpu.memory_space<vmem>>) dst(%dma_wait3A_207 : memref<128x128xf32, #tpu.memory_space<hbm>>)
          tpu.yield
        }) : () -> ()
      } else {
      }
      %scan3A_186 = arith.constant 0 : i32
      scf.yield %scan3A_186 : i32
    }
    %scan3A_57 = arith.constant 5 : i32
    %barrier3A_58 = arith.constant 0 : index
    tpu.barrier barrier_id(%barrier3A_58)
    "tpu.region"() ({
      %run_scoped3A = tpu.sem_alloc : memref<!tpu.dma_semaphore, #tpu.memory_space<semaphore_mem>>
      %dma_start3A = arith.constant 0 : i32
      %dma_start3A_179 = arith.constant 0 : i32
      %dma_start3A_180 = tpu.memref_slice %arg5[%dma_start3A, %dma_start3A_179] : memref<10000x128xf32, #tpu.memory_space<hbm>> -> memref<128x128xf32, #tpu.memory_space<hbm>>
      %dma_start3A_181 = arith.constant 0 : i32
      %dma_start3A_182 = arith.constant 0 : i32
      %dma_start3A_183 = tpu.memref_slice %arg5[%dma_start3A_181, %dma_start3A_182] : memref<10000x128xf32, #tpu.memory_space<hbm>> -> memref<128x128xf32, #tpu.memory_space<hbm>>
      tpu.enqueue_dma source(%dma_start3A_183 : memref<128x128xf32, #tpu.memory_space<hbm>>) target(%arg13 : memref<128x128xf32, #tpu.memory_space<vmem>>) target_semaphore(%run_scoped3A : memref<!tpu.dma_semaphore, #tpu.memory_space<semaphore_mem>>)
      %dma_wait3A = arith.constant 0 : i32
      %dma_wait3A_184 = arith.constant 0 : i32
      %dma_wait3A_185 = tpu.memref_slice %arg5[%dma_wait3A, %dma_wait3A_184] : memref<10000x128xf32, #tpu.memory_space<hbm>> -> memref<128x128xf32, #tpu.memory_space<hbm>>
      %dma_wait3A_186 = arith.constant 0 : i32
      %dma_wait3A_187 = arith.constant 0 : i32
      %dma_wait3A_188 = tpu.memref_slice %arg5[%dma_wait3A_186, %dma_wait3A_187] : memref<10000x128xf32, #tpu.memory_space<hbm>> -> memref<128x128xf32, #tpu.memory_space<hbm>>
      tpu.wait_dma2 semaphore(%run_scoped3A : memref<!tpu.dma_semaphore, #tpu.memory_space<semaphore_mem>>) src(%dma_wait3A_188 : memref<128x128xf32, #tpu.memory_space<hbm>>) dst(%arg13 : memref<128x128xf32, #tpu.memory_space<vmem>>)
      tpu.yield
    }) : () -> ()
    %scan3A_59 = arith.constant 0 : i32
    %scan3A_60 = arith.constant 0 : i32
    %scan3A_61 = arith.constant 5 : i32
    %scan3A_62 = arith.addi %scan3A_60, %scan3A_61 : i32
    %scan3A_63 = arith.constant 1 : i32
    %scan3A_64 = scf.for %scan3A_179 = %scan3A_60 to %scan3A_62 step %scan3A_63 iter_args(%scan3A_180 = %scan3A_59) -> (i32)  : i32 {
      %mul3A_181 = arith.constant 16 : i32
      %mul3A_182 = arith.muli %scan3A_179, %mul3A_181 : i32
      %add3A_183 = arith.addi %mul3A_182, %arg1 : i32
      %lt3A = arith.constant 79 : i32
      %lt3A_184 = arith.cmpi slt, %add3A_183, %lt3A : i32
      %convert_element_type3A = arith.extui %lt3A_184 : i1 to i32
      %cond3A = arith.constant 0 : i32
      %cond3A_185 = arith.cmpi ne, %convert_element_type3A, %cond3A : i32
      scf.if %cond3A_185 {
        %mul3A_187 = arith.constant 128 : i32
        %mul3A_188 = arith.muli %add3A_183, %mul3A_187 : i32
        %min3A = arith.constant 9872 : i32
        %min3A_189 = arith.minsi %mul3A_188, %min3A : i32
        %multiple_of3A = tpu.assume_multiple %min3A_189, 8 : i32
        "tpu.region"() ({
          %run_scoped3A = tpu.sem_alloc : memref<!tpu.dma_semaphore, #tpu.memory_space<semaphore_mem>>
          %dma_start3A = tpu.memref_slice %arg6[%multiple_of3A] : memref<10000xi32, #tpu.memory_space<hbm>> -> memref<128xi32, #tpu.memory_space<hbm>>
          %dma_start3A_190 = tpu.memref_slice %arg6[%multiple_of3A] : memref<10000xi32, #tpu.memory_space<hbm>> -> memref<128xi32, #tpu.memory_space<hbm>>
          tpu.enqueue_dma source(%dma_start3A_190 : memref<128xi32, #tpu.memory_space<hbm>>) target(%arg12 : memref<128xi32, #tpu.memory_space<vmem>>) target_semaphore(%run_scoped3A : memref<!tpu.dma_semaphore, #tpu.memory_space<semaphore_mem>>)
          %dma_wait3A = tpu.memref_slice %arg6[%multiple_of3A] : memref<10000xi32, #tpu.memory_space<hbm>> -> memref<128xi32, #tpu.memory_space<hbm>>
          %dma_wait3A_191 = tpu.memref_slice %arg6[%multiple_of3A] : memref<10000xi32, #tpu.memory_space<hbm>> -> memref<128xi32, #tpu.memory_space<hbm>>
          tpu.wait_dma2 semaphore(%run_scoped3A : memref<!tpu.dma_semaphore, #tpu.memory_space<semaphore_mem>>) src(%dma_wait3A_191 : memref<128xi32, #tpu.memory_space<hbm>>) dst(%arg12 : memref<128xi32, #tpu.memory_space<vmem>>)
          tpu.yield
        }) : () -> ()
        "tpu.region"() ({
          %run_scoped3A = tpu.sem_alloc : memref<!tpu.dma_semaphore, #tpu.memory_space<semaphore_mem>>
          %dma_start3A = arith.constant 0 : i32
          %dma_start3A_190 = arith.constant 0 : i32
          %dma_start3A_191 = tpu.memref_slice %arg15[%dma_start3A, %dma_start3A_190] : memref<10000x128xf32, #tpu.memory_space<vmem_shared>> -> memref<10000x128xf32, #tpu.memory_space<vmem_shared>>
          tpu.enqueue_indirect_dma source(%arg13 : memref<128x128xf32, #tpu.memory_space<vmem>>) target(%dma_start3A_191 : memref<10000x128xf32, #tpu.memory_space<vmem_shared>>) offsets(%arg12 : memref<128xi32, #tpu.memory_space<vmem>>) semaphore(%run_scoped3A : memref<!tpu.dma_semaphore, #tpu.memory_space<semaphore_mem>>)
          %dma_wait3A = arith.constant 0 : i32
          %dma_wait3A_192 = arith.constant 0 : i32
          %dma_wait3A_193 = tpu.memref_slice %arg15[%dma_wait3A, %dma_wait3A_192] : memref<10000x128xf32, #tpu.memory_space<vmem_shared>> -> memref<10000x128xf32, #tpu.memory_space<vmem_shared>>
          tpu.wait_indirect_dma semaphore(%run_scoped3A : memref<!tpu.dma_semaphore, #tpu.memory_space<semaphore_mem>>) src(%arg13 : memref<128x128xf32, #tpu.memory_space<vmem>>) dst(%dma_wait3A_193 : memref<10000x128xf32, #tpu.memory_space<vmem_shared>>)
          tpu.yield
        }) : () -> ()
      } else {
      }
      %scan3A_186 = arith.constant 0 : i32
      scf.yield %scan3A_186 : i32
    }
    %scan3A_65 = arith.constant 5 : i32
    %barrier3A_66 = arith.constant 0 : index
    tpu.barrier barrier_id(%barrier3A_66)
    %scan3A_67 = arith.constant 0 : i32
    %scan3A_68 = arith.constant 0 : i32
    %scan3A_69 = arith.constant 40 : i32
    %scan3A_70 = arith.addi %scan3A_68, %scan3A_69 : i32
    %scan3A_71 = arith.constant 1 : i32
    %scan3A_72 = scf.for %scan3A_179 = %scan3A_68 to %scan3A_70 step %scan3A_71 iter_args(%scan3A_180 = %scan3A_67) -> (i32)  : i32 {
      %mul3A_181 = arith.constant 32 : i32
      %mul3A_182 = arith.muli %scan3A_179, %mul3A_181 : i32
      %add3A_183 = arith.addi %mul3A_182, %add3A : i32
      %lt3A = arith.constant 1250 : i32
      %lt3A_184 = arith.cmpi slt, %add3A_183, %lt3A : i32
      %convert_element_type3A = arith.extui %lt3A_184 : i1 to i32
      %cond3A = arith.constant 0 : i32
      %cond3A_185 = arith.cmpi ne, %convert_element_type3A, %cond3A : i32
      scf.if %cond3A_185 {
        %mul3A_187 = arith.constant 128 : i32
        %mul3A_188 = arith.muli %add3A_183, %mul3A_187 : i32
        %add3A_189 = arith.constant 160000 : i32
        %add3A_190 = arith.addi %add3A_189, %mul3A_188 : i32
        %multiple_of3A = tpu.assume_multiple %add3A_190, 8 : i32
        "tpu.region"() ({
          %run_scoped3A = tpu.sem_alloc : memref<!tpu.dma_semaphore, #tpu.memory_space<semaphore_mem>>
          %dma_start3A_195 = tpu.memref_slice %arg4[%multiple_of3A] : memref<480000xi32, #tpu.memory_space<hbm>> -> memref<128xi32, #tpu.memory_space<hbm>>
          %dma_start3A_196 = tpu.memref_slice %arg4[%multiple_of3A] : memref<480000xi32, #tpu.memory_space<hbm>> -> memref<128xi32, #tpu.memory_space<hbm>>
          tpu.enqueue_dma source(%dma_start3A_196 : memref<128xi32, #tpu.memory_space<hbm>>) target(%arg11 : memref<128xi32, #tpu.memory_space<vmem>>) target_semaphore(%run_scoped3A : memref<!tpu.dma_semaphore, #tpu.memory_space<semaphore_mem>>)
          %dma_wait3A_197 = tpu.memref_slice %arg4[%multiple_of3A] : memref<480000xi32, #tpu.memory_space<hbm>> -> memref<128xi32, #tpu.memory_space<hbm>>
          %dma_wait3A_198 = tpu.memref_slice %arg4[%multiple_of3A] : memref<480000xi32, #tpu.memory_space<hbm>> -> memref<128xi32, #tpu.memory_space<hbm>>
          tpu.wait_dma2 semaphore(%run_scoped3A : memref<!tpu.dma_semaphore, #tpu.memory_space<semaphore_mem>>) src(%dma_wait3A_198 : memref<128xi32, #tpu.memory_space<hbm>>) dst(%arg11 : memref<128xi32, #tpu.memory_space<vmem>>)
          tpu.yield
        }) : () -> ()
        "tpu.region"() ({
          %run_scoped3A = tpu.sem_alloc : memref<!tpu.dma_semaphore, #tpu.memory_space<semaphore_mem>>
          %dma_start3A_195 = tpu.memref_slice %arg3[%multiple_of3A] : memref<480000xi32, #tpu.memory_space<hbm>> -> memref<128xi32, #tpu.memory_space<hbm>>
          %dma_start3A_196 = tpu.memref_slice %arg3[%multiple_of3A] : memref<480000xi32, #tpu.memory_space<hbm>> -> memref<128xi32, #tpu.memory_space<hbm>>
          tpu.enqueue_dma source(%dma_start3A_196 : memref<128xi32, #tpu.memory_space<hbm>>) target(%arg10 : memref<128xi32, #tpu.memory_space<vmem>>) target_semaphore(%run_scoped3A : memref<!tpu.dma_semaphore, #tpu.memory_space<semaphore_mem>>)
          %dma_wait3A_197 = tpu.memref_slice %arg3[%multiple_of3A] : memref<480000xi32, #tpu.memory_space<hbm>> -> memref<128xi32, #tpu.memory_space<hbm>>
          %dma_wait3A_198 = tpu.memref_slice %arg3[%multiple_of3A] : memref<480000xi32, #tpu.memory_space<hbm>> -> memref<128xi32, #tpu.memory_space<hbm>>
          tpu.wait_dma2 semaphore(%run_scoped3A : memref<!tpu.dma_semaphore, #tpu.memory_space<semaphore_mem>>) src(%dma_wait3A_198 : memref<128xi32, #tpu.memory_space<hbm>>) dst(%arg10 : memref<128xi32, #tpu.memory_space<vmem>>)
          tpu.yield
        }) : () -> ()
        %dma_start3A = arith.constant 0 : i32
        %dma_start3A_191 = arith.constant 0 : i32
        %dma_start3A_192 = tpu.memref_slice %arg2[%dma_start3A, %dma_start3A_191] : memref<20000x128xf32, #tpu.memory_space<hbm>> -> memref<20000x128xf32, #tpu.memory_space<hbm>>
        tpu.enqueue_indirect_dma source(%dma_start3A_192 : memref<20000x128xf32, #tpu.memory_space<hbm>>) target(%arg13 : memref<128x128xf32, #tpu.memory_space<vmem>>) offsets(%arg10 : memref<128xi32, #tpu.memory_space<vmem>>) semaphore(%arg14 : memref<!tpu.dma_semaphore, #tpu.memory_space<semaphore_mem>>)
        %dma_wait3A = arith.constant 0 : i32
        %dma_wait3A_193 = arith.constant 0 : i32
        %dma_wait3A_194 = tpu.memref_slice %arg2[%dma_wait3A, %dma_wait3A_193] : memref<20000x128xf32, #tpu.memory_space<hbm>> -> memref<20000x128xf32, #tpu.memory_space<hbm>>
        tpu.wait_indirect_dma semaphore(%arg14 : memref<!tpu.dma_semaphore, #tpu.memory_space<semaphore_mem>>) src(%dma_wait3A_194 : memref<20000x128xf32, #tpu.memory_space<hbm>>) dst(%arg13 : memref<128x128xf32, #tpu.memory_space<vmem>>)
        "tpu.region"() ({
          %run_scoped3A = tpu.sem_alloc : memref<!tpu.dma_semaphore, #tpu.memory_space<semaphore_mem>>
          %dma_start3A_195 = arith.constant 0 : i32
          %dma_start3A_196 = arith.constant 0 : i32
          %dma_start3A_197 = tpu.memref_slice %arg15[%dma_start3A_195, %dma_start3A_196] : memref<10000x128xf32, #tpu.memory_space<vmem_shared>> -> memref<10000x128xf32, #tpu.memory_space<vmem_shared>>
          tpu.enqueue_indirect_dma source(%arg13 : memref<128x128xf32, #tpu.memory_space<vmem>>) target(%dma_start3A_197 : memref<10000x128xf32, #tpu.memory_space<vmem_shared>>) offsets(%arg11 : memref<128xi32, #tpu.memory_space<vmem>>) semaphore(%run_scoped3A : memref<!tpu.dma_semaphore, #tpu.memory_space<semaphore_mem>>) {add = true}
          %dma_wait3A_198 = arith.constant 0 : i32
          %dma_wait3A_199 = arith.constant 0 : i32
          %dma_wait3A_200 = tpu.memref_slice %arg15[%dma_wait3A_198, %dma_wait3A_199] : memref<10000x128xf32, #tpu.memory_space<vmem_shared>> -> memref<10000x128xf32, #tpu.memory_space<vmem_shared>>
          tpu.wait_indirect_dma semaphore(%run_scoped3A : memref<!tpu.dma_semaphore, #tpu.memory_space<semaphore_mem>>) src(%arg13 : memref<128x128xf32, #tpu.memory_space<vmem>>) dst(%dma_wait3A_200 : memref<10000x128xf32, #tpu.memory_space<vmem_shared>>)
          tpu.yield
        }) : () -> ()
      } else {
      }
      %scan3A_186 = arith.constant 0 : i32
      scf.yield %scan3A_186 : i32
    }
    %scan3A_73 = arith.constant 40 : i32
    %barrier3A_74 = arith.constant 0 : index
    tpu.barrier barrier_id(%barrier3A_74)
    %mul3A_75 = arith.constant 3 : i32
    %mul3A_76 = arith.muli %arg0, %mul3A_75 : i32
    %add3A_77 = arith.constant 1 : i32
    %add3A_78 = arith.addi %mul3A_76, %add3A_77 : i32
    %mul3A_79 = arith.constant 10000 : i32
    %mul3A_80 = arith.muli %add3A_78, %mul3A_79 : i32
    %scan3A_81 = arith.constant 0 : i32
    %scan3A_82 = arith.constant 0 : i32
    %scan3A_83 = arith.constant 5 : i32
    %scan3A_84 = arith.addi %scan3A_82, %scan3A_83 : i32
    %scan3A_85 = arith.constant 1 : i32
    %scan3A_86 = scf.for %scan3A_179 = %scan3A_82 to %scan3A_84 step %scan3A_85 iter_args(%scan3A_180 = %scan3A_81) -> (i32)  : i32 {
      %mul3A_181 = arith.constant 16 : i32
      %mul3A_182 = arith.muli %scan3A_179, %mul3A_181 : i32
      %add3A_183 = arith.addi %mul3A_182, %arg1 : i32
      %lt3A = arith.constant 79 : i32
      %lt3A_184 = arith.cmpi slt, %add3A_183, %lt3A : i32
      %convert_element_type3A = arith.extui %lt3A_184 : i1 to i32
      %cond3A = arith.constant 0 : i32
      %cond3A_185 = arith.cmpi ne, %convert_element_type3A, %cond3A : i32
      scf.if %cond3A_185 {
        %mul3A_187 = arith.constant 128 : i32
        %mul3A_188 = arith.muli %add3A_183, %mul3A_187 : i32
        %min3A = arith.constant 9872 : i32
        %min3A_189 = arith.minsi %mul3A_188, %min3A : i32
        %multiple_of3A = tpu.assume_multiple %min3A_189, 8 : i32
        %mul3A_190 = arith.constant 128 : i32
        %mul3A_191 = arith.muli %add3A_183, %mul3A_190 : i32
        %min3A_192 = arith.constant 9872 : i32
        %min3A_193 = arith.minsi %mul3A_191, %min3A_192 : i32
        %add3A_194 = arith.addi %mul3A_80, %min3A_193 : i32
        %multiple_of3A_195 = tpu.assume_multiple %add3A_194, 8 : i32
        "tpu.region"() ({
          %run_scoped3A = tpu.sem_alloc : memref<!tpu.dma_semaphore, #tpu.memory_space<semaphore_mem>>
          %dma_start3A_200 = tpu.memref_slice %arg6[%multiple_of3A] : memref<10000xi32, #tpu.memory_space<hbm>> -> memref<128xi32, #tpu.memory_space<hbm>>
          %dma_start3A_201 = tpu.memref_slice %arg6[%multiple_of3A] : memref<10000xi32, #tpu.memory_space<hbm>> -> memref<128xi32, #tpu.memory_space<hbm>>
          tpu.enqueue_dma source(%dma_start3A_201 : memref<128xi32, #tpu.memory_space<hbm>>) target(%arg12 : memref<128xi32, #tpu.memory_space<vmem>>) target_semaphore(%run_scoped3A : memref<!tpu.dma_semaphore, #tpu.memory_space<semaphore_mem>>)
          %dma_wait3A_202 = tpu.memref_slice %arg6[%multiple_of3A] : memref<10000xi32, #tpu.memory_space<hbm>> -> memref<128xi32, #tpu.memory_space<hbm>>
          %dma_wait3A_203 = tpu.memref_slice %arg6[%multiple_of3A] : memref<10000xi32, #tpu.memory_space<hbm>> -> memref<128xi32, #tpu.memory_space<hbm>>
          tpu.wait_dma2 semaphore(%run_scoped3A : memref<!tpu.dma_semaphore, #tpu.memory_space<semaphore_mem>>) src(%dma_wait3A_203 : memref<128xi32, #tpu.memory_space<hbm>>) dst(%arg12 : memref<128xi32, #tpu.memory_space<vmem>>)
          tpu.yield
        }) : () -> ()
        %dma_start3A = arith.constant 0 : i32
        %dma_start3A_196 = arith.constant 0 : i32
        %dma_start3A_197 = tpu.memref_slice %arg15[%dma_start3A, %dma_start3A_196] : memref<10000x128xf32, #tpu.memory_space<vmem_shared>> -> memref<10000x128xf32, #tpu.memory_space<vmem_shared>>
        tpu.enqueue_indirect_dma source(%dma_start3A_197 : memref<10000x128xf32, #tpu.memory_space<vmem_shared>>) target(%arg13 : memref<128x128xf32, #tpu.memory_space<vmem>>) offsets(%arg12 : memref<128xi32, #tpu.memory_space<vmem>>) semaphore(%arg14 : memref<!tpu.dma_semaphore, #tpu.memory_space<semaphore_mem>>)
        %dma_wait3A = arith.constant 0 : i32
        %dma_wait3A_198 = arith.constant 0 : i32
        %dma_wait3A_199 = tpu.memref_slice %arg15[%dma_wait3A, %dma_wait3A_198] : memref<10000x128xf32, #tpu.memory_space<vmem_shared>> -> memref<10000x128xf32, #tpu.memory_space<vmem_shared>>
        tpu.wait_indirect_dma semaphore(%arg14 : memref<!tpu.dma_semaphore, #tpu.memory_space<semaphore_mem>>) src(%dma_wait3A_199 : memref<10000x128xf32, #tpu.memory_space<vmem_shared>>) dst(%arg13 : memref<128x128xf32, #tpu.memory_space<vmem>>)
        "tpu.region"() ({
          %run_scoped3A = tpu.sem_alloc : memref<!tpu.dma_semaphore, #tpu.memory_space<semaphore_mem>>
          %dma_start3A_200 = arith.constant 0 : i32
          %dma_start3A_201 = tpu.memref_slice %arg8[%multiple_of3A_195, %dma_start3A_200] : memref<60000x128xf32, #tpu.memory_space<hbm>> -> memref<128x128xf32, #tpu.memory_space<hbm>>
          %dma_start3A_202 = arith.constant 0 : i32
          %dma_start3A_203 = tpu.memref_slice %arg8[%multiple_of3A_195, %dma_start3A_202] : memref<60000x128xf32, #tpu.memory_space<hbm>> -> memref<128x128xf32, #tpu.memory_space<hbm>>
          tpu.enqueue_dma source(%arg13 : memref<128x128xf32, #tpu.memory_space<vmem>>) target(%dma_start3A_203 : memref<128x128xf32, #tpu.memory_space<hbm>>) target_semaphore(%run_scoped3A : memref<!tpu.dma_semaphore, #tpu.memory_space<semaphore_mem>>)
          %dma_wait3A_204 = arith.constant 0 : i32
          %dma_wait3A_205 = tpu.memref_slice %arg8[%multiple_of3A_195, %dma_wait3A_204] : memref<60000x128xf32, #tpu.memory_space<hbm>> -> memref<128x128xf32, #tpu.memory_space<hbm>>
          %dma_wait3A_206 = arith.constant 0 : i32
          %dma_wait3A_207 = tpu.memref_slice %arg8[%multiple_of3A_195, %dma_wait3A_206] : memref<60000x128xf32, #tpu.memory_space<hbm>> -> memref<128x128xf32, #tpu.memory_space<hbm>>
          tpu.wait_dma2 semaphore(%run_scoped3A : memref<!tpu.dma_semaphore, #tpu.memory_space<semaphore_mem>>) src(%arg13 : memref<128x128xf32, #tpu.memory_space<vmem>>) dst(%dma_wait3A_207 : memref<128x128xf32, #tpu.memory_space<hbm>>)
          tpu.yield
        }) : () -> ()
      } else {
      }
      %scan3A_186 = arith.constant 0 : i32
      scf.yield %scan3A_186 : i32
    }
    %scan3A_87 = arith.constant 5 : i32
    %barrier3A_88 = arith.constant 0 : index
    tpu.barrier barrier_id(%barrier3A_88)
    "tpu.region"() ({
      %run_scoped3A = tpu.sem_alloc : memref<!tpu.dma_semaphore, #tpu.memory_space<semaphore_mem>>
      %dma_start3A = arith.constant 0 : i32
      %dma_start3A_179 = arith.constant 0 : i32
      %dma_start3A_180 = tpu.memref_slice %arg5[%dma_start3A, %dma_start3A_179] : memref<10000x128xf32, #tpu.memory_space<hbm>> -> memref<128x128xf32, #tpu.memory_space<hbm>>
      %dma_start3A_181 = arith.constant 0 : i32
      %dma_start3A_182 = arith.constant 0 : i32
      %dma_start3A_183 = tpu.memref_slice %arg5[%dma_start3A_181, %dma_start3A_182] : memref<10000x128xf32, #tpu.memory_space<hbm>> -> memref<128x128xf32, #tpu.memory_space<hbm>>
      tpu.enqueue_dma source(%dma_start3A_183 : memref<128x128xf32, #tpu.memory_space<hbm>>) target(%arg13 : memref<128x128xf32, #tpu.memory_space<vmem>>) target_semaphore(%run_scoped3A : memref<!tpu.dma_semaphore, #tpu.memory_space<semaphore_mem>>)
      %dma_wait3A = arith.constant 0 : i32
      %dma_wait3A_184 = arith.constant 0 : i32
      %dma_wait3A_185 = tpu.memref_slice %arg5[%dma_wait3A, %dma_wait3A_184] : memref<10000x128xf32, #tpu.memory_space<hbm>> -> memref<128x128xf32, #tpu.memory_space<hbm>>
      %dma_wait3A_186 = arith.constant 0 : i32
      %dma_wait3A_187 = arith.constant 0 : i32
      %dma_wait3A_188 = tpu.memref_slice %arg5[%dma_wait3A_186, %dma_wait3A_187] : memref<10000x128xf32, #tpu.memory_space<hbm>> -> memref<128x128xf32, #tpu.memory_space<hbm>>
      tpu.wait_dma2 semaphore(%run_scoped3A : memref<!tpu.dma_semaphore, #tpu.memory_space<semaphore_mem>>) src(%dma_wait3A_188 : memref<128x128xf32, #tpu.memory_space<hbm>>) dst(%arg13 : memref<128x128xf32, #tpu.memory_space<vmem>>)
      tpu.yield
    }) : () -> ()
    %scan3A_89 = arith.constant 0 : i32
    %scan3A_90 = arith.constant 0 : i32
    %scan3A_91 = arith.constant 5 : i32
    %scan3A_92 = arith.addi %scan3A_90, %scan3A_91 : i32
    %scan3A_93 = arith.constant 1 : i32
    %scan3A_94 = scf.for %scan3A_179 = %scan3A_90 to %scan3A_92 step %scan3A_93 iter_args(%scan3A_180 = %scan3A_89) -> (i32)  : i32 {
      %mul3A_181 = arith.constant 16 : i32
      %mul3A_182 = arith.muli %scan3A_179, %mul3A_181 : i32
      %add3A_183 = arith.addi %mul3A_182, %arg1 : i32
      %lt3A = arith.constant 79 : i32
      %lt3A_184 = arith.cmpi slt, %add3A_183, %lt3A : i32
      %convert_element_type3A = arith.extui %lt3A_184 : i1 to i32
      %cond3A = arith.constant 0 : i32
      %cond3A_185 = arith.cmpi ne, %convert_element_type3A, %cond3A : i32
      scf.if %cond3A_185 {
        %mul3A_187 = arith.constant 128 : i32
        %mul3A_188 = arith.muli %add3A_183, %mul3A_187 : i32
        %min3A = arith.constant 9872 : i32
        %min3A_189 = arith.minsi %mul3A_188, %min3A : i32
        %multiple_of3A = tpu.assume_multiple %min3A_189, 8 : i32
        "tpu.region"() ({
          %run_scoped3A = tpu.sem_alloc : memref<!tpu.dma_semaphore, #tpu.memory_space<semaphore_mem>>
          %dma_start3A = tpu.memref_slice %arg6[%multiple_of3A] : memref<10000xi32, #tpu.memory_space<hbm>> -> memref<128xi32, #tpu.memory_space<hbm>>
          %dma_start3A_190 = tpu.memref_slice %arg6[%multiple_of3A] : memref<10000xi32, #tpu.memory_space<hbm>> -> memref<128xi32, #tpu.memory_space<hbm>>
          tpu.enqueue_dma source(%dma_start3A_190 : memref<128xi32, #tpu.memory_space<hbm>>) target(%arg12 : memref<128xi32, #tpu.memory_space<vmem>>) target_semaphore(%run_scoped3A : memref<!tpu.dma_semaphore, #tpu.memory_space<semaphore_mem>>)
          %dma_wait3A = tpu.memref_slice %arg6[%multiple_of3A] : memref<10000xi32, #tpu.memory_space<hbm>> -> memref<128xi32, #tpu.memory_space<hbm>>
          %dma_wait3A_191 = tpu.memref_slice %arg6[%multiple_of3A] : memref<10000xi32, #tpu.memory_space<hbm>> -> memref<128xi32, #tpu.memory_space<hbm>>
          tpu.wait_dma2 semaphore(%run_scoped3A : memref<!tpu.dma_semaphore, #tpu.memory_space<semaphore_mem>>) src(%dma_wait3A_191 : memref<128xi32, #tpu.memory_space<hbm>>) dst(%arg12 : memref<128xi32, #tpu.memory_space<vmem>>)
          tpu.yield
        }) : () -> ()
        "tpu.region"() ({
          %run_scoped3A = tpu.sem_alloc : memref<!tpu.dma_semaphore, #tpu.memory_space<semaphore_mem>>
          %dma_start3A = arith.constant 0 : i32
          %dma_start3A_190 = arith.constant 0 : i32
          %dma_start3A_191 = tpu.memref_slice %arg15[%dma_start3A, %dma_start3A_190] : memref<10000x128xf32, #tpu.memory_space<vmem_shared>> -> memref<10000x128xf32, #tpu.memory_space<vmem_shared>>
          tpu.enqueue_indirect_dma source(%arg13 : memref<128x128xf32, #tpu.memory_space<vmem>>) target(%dma_start3A_191 : memref<10000x128xf32, #tpu.memory_space<vmem_shared>>) offsets(%arg12 : memref<128xi32, #tpu.memory_space<vmem>>) semaphore(%run_scoped3A : memref<!tpu.dma_semaphore, #tpu.memory_space<semaphore_mem>>)
          %dma_wait3A = arith.constant 0 : i32
          %dma_wait3A_192 = arith.constant 0 : i32
          %dma_wait3A_193 = tpu.memref_slice %arg15[%dma_wait3A, %dma_wait3A_192] : memref<10000x128xf32, #tpu.memory_space<vmem_shared>> -> memref<10000x128xf32, #tpu.memory_space<vmem_shared>>
          tpu.wait_indirect_dma semaphore(%run_scoped3A : memref<!tpu.dma_semaphore, #tpu.memory_space<semaphore_mem>>) src(%arg13 : memref<128x128xf32, #tpu.memory_space<vmem>>) dst(%dma_wait3A_193 : memref<10000x128xf32, #tpu.memory_space<vmem_shared>>)
          tpu.yield
        }) : () -> ()
      } else {
      }
      %scan3A_186 = arith.constant 0 : i32
      scf.yield %scan3A_186 : i32
    }
    %scan3A_95 = arith.constant 5 : i32
    "tpu.region"() ({
      %run_scoped3A = tpu.sem_alloc : memref<!tpu.dma_semaphore, #tpu.memory_space<semaphore_mem>>
      %dma_start3A = arith.constant 0 : i32
      %dma_start3A_179 = arith.constant 0 : i32
      %dma_start3A_180 = tpu.memref_slice %arg7[%dma_start3A, %dma_start3A_179] : memref<128x128xf32, #tpu.memory_space<hbm>> -> memref<128x128xf32, #tpu.memory_space<hbm>>
      %dma_start3A_181 = arith.constant 0 : i32
      %dma_start3A_182 = arith.constant 0 : i32
      %dma_start3A_183 = tpu.memref_slice %arg7[%dma_start3A_181, %dma_start3A_182] : memref<128x128xf32, #tpu.memory_space<hbm>> -> memref<128x128xf32, #tpu.memory_space<hbm>>
      tpu.enqueue_dma source(%dma_start3A_183 : memref<128x128xf32, #tpu.memory_space<hbm>>) target(%arg13 : memref<128x128xf32, #tpu.memory_space<vmem>>) target_semaphore(%run_scoped3A : memref<!tpu.dma_semaphore, #tpu.memory_space<semaphore_mem>>)
      %dma_wait3A = arith.constant 0 : i32
      %dma_wait3A_184 = arith.constant 0 : i32
      %dma_wait3A_185 = tpu.memref_slice %arg7[%dma_wait3A, %dma_wait3A_184] : memref<128x128xf32, #tpu.memory_space<hbm>> -> memref<128x128xf32, #tpu.memory_space<hbm>>
      %dma_wait3A_186 = arith.constant 0 : i32
      %dma_wait3A_187 = arith.constant 0 : i32
      %dma_wait3A_188 = tpu.memref_slice %arg7[%dma_wait3A_186, %dma_wait3A_187] : memref<128x128xf32, #tpu.memory_space<hbm>> -> memref<128x128xf32, #tpu.memory_space<hbm>>
      tpu.wait_dma2 semaphore(%run_scoped3A : memref<!tpu.dma_semaphore, #tpu.memory_space<semaphore_mem>>) src(%dma_wait3A_188 : memref<128x128xf32, #tpu.memory_space<hbm>>) dst(%arg13 : memref<128x128xf32, #tpu.memory_space<vmem>>)
      tpu.yield
    }) : () -> ()
    %barrier3A_96 = arith.constant 0 : index
    tpu.barrier barrier_id(%barrier3A_96)
    %scan3A_97 = arith.constant 0 : i32
    %scan3A_98 = arith.constant 0 : i32
    %scan3A_99 = arith.constant 40 : i32
    %scan3A_100 = arith.addi %scan3A_98, %scan3A_99 : i32
    %scan3A_101 = arith.constant 1 : i32
    %scan3A_102 = scf.for %scan3A_179 = %scan3A_98 to %scan3A_100 step %scan3A_101 iter_args(%scan3A_180 = %scan3A_97) -> (i32)  : i32 {
      %mul3A_181 = arith.constant 32 : i32
      %mul3A_182 = arith.muli %scan3A_179, %mul3A_181 : i32
      %add3A_183 = arith.addi %mul3A_182, %add3A : i32
      %lt3A = arith.constant 1250 : i32
      %lt3A_184 = arith.cmpi slt, %add3A_183, %lt3A : i32
      %convert_element_type3A = arith.extui %lt3A_184 : i1 to i32
      %cond3A = arith.constant 0 : i32
      %cond3A_185 = arith.cmpi ne, %convert_element_type3A, %cond3A : i32
      scf.if %cond3A_185 {
        %mul3A_187 = arith.constant 128 : i32
        %mul3A_188 = arith.muli %add3A_183, %mul3A_187 : i32
        %add3A_189 = arith.constant 160000 : i32
        %add3A_190 = arith.addi %add3A_189, %mul3A_188 : i32
        %multiple_of3A = tpu.assume_multiple %add3A_190, 8 : i32
        "tpu.region"() ({
          %run_scoped3A = tpu.sem_alloc : memref<!tpu.dma_semaphore, #tpu.memory_space<semaphore_mem>>
          %dma_start3A = tpu.memref_slice %arg4[%multiple_of3A] : memref<480000xi32, #tpu.memory_space<hbm>> -> memref<128xi32, #tpu.memory_space<hbm>>
          %dma_start3A_191 = tpu.memref_slice %arg4[%multiple_of3A] : memref<480000xi32, #tpu.memory_space<hbm>> -> memref<128xi32, #tpu.memory_space<hbm>>
          tpu.enqueue_dma source(%dma_start3A_191 : memref<128xi32, #tpu.memory_space<hbm>>) target(%arg11 : memref<128xi32, #tpu.memory_space<vmem>>) target_semaphore(%run_scoped3A : memref<!tpu.dma_semaphore, #tpu.memory_space<semaphore_mem>>)
          %dma_wait3A = tpu.memref_slice %arg4[%multiple_of3A] : memref<480000xi32, #tpu.memory_space<hbm>> -> memref<128xi32, #tpu.memory_space<hbm>>
          %dma_wait3A_192 = tpu.memref_slice %arg4[%multiple_of3A] : memref<480000xi32, #tpu.memory_space<hbm>> -> memref<128xi32, #tpu.memory_space<hbm>>
          tpu.wait_dma2 semaphore(%run_scoped3A : memref<!tpu.dma_semaphore, #tpu.memory_space<semaphore_mem>>) src(%dma_wait3A_192 : memref<128xi32, #tpu.memory_space<hbm>>) dst(%arg11 : memref<128xi32, #tpu.memory_space<vmem>>)
          tpu.yield
        }) : () -> ()
        "tpu.region"() ({
          %run_scoped3A = tpu.sem_alloc : memref<!tpu.dma_semaphore, #tpu.memory_space<semaphore_mem>>
          %dma_start3A = arith.constant 0 : i32
          %dma_start3A_191 = arith.constant 0 : i32
          %dma_start3A_192 = tpu.memref_slice %arg15[%dma_start3A, %dma_start3A_191] : memref<10000x128xf32, #tpu.memory_space<vmem_shared>> -> memref<10000x128xf32, #tpu.memory_space<vmem_shared>>
          tpu.enqueue_indirect_dma source(%arg13 : memref<128x128xf32, #tpu.memory_space<vmem>>) target(%dma_start3A_192 : memref<10000x128xf32, #tpu.memory_space<vmem_shared>>) offsets(%arg11 : memref<128xi32, #tpu.memory_space<vmem>>) semaphore(%run_scoped3A : memref<!tpu.dma_semaphore, #tpu.memory_space<semaphore_mem>>) {add = true}
          %dma_wait3A = arith.constant 0 : i32
          %dma_wait3A_193 = arith.constant 0 : i32
          %dma_wait3A_194 = tpu.memref_slice %arg15[%dma_wait3A, %dma_wait3A_193] : memref<10000x128xf32, #tpu.memory_space<vmem_shared>> -> memref<10000x128xf32, #tpu.memory_space<vmem_shared>>
          tpu.wait_indirect_dma semaphore(%run_scoped3A : memref<!tpu.dma_semaphore, #tpu.memory_space<semaphore_mem>>) src(%arg13 : memref<128x128xf32, #tpu.memory_space<vmem>>) dst(%dma_wait3A_194 : memref<10000x128xf32, #tpu.memory_space<vmem_shared>>)
          tpu.yield
        }) : () -> ()
      } else {
      }
      %scan3A_186 = arith.constant 0 : i32
      scf.yield %scan3A_186 : i32
    }
    %scan3A_103 = arith.constant 40 : i32
    %barrier3A_104 = arith.constant 0 : index
    tpu.barrier barrier_id(%barrier3A_104)
    %mul3A_105 = arith.constant 3 : i32
    %mul3A_106 = arith.muli %arg0, %mul3A_105 : i32
    %add3A_107 = arith.constant 1 : i32
    %add3A_108 = arith.addi %mul3A_106, %add3A_107 : i32
    %mul3A_109 = arith.constant 10000 : i32
    %mul3A_110 = arith.muli %add3A_108, %mul3A_109 : i32
    %scan3A_111 = arith.constant 0 : i32
    %scan3A_112 = arith.constant 0 : i32
    %scan3A_113 = arith.constant 5 : i32
    %scan3A_114 = arith.addi %scan3A_112, %scan3A_113 : i32
    %scan3A_115 = arith.constant 1 : i32
    %scan3A_116 = scf.for %scan3A_179 = %scan3A_112 to %scan3A_114 step %scan3A_115 iter_args(%scan3A_180 = %scan3A_111) -> (i32)  : i32 {
      %mul3A_181 = arith.constant 16 : i32
      %mul3A_182 = arith.muli %scan3A_179, %mul3A_181 : i32
      %add3A_183 = arith.addi %mul3A_182, %arg1 : i32
      %lt3A = arith.constant 79 : i32
      %lt3A_184 = arith.cmpi slt, %add3A_183, %lt3A : i32
      %convert_element_type3A = arith.extui %lt3A_184 : i1 to i32
      %cond3A = arith.constant 0 : i32
      %cond3A_185 = arith.cmpi ne, %convert_element_type3A, %cond3A : i32
      scf.if %cond3A_185 {
        %mul3A_187 = arith.constant 128 : i32
        %mul3A_188 = arith.muli %add3A_183, %mul3A_187 : i32
        %min3A = arith.constant 9872 : i32
        %min3A_189 = arith.minsi %mul3A_188, %min3A : i32
        %multiple_of3A = tpu.assume_multiple %min3A_189, 8 : i32
        %mul3A_190 = arith.constant 128 : i32
        %mul3A_191 = arith.muli %add3A_183, %mul3A_190 : i32
        %min3A_192 = arith.constant 9872 : i32
        %min3A_193 = arith.minsi %mul3A_191, %min3A_192 : i32
        %add3A_194 = arith.addi %mul3A_110, %min3A_193 : i32
        %multiple_of3A_195 = tpu.assume_multiple %add3A_194, 8 : i32
        "tpu.region"() ({
          %run_scoped3A = tpu.sem_alloc : memref<!tpu.dma_semaphore, #tpu.memory_space<semaphore_mem>>
          %dma_start3A_200 = tpu.memref_slice %arg6[%multiple_of3A] : memref<10000xi32, #tpu.memory_space<hbm>> -> memref<128xi32, #tpu.memory_space<hbm>>
          %dma_start3A_201 = tpu.memref_slice %arg6[%multiple_of3A] : memref<10000xi32, #tpu.memory_space<hbm>> -> memref<128xi32, #tpu.memory_space<hbm>>
          tpu.enqueue_dma source(%dma_start3A_201 : memref<128xi32, #tpu.memory_space<hbm>>) target(%arg12 : memref<128xi32, #tpu.memory_space<vmem>>) target_semaphore(%run_scoped3A : memref<!tpu.dma_semaphore, #tpu.memory_space<semaphore_mem>>)
          %dma_wait3A_202 = tpu.memref_slice %arg6[%multiple_of3A] : memref<10000xi32, #tpu.memory_space<hbm>> -> memref<128xi32, #tpu.memory_space<hbm>>
          %dma_wait3A_203 = tpu.memref_slice %arg6[%multiple_of3A] : memref<10000xi32, #tpu.memory_space<hbm>> -> memref<128xi32, #tpu.memory_space<hbm>>
          tpu.wait_dma2 semaphore(%run_scoped3A : memref<!tpu.dma_semaphore, #tpu.memory_space<semaphore_mem>>) src(%dma_wait3A_203 : memref<128xi32, #tpu.memory_space<hbm>>) dst(%arg12 : memref<128xi32, #tpu.memory_space<vmem>>)
          tpu.yield
        }) : () -> ()
        %dma_start3A = arith.constant 0 : i32
        %dma_start3A_196 = arith.constant 0 : i32
        %dma_start3A_197 = tpu.memref_slice %arg15[%dma_start3A, %dma_start3A_196] : memref<10000x128xf32, #tpu.memory_space<vmem_shared>> -> memref<10000x128xf32, #tpu.memory_space<vmem_shared>>
        tpu.enqueue_indirect_dma source(%dma_start3A_197 : memref<10000x128xf32, #tpu.memory_space<vmem_shared>>) target(%arg13 : memref<128x128xf32, #tpu.memory_space<vmem>>) offsets(%arg12 : memref<128xi32, #tpu.memory_space<vmem>>) semaphore(%arg14 : memref<!tpu.dma_semaphore, #tpu.memory_space<semaphore_mem>>)
        %dma_wait3A = arith.constant 0 : i32
        %dma_wait3A_198 = arith.constant 0 : i32
        %dma_wait3A_199 = tpu.memref_slice %arg15[%dma_wait3A, %dma_wait3A_198] : memref<10000x128xf32, #tpu.memory_space<vmem_shared>> -> memref<10000x128xf32, #tpu.memory_space<vmem_shared>>
        tpu.wait_indirect_dma semaphore(%arg14 : memref<!tpu.dma_semaphore, #tpu.memory_space<semaphore_mem>>) src(%dma_wait3A_199 : memref<10000x128xf32, #tpu.memory_space<vmem_shared>>) dst(%arg13 : memref<128x128xf32, #tpu.memory_space<vmem>>)
        "tpu.region"() ({
          %run_scoped3A = tpu.sem_alloc : memref<!tpu.dma_semaphore, #tpu.memory_space<semaphore_mem>>
          %dma_start3A_200 = arith.constant 0 : i32
          %dma_start3A_201 = tpu.memref_slice %arg9[%multiple_of3A_195, %dma_start3A_200] : memref<60000x128xf32, #tpu.memory_space<hbm>> -> memref<128x128xf32, #tpu.memory_space<hbm>>
          %dma_start3A_202 = arith.constant 0 : i32
          %dma_start3A_203 = tpu.memref_slice %arg9[%multiple_of3A_195, %dma_start3A_202] : memref<60000x128xf32, #tpu.memory_space<hbm>> -> memref<128x128xf32, #tpu.memory_space<hbm>>
          tpu.enqueue_dma source(%arg13 : memref<128x128xf32, #tpu.memory_space<vmem>>) target(%dma_start3A_203 : memref<128x128xf32, #tpu.memory_space<hbm>>) target_semaphore(%run_scoped3A : memref<!tpu.dma_semaphore, #tpu.memory_space<semaphore_mem>>)
          %dma_wait3A_204 = arith.constant 0 : i32
          %dma_wait3A_205 = tpu.memref_slice %arg9[%multiple_of3A_195, %dma_wait3A_204] : memref<60000x128xf32, #tpu.memory_space<hbm>> -> memref<128x128xf32, #tpu.memory_space<hbm>>
          %dma_wait3A_206 = arith.constant 0 : i32
          %dma_wait3A_207 = tpu.memref_slice %arg9[%multiple_of3A_195, %dma_wait3A_206] : memref<60000x128xf32, #tpu.memory_space<hbm>> -> memref<128x128xf32, #tpu.memory_space<hbm>>
          tpu.wait_dma2 semaphore(%run_scoped3A : memref<!tpu.dma_semaphore, #tpu.memory_space<semaphore_mem>>) src(%arg13 : memref<128x128xf32, #tpu.memory_space<vmem>>) dst(%dma_wait3A_207 : memref<128x128xf32, #tpu.memory_space<hbm>>)
          tpu.yield
        }) : () -> ()
      } else {
      }
      %scan3A_186 = arith.constant 0 : i32
      scf.yield %scan3A_186 : i32
    }
    %scan3A_117 = arith.constant 5 : i32
    %barrier3A_118 = arith.constant 0 : index
    tpu.barrier barrier_id(%barrier3A_118)
    "tpu.region"() ({
      %run_scoped3A = tpu.sem_alloc : memref<!tpu.dma_semaphore, #tpu.memory_space<semaphore_mem>>
      %dma_start3A = arith.constant 0 : i32
      %dma_start3A_179 = arith.constant 0 : i32
      %dma_start3A_180 = tpu.memref_slice %arg5[%dma_start3A, %dma_start3A_179] : memref<10000x128xf32, #tpu.memory_space<hbm>> -> memref<128x128xf32, #tpu.memory_space<hbm>>
      %dma_start3A_181 = arith.constant 0 : i32
      %dma_start3A_182 = arith.constant 0 : i32
      %dma_start3A_183 = tpu.memref_slice %arg5[%dma_start3A_181, %dma_start3A_182] : memref<10000x128xf32, #tpu.memory_space<hbm>> -> memref<128x128xf32, #tpu.memory_space<hbm>>
      tpu.enqueue_dma source(%dma_start3A_183 : memref<128x128xf32, #tpu.memory_space<hbm>>) target(%arg13 : memref<128x128xf32, #tpu.memory_space<vmem>>) target_semaphore(%run_scoped3A : memref<!tpu.dma_semaphore, #tpu.memory_space<semaphore_mem>>)
      %dma_wait3A = arith.constant 0 : i32
      %dma_wait3A_184 = arith.constant 0 : i32
      %dma_wait3A_185 = tpu.memref_slice %arg5[%dma_wait3A, %dma_wait3A_184] : memref<10000x128xf32, #tpu.memory_space<hbm>> -> memref<128x128xf32, #tpu.memory_space<hbm>>
      %dma_wait3A_186 = arith.constant 0 : i32
      %dma_wait3A_187 = arith.constant 0 : i32
      %dma_wait3A_188 = tpu.memref_slice %arg5[%dma_wait3A_186, %dma_wait3A_187] : memref<10000x128xf32, #tpu.memory_space<hbm>> -> memref<128x128xf32, #tpu.memory_space<hbm>>
      tpu.wait_dma2 semaphore(%run_scoped3A : memref<!tpu.dma_semaphore, #tpu.memory_space<semaphore_mem>>) src(%dma_wait3A_188 : memref<128x128xf32, #tpu.memory_space<hbm>>) dst(%arg13 : memref<128x128xf32, #tpu.memory_space<vmem>>)
      tpu.yield
    }) : () -> ()
    %scan3A_119 = arith.constant 0 : i32
    %scan3A_120 = arith.constant 0 : i32
    %scan3A_121 = arith.constant 5 : i32
    %scan3A_122 = arith.addi %scan3A_120, %scan3A_121 : i32
    %scan3A_123 = arith.constant 1 : i32
    %scan3A_124 = scf.for %scan3A_179 = %scan3A_120 to %scan3A_122 step %scan3A_123 iter_args(%scan3A_180 = %scan3A_119) -> (i32)  : i32 {
      %mul3A_181 = arith.constant 16 : i32
      %mul3A_182 = arith.muli %scan3A_179, %mul3A_181 : i32
      %add3A_183 = arith.addi %mul3A_182, %arg1 : i32
      %lt3A = arith.constant 79 : i32
      %lt3A_184 = arith.cmpi slt, %add3A_183, %lt3A : i32
      %convert_element_type3A = arith.extui %lt3A_184 : i1 to i32
      %cond3A = arith.constant 0 : i32
      %cond3A_185 = arith.cmpi ne, %convert_element_type3A, %cond3A : i32
      scf.if %cond3A_185 {
        %mul3A_187 = arith.constant 128 : i32
        %mul3A_188 = arith.muli %add3A_183, %mul3A_187 : i32
        %min3A = arith.constant 9872 : i32
        %min3A_189 = arith.minsi %mul3A_188, %min3A : i32
        %multiple_of3A = tpu.assume_multiple %min3A_189, 8 : i32
        "tpu.region"() ({
          %run_scoped3A = tpu.sem_alloc : memref<!tpu.dma_semaphore, #tpu.memory_space<semaphore_mem>>
          %dma_start3A = tpu.memref_slice %arg6[%multiple_of3A] : memref<10000xi32, #tpu.memory_space<hbm>> -> memref<128xi32, #tpu.memory_space<hbm>>
          %dma_start3A_190 = tpu.memref_slice %arg6[%multiple_of3A] : memref<10000xi32, #tpu.memory_space<hbm>> -> memref<128xi32, #tpu.memory_space<hbm>>
          tpu.enqueue_dma source(%dma_start3A_190 : memref<128xi32, #tpu.memory_space<hbm>>) target(%arg12 : memref<128xi32, #tpu.memory_space<vmem>>) target_semaphore(%run_scoped3A : memref<!tpu.dma_semaphore, #tpu.memory_space<semaphore_mem>>)
          %dma_wait3A = tpu.memref_slice %arg6[%multiple_of3A] : memref<10000xi32, #tpu.memory_space<hbm>> -> memref<128xi32, #tpu.memory_space<hbm>>
          %dma_wait3A_191 = tpu.memref_slice %arg6[%multiple_of3A] : memref<10000xi32, #tpu.memory_space<hbm>> -> memref<128xi32, #tpu.memory_space<hbm>>
          tpu.wait_dma2 semaphore(%run_scoped3A : memref<!tpu.dma_semaphore, #tpu.memory_space<semaphore_mem>>) src(%dma_wait3A_191 : memref<128xi32, #tpu.memory_space<hbm>>) dst(%arg12 : memref<128xi32, #tpu.memory_space<vmem>>)
          tpu.yield
        }) : () -> ()
        "tpu.region"() ({
          %run_scoped3A = tpu.sem_alloc : memref<!tpu.dma_semaphore, #tpu.memory_space<semaphore_mem>>
          %dma_start3A = arith.constant 0 : i32
          %dma_start3A_190 = arith.constant 0 : i32
          %dma_start3A_191 = tpu.memref_slice %arg15[%dma_start3A, %dma_start3A_190] : memref<10000x128xf32, #tpu.memory_space<vmem_shared>> -> memref<10000x128xf32, #tpu.memory_space<vmem_shared>>
          tpu.enqueue_indirect_dma source(%arg13 : memref<128x128xf32, #tpu.memory_space<vmem>>) target(%dma_start3A_191 : memref<10000x128xf32, #tpu.memory_space<vmem_shared>>) offsets(%arg12 : memref<128xi32, #tpu.memory_space<vmem>>) semaphore(%run_scoped3A : memref<!tpu.dma_semaphore, #tpu.memory_space<semaphore_mem>>)
          %dma_wait3A = arith.constant 0 : i32
          %dma_wait3A_192 = arith.constant 0 : i32
          %dma_wait3A_193 = tpu.memref_slice %arg15[%dma_wait3A, %dma_wait3A_192] : memref<10000x128xf32, #tpu.memory_space<vmem_shared>> -> memref<10000x128xf32, #tpu.memory_space<vmem_shared>>
          tpu.wait_indirect_dma semaphore(%run_scoped3A : memref<!tpu.dma_semaphore, #tpu.memory_space<semaphore_mem>>) src(%arg13 : memref<128x128xf32, #tpu.memory_space<vmem>>) dst(%dma_wait3A_193 : memref<10000x128xf32, #tpu.memory_space<vmem_shared>>)
          tpu.yield
        }) : () -> ()
      } else {
      }
      %scan3A_186 = arith.constant 0 : i32
      scf.yield %scan3A_186 : i32
    }
    %scan3A_125 = arith.constant 5 : i32
    %barrier3A_126 = arith.constant 0 : index
    tpu.barrier barrier_id(%barrier3A_126)
    %scan3A_127 = arith.constant 0 : i32
    %scan3A_128 = arith.constant 0 : i32
    %scan3A_129 = arith.constant 40 : i32
    %scan3A_130 = arith.addi %scan3A_128, %scan3A_129 : i32
    %scan3A_131 = arith.constant 1 : i32
    %scan3A_132 = scf.for %scan3A_179 = %scan3A_128 to %scan3A_130 step %scan3A_131 iter_args(%scan3A_180 = %scan3A_127) -> (i32)  : i32 {
      %mul3A_181 = arith.constant 32 : i32
      %mul3A_182 = arith.muli %scan3A_179, %mul3A_181 : i32
      %add3A_183 = arith.addi %mul3A_182, %add3A : i32
      %lt3A = arith.constant 1250 : i32
      %lt3A_184 = arith.cmpi slt, %add3A_183, %lt3A : i32
      %convert_element_type3A = arith.extui %lt3A_184 : i1 to i32
      %cond3A = arith.constant 0 : i32
      %cond3A_185 = arith.cmpi ne, %convert_element_type3A, %cond3A : i32
      scf.if %cond3A_185 {
        %mul3A_187 = arith.constant 128 : i32
        %mul3A_188 = arith.muli %add3A_183, %mul3A_187 : i32
        %add3A_189 = arith.constant 320000 : i32
        %add3A_190 = arith.addi %add3A_189, %mul3A_188 : i32
        %multiple_of3A = tpu.assume_multiple %add3A_190, 8 : i32
        "tpu.region"() ({
          %run_scoped3A = tpu.sem_alloc : memref<!tpu.dma_semaphore, #tpu.memory_space<semaphore_mem>>
          %dma_start3A_195 = tpu.memref_slice %arg4[%multiple_of3A] : memref<480000xi32, #tpu.memory_space<hbm>> -> memref<128xi32, #tpu.memory_space<hbm>>
          %dma_start3A_196 = tpu.memref_slice %arg4[%multiple_of3A] : memref<480000xi32, #tpu.memory_space<hbm>> -> memref<128xi32, #tpu.memory_space<hbm>>
          tpu.enqueue_dma source(%dma_start3A_196 : memref<128xi32, #tpu.memory_space<hbm>>) target(%arg11 : memref<128xi32, #tpu.memory_space<vmem>>) target_semaphore(%run_scoped3A : memref<!tpu.dma_semaphore, #tpu.memory_space<semaphore_mem>>)
          %dma_wait3A_197 = tpu.memref_slice %arg4[%multiple_of3A] : memref<480000xi32, #tpu.memory_space<hbm>> -> memref<128xi32, #tpu.memory_space<hbm>>
          %dma_wait3A_198 = tpu.memref_slice %arg4[%multiple_of3A] : memref<480000xi32, #tpu.memory_space<hbm>> -> memref<128xi32, #tpu.memory_space<hbm>>
          tpu.wait_dma2 semaphore(%run_scoped3A : memref<!tpu.dma_semaphore, #tpu.memory_space<semaphore_mem>>) src(%dma_wait3A_198 : memref<128xi32, #tpu.memory_space<hbm>>) dst(%arg11 : memref<128xi32, #tpu.memory_space<vmem>>)
          tpu.yield
        }) : () -> ()
        "tpu.region"() ({
          %run_scoped3A = tpu.sem_alloc : memref<!tpu.dma_semaphore, #tpu.memory_space<semaphore_mem>>
          %dma_start3A_195 = tpu.memref_slice %arg3[%multiple_of3A] : memref<480000xi32, #tpu.memory_space<hbm>> -> memref<128xi32, #tpu.memory_space<hbm>>
          %dma_start3A_196 = tpu.memref_slice %arg3[%multiple_of3A] : memref<480000xi32, #tpu.memory_space<hbm>> -> memref<128xi32, #tpu.memory_space<hbm>>
          tpu.enqueue_dma source(%dma_start3A_196 : memref<128xi32, #tpu.memory_space<hbm>>) target(%arg10 : memref<128xi32, #tpu.memory_space<vmem>>) target_semaphore(%run_scoped3A : memref<!tpu.dma_semaphore, #tpu.memory_space<semaphore_mem>>)
          %dma_wait3A_197 = tpu.memref_slice %arg3[%multiple_of3A] : memref<480000xi32, #tpu.memory_space<hbm>> -> memref<128xi32, #tpu.memory_space<hbm>>
          %dma_wait3A_198 = tpu.memref_slice %arg3[%multiple_of3A] : memref<480000xi32, #tpu.memory_space<hbm>> -> memref<128xi32, #tpu.memory_space<hbm>>
          tpu.wait_dma2 semaphore(%run_scoped3A : memref<!tpu.dma_semaphore, #tpu.memory_space<semaphore_mem>>) src(%dma_wait3A_198 : memref<128xi32, #tpu.memory_space<hbm>>) dst(%arg10 : memref<128xi32, #tpu.memory_space<vmem>>)
          tpu.yield
        }) : () -> ()
        %dma_start3A = arith.constant 0 : i32
        %dma_start3A_191 = arith.constant 0 : i32
        %dma_start3A_192 = tpu.memref_slice %arg2[%dma_start3A, %dma_start3A_191] : memref<20000x128xf32, #tpu.memory_space<hbm>> -> memref<20000x128xf32, #tpu.memory_space<hbm>>
        tpu.enqueue_indirect_dma source(%dma_start3A_192 : memref<20000x128xf32, #tpu.memory_space<hbm>>) target(%arg13 : memref<128x128xf32, #tpu.memory_space<vmem>>) offsets(%arg10 : memref<128xi32, #tpu.memory_space<vmem>>) semaphore(%arg14 : memref<!tpu.dma_semaphore, #tpu.memory_space<semaphore_mem>>)
        %dma_wait3A = arith.constant 0 : i32
        %dma_wait3A_193 = arith.constant 0 : i32
        %dma_wait3A_194 = tpu.memref_slice %arg2[%dma_wait3A, %dma_wait3A_193] : memref<20000x128xf32, #tpu.memory_space<hbm>> -> memref<20000x128xf32, #tpu.memory_space<hbm>>
        tpu.wait_indirect_dma semaphore(%arg14 : memref<!tpu.dma_semaphore, #tpu.memory_space<semaphore_mem>>) src(%dma_wait3A_194 : memref<20000x128xf32, #tpu.memory_space<hbm>>) dst(%arg13 : memref<128x128xf32, #tpu.memory_space<vmem>>)
        "tpu.region"() ({
          %run_scoped3A = tpu.sem_alloc : memref<!tpu.dma_semaphore, #tpu.memory_space<semaphore_mem>>
          %dma_start3A_195 = arith.constant 0 : i32
          %dma_start3A_196 = arith.constant 0 : i32
          %dma_start3A_197 = tpu.memref_slice %arg15[%dma_start3A_195, %dma_start3A_196] : memref<10000x128xf32, #tpu.memory_space<vmem_shared>> -> memref<10000x128xf32, #tpu.memory_space<vmem_shared>>
          tpu.enqueue_indirect_dma source(%arg13 : memref<128x128xf32, #tpu.memory_space<vmem>>) target(%dma_start3A_197 : memref<10000x128xf32, #tpu.memory_space<vmem_shared>>) offsets(%arg11 : memref<128xi32, #tpu.memory_space<vmem>>) semaphore(%run_scoped3A : memref<!tpu.dma_semaphore, #tpu.memory_space<semaphore_mem>>) {add = true}
          %dma_wait3A_198 = arith.constant 0 : i32
          %dma_wait3A_199 = arith.constant 0 : i32
          %dma_wait3A_200 = tpu.memref_slice %arg15[%dma_wait3A_198, %dma_wait3A_199] : memref<10000x128xf32, #tpu.memory_space<vmem_shared>> -> memref<10000x128xf32, #tpu.memory_space<vmem_shared>>
          tpu.wait_indirect_dma semaphore(%run_scoped3A : memref<!tpu.dma_semaphore, #tpu.memory_space<semaphore_mem>>) src(%arg13 : memref<128x128xf32, #tpu.memory_space<vmem>>) dst(%dma_wait3A_200 : memref<10000x128xf32, #tpu.memory_space<vmem_shared>>)
          tpu.yield
        }) : () -> ()
      } else {
      }
      %scan3A_186 = arith.constant 0 : i32
      scf.yield %scan3A_186 : i32
    }
    %scan3A_133 = arith.constant 40 : i32
    %barrier3A_134 = arith.constant 0 : index
    tpu.barrier barrier_id(%barrier3A_134)
    %mul3A_135 = arith.constant 3 : i32
    %mul3A_136 = arith.muli %arg0, %mul3A_135 : i32
    %add3A_137 = arith.constant 2 : i32
    %add3A_138 = arith.addi %mul3A_136, %add3A_137 : i32
    %mul3A_139 = arith.constant 10000 : i32
    %mul3A_140 = arith.muli %add3A_138, %mul3A_139 : i32
    %scan3A_141 = arith.constant 0 : i32
    %scan3A_142 = arith.constant 0 : i32
    %scan3A_143 = arith.constant 5 : i32
    %scan3A_144 = arith.addi %scan3A_142, %scan3A_143 : i32
    %scan3A_145 = arith.constant 1 : i32
    %scan3A_146 = scf.for %scan3A_179 = %scan3A_142 to %scan3A_144 step %scan3A_145 iter_args(%scan3A_180 = %scan3A_141) -> (i32)  : i32 {
      %mul3A_181 = arith.constant 16 : i32
      %mul3A_182 = arith.muli %scan3A_179, %mul3A_181 : i32
      %add3A_183 = arith.addi %mul3A_182, %arg1 : i32
      %lt3A = arith.constant 79 : i32
      %lt3A_184 = arith.cmpi slt, %add3A_183, %lt3A : i32
      %convert_element_type3A = arith.extui %lt3A_184 : i1 to i32
      %cond3A = arith.constant 0 : i32
      %cond3A_185 = arith.cmpi ne, %convert_element_type3A, %cond3A : i32
      scf.if %cond3A_185 {
        %mul3A_187 = arith.constant 128 : i32
        %mul3A_188 = arith.muli %add3A_183, %mul3A_187 : i32
        %min3A = arith.constant 9872 : i32
        %min3A_189 = arith.minsi %mul3A_188, %min3A : i32
        %multiple_of3A = tpu.assume_multiple %min3A_189, 8 : i32
        %mul3A_190 = arith.constant 128 : i32
        %mul3A_191 = arith.muli %add3A_183, %mul3A_190 : i32
        %min3A_192 = arith.constant 9872 : i32
        %min3A_193 = arith.minsi %mul3A_191, %min3A_192 : i32
        %add3A_194 = arith.addi %mul3A_140, %min3A_193 : i32
        %multiple_of3A_195 = tpu.assume_multiple %add3A_194, 8 : i32
        "tpu.region"() ({
          %run_scoped3A = tpu.sem_alloc : memref<!tpu.dma_semaphore, #tpu.memory_space<semaphore_mem>>
          %dma_start3A_200 = tpu.memref_slice %arg6[%multiple_of3A] : memref<10000xi32, #tpu.memory_space<hbm>> -> memref<128xi32, #tpu.memory_space<hbm>>
          %dma_start3A_201 = tpu.memref_slice %arg6[%multiple_of3A] : memref<10000xi32, #tpu.memory_space<hbm>> -> memref<128xi32, #tpu.memory_space<hbm>>
          tpu.enqueue_dma source(%dma_start3A_201 : memref<128xi32, #tpu.memory_space<hbm>>) target(%arg12 : memref<128xi32, #tpu.memory_space<vmem>>) target_semaphore(%run_scoped3A : memref<!tpu.dma_semaphore, #tpu.memory_space<semaphore_mem>>)
          %dma_wait3A_202 = tpu.memref_slice %arg6[%multiple_of3A] : memref<10000xi32, #tpu.memory_space<hbm>> -> memref<128xi32, #tpu.memory_space<hbm>>
          %dma_wait3A_203 = tpu.memref_slice %arg6[%multiple_of3A] : memref<10000xi32, #tpu.memory_space<hbm>> -> memref<128xi32, #tpu.memory_space<hbm>>
          tpu.wait_dma2 semaphore(%run_scoped3A : memref<!tpu.dma_semaphore, #tpu.memory_space<semaphore_mem>>) src(%dma_wait3A_203 : memref<128xi32, #tpu.memory_space<hbm>>) dst(%arg12 : memref<128xi32, #tpu.memory_space<vmem>>)
          tpu.yield
        }) : () -> ()
        %dma_start3A = arith.constant 0 : i32
        %dma_start3A_196 = arith.constant 0 : i32
        %dma_start3A_197 = tpu.memref_slice %arg15[%dma_start3A, %dma_start3A_196] : memref<10000x128xf32, #tpu.memory_space<vmem_shared>> -> memref<10000x128xf32, #tpu.memory_space<vmem_shared>>
        tpu.enqueue_indirect_dma source(%dma_start3A_197 : memref<10000x128xf32, #tpu.memory_space<vmem_shared>>) target(%arg13 : memref<128x128xf32, #tpu.memory_space<vmem>>) offsets(%arg12 : memref<128xi32, #tpu.memory_space<vmem>>) semaphore(%arg14 : memref<!tpu.dma_semaphore, #tpu.memory_space<semaphore_mem>>)
        %dma_wait3A = arith.constant 0 : i32
        %dma_wait3A_198 = arith.constant 0 : i32
        %dma_wait3A_199 = tpu.memref_slice %arg15[%dma_wait3A, %dma_wait3A_198] : memref<10000x128xf32, #tpu.memory_space<vmem_shared>> -> memref<10000x128xf32, #tpu.memory_space<vmem_shared>>
        tpu.wait_indirect_dma semaphore(%arg14 : memref<!tpu.dma_semaphore, #tpu.memory_space<semaphore_mem>>) src(%dma_wait3A_199 : memref<10000x128xf32, #tpu.memory_space<vmem_shared>>) dst(%arg13 : memref<128x128xf32, #tpu.memory_space<vmem>>)
        "tpu.region"() ({
          %run_scoped3A = tpu.sem_alloc : memref<!tpu.dma_semaphore, #tpu.memory_space<semaphore_mem>>
          %dma_start3A_200 = arith.constant 0 : i32
          %dma_start3A_201 = tpu.memref_slice %arg8[%multiple_of3A_195, %dma_start3A_200] : memref<60000x128xf32, #tpu.memory_space<hbm>> -> memref<128x128xf32, #tpu.memory_space<hbm>>
          %dma_start3A_202 = arith.constant 0 : i32
          %dma_start3A_203 = tpu.memref_slice %arg8[%multiple_of3A_195, %dma_start3A_202] : memref<60000x128xf32, #tpu.memory_space<hbm>> -> memref<128x128xf32, #tpu.memory_space<hbm>>
          tpu.enqueue_dma source(%arg13 : memref<128x128xf32, #tpu.memory_space<vmem>>) target(%dma_start3A_203 : memref<128x128xf32, #tpu.memory_space<hbm>>) target_semaphore(%run_scoped3A : memref<!tpu.dma_semaphore, #tpu.memory_space<semaphore_mem>>)
          %dma_wait3A_204 = arith.constant 0 : i32
          %dma_wait3A_205 = tpu.memref_slice %arg8[%multiple_of3A_195, %dma_wait3A_204] : memref<60000x128xf32, #tpu.memory_space<hbm>> -> memref<128x128xf32, #tpu.memory_space<hbm>>
          %dma_wait3A_206 = arith.constant 0 : i32
          %dma_wait3A_207 = tpu.memref_slice %arg8[%multiple_of3A_195, %dma_wait3A_206] : memref<60000x128xf32, #tpu.memory_space<hbm>> -> memref<128x128xf32, #tpu.memory_space<hbm>>
          tpu.wait_dma2 semaphore(%run_scoped3A : memref<!tpu.dma_semaphore, #tpu.memory_space<semaphore_mem>>) src(%arg13 : memref<128x128xf32, #tpu.memory_space<vmem>>) dst(%dma_wait3A_207 : memref<128x128xf32, #tpu.memory_space<hbm>>)
          tpu.yield
        }) : () -> ()
      } else {
      }
      %scan3A_186 = arith.constant 0 : i32
      scf.yield %scan3A_186 : i32
    }
    %scan3A_147 = arith.constant 5 : i32
    %barrier3A_148 = arith.constant 0 : index
    tpu.barrier barrier_id(%barrier3A_148)
    "tpu.region"() ({
      %run_scoped3A = tpu.sem_alloc : memref<!tpu.dma_semaphore, #tpu.memory_space<semaphore_mem>>
      %dma_start3A = arith.constant 0 : i32
      %dma_start3A_179 = arith.constant 0 : i32
      %dma_start3A_180 = tpu.memref_slice %arg5[%dma_start3A, %dma_start3A_179] : memref<10000x128xf32, #tpu.memory_space<hbm>> -> memref<128x128xf32, #tpu.memory_space<hbm>>
      %dma_start3A_181 = arith.constant 0 : i32
      %dma_start3A_182 = arith.constant 0 : i32
      %dma_start3A_183 = tpu.memref_slice %arg5[%dma_start3A_181, %dma_start3A_182] : memref<10000x128xf32, #tpu.memory_space<hbm>> -> memref<128x128xf32, #tpu.memory_space<hbm>>
      tpu.enqueue_dma source(%dma_start3A_183 : memref<128x128xf32, #tpu.memory_space<hbm>>) target(%arg13 : memref<128x128xf32, #tpu.memory_space<vmem>>) target_semaphore(%run_scoped3A : memref<!tpu.dma_semaphore, #tpu.memory_space<semaphore_mem>>)
      %dma_wait3A = arith.constant 0 : i32
      %dma_wait3A_184 = arith.constant 0 : i32
      %dma_wait3A_185 = tpu.memref_slice %arg5[%dma_wait3A, %dma_wait3A_184] : memref<10000x128xf32, #tpu.memory_space<hbm>> -> memref<128x128xf32, #tpu.memory_space<hbm>>
      %dma_wait3A_186 = arith.constant 0 : i32
      %dma_wait3A_187 = arith.constant 0 : i32
      %dma_wait3A_188 = tpu.memref_slice %arg5[%dma_wait3A_186, %dma_wait3A_187] : memref<10000x128xf32, #tpu.memory_space<hbm>> -> memref<128x128xf32, #tpu.memory_space<hbm>>
      tpu.wait_dma2 semaphore(%run_scoped3A : memref<!tpu.dma_semaphore, #tpu.memory_space<semaphore_mem>>) src(%dma_wait3A_188 : memref<128x128xf32, #tpu.memory_space<hbm>>) dst(%arg13 : memref<128x128xf32, #tpu.memory_space<vmem>>)
      tpu.yield
    }) : () -> ()
    %scan3A_149 = arith.constant 0 : i32
    %scan3A_150 = arith.constant 0 : i32
    %scan3A_151 = arith.constant 5 : i32
    %scan3A_152 = arith.addi %scan3A_150, %scan3A_151 : i32
    %scan3A_153 = arith.constant 1 : i32
    %scan3A_154 = scf.for %scan3A_179 = %scan3A_150 to %scan3A_152 step %scan3A_153 iter_args(%scan3A_180 = %scan3A_149) -> (i32)  : i32 {
      %mul3A_181 = arith.constant 16 : i32
      %mul3A_182 = arith.muli %scan3A_179, %mul3A_181 : i32
      %add3A_183 = arith.addi %mul3A_182, %arg1 : i32
      %lt3A = arith.constant 79 : i32
      %lt3A_184 = arith.cmpi slt, %add3A_183, %lt3A : i32
      %convert_element_type3A = arith.extui %lt3A_184 : i1 to i32
      %cond3A = arith.constant 0 : i32
      %cond3A_185 = arith.cmpi ne, %convert_element_type3A, %cond3A : i32
      scf.if %cond3A_185 {
        %mul3A_187 = arith.constant 128 : i32
        %mul3A_188 = arith.muli %add3A_183, %mul3A_187 : i32
        %min3A = arith.constant 9872 : i32
        %min3A_189 = arith.minsi %mul3A_188, %min3A : i32
        %multiple_of3A = tpu.assume_multiple %min3A_189, 8 : i32
        "tpu.region"() ({
          %run_scoped3A = tpu.sem_alloc : memref<!tpu.dma_semaphore, #tpu.memory_space<semaphore_mem>>
          %dma_start3A = tpu.memref_slice %arg6[%multiple_of3A] : memref<10000xi32, #tpu.memory_space<hbm>> -> memref<128xi32, #tpu.memory_space<hbm>>
          %dma_start3A_190 = tpu.memref_slice %arg6[%multiple_of3A] : memref<10000xi32, #tpu.memory_space<hbm>> -> memref<128xi32, #tpu.memory_space<hbm>>
          tpu.enqueue_dma source(%dma_start3A_190 : memref<128xi32, #tpu.memory_space<hbm>>) target(%arg12 : memref<128xi32, #tpu.memory_space<vmem>>) target_semaphore(%run_scoped3A : memref<!tpu.dma_semaphore, #tpu.memory_space<semaphore_mem>>)
          %dma_wait3A = tpu.memref_slice %arg6[%multiple_of3A] : memref<10000xi32, #tpu.memory_space<hbm>> -> memref<128xi32, #tpu.memory_space<hbm>>
          %dma_wait3A_191 = tpu.memref_slice %arg6[%multiple_of3A] : memref<10000xi32, #tpu.memory_space<hbm>> -> memref<128xi32, #tpu.memory_space<hbm>>
          tpu.wait_dma2 semaphore(%run_scoped3A : memref<!tpu.dma_semaphore, #tpu.memory_space<semaphore_mem>>) src(%dma_wait3A_191 : memref<128xi32, #tpu.memory_space<hbm>>) dst(%arg12 : memref<128xi32, #tpu.memory_space<vmem>>)
          tpu.yield
        }) : () -> ()
        "tpu.region"() ({
          %run_scoped3A = tpu.sem_alloc : memref<!tpu.dma_semaphore, #tpu.memory_space<semaphore_mem>>
          %dma_start3A = arith.constant 0 : i32
          %dma_start3A_190 = arith.constant 0 : i32
          %dma_start3A_191 = tpu.memref_slice %arg15[%dma_start3A, %dma_start3A_190] : memref<10000x128xf32, #tpu.memory_space<vmem_shared>> -> memref<10000x128xf32, #tpu.memory_space<vmem_shared>>
          tpu.enqueue_indirect_dma source(%arg13 : memref<128x128xf32, #tpu.memory_space<vmem>>) target(%dma_start3A_191 : memref<10000x128xf32, #tpu.memory_space<vmem_shared>>) offsets(%arg12 : memref<128xi32, #tpu.memory_space<vmem>>) semaphore(%run_scoped3A : memref<!tpu.dma_semaphore, #tpu.memory_space<semaphore_mem>>)
          %dma_wait3A = arith.constant 0 : i32
          %dma_wait3A_192 = arith.constant 0 : i32
          %dma_wait3A_193 = tpu.memref_slice %arg15[%dma_wait3A, %dma_wait3A_192] : memref<10000x128xf32, #tpu.memory_space<vmem_shared>> -> memref<10000x128xf32, #tpu.memory_space<vmem_shared>>
          tpu.wait_indirect_dma semaphore(%run_scoped3A : memref<!tpu.dma_semaphore, #tpu.memory_space<semaphore_mem>>) src(%arg13 : memref<128x128xf32, #tpu.memory_space<vmem>>) dst(%dma_wait3A_193 : memref<10000x128xf32, #tpu.memory_space<vmem_shared>>)
          tpu.yield
        }) : () -> ()
      } else {
      }
      %scan3A_186 = arith.constant 0 : i32
      scf.yield %scan3A_186 : i32
    }
    %scan3A_155 = arith.constant 5 : i32
    "tpu.region"() ({
      %run_scoped3A = tpu.sem_alloc : memref<!tpu.dma_semaphore, #tpu.memory_space<semaphore_mem>>
      %dma_start3A = arith.constant 0 : i32
      %dma_start3A_179 = arith.constant 0 : i32
      %dma_start3A_180 = tpu.memref_slice %arg7[%dma_start3A, %dma_start3A_179] : memref<128x128xf32, #tpu.memory_space<hbm>> -> memref<128x128xf32, #tpu.memory_space<hbm>>
      %dma_start3A_181 = arith.constant 0 : i32
      %dma_start3A_182 = arith.constant 0 : i32
      %dma_start3A_183 = tpu.memref_slice %arg7[%dma_start3A_181, %dma_start3A_182] : memref<128x128xf32, #tpu.memory_space<hbm>> -> memref<128x128xf32, #tpu.memory_space<hbm>>
      tpu.enqueue_dma source(%dma_start3A_183 : memref<128x128xf32, #tpu.memory_space<hbm>>) target(%arg13 : memref<128x128xf32, #tpu.memory_space<vmem>>) target_semaphore(%run_scoped3A : memref<!tpu.dma_semaphore, #tpu.memory_space<semaphore_mem>>)
      %dma_wait3A = arith.constant 0 : i32
      %dma_wait3A_184 = arith.constant 0 : i32
      %dma_wait3A_185 = tpu.memref_slice %arg7[%dma_wait3A, %dma_wait3A_184] : memref<128x128xf32, #tpu.memory_space<hbm>> -> memref<128x128xf32, #tpu.memory_space<hbm>>
      %dma_wait3A_186 = arith.constant 0 : i32
      %dma_wait3A_187 = arith.constant 0 : i32
      %dma_wait3A_188 = tpu.memref_slice %arg7[%dma_wait3A_186, %dma_wait3A_187] : memref<128x128xf32, #tpu.memory_space<hbm>> -> memref<128x128xf32, #tpu.memory_space<hbm>>
      tpu.wait_dma2 semaphore(%run_scoped3A : memref<!tpu.dma_semaphore, #tpu.memory_space<semaphore_mem>>) src(%dma_wait3A_188 : memref<128x128xf32, #tpu.memory_space<hbm>>) dst(%arg13 : memref<128x128xf32, #tpu.memory_space<vmem>>)
      tpu.yield
    }) : () -> ()
    %barrier3A_156 = arith.constant 0 : index
    tpu.barrier barrier_id(%barrier3A_156)
    %scan3A_157 = arith.constant 0 : i32
    %scan3A_158 = arith.constant 0 : i32
    %scan3A_159 = arith.constant 40 : i32
    %scan3A_160 = arith.addi %scan3A_158, %scan3A_159 : i32
    %scan3A_161 = arith.constant 1 : i32
    %scan3A_162 = scf.for %scan3A_179 = %scan3A_158 to %scan3A_160 step %scan3A_161 iter_args(%scan3A_180 = %scan3A_157) -> (i32)  : i32 {
      %mul3A_181 = arith.constant 32 : i32
      %mul3A_182 = arith.muli %scan3A_179, %mul3A_181 : i32
      %add3A_183 = arith.addi %mul3A_182, %add3A : i32
      %lt3A = arith.constant 1250 : i32
      %lt3A_184 = arith.cmpi slt, %add3A_183, %lt3A : i32
      %convert_element_type3A = arith.extui %lt3A_184 : i1 to i32
      %cond3A = arith.constant 0 : i32
      %cond3A_185 = arith.cmpi ne, %convert_element_type3A, %cond3A : i32
      scf.if %cond3A_185 {
        %mul3A_187 = arith.constant 128 : i32
        %mul3A_188 = arith.muli %add3A_183, %mul3A_187 : i32
        %add3A_189 = arith.constant 320000 : i32
        %add3A_190 = arith.addi %add3A_189, %mul3A_188 : i32
        %multiple_of3A = tpu.assume_multiple %add3A_190, 8 : i32
        "tpu.region"() ({
          %run_scoped3A = tpu.sem_alloc : memref<!tpu.dma_semaphore, #tpu.memory_space<semaphore_mem>>
          %dma_start3A = tpu.memref_slice %arg4[%multiple_of3A] : memref<480000xi32, #tpu.memory_space<hbm>> -> memref<128xi32, #tpu.memory_space<hbm>>
          %dma_start3A_191 = tpu.memref_slice %arg4[%multiple_of3A] : memref<480000xi32, #tpu.memory_space<hbm>> -> memref<128xi32, #tpu.memory_space<hbm>>
          tpu.enqueue_dma source(%dma_start3A_191 : memref<128xi32, #tpu.memory_space<hbm>>) target(%arg11 : memref<128xi32, #tpu.memory_space<vmem>>) target_semaphore(%run_scoped3A : memref<!tpu.dma_semaphore, #tpu.memory_space<semaphore_mem>>)
          %dma_wait3A = tpu.memref_slice %arg4[%multiple_of3A] : memref<480000xi32, #tpu.memory_space<hbm>> -> memref<128xi32, #tpu.memory_space<hbm>>
          %dma_wait3A_192 = tpu.memref_slice %arg4[%multiple_of3A] : memref<480000xi32, #tpu.memory_space<hbm>> -> memref<128xi32, #tpu.memory_space<hbm>>
          tpu.wait_dma2 semaphore(%run_scoped3A : memref<!tpu.dma_semaphore, #tpu.memory_space<semaphore_mem>>) src(%dma_wait3A_192 : memref<128xi32, #tpu.memory_space<hbm>>) dst(%arg11 : memref<128xi32, #tpu.memory_space<vmem>>)
          tpu.yield
        }) : () -> ()
        "tpu.region"() ({
          %run_scoped3A = tpu.sem_alloc : memref<!tpu.dma_semaphore, #tpu.memory_space<semaphore_mem>>
          %dma_start3A = arith.constant 0 : i32
          %dma_start3A_191 = arith.constant 0 : i32
          %dma_start3A_192 = tpu.memref_slice %arg15[%dma_start3A, %dma_start3A_191] : memref<10000x128xf32, #tpu.memory_space<vmem_shared>> -> memref<10000x128xf32, #tpu.memory_space<vmem_shared>>
          tpu.enqueue_indirect_dma source(%arg13 : memref<128x128xf32, #tpu.memory_space<vmem>>) target(%dma_start3A_192 : memref<10000x128xf32, #tpu.memory_space<vmem_shared>>) offsets(%arg11 : memref<128xi32, #tpu.memory_space<vmem>>) semaphore(%run_scoped3A : memref<!tpu.dma_semaphore, #tpu.memory_space<semaphore_mem>>) {add = true}
          %dma_wait3A = arith.constant 0 : i32
          %dma_wait3A_193 = arith.constant 0 : i32
          %dma_wait3A_194 = tpu.memref_slice %arg15[%dma_wait3A, %dma_wait3A_193] : memref<10000x128xf32, #tpu.memory_space<vmem_shared>> -> memref<10000x128xf32, #tpu.memory_space<vmem_shared>>
          tpu.wait_indirect_dma semaphore(%run_scoped3A : memref<!tpu.dma_semaphore, #tpu.memory_space<semaphore_mem>>) src(%arg13 : memref<128x128xf32, #tpu.memory_space<vmem>>) dst(%dma_wait3A_194 : memref<10000x128xf32, #tpu.memory_space<vmem_shared>>)
          tpu.yield
        }) : () -> ()
      } else {
      }
      %scan3A_186 = arith.constant 0 : i32
      scf.yield %scan3A_186 : i32
    }
    %scan3A_163 = arith.constant 40 : i32
    %barrier3A_164 = arith.constant 0 : index
    tpu.barrier barrier_id(%barrier3A_164)
    %mul3A_165 = arith.constant 3 : i32
    %mul3A_166 = arith.muli %arg0, %mul3A_165 : i32
    %add3A_167 = arith.constant 2 : i32
    %add3A_168 = arith.addi %mul3A_166, %add3A_167 : i32
    %mul3A_169 = arith.constant 10000 : i32
    %mul3A_170 = arith.muli %add3A_168, %mul3A_169 : i32
    %scan3A_171 = arith.constant 0 : i32
    %scan3A_172 = arith.constant 0 : i32
    %scan3A_173 = arith.constant 5 : i32
    %scan3A_174 = arith.addi %scan3A_172, %scan3A_173 : i32
    %scan3A_175 = arith.constant 1 : i32
    %scan3A_176 = scf.for %scan3A_179 = %scan3A_172 to %scan3A_174 step %scan3A_175 iter_args(%scan3A_180 = %scan3A_171) -> (i32)  : i32 {
      %mul3A_181 = arith.constant 16 : i32
      %mul3A_182 = arith.muli %scan3A_179, %mul3A_181 : i32
      %add3A_183 = arith.addi %mul3A_182, %arg1 : i32
      %lt3A = arith.constant 79 : i32
      %lt3A_184 = arith.cmpi slt, %add3A_183, %lt3A : i32
      %convert_element_type3A = arith.extui %lt3A_184 : i1 to i32
      %cond3A = arith.constant 0 : i32
      %cond3A_185 = arith.cmpi ne, %convert_element_type3A, %cond3A : i32
      scf.if %cond3A_185 {
        %mul3A_187 = arith.constant 128 : i32
        %mul3A_188 = arith.muli %add3A_183, %mul3A_187 : i32
        %min3A = arith.constant 9872 : i32
        %min3A_189 = arith.minsi %mul3A_188, %min3A : i32
        %multiple_of3A = tpu.assume_multiple %min3A_189, 8 : i32
        %mul3A_190 = arith.constant 128 : i32
        %mul3A_191 = arith.muli %add3A_183, %mul3A_190 : i32
        %min3A_192 = arith.constant 9872 : i32
        %min3A_193 = arith.minsi %mul3A_191, %min3A_192 : i32
        %add3A_194 = arith.addi %mul3A_170, %min3A_193 : i32
        %multiple_of3A_195 = tpu.assume_multiple %add3A_194, 8 : i32
        "tpu.region"() ({
          %run_scoped3A = tpu.sem_alloc : memref<!tpu.dma_semaphore, #tpu.memory_space<semaphore_mem>>
          %dma_start3A_200 = tpu.memref_slice %arg6[%multiple_of3A] : memref<10000xi32, #tpu.memory_space<hbm>> -> memref<128xi32, #tpu.memory_space<hbm>>
          %dma_start3A_201 = tpu.memref_slice %arg6[%multiple_of3A] : memref<10000xi32, #tpu.memory_space<hbm>> -> memref<128xi32, #tpu.memory_space<hbm>>
          tpu.enqueue_dma source(%dma_start3A_201 : memref<128xi32, #tpu.memory_space<hbm>>) target(%arg12 : memref<128xi32, #tpu.memory_space<vmem>>) target_semaphore(%run_scoped3A : memref<!tpu.dma_semaphore, #tpu.memory_space<semaphore_mem>>)
          %dma_wait3A_202 = tpu.memref_slice %arg6[%multiple_of3A] : memref<10000xi32, #tpu.memory_space<hbm>> -> memref<128xi32, #tpu.memory_space<hbm>>
          %dma_wait3A_203 = tpu.memref_slice %arg6[%multiple_of3A] : memref<10000xi32, #tpu.memory_space<hbm>> -> memref<128xi32, #tpu.memory_space<hbm>>
          tpu.wait_dma2 semaphore(%run_scoped3A : memref<!tpu.dma_semaphore, #tpu.memory_space<semaphore_mem>>) src(%dma_wait3A_203 : memref<128xi32, #tpu.memory_space<hbm>>) dst(%arg12 : memref<128xi32, #tpu.memory_space<vmem>>)
          tpu.yield
        }) : () -> ()
        %dma_start3A = arith.constant 0 : i32
        %dma_start3A_196 = arith.constant 0 : i32
        %dma_start3A_197 = tpu.memref_slice %arg15[%dma_start3A, %dma_start3A_196] : memref<10000x128xf32, #tpu.memory_space<vmem_shared>> -> memref<10000x128xf32, #tpu.memory_space<vmem_shared>>
        tpu.enqueue_indirect_dma source(%dma_start3A_197 : memref<10000x128xf32, #tpu.memory_space<vmem_shared>>) target(%arg13 : memref<128x128xf32, #tpu.memory_space<vmem>>) offsets(%arg12 : memref<128xi32, #tpu.memory_space<vmem>>) semaphore(%arg14 : memref<!tpu.dma_semaphore, #tpu.memory_space<semaphore_mem>>)
        %dma_wait3A = arith.constant 0 : i32
        %dma_wait3A_198 = arith.constant 0 : i32
        %dma_wait3A_199 = tpu.memref_slice %arg15[%dma_wait3A, %dma_wait3A_198] : memref<10000x128xf32, #tpu.memory_space<vmem_shared>> -> memref<10000x128xf32, #tpu.memory_space<vmem_shared>>
        tpu.wait_indirect_dma semaphore(%arg14 : memref<!tpu.dma_semaphore, #tpu.memory_space<semaphore_mem>>) src(%dma_wait3A_199 : memref<10000x128xf32, #tpu.memory_space<vmem_shared>>) dst(%arg13 : memref<128x128xf32, #tpu.memory_space<vmem>>)
        "tpu.region"() ({
          %run_scoped3A = tpu.sem_alloc : memref<!tpu.dma_semaphore, #tpu.memory_space<semaphore_mem>>
          %dma_start3A_200 = arith.constant 0 : i32
          %dma_start3A_201 = tpu.memref_slice %arg9[%multiple_of3A_195, %dma_start3A_200] : memref<60000x128xf32, #tpu.memory_space<hbm>> -> memref<128x128xf32, #tpu.memory_space<hbm>>
          %dma_start3A_202 = arith.constant 0 : i32
          %dma_start3A_203 = tpu.memref_slice %arg9[%multiple_of3A_195, %dma_start3A_202] : memref<60000x128xf32, #tpu.memory_space<hbm>> -> memref<128x128xf32, #tpu.memory_space<hbm>>
          tpu.enqueue_dma source(%arg13 : memref<128x128xf32, #tpu.memory_space<vmem>>) target(%dma_start3A_203 : memref<128x128xf32, #tpu.memory_space<hbm>>) target_semaphore(%run_scoped3A : memref<!tpu.dma_semaphore, #tpu.memory_space<semaphore_mem>>)
          %dma_wait3A_204 = arith.constant 0 : i32
          %dma_wait3A_205 = tpu.memref_slice %arg9[%multiple_of3A_195, %dma_wait3A_204] : memref<60000x128xf32, #tpu.memory_space<hbm>> -> memref<128x128xf32, #tpu.memory_space<hbm>>
          %dma_wait3A_206 = arith.constant 0 : i32
          %dma_wait3A_207 = tpu.memref_slice %arg9[%multiple_of3A_195, %dma_wait3A_206] : memref<60000x128xf32, #tpu.memory_space<hbm>> -> memref<128x128xf32, #tpu.memory_space<hbm>>
          tpu.wait_dma2 semaphore(%run_scoped3A : memref<!tpu.dma_semaphore, #tpu.memory_space<semaphore_mem>>) src(%arg13 : memref<128x128xf32, #tpu.memory_space<vmem>>) dst(%dma_wait3A_207 : memref<128x128xf32, #tpu.memory_space<hbm>>)
          tpu.yield
        }) : () -> ()
      } else {
      }
      %scan3A_186 = arith.constant 0 : i32
      scf.yield %scan3A_186 : i32
    }
    %scan3A_177 = arith.constant 5 : i32
    %barrier3A_178 = arith.constant 0 : index
    tpu.barrier barrier_id(%barrier3A_178)
    return
  }
}

#map = affine_map<(d0, d1) -> (0, 0)>
#map1 = affine_map<(d0, d1) -> (0)>
module attributes {stable_mosaic.version = 14 : i64} {
  func.func @sc_agg(%arg0: i32, %arg1: i32, %arg2: memref<20000x128xf32, #tpu.memory_space<hbm>>, %arg3: memref<320000xi32, #tpu.memory_space<hbm>>, %arg4: memref<320000xi32, #tpu.memory_space<hbm>>, %arg5: memref<10000x128xf32, #tpu.memory_space<hbm>>, %arg6: memref<10000xi32, #tpu.memory_space<hbm>>, %arg7: memref<128x128xf32, #tpu.memory_space<hbm>>, %arg8: memref<40000x128xf32, #tpu.memory_space<hbm>>, %arg9: memref<128xi32, #tpu.memory_space<vmem>>, %arg10: memref<128xi32, #tpu.memory_space<vmem>>, %arg11: memref<128xi32, #tpu.memory_space<vmem>>, %arg12: memref<128x128xf32, #tpu.memory_space<vmem>>, %arg13: memref<!tpu.dma_semaphore, #tpu.memory_space<semaphore_mem>>, %arg14: memref<10000x128xf32, #tpu.memory_space<vmem_shared>>) attributes {dimension_semantics = [#tpu.dimension_semantics<core_parallel>, #tpu.dimension_semantics<subcore_parallel>], iteration_bounds = array<i64: 2, 16>, scalar_prefetch = 0 : i64, scratch_operands = 6 : i64, tpu.core_type = #tpu.core_type<sc_vector_subcore>, window_params = [{transform_indices = #map}, {transform_indices = #map1}, {transform_indices = #map1}, {transform_indices = #map}, {transform_indices = #map1}, {transform_indices = #map}, {transform_indices = #map}]} {
    %mul3A = arith.constant 2 : i32
    %mul3A_0 = arith.muli %arg1, %mul3A : i32
    %add3A = arith.addi %mul3A_0, %arg0 : i32
    "tpu.region"() ({
      %run_scoped3A = tpu.sem_alloc : memref<!tpu.dma_semaphore, #tpu.memory_space<semaphore_mem>>
      %dma_start3A = arith.constant 0 : i32
      %dma_start3A_59 = arith.constant 0 : i32
      %dma_start3A_60 = tpu.memref_slice %arg5[%dma_start3A, %dma_start3A_59] : memref<10000x128xf32, #tpu.memory_space<hbm>> -> memref<128x128xf32, #tpu.memory_space<hbm>>
      %dma_start3A_61 = arith.constant 0 : i32
      %dma_start3A_62 = arith.constant 0 : i32
      %dma_start3A_63 = tpu.memref_slice %arg5[%dma_start3A_61, %dma_start3A_62] : memref<10000x128xf32, #tpu.memory_space<hbm>> -> memref<128x128xf32, #tpu.memory_space<hbm>>
      tpu.enqueue_dma source(%dma_start3A_63 : memref<128x128xf32, #tpu.memory_space<hbm>>) target(%arg12 : memref<128x128xf32, #tpu.memory_space<vmem>>) target_semaphore(%run_scoped3A : memref<!tpu.dma_semaphore, #tpu.memory_space<semaphore_mem>>)
      %dma_wait3A = arith.constant 0 : i32
      %dma_wait3A_64 = arith.constant 0 : i32
      %dma_wait3A_65 = tpu.memref_slice %arg5[%dma_wait3A, %dma_wait3A_64] : memref<10000x128xf32, #tpu.memory_space<hbm>> -> memref<128x128xf32, #tpu.memory_space<hbm>>
      %dma_wait3A_66 = arith.constant 0 : i32
      %dma_wait3A_67 = arith.constant 0 : i32
      %dma_wait3A_68 = tpu.memref_slice %arg5[%dma_wait3A_66, %dma_wait3A_67] : memref<10000x128xf32, #tpu.memory_space<hbm>> -> memref<128x128xf32, #tpu.memory_space<hbm>>
      tpu.wait_dma2 semaphore(%run_scoped3A : memref<!tpu.dma_semaphore, #tpu.memory_space<semaphore_mem>>) src(%dma_wait3A_68 : memref<128x128xf32, #tpu.memory_space<hbm>>) dst(%arg12 : memref<128x128xf32, #tpu.memory_space<vmem>>)
      tpu.yield
    }) : () -> ()
    %scan3A = arith.constant 0 : i32
    %scan3A_1 = arith.constant 0 : i32
    %scan3A_2 = arith.constant 5 : i32
    %scan3A_3 = arith.addi %scan3A_1, %scan3A_2 : i32
    %scan3A_4 = arith.constant 1 : i32
    %scan3A_5 = scf.for %scan3A_59 = %scan3A_1 to %scan3A_3 step %scan3A_4 iter_args(%scan3A_60 = %scan3A) -> (i32)  : i32 {
      %mul3A_61 = arith.constant 16 : i32
      %mul3A_62 = arith.muli %scan3A_59, %mul3A_61 : i32
      %add3A_63 = arith.addi %mul3A_62, %arg1 : i32
      %lt3A = arith.constant 79 : i32
      %lt3A_64 = arith.cmpi slt, %add3A_63, %lt3A : i32
      %convert_element_type3A = arith.extui %lt3A_64 : i1 to i32
      %cond3A = arith.constant 0 : i32
      %cond3A_65 = arith.cmpi ne, %convert_element_type3A, %cond3A : i32
      scf.if %cond3A_65 {
        %mul3A_67 = arith.constant 128 : i32
        %mul3A_68 = arith.muli %add3A_63, %mul3A_67 : i32
        %min3A = arith.constant 9872 : i32
        %min3A_69 = arith.minsi %mul3A_68, %min3A : i32
        %multiple_of3A = tpu.assume_multiple %min3A_69, 8 : i32
        "tpu.region"() ({
          %run_scoped3A = tpu.sem_alloc : memref<!tpu.dma_semaphore, #tpu.memory_space<semaphore_mem>>
          %dma_start3A = tpu.memref_slice %arg6[%multiple_of3A] : memref<10000xi32, #tpu.memory_space<hbm>> -> memref<128xi32, #tpu.memory_space<hbm>>
          %dma_start3A_70 = tpu.memref_slice %arg6[%multiple_of3A] : memref<10000xi32, #tpu.memory_space<hbm>> -> memref<128xi32, #tpu.memory_space<hbm>>
          tpu.enqueue_dma source(%dma_start3A_70 : memref<128xi32, #tpu.memory_space<hbm>>) target(%arg11 : memref<128xi32, #tpu.memory_space<vmem>>) target_semaphore(%run_scoped3A : memref<!tpu.dma_semaphore, #tpu.memory_space<semaphore_mem>>)
          %dma_wait3A = tpu.memref_slice %arg6[%multiple_of3A] : memref<10000xi32, #tpu.memory_space<hbm>> -> memref<128xi32, #tpu.memory_space<hbm>>
          %dma_wait3A_71 = tpu.memref_slice %arg6[%multiple_of3A] : memref<10000xi32, #tpu.memory_space<hbm>> -> memref<128xi32, #tpu.memory_space<hbm>>
          tpu.wait_dma2 semaphore(%run_scoped3A : memref<!tpu.dma_semaphore, #tpu.memory_space<semaphore_mem>>) src(%dma_wait3A_71 : memref<128xi32, #tpu.memory_space<hbm>>) dst(%arg11 : memref<128xi32, #tpu.memory_space<vmem>>)
          tpu.yield
        }) : () -> ()
        "tpu.region"() ({
          %run_scoped3A = tpu.sem_alloc : memref<!tpu.dma_semaphore, #tpu.memory_space<semaphore_mem>>
          %dma_start3A = arith.constant 0 : i32
          %dma_start3A_70 = arith.constant 0 : i32
          %dma_start3A_71 = tpu.memref_slice %arg14[%dma_start3A, %dma_start3A_70] : memref<10000x128xf32, #tpu.memory_space<vmem_shared>> -> memref<10000x128xf32, #tpu.memory_space<vmem_shared>>
          tpu.enqueue_indirect_dma source(%arg12 : memref<128x128xf32, #tpu.memory_space<vmem>>) target(%dma_start3A_71 : memref<10000x128xf32, #tpu.memory_space<vmem_shared>>) offsets(%arg11 : memref<128xi32, #tpu.memory_space<vmem>>) semaphore(%run_scoped3A : memref<!tpu.dma_semaphore, #tpu.memory_space<semaphore_mem>>)
          %dma_wait3A = arith.constant 0 : i32
          %dma_wait3A_72 = arith.constant 0 : i32
          %dma_wait3A_73 = tpu.memref_slice %arg14[%dma_wait3A, %dma_wait3A_72] : memref<10000x128xf32, #tpu.memory_space<vmem_shared>> -> memref<10000x128xf32, #tpu.memory_space<vmem_shared>>
          tpu.wait_indirect_dma semaphore(%run_scoped3A : memref<!tpu.dma_semaphore, #tpu.memory_space<semaphore_mem>>) src(%arg12 : memref<128x128xf32, #tpu.memory_space<vmem>>) dst(%dma_wait3A_73 : memref<10000x128xf32, #tpu.memory_space<vmem_shared>>)
          tpu.yield
        }) : () -> ()
      } else {
      }
      %scan3A_66 = arith.constant 0 : i32
      scf.yield %scan3A_66 : i32
    }
    %scan3A_6 = arith.constant 5 : i32
    %barrier3A = arith.constant 0 : index
    tpu.barrier barrier_id(%barrier3A)
    %scan3A_7 = arith.constant 0 : i32
    %scan3A_8 = arith.constant 0 : i32
    %scan3A_9 = arith.constant 40 : i32
    %scan3A_10 = arith.addi %scan3A_8, %scan3A_9 : i32
    %scan3A_11 = arith.constant 1 : i32
    %scan3A_12 = scf.for %scan3A_59 = %scan3A_8 to %scan3A_10 step %scan3A_11 iter_args(%scan3A_60 = %scan3A_7) -> (i32)  : i32 {
      %mul3A_61 = arith.constant 32 : i32
      %mul3A_62 = arith.muli %scan3A_59, %mul3A_61 : i32
      %add3A_63 = arith.addi %mul3A_62, %add3A : i32
      %lt3A = arith.constant 1250 : i32
      %lt3A_64 = arith.cmpi slt, %add3A_63, %lt3A : i32
      %convert_element_type3A = arith.extui %lt3A_64 : i1 to i32
      %cond3A = arith.constant 0 : i32
      %cond3A_65 = arith.cmpi ne, %convert_element_type3A, %cond3A : i32
      scf.if %cond3A_65 {
        %mul3A_67 = arith.constant 128 : i32
        %mul3A_68 = arith.muli %add3A_63, %mul3A_67 : i32
        %add3A_69 = arith.constant 0 : i32
        %add3A_70 = arith.addi %add3A_69, %mul3A_68 : i32
        %multiple_of3A = tpu.assume_multiple %add3A_70, 8 : i32
        "tpu.region"() ({
          %run_scoped3A = tpu.sem_alloc : memref<!tpu.dma_semaphore, #tpu.memory_space<semaphore_mem>>
          %dma_start3A_75 = tpu.memref_slice %arg4[%multiple_of3A] : memref<320000xi32, #tpu.memory_space<hbm>> -> memref<128xi32, #tpu.memory_space<hbm>>
          %dma_start3A_76 = tpu.memref_slice %arg4[%multiple_of3A] : memref<320000xi32, #tpu.memory_space<hbm>> -> memref<128xi32, #tpu.memory_space<hbm>>
          tpu.enqueue_dma source(%dma_start3A_76 : memref<128xi32, #tpu.memory_space<hbm>>) target(%arg10 : memref<128xi32, #tpu.memory_space<vmem>>) target_semaphore(%run_scoped3A : memref<!tpu.dma_semaphore, #tpu.memory_space<semaphore_mem>>)
          %dma_wait3A_77 = tpu.memref_slice %arg4[%multiple_of3A] : memref<320000xi32, #tpu.memory_space<hbm>> -> memref<128xi32, #tpu.memory_space<hbm>>
          %dma_wait3A_78 = tpu.memref_slice %arg4[%multiple_of3A] : memref<320000xi32, #tpu.memory_space<hbm>> -> memref<128xi32, #tpu.memory_space<hbm>>
          tpu.wait_dma2 semaphore(%run_scoped3A : memref<!tpu.dma_semaphore, #tpu.memory_space<semaphore_mem>>) src(%dma_wait3A_78 : memref<128xi32, #tpu.memory_space<hbm>>) dst(%arg10 : memref<128xi32, #tpu.memory_space<vmem>>)
          tpu.yield
        }) : () -> ()
        "tpu.region"() ({
          %run_scoped3A = tpu.sem_alloc : memref<!tpu.dma_semaphore, #tpu.memory_space<semaphore_mem>>
          %dma_start3A_75 = tpu.memref_slice %arg3[%multiple_of3A] : memref<320000xi32, #tpu.memory_space<hbm>> -> memref<128xi32, #tpu.memory_space<hbm>>
          %dma_start3A_76 = tpu.memref_slice %arg3[%multiple_of3A] : memref<320000xi32, #tpu.memory_space<hbm>> -> memref<128xi32, #tpu.memory_space<hbm>>
          tpu.enqueue_dma source(%dma_start3A_76 : memref<128xi32, #tpu.memory_space<hbm>>) target(%arg9 : memref<128xi32, #tpu.memory_space<vmem>>) target_semaphore(%run_scoped3A : memref<!tpu.dma_semaphore, #tpu.memory_space<semaphore_mem>>)
          %dma_wait3A_77 = tpu.memref_slice %arg3[%multiple_of3A] : memref<320000xi32, #tpu.memory_space<hbm>> -> memref<128xi32, #tpu.memory_space<hbm>>
          %dma_wait3A_78 = tpu.memref_slice %arg3[%multiple_of3A] : memref<320000xi32, #tpu.memory_space<hbm>> -> memref<128xi32, #tpu.memory_space<hbm>>
          tpu.wait_dma2 semaphore(%run_scoped3A : memref<!tpu.dma_semaphore, #tpu.memory_space<semaphore_mem>>) src(%dma_wait3A_78 : memref<128xi32, #tpu.memory_space<hbm>>) dst(%arg9 : memref<128xi32, #tpu.memory_space<vmem>>)
          tpu.yield
        }) : () -> ()
        %dma_start3A = arith.constant 0 : i32
        %dma_start3A_71 = arith.constant 0 : i32
        %dma_start3A_72 = tpu.memref_slice %arg2[%dma_start3A, %dma_start3A_71] : memref<20000x128xf32, #tpu.memory_space<hbm>> -> memref<20000x128xf32, #tpu.memory_space<hbm>>
        tpu.enqueue_indirect_dma source(%dma_start3A_72 : memref<20000x128xf32, #tpu.memory_space<hbm>>) target(%arg12 : memref<128x128xf32, #tpu.memory_space<vmem>>) offsets(%arg9 : memref<128xi32, #tpu.memory_space<vmem>>) semaphore(%arg13 : memref<!tpu.dma_semaphore, #tpu.memory_space<semaphore_mem>>)
        %dma_wait3A = arith.constant 0 : i32
        %dma_wait3A_73 = arith.constant 0 : i32
        %dma_wait3A_74 = tpu.memref_slice %arg2[%dma_wait3A, %dma_wait3A_73] : memref<20000x128xf32, #tpu.memory_space<hbm>> -> memref<20000x128xf32, #tpu.memory_space<hbm>>
        tpu.wait_indirect_dma semaphore(%arg13 : memref<!tpu.dma_semaphore, #tpu.memory_space<semaphore_mem>>) src(%dma_wait3A_74 : memref<20000x128xf32, #tpu.memory_space<hbm>>) dst(%arg12 : memref<128x128xf32, #tpu.memory_space<vmem>>)
        "tpu.region"() ({
          %run_scoped3A = tpu.sem_alloc : memref<!tpu.dma_semaphore, #tpu.memory_space<semaphore_mem>>
          %dma_start3A_75 = arith.constant 0 : i32
          %dma_start3A_76 = arith.constant 0 : i32
          %dma_start3A_77 = tpu.memref_slice %arg14[%dma_start3A_75, %dma_start3A_76] : memref<10000x128xf32, #tpu.memory_space<vmem_shared>> -> memref<10000x128xf32, #tpu.memory_space<vmem_shared>>
          tpu.enqueue_indirect_dma source(%arg12 : memref<128x128xf32, #tpu.memory_space<vmem>>) target(%dma_start3A_77 : memref<10000x128xf32, #tpu.memory_space<vmem_shared>>) offsets(%arg10 : memref<128xi32, #tpu.memory_space<vmem>>) semaphore(%run_scoped3A : memref<!tpu.dma_semaphore, #tpu.memory_space<semaphore_mem>>) {add = true}
          %dma_wait3A_78 = arith.constant 0 : i32
          %dma_wait3A_79 = arith.constant 0 : i32
          %dma_wait3A_80 = tpu.memref_slice %arg14[%dma_wait3A_78, %dma_wait3A_79] : memref<10000x128xf32, #tpu.memory_space<vmem_shared>> -> memref<10000x128xf32, #tpu.memory_space<vmem_shared>>
          tpu.wait_indirect_dma semaphore(%run_scoped3A : memref<!tpu.dma_semaphore, #tpu.memory_space<semaphore_mem>>) src(%arg12 : memref<128x128xf32, #tpu.memory_space<vmem>>) dst(%dma_wait3A_80 : memref<10000x128xf32, #tpu.memory_space<vmem_shared>>)
          tpu.yield
        }) : () -> ()
      } else {
      }
      %scan3A_66 = arith.constant 0 : i32
      scf.yield %scan3A_66 : i32
    }
    %scan3A_13 = arith.constant 40 : i32
    %barrier3A_14 = arith.constant 0 : index
    tpu.barrier barrier_id(%barrier3A_14)
    %mul3A_15 = arith.constant 2 : i32
    %mul3A_16 = arith.muli %arg0, %mul3A_15 : i32
    %add3A_17 = arith.constant 0 : i32
    %add3A_18 = arith.addi %mul3A_16, %add3A_17 : i32
    %mul3A_19 = arith.constant 10000 : i32
    %mul3A_20 = arith.muli %add3A_18, %mul3A_19 : i32
    %scan3A_21 = arith.constant 0 : i32
    %scan3A_22 = arith.constant 0 : i32
    %scan3A_23 = arith.constant 5 : i32
    %scan3A_24 = arith.addi %scan3A_22, %scan3A_23 : i32
    %scan3A_25 = arith.constant 1 : i32
    %scan3A_26 = scf.for %scan3A_59 = %scan3A_22 to %scan3A_24 step %scan3A_25 iter_args(%scan3A_60 = %scan3A_21) -> (i32)  : i32 {
      %mul3A_61 = arith.constant 16 : i32
      %mul3A_62 = arith.muli %scan3A_59, %mul3A_61 : i32
      %add3A_63 = arith.addi %mul3A_62, %arg1 : i32
      %lt3A = arith.constant 79 : i32
      %lt3A_64 = arith.cmpi slt, %add3A_63, %lt3A : i32
      %convert_element_type3A = arith.extui %lt3A_64 : i1 to i32
      %cond3A = arith.constant 0 : i32
      %cond3A_65 = arith.cmpi ne, %convert_element_type3A, %cond3A : i32
      scf.if %cond3A_65 {
        %mul3A_67 = arith.constant 128 : i32
        %mul3A_68 = arith.muli %add3A_63, %mul3A_67 : i32
        %min3A = arith.constant 9872 : i32
        %min3A_69 = arith.minsi %mul3A_68, %min3A : i32
        %multiple_of3A = tpu.assume_multiple %min3A_69, 8 : i32
        %mul3A_70 = arith.constant 128 : i32
        %mul3A_71 = arith.muli %add3A_63, %mul3A_70 : i32
        %min3A_72 = arith.constant 9872 : i32
        %min3A_73 = arith.minsi %mul3A_71, %min3A_72 : i32
        %add3A_74 = arith.addi %mul3A_20, %min3A_73 : i32
        %multiple_of3A_75 = tpu.assume_multiple %add3A_74, 8 : i32
        "tpu.region"() ({
          %run_scoped3A = tpu.sem_alloc : memref<!tpu.dma_semaphore, #tpu.memory_space<semaphore_mem>>
          %dma_start3A_80 = tpu.memref_slice %arg6[%multiple_of3A] : memref<10000xi32, #tpu.memory_space<hbm>> -> memref<128xi32, #tpu.memory_space<hbm>>
          %dma_start3A_81 = tpu.memref_slice %arg6[%multiple_of3A] : memref<10000xi32, #tpu.memory_space<hbm>> -> memref<128xi32, #tpu.memory_space<hbm>>
          tpu.enqueue_dma source(%dma_start3A_81 : memref<128xi32, #tpu.memory_space<hbm>>) target(%arg11 : memref<128xi32, #tpu.memory_space<vmem>>) target_semaphore(%run_scoped3A : memref<!tpu.dma_semaphore, #tpu.memory_space<semaphore_mem>>)
          %dma_wait3A_82 = tpu.memref_slice %arg6[%multiple_of3A] : memref<10000xi32, #tpu.memory_space<hbm>> -> memref<128xi32, #tpu.memory_space<hbm>>
          %dma_wait3A_83 = tpu.memref_slice %arg6[%multiple_of3A] : memref<10000xi32, #tpu.memory_space<hbm>> -> memref<128xi32, #tpu.memory_space<hbm>>
          tpu.wait_dma2 semaphore(%run_scoped3A : memref<!tpu.dma_semaphore, #tpu.memory_space<semaphore_mem>>) src(%dma_wait3A_83 : memref<128xi32, #tpu.memory_space<hbm>>) dst(%arg11 : memref<128xi32, #tpu.memory_space<vmem>>)
          tpu.yield
        }) : () -> ()
        %dma_start3A = arith.constant 0 : i32
        %dma_start3A_76 = arith.constant 0 : i32
        %dma_start3A_77 = tpu.memref_slice %arg14[%dma_start3A, %dma_start3A_76] : memref<10000x128xf32, #tpu.memory_space<vmem_shared>> -> memref<10000x128xf32, #tpu.memory_space<vmem_shared>>
        tpu.enqueue_indirect_dma source(%dma_start3A_77 : memref<10000x128xf32, #tpu.memory_space<vmem_shared>>) target(%arg12 : memref<128x128xf32, #tpu.memory_space<vmem>>) offsets(%arg11 : memref<128xi32, #tpu.memory_space<vmem>>) semaphore(%arg13 : memref<!tpu.dma_semaphore, #tpu.memory_space<semaphore_mem>>)
        %dma_wait3A = arith.constant 0 : i32
        %dma_wait3A_78 = arith.constant 0 : i32
        %dma_wait3A_79 = tpu.memref_slice %arg14[%dma_wait3A, %dma_wait3A_78] : memref<10000x128xf32, #tpu.memory_space<vmem_shared>> -> memref<10000x128xf32, #tpu.memory_space<vmem_shared>>
        tpu.wait_indirect_dma semaphore(%arg13 : memref<!tpu.dma_semaphore, #tpu.memory_space<semaphore_mem>>) src(%dma_wait3A_79 : memref<10000x128xf32, #tpu.memory_space<vmem_shared>>) dst(%arg12 : memref<128x128xf32, #tpu.memory_space<vmem>>)
        "tpu.region"() ({
          %run_scoped3A = tpu.sem_alloc : memref<!tpu.dma_semaphore, #tpu.memory_space<semaphore_mem>>
          %dma_start3A_80 = arith.constant 0 : i32
          %dma_start3A_81 = tpu.memref_slice %arg8[%multiple_of3A_75, %dma_start3A_80] : memref<40000x128xf32, #tpu.memory_space<hbm>> -> memref<128x128xf32, #tpu.memory_space<hbm>>
          %dma_start3A_82 = arith.constant 0 : i32
          %dma_start3A_83 = tpu.memref_slice %arg8[%multiple_of3A_75, %dma_start3A_82] : memref<40000x128xf32, #tpu.memory_space<hbm>> -> memref<128x128xf32, #tpu.memory_space<hbm>>
          tpu.enqueue_dma source(%arg12 : memref<128x128xf32, #tpu.memory_space<vmem>>) target(%dma_start3A_83 : memref<128x128xf32, #tpu.memory_space<hbm>>) target_semaphore(%run_scoped3A : memref<!tpu.dma_semaphore, #tpu.memory_space<semaphore_mem>>)
          %dma_wait3A_84 = arith.constant 0 : i32
          %dma_wait3A_85 = tpu.memref_slice %arg8[%multiple_of3A_75, %dma_wait3A_84] : memref<40000x128xf32, #tpu.memory_space<hbm>> -> memref<128x128xf32, #tpu.memory_space<hbm>>
          %dma_wait3A_86 = arith.constant 0 : i32
          %dma_wait3A_87 = tpu.memref_slice %arg8[%multiple_of3A_75, %dma_wait3A_86] : memref<40000x128xf32, #tpu.memory_space<hbm>> -> memref<128x128xf32, #tpu.memory_space<hbm>>
          tpu.wait_dma2 semaphore(%run_scoped3A : memref<!tpu.dma_semaphore, #tpu.memory_space<semaphore_mem>>) src(%arg12 : memref<128x128xf32, #tpu.memory_space<vmem>>) dst(%dma_wait3A_87 : memref<128x128xf32, #tpu.memory_space<hbm>>)
          tpu.yield
        }) : () -> ()
      } else {
      }
      %scan3A_66 = arith.constant 0 : i32
      scf.yield %scan3A_66 : i32
    }
    %scan3A_27 = arith.constant 5 : i32
    %barrier3A_28 = arith.constant 0 : index
    tpu.barrier barrier_id(%barrier3A_28)
    "tpu.region"() ({
      %run_scoped3A = tpu.sem_alloc : memref<!tpu.dma_semaphore, #tpu.memory_space<semaphore_mem>>
      %dma_start3A = arith.constant 0 : i32
      %dma_start3A_59 = arith.constant 0 : i32
      %dma_start3A_60 = tpu.memref_slice %arg5[%dma_start3A, %dma_start3A_59] : memref<10000x128xf32, #tpu.memory_space<hbm>> -> memref<128x128xf32, #tpu.memory_space<hbm>>
      %dma_start3A_61 = arith.constant 0 : i32
      %dma_start3A_62 = arith.constant 0 : i32
      %dma_start3A_63 = tpu.memref_slice %arg5[%dma_start3A_61, %dma_start3A_62] : memref<10000x128xf32, #tpu.memory_space<hbm>> -> memref<128x128xf32, #tpu.memory_space<hbm>>
      tpu.enqueue_dma source(%dma_start3A_63 : memref<128x128xf32, #tpu.memory_space<hbm>>) target(%arg12 : memref<128x128xf32, #tpu.memory_space<vmem>>) target_semaphore(%run_scoped3A : memref<!tpu.dma_semaphore, #tpu.memory_space<semaphore_mem>>)
      %dma_wait3A = arith.constant 0 : i32
      %dma_wait3A_64 = arith.constant 0 : i32
      %dma_wait3A_65 = tpu.memref_slice %arg5[%dma_wait3A, %dma_wait3A_64] : memref<10000x128xf32, #tpu.memory_space<hbm>> -> memref<128x128xf32, #tpu.memory_space<hbm>>
      %dma_wait3A_66 = arith.constant 0 : i32
      %dma_wait3A_67 = arith.constant 0 : i32
      %dma_wait3A_68 = tpu.memref_slice %arg5[%dma_wait3A_66, %dma_wait3A_67] : memref<10000x128xf32, #tpu.memory_space<hbm>> -> memref<128x128xf32, #tpu.memory_space<hbm>>
      tpu.wait_dma2 semaphore(%run_scoped3A : memref<!tpu.dma_semaphore, #tpu.memory_space<semaphore_mem>>) src(%dma_wait3A_68 : memref<128x128xf32, #tpu.memory_space<hbm>>) dst(%arg12 : memref<128x128xf32, #tpu.memory_space<vmem>>)
      tpu.yield
    }) : () -> ()
    %scan3A_29 = arith.constant 0 : i32
    %scan3A_30 = arith.constant 0 : i32
    %scan3A_31 = arith.constant 5 : i32
    %scan3A_32 = arith.addi %scan3A_30, %scan3A_31 : i32
    %scan3A_33 = arith.constant 1 : i32
    %scan3A_34 = scf.for %scan3A_59 = %scan3A_30 to %scan3A_32 step %scan3A_33 iter_args(%scan3A_60 = %scan3A_29) -> (i32)  : i32 {
      %mul3A_61 = arith.constant 16 : i32
      %mul3A_62 = arith.muli %scan3A_59, %mul3A_61 : i32
      %add3A_63 = arith.addi %mul3A_62, %arg1 : i32
      %lt3A = arith.constant 79 : i32
      %lt3A_64 = arith.cmpi slt, %add3A_63, %lt3A : i32
      %convert_element_type3A = arith.extui %lt3A_64 : i1 to i32
      %cond3A = arith.constant 0 : i32
      %cond3A_65 = arith.cmpi ne, %convert_element_type3A, %cond3A : i32
      scf.if %cond3A_65 {
        %mul3A_67 = arith.constant 128 : i32
        %mul3A_68 = arith.muli %add3A_63, %mul3A_67 : i32
        %min3A = arith.constant 9872 : i32
        %min3A_69 = arith.minsi %mul3A_68, %min3A : i32
        %multiple_of3A = tpu.assume_multiple %min3A_69, 8 : i32
        "tpu.region"() ({
          %run_scoped3A = tpu.sem_alloc : memref<!tpu.dma_semaphore, #tpu.memory_space<semaphore_mem>>
          %dma_start3A = tpu.memref_slice %arg6[%multiple_of3A] : memref<10000xi32, #tpu.memory_space<hbm>> -> memref<128xi32, #tpu.memory_space<hbm>>
          %dma_start3A_70 = tpu.memref_slice %arg6[%multiple_of3A] : memref<10000xi32, #tpu.memory_space<hbm>> -> memref<128xi32, #tpu.memory_space<hbm>>
          tpu.enqueue_dma source(%dma_start3A_70 : memref<128xi32, #tpu.memory_space<hbm>>) target(%arg11 : memref<128xi32, #tpu.memory_space<vmem>>) target_semaphore(%run_scoped3A : memref<!tpu.dma_semaphore, #tpu.memory_space<semaphore_mem>>)
          %dma_wait3A = tpu.memref_slice %arg6[%multiple_of3A] : memref<10000xi32, #tpu.memory_space<hbm>> -> memref<128xi32, #tpu.memory_space<hbm>>
          %dma_wait3A_71 = tpu.memref_slice %arg6[%multiple_of3A] : memref<10000xi32, #tpu.memory_space<hbm>> -> memref<128xi32, #tpu.memory_space<hbm>>
          tpu.wait_dma2 semaphore(%run_scoped3A : memref<!tpu.dma_semaphore, #tpu.memory_space<semaphore_mem>>) src(%dma_wait3A_71 : memref<128xi32, #tpu.memory_space<hbm>>) dst(%arg11 : memref<128xi32, #tpu.memory_space<vmem>>)
          tpu.yield
        }) : () -> ()
        "tpu.region"() ({
          %run_scoped3A = tpu.sem_alloc : memref<!tpu.dma_semaphore, #tpu.memory_space<semaphore_mem>>
          %dma_start3A = arith.constant 0 : i32
          %dma_start3A_70 = arith.constant 0 : i32
          %dma_start3A_71 = tpu.memref_slice %arg14[%dma_start3A, %dma_start3A_70] : memref<10000x128xf32, #tpu.memory_space<vmem_shared>> -> memref<10000x128xf32, #tpu.memory_space<vmem_shared>>
          tpu.enqueue_indirect_dma source(%arg12 : memref<128x128xf32, #tpu.memory_space<vmem>>) target(%dma_start3A_71 : memref<10000x128xf32, #tpu.memory_space<vmem_shared>>) offsets(%arg11 : memref<128xi32, #tpu.memory_space<vmem>>) semaphore(%run_scoped3A : memref<!tpu.dma_semaphore, #tpu.memory_space<semaphore_mem>>)
          %dma_wait3A = arith.constant 0 : i32
          %dma_wait3A_72 = arith.constant 0 : i32
          %dma_wait3A_73 = tpu.memref_slice %arg14[%dma_wait3A, %dma_wait3A_72] : memref<10000x128xf32, #tpu.memory_space<vmem_shared>> -> memref<10000x128xf32, #tpu.memory_space<vmem_shared>>
          tpu.wait_indirect_dma semaphore(%run_scoped3A : memref<!tpu.dma_semaphore, #tpu.memory_space<semaphore_mem>>) src(%arg12 : memref<128x128xf32, #tpu.memory_space<vmem>>) dst(%dma_wait3A_73 : memref<10000x128xf32, #tpu.memory_space<vmem_shared>>)
          tpu.yield
        }) : () -> ()
      } else {
      }
      %scan3A_66 = arith.constant 0 : i32
      scf.yield %scan3A_66 : i32
    }
    %scan3A_35 = arith.constant 5 : i32
    %barrier3A_36 = arith.constant 0 : index
    tpu.barrier barrier_id(%barrier3A_36)
    %scan3A_37 = arith.constant 0 : i32
    %scan3A_38 = arith.constant 0 : i32
    %scan3A_39 = arith.constant 40 : i32
    %scan3A_40 = arith.addi %scan3A_38, %scan3A_39 : i32
    %scan3A_41 = arith.constant 1 : i32
    %scan3A_42 = scf.for %scan3A_59 = %scan3A_38 to %scan3A_40 step %scan3A_41 iter_args(%scan3A_60 = %scan3A_37) -> (i32)  : i32 {
      %mul3A_61 = arith.constant 32 : i32
      %mul3A_62 = arith.muli %scan3A_59, %mul3A_61 : i32
      %add3A_63 = arith.addi %mul3A_62, %add3A : i32
      %lt3A = arith.constant 1250 : i32
      %lt3A_64 = arith.cmpi slt, %add3A_63, %lt3A : i32
      %convert_element_type3A = arith.extui %lt3A_64 : i1 to i32
      %cond3A = arith.constant 0 : i32
      %cond3A_65 = arith.cmpi ne, %convert_element_type3A, %cond3A : i32
      scf.if %cond3A_65 {
        %mul3A_67 = arith.constant 128 : i32
        %mul3A_68 = arith.muli %add3A_63, %mul3A_67 : i32
        %add3A_69 = arith.constant 160000 : i32
        %add3A_70 = arith.addi %add3A_69, %mul3A_68 : i32
        %multiple_of3A = tpu.assume_multiple %add3A_70, 8 : i32
        "tpu.region"() ({
          %run_scoped3A = tpu.sem_alloc : memref<!tpu.dma_semaphore, #tpu.memory_space<semaphore_mem>>
          %dma_start3A_75 = tpu.memref_slice %arg4[%multiple_of3A] : memref<320000xi32, #tpu.memory_space<hbm>> -> memref<128xi32, #tpu.memory_space<hbm>>
          %dma_start3A_76 = tpu.memref_slice %arg4[%multiple_of3A] : memref<320000xi32, #tpu.memory_space<hbm>> -> memref<128xi32, #tpu.memory_space<hbm>>
          tpu.enqueue_dma source(%dma_start3A_76 : memref<128xi32, #tpu.memory_space<hbm>>) target(%arg10 : memref<128xi32, #tpu.memory_space<vmem>>) target_semaphore(%run_scoped3A : memref<!tpu.dma_semaphore, #tpu.memory_space<semaphore_mem>>)
          %dma_wait3A_77 = tpu.memref_slice %arg4[%multiple_of3A] : memref<320000xi32, #tpu.memory_space<hbm>> -> memref<128xi32, #tpu.memory_space<hbm>>
          %dma_wait3A_78 = tpu.memref_slice %arg4[%multiple_of3A] : memref<320000xi32, #tpu.memory_space<hbm>> -> memref<128xi32, #tpu.memory_space<hbm>>
          tpu.wait_dma2 semaphore(%run_scoped3A : memref<!tpu.dma_semaphore, #tpu.memory_space<semaphore_mem>>) src(%dma_wait3A_78 : memref<128xi32, #tpu.memory_space<hbm>>) dst(%arg10 : memref<128xi32, #tpu.memory_space<vmem>>)
          tpu.yield
        }) : () -> ()
        "tpu.region"() ({
          %run_scoped3A = tpu.sem_alloc : memref<!tpu.dma_semaphore, #tpu.memory_space<semaphore_mem>>
          %dma_start3A_75 = tpu.memref_slice %arg3[%multiple_of3A] : memref<320000xi32, #tpu.memory_space<hbm>> -> memref<128xi32, #tpu.memory_space<hbm>>
          %dma_start3A_76 = tpu.memref_slice %arg3[%multiple_of3A] : memref<320000xi32, #tpu.memory_space<hbm>> -> memref<128xi32, #tpu.memory_space<hbm>>
          tpu.enqueue_dma source(%dma_start3A_76 : memref<128xi32, #tpu.memory_space<hbm>>) target(%arg9 : memref<128xi32, #tpu.memory_space<vmem>>) target_semaphore(%run_scoped3A : memref<!tpu.dma_semaphore, #tpu.memory_space<semaphore_mem>>)
          %dma_wait3A_77 = tpu.memref_slice %arg3[%multiple_of3A] : memref<320000xi32, #tpu.memory_space<hbm>> -> memref<128xi32, #tpu.memory_space<hbm>>
          %dma_wait3A_78 = tpu.memref_slice %arg3[%multiple_of3A] : memref<320000xi32, #tpu.memory_space<hbm>> -> memref<128xi32, #tpu.memory_space<hbm>>
          tpu.wait_dma2 semaphore(%run_scoped3A : memref<!tpu.dma_semaphore, #tpu.memory_space<semaphore_mem>>) src(%dma_wait3A_78 : memref<128xi32, #tpu.memory_space<hbm>>) dst(%arg9 : memref<128xi32, #tpu.memory_space<vmem>>)
          tpu.yield
        }) : () -> ()
        %dma_start3A = arith.constant 0 : i32
        %dma_start3A_71 = arith.constant 0 : i32
        %dma_start3A_72 = tpu.memref_slice %arg2[%dma_start3A, %dma_start3A_71] : memref<20000x128xf32, #tpu.memory_space<hbm>> -> memref<20000x128xf32, #tpu.memory_space<hbm>>
        tpu.enqueue_indirect_dma source(%dma_start3A_72 : memref<20000x128xf32, #tpu.memory_space<hbm>>) target(%arg12 : memref<128x128xf32, #tpu.memory_space<vmem>>) offsets(%arg9 : memref<128xi32, #tpu.memory_space<vmem>>) semaphore(%arg13 : memref<!tpu.dma_semaphore, #tpu.memory_space<semaphore_mem>>)
        %dma_wait3A = arith.constant 0 : i32
        %dma_wait3A_73 = arith.constant 0 : i32
        %dma_wait3A_74 = tpu.memref_slice %arg2[%dma_wait3A, %dma_wait3A_73] : memref<20000x128xf32, #tpu.memory_space<hbm>> -> memref<20000x128xf32, #tpu.memory_space<hbm>>
        tpu.wait_indirect_dma semaphore(%arg13 : memref<!tpu.dma_semaphore, #tpu.memory_space<semaphore_mem>>) src(%dma_wait3A_74 : memref<20000x128xf32, #tpu.memory_space<hbm>>) dst(%arg12 : memref<128x128xf32, #tpu.memory_space<vmem>>)
        "tpu.region"() ({
          %run_scoped3A = tpu.sem_alloc : memref<!tpu.dma_semaphore, #tpu.memory_space<semaphore_mem>>
          %dma_start3A_75 = arith.constant 0 : i32
          %dma_start3A_76 = arith.constant 0 : i32
          %dma_start3A_77 = tpu.memref_slice %arg14[%dma_start3A_75, %dma_start3A_76] : memref<10000x128xf32, #tpu.memory_space<vmem_shared>> -> memref<10000x128xf32, #tpu.memory_space<vmem_shared>>
          tpu.enqueue_indirect_dma source(%arg12 : memref<128x128xf32, #tpu.memory_space<vmem>>) target(%dma_start3A_77 : memref<10000x128xf32, #tpu.memory_space<vmem_shared>>) offsets(%arg10 : memref<128xi32, #tpu.memory_space<vmem>>) semaphore(%run_scoped3A : memref<!tpu.dma_semaphore, #tpu.memory_space<semaphore_mem>>) {add = true}
          %dma_wait3A_78 = arith.constant 0 : i32
          %dma_wait3A_79 = arith.constant 0 : i32
          %dma_wait3A_80 = tpu.memref_slice %arg14[%dma_wait3A_78, %dma_wait3A_79] : memref<10000x128xf32, #tpu.memory_space<vmem_shared>> -> memref<10000x128xf32, #tpu.memory_space<vmem_shared>>
          tpu.wait_indirect_dma semaphore(%run_scoped3A : memref<!tpu.dma_semaphore, #tpu.memory_space<semaphore_mem>>) src(%arg12 : memref<128x128xf32, #tpu.memory_space<vmem>>) dst(%dma_wait3A_80 : memref<10000x128xf32, #tpu.memory_space<vmem_shared>>)
          tpu.yield
        }) : () -> ()
      } else {
      }
      %scan3A_66 = arith.constant 0 : i32
      scf.yield %scan3A_66 : i32
    }
    %scan3A_43 = arith.constant 40 : i32
    %barrier3A_44 = arith.constant 0 : index
    tpu.barrier barrier_id(%barrier3A_44)
    %mul3A_45 = arith.constant 2 : i32
    %mul3A_46 = arith.muli %arg0, %mul3A_45 : i32
    %add3A_47 = arith.constant 1 : i32
    %add3A_48 = arith.addi %mul3A_46, %add3A_47 : i32
    %mul3A_49 = arith.constant 10000 : i32
    %mul3A_50 = arith.muli %add3A_48, %mul3A_49 : i32
    %scan3A_51 = arith.constant 0 : i32
    %scan3A_52 = arith.constant 0 : i32
    %scan3A_53 = arith.constant 5 : i32
    %scan3A_54 = arith.addi %scan3A_52, %scan3A_53 : i32
    %scan3A_55 = arith.constant 1 : i32
    %scan3A_56 = scf.for %scan3A_59 = %scan3A_52 to %scan3A_54 step %scan3A_55 iter_args(%scan3A_60 = %scan3A_51) -> (i32)  : i32 {
      %mul3A_61 = arith.constant 16 : i32
      %mul3A_62 = arith.muli %scan3A_59, %mul3A_61 : i32
      %add3A_63 = arith.addi %mul3A_62, %arg1 : i32
      %lt3A = arith.constant 79 : i32
      %lt3A_64 = arith.cmpi slt, %add3A_63, %lt3A : i32
      %convert_element_type3A = arith.extui %lt3A_64 : i1 to i32
      %cond3A = arith.constant 0 : i32
      %cond3A_65 = arith.cmpi ne, %convert_element_type3A, %cond3A : i32
      scf.if %cond3A_65 {
        %mul3A_67 = arith.constant 128 : i32
        %mul3A_68 = arith.muli %add3A_63, %mul3A_67 : i32
        %min3A = arith.constant 9872 : i32
        %min3A_69 = arith.minsi %mul3A_68, %min3A : i32
        %multiple_of3A = tpu.assume_multiple %min3A_69, 8 : i32
        %mul3A_70 = arith.constant 128 : i32
        %mul3A_71 = arith.muli %add3A_63, %mul3A_70 : i32
        %min3A_72 = arith.constant 9872 : i32
        %min3A_73 = arith.minsi %mul3A_71, %min3A_72 : i32
        %add3A_74 = arith.addi %mul3A_50, %min3A_73 : i32
        %multiple_of3A_75 = tpu.assume_multiple %add3A_74, 8 : i32
        "tpu.region"() ({
          %run_scoped3A = tpu.sem_alloc : memref<!tpu.dma_semaphore, #tpu.memory_space<semaphore_mem>>
          %dma_start3A_80 = tpu.memref_slice %arg6[%multiple_of3A] : memref<10000xi32, #tpu.memory_space<hbm>> -> memref<128xi32, #tpu.memory_space<hbm>>
          %dma_start3A_81 = tpu.memref_slice %arg6[%multiple_of3A] : memref<10000xi32, #tpu.memory_space<hbm>> -> memref<128xi32, #tpu.memory_space<hbm>>
          tpu.enqueue_dma source(%dma_start3A_81 : memref<128xi32, #tpu.memory_space<hbm>>) target(%arg11 : memref<128xi32, #tpu.memory_space<vmem>>) target_semaphore(%run_scoped3A : memref<!tpu.dma_semaphore, #tpu.memory_space<semaphore_mem>>)
          %dma_wait3A_82 = tpu.memref_slice %arg6[%multiple_of3A] : memref<10000xi32, #tpu.memory_space<hbm>> -> memref<128xi32, #tpu.memory_space<hbm>>
          %dma_wait3A_83 = tpu.memref_slice %arg6[%multiple_of3A] : memref<10000xi32, #tpu.memory_space<hbm>> -> memref<128xi32, #tpu.memory_space<hbm>>
          tpu.wait_dma2 semaphore(%run_scoped3A : memref<!tpu.dma_semaphore, #tpu.memory_space<semaphore_mem>>) src(%dma_wait3A_83 : memref<128xi32, #tpu.memory_space<hbm>>) dst(%arg11 : memref<128xi32, #tpu.memory_space<vmem>>)
          tpu.yield
        }) : () -> ()
        %dma_start3A = arith.constant 0 : i32
        %dma_start3A_76 = arith.constant 0 : i32
        %dma_start3A_77 = tpu.memref_slice %arg14[%dma_start3A, %dma_start3A_76] : memref<10000x128xf32, #tpu.memory_space<vmem_shared>> -> memref<10000x128xf32, #tpu.memory_space<vmem_shared>>
        tpu.enqueue_indirect_dma source(%dma_start3A_77 : memref<10000x128xf32, #tpu.memory_space<vmem_shared>>) target(%arg12 : memref<128x128xf32, #tpu.memory_space<vmem>>) offsets(%arg11 : memref<128xi32, #tpu.memory_space<vmem>>) semaphore(%arg13 : memref<!tpu.dma_semaphore, #tpu.memory_space<semaphore_mem>>)
        %dma_wait3A = arith.constant 0 : i32
        %dma_wait3A_78 = arith.constant 0 : i32
        %dma_wait3A_79 = tpu.memref_slice %arg14[%dma_wait3A, %dma_wait3A_78] : memref<10000x128xf32, #tpu.memory_space<vmem_shared>> -> memref<10000x128xf32, #tpu.memory_space<vmem_shared>>
        tpu.wait_indirect_dma semaphore(%arg13 : memref<!tpu.dma_semaphore, #tpu.memory_space<semaphore_mem>>) src(%dma_wait3A_79 : memref<10000x128xf32, #tpu.memory_space<vmem_shared>>) dst(%arg12 : memref<128x128xf32, #tpu.memory_space<vmem>>)
        "tpu.region"() ({
          %run_scoped3A = tpu.sem_alloc : memref<!tpu.dma_semaphore, #tpu.memory_space<semaphore_mem>>
          %dma_start3A_80 = arith.constant 0 : i32
          %dma_start3A_81 = tpu.memref_slice %arg8[%multiple_of3A_75, %dma_start3A_80] : memref<40000x128xf32, #tpu.memory_space<hbm>> -> memref<128x128xf32, #tpu.memory_space<hbm>>
          %dma_start3A_82 = arith.constant 0 : i32
          %dma_start3A_83 = tpu.memref_slice %arg8[%multiple_of3A_75, %dma_start3A_82] : memref<40000x128xf32, #tpu.memory_space<hbm>> -> memref<128x128xf32, #tpu.memory_space<hbm>>
          tpu.enqueue_dma source(%arg12 : memref<128x128xf32, #tpu.memory_space<vmem>>) target(%dma_start3A_83 : memref<128x128xf32, #tpu.memory_space<hbm>>) target_semaphore(%run_scoped3A : memref<!tpu.dma_semaphore, #tpu.memory_space<semaphore_mem>>)
          %dma_wait3A_84 = arith.constant 0 : i32
          %dma_wait3A_85 = tpu.memref_slice %arg8[%multiple_of3A_75, %dma_wait3A_84] : memref<40000x128xf32, #tpu.memory_space<hbm>> -> memref<128x128xf32, #tpu.memory_space<hbm>>
          %dma_wait3A_86 = arith.constant 0 : i32
          %dma_wait3A_87 = tpu.memref_slice %arg8[%multiple_of3A_75, %dma_wait3A_86] : memref<40000x128xf32, #tpu.memory_space<hbm>> -> memref<128x128xf32, #tpu.memory_space<hbm>>
          tpu.wait_dma2 semaphore(%run_scoped3A : memref<!tpu.dma_semaphore, #tpu.memory_space<semaphore_mem>>) src(%arg12 : memref<128x128xf32, #tpu.memory_space<vmem>>) dst(%dma_wait3A_87 : memref<128x128xf32, #tpu.memory_space<hbm>>)
          tpu.yield
        }) : () -> ()
      } else {
      }
      %scan3A_66 = arith.constant 0 : i32
      scf.yield %scan3A_66 : i32
    }
    %scan3A_57 = arith.constant 5 : i32
    %barrier3A_58 = arith.constant 0 : index
    tpu.barrier barrier_id(%barrier3A_58)
    return
  }
}

module attributes {stable_mosaic.version = 14 : i64} {
  func.func @_proj_body(%arg0: i32, %arg1: i32, %arg2: memref<1x1000x128xf32, #tpu.memory_space<vmem>>, %arg3: memref<1x128x128xf32, #tpu.memory_space<vmem>>, %arg4: memref<1x1x128xf32, #tpu.memory_space<vmem>>, %arg5: memref<1000x128xf32, #tpu.memory_space<vmem>>) attributes {dimension_semantics = [#tpu.dimension_semantics<arbitrary>, #tpu.dimension_semantics<arbitrary>], iteration_bounds = array<i64: 2, 10>, scalar_prefetch = 0 : i64, scratch_operands = 0 : i64, tpu.core_type = #tpu.core_type<tc>, window_params = [{transform_indices = @transform_0, window_bounds = array<i64: 1, 1000, 128>}, {transform_indices = @transform_1, window_bounds = array<i64: 1, 128, 128>}, {transform_indices = @transform_2, window_bounds = array<i64: 1, 1, 128>}, {transform_indices = @transform_3, window_bounds = array<i64: 1000, 128>}]} {
    %get3A = arith.constant 0 : index
    %get3A_0 = arith.constant 0 : index
    %get3A_1 = arith.constant 0 : index
    %get3A_2 = vector.load %arg2[%get3A, %get3A_0, %get3A_1] : memref<1x1000x128xf32, #tpu.memory_space<vmem>>, vector<1x1000x128xf32>
    %get3A_3 = vector.shape_cast %get3A_2 : vector<1x1000x128xf32> to vector<1000x128xf32>
    %get3A_4 = arith.constant 0 : index
    %get3A_5 = arith.constant 0 : index
    %get3A_6 = arith.constant 0 : index
    %get3A_7 = vector.load %arg3[%get3A_4, %get3A_5, %get3A_6] : memref<1x128x128xf32, #tpu.memory_space<vmem>>, vector<1x128x128xf32>
    %get3A_8 = vector.shape_cast %get3A_7 : vector<1x128x128xf32> to vector<128x128xf32>
    %dot_general3A = arith.constant dense<0.000000e+00> : vector<1000x128xf32>
    %dot_general3A_9 = tpu.matmul %get3A_3, %get3A_8, %dot_general3A {dimension_numbers = #tpu.dot_dimension_numbers<[1], [0], [0], [1], [0, 0, 1, 1], [], []>, transpose_lhs_hint = false} : vector<1000x128xf32>, vector<128x128xf32>, vector<1000x128xf32> -> vector<1000x128xf32>
    %get3A_10 = arith.constant 0 : index
    %get3A_11 = arith.constant 0 : index
    %get3A_12 = arith.constant 0 : index
    %get3A_13 = vector.load %arg4[%get3A_10, %get3A_11, %get3A_12] : memref<1x1x128xf32, #tpu.memory_space<vmem>>, vector<1x1x128xf32>
    %get3A_14 = vector.shape_cast %get3A_13 : vector<1x1x128xf32> to vector<1x128xf32>
    %add3A = vector.broadcast %get3A_14 : vector<1x128xf32> to vector<1000x128xf32>
    %add3A_15 = arith.addf %dot_general3A_9, %add3A : vector<1000x128xf32>
    %swap3A = arith.constant 0 : index
    %swap3A_16 = arith.constant 0 : index
    %swap3A_17 = vector.load %arg5[%swap3A, %swap3A_16] : memref<1000x128xf32, #tpu.memory_space<vmem>>, vector<1000x128xf32>
    tpu.vector_store %arg5[%swap3A, %swap3A_16], %add3A_15 {strides = array<i32>} : memref<1000x128xf32, #tpu.memory_space<vmem>>, vector<1000x128xf32>,
    return
  }
  func.func @transform_0(%arg0: i32, %arg1: i32) -> (i32, i32, i32) {
    %c0_i32 = arith.constant 0 : i32
    %c0_i32_0 = arith.constant 0 : i32
    return %arg0, %arg1, %c0_i32 : i32, i32, i32
  }
  func.func @transform_1(%arg0: i32, %arg1: i32) -> (i32, i32, i32) {
    %c0_i32 = arith.constant 0 : i32
    %c0_i32_0 = arith.constant 0 : i32
    %c0_i32_1 = arith.constant 0 : i32
    return %arg0, %c0_i32, %c0_i32_0 : i32, i32, i32
  }
  func.func @transform_2(%arg0: i32, %arg1: i32) -> (i32, i32, i32) {
    %c0_i32 = arith.constant 0 : i32
    %c0_i32_0 = arith.constant 0 : i32
    %c0_i32_1 = arith.constant 0 : i32
    return %arg0, %c0_i32, %c0_i32_0 : i32, i32, i32
  }
  func.func @transform_3(%arg0: i32, %arg1: i32) -> (i32, i32) {
    %mul3A = arith.constant 10 : i32
    %mul3A_0 = arith.muli %arg0, %mul3A : i32
    %add3A = arith.addi %mul3A_0, %arg1 : i32
    %c0_i32 = arith.constant 0 : i32
    %c0_i32_1 = arith.constant 0 : i32
    return %add3A, %c0_i32 : i32, i32
  }
}

module attributes {stable_mosaic.version = 14 : i64} {
  func.func @_layer_item_body(%arg0: i32, %arg1: memref<1000x128xf32, #tpu.memory_space<vmem>>, %arg2: memref<1x1x1000x128xf32, #tpu.memory_space<vmem>>, %arg3: memref<1x1x1000x128xf32, #tpu.memory_space<vmem>>, %arg4: memref<1x1x1000x16xf32, #tpu.memory_space<vmem>>, %arg5: memref<1x1x1000x16xf32, #tpu.memory_space<vmem>>, %arg6: memref<128x128xf32, #tpu.memory_space<vmem>>, %arg7: memref<128x128xf32, #tpu.memory_space<vmem>>, %arg8: memref<1x128xf32, #tpu.memory_space<vmem>>, %arg9: memref<1000x128xf32, #tpu.memory_space<vmem>>) attributes {dimension_semantics = [#tpu.dimension_semantics<arbitrary>], iteration_bounds = array<i64: 10>, scalar_prefetch = 0 : i64, scratch_operands = 0 : i64, tpu.core_type = #tpu.core_type<tc>, window_params = [{transform_indices = @transform_0, window_bounds = array<i64: 1000, 128>}, {transform_indices = @transform_1, window_bounds = array<i64: 1, 1, 1000, 128>}, {transform_indices = @transform_2, window_bounds = array<i64: 1, 1, 1000, 128>}, {transform_indices = @transform_3, window_bounds = array<i64: 1, 1, 1000, 16>}, {transform_indices = @transform_4, window_bounds = array<i64: 1, 1, 1000, 16>}, {pipeline_mode = #tpu.pipeline_mode<synchronous>, transform_indices = @transform_5, window_bounds = array<i64: 128, 128>}, {pipeline_mode = #tpu.pipeline_mode<synchronous>, transform_indices = @transform_6, window_bounds = array<i64: 128, 128>}, {pipeline_mode = #tpu.pipeline_mode<synchronous>, transform_indices = @transform_7, window_bounds = array<i64: 1, 128>}, {transform_indices = @transform_8, window_bounds = array<i64: 1000, 128>}]} {
    %get3A = arith.constant 0 : index
    %get3A_0 = arith.constant 0 : index
    %get3A_1 = vector.load %arg1[%get3A, %get3A_0] : memref<1000x128xf32, #tpu.memory_space<vmem>>, vector<1000x128xf32>
    %get3A_2 = arith.constant 0 : index
    %get3A_3 = arith.constant 0 : index
    %get3A_4 = vector.load %arg6[%get3A_2, %get3A_3] : memref<128x128xf32, #tpu.memory_space<vmem>>, vector<128x128xf32>
    %dot_general3A = arith.constant dense<0.000000e+00> : vector<1000x128xf32>
    %dot_general3A_5 = tpu.matmul %get3A_1, %get3A_4, %dot_general3A {dimension_numbers = #tpu.dot_dimension_numbers<[1], [0], [0], [1], [0, 0, 1, 1], [], []>, transpose_lhs_hint = false} : vector<1000x128xf32>, vector<128x128xf32>, vector<1000x128xf32> -> vector<1000x128xf32>
    %get3A_6 = arith.constant 0 : index
    %get3A_7 = arith.constant 0 : index
    %get3A_8 = arith.constant 0 : index
    %get3A_9 = arith.constant 0 : index
    %get3A_10 = vector.load %arg2[%get3A_6, %get3A_7, %get3A_8, %get3A_9] : memref<1x1x1000x128xf32, #tpu.memory_space<vmem>>, vector<1x1x1000x128xf32>
    %get3A_11 = vector.shape_cast %get3A_10 : vector<1x1x1000x128xf32> to vector<1000x128xf32>
    %get3A_12 = arith.constant 0 : index
    %get3A_13 = arith.constant 0 : index
    %get3A_14 = arith.constant 0 : index
    %get3A_15 = arith.constant 0 : index
    %get3A_16 = vector.load %arg3[%get3A_12, %get3A_13, %get3A_14, %get3A_15] : memref<1x1x1000x128xf32, #tpu.memory_space<vmem>>, vector<1x1x1000x128xf32>
    %get3A_17 = vector.shape_cast %get3A_16 : vector<1x1x1000x128xf32> to vector<1000x128xf32>
    %add3A = arith.addf %get3A_11, %get3A_17 : vector<1000x128xf32>
    %get3A_18 = arith.constant 0 : index
    %get3A_19 = arith.constant 0 : index
    %get3A_20 = arith.constant 0 : index
    %get3A_21 = arith.constant 0 : index
    %get3A_22 = vector.load %arg4[%get3A_18, %get3A_19, %get3A_20, %get3A_21] : memref<1x1x1000x16xf32, #tpu.memory_space<vmem>>, vector<1x1x1000x1xf32>
    %get3A_23 = vector.shape_cast %get3A_22 : vector<1x1x1000x1xf32> to vector<1000x1xf32>
    %get3A_24 = arith.constant 0 : index
    %get3A_25 = arith.constant 0 : index
    %get3A_26 = arith.constant 0 : index
    %get3A_27 = arith.constant 0 : index
    %get3A_28 = vector.load %arg5[%get3A_24, %get3A_25, %get3A_26, %get3A_27] : memref<1x1x1000x16xf32, #tpu.memory_space<vmem>>, vector<1x1x1000x1xf32>
    %get3A_29 = vector.shape_cast %get3A_28 : vector<1x1x1000x1xf32> to vector<1000x1xf32>
    %add3A_30 = arith.addf %get3A_23, %get3A_29 : vector<1000x1xf32>
    %max3A = arith.constant 1.000000e+00 : f32
    %max3A_31 = vector.broadcast %max3A : f32 to vector<1000x1xf32>
    %max3A_32 = arith.maximumf %add3A_30, %max3A_31 : vector<1000x1xf32>
    %div3A = arith.constant 1.000000e+00 : f32
    %div3A_33 = vector.broadcast %div3A : f32 to vector<1000x1xf32>
    %div3A_34 = arith.divf %div3A_33, %max3A_32 : vector<1000x1xf32>
    %mul3A = vector.broadcast %div3A_34 : vector<1000x1xf32> to vector<1000x128xf32>
    %mul3A_35 = arith.mulf %add3A, %mul3A : vector<1000x128xf32>
    %get3A_36 = arith.constant 0 : index
    %get3A_37 = arith.constant 0 : index
    %get3A_38 = vector.load %arg7[%get3A_36, %get3A_37] : memref<128x128xf32, #tpu.memory_space<vmem>>, vector<128x128xf32>
    %dot_general3A_39 = arith.constant dense<0.000000e+00> : vector<1000x128xf32>
    %dot_general3A_40 = tpu.matmul %mul3A_35, %get3A_38, %dot_general3A_39 {dimension_numbers = #tpu.dot_dimension_numbers<[1], [0], [0], [1], [0, 0, 1, 1], [], []>, transpose_lhs_hint = false} : vector<1000x128xf32>, vector<128x128xf32>, vector<1000x128xf32> -> vector<1000x128xf32>
    %add3A_41 = arith.addf %dot_general3A_5, %dot_general3A_40 : vector<1000x128xf32>
    %get3A_42 = arith.constant 0 : index
    %get3A_43 = arith.constant 0 : index
    %get3A_44 = vector.load %arg8[%get3A_42, %get3A_43] : memref<1x128xf32, #tpu.memory_space<vmem>>, vector<1x128xf32>
    %add3A_45 = vector.broadcast %get3A_44 : vector<1x128xf32> to vector<1000x128xf32>
    %add3A_46 = arith.addf %add3A_41, %add3A_45 : vector<1000x128xf32>
    %max3A_47 = arith.constant 0.000000e+00 : f32
    %max3A_48 = vector.broadcast %max3A_47 : f32 to vector<1000x128xf32>
    %max3A_49 = arith.maximumf %add3A_46, %max3A_48 : vector<1000x128xf32>
    %swap3A = arith.constant 0 : index
    %swap3A_50 = arith.constant 0 : index
    %swap3A_51 = vector.load %arg9[%swap3A, %swap3A_50] : memref<1000x128xf32, #tpu.memory_space<vmem>>, vector<1000x128xf32>
    tpu.vector_store %arg9[%swap3A, %swap3A_50], %max3A_49 {strides = array<i32>} : memref<1000x128xf32, #tpu.memory_space<vmem>>, vector<1000x128xf32>,
    return
  }
  func.func @transform_0(%arg0: i32) -> (i32, i32) {
    %add3A = arith.constant 10 : i32
    %add3A_0 = arith.addi %arg0, %add3A : i32
    %c0_i32 = arith.constant 0 : i32
    %c0_i32_1 = arith.constant 0 : i32
    return %add3A_0, %c0_i32 : i32, i32
  }
  func.func @transform_1(%arg0: i32) -> (i32, i32, i32, i32) {
    %c0_i32 = arith.constant 0 : i32
    %c0_i32_0 = arith.constant 0 : i32
    %c0_i32_1 = arith.constant 0 : i32
    %c0_i32_2 = arith.constant 0 : i32
    return %c0_i32, %c0_i32_0, %arg0, %c0_i32_1 : i32, i32, i32, i32
  }
  func.func @transform_2(%arg0: i32) -> (i32, i32, i32, i32) {
    %c1_i32 = arith.constant 1 : i32
    %c0_i32 = arith.constant 0 : i32
    %c0_i32_0 = arith.constant 0 : i32
    %c0_i32_1 = arith.constant 0 : i32
    return %c1_i32, %c0_i32, %arg0, %c0_i32_0 : i32, i32, i32, i32
  }
  func.func @transform_3(%arg0: i32) -> (i32, i32, i32, i32) {
    %c0_i32 = arith.constant 0 : i32
    %c0_i32_0 = arith.constant 0 : i32
    %c0_i32_1 = arith.constant 0 : i32
    %c0_i32_2 = arith.constant 0 : i32
    return %c0_i32, %c0_i32_0, %arg0, %c0_i32_1 : i32, i32, i32, i32
  }
  func.func @transform_4(%arg0: i32) -> (i32, i32, i32, i32) {
    %c1_i32 = arith.constant 1 : i32
    %c0_i32 = arith.constant 0 : i32
    %c0_i32_0 = arith.constant 0 : i32
    %c0_i32_1 = arith.constant 0 : i32
    return %c1_i32, %c0_i32, %arg0, %c0_i32_0 : i32, i32, i32, i32
  }
  func.func @transform_5(%arg0: i32) -> (i32, i32) {
    %c0_i32 = arith.constant 0 : i32
    %c0_i32_0 = arith.constant 0 : i32
    %c0_i32_1 = arith.constant 0 : i32
    return %c0_i32, %c0_i32_0 : i32, i32
  }
  func.func @transform_6(%arg0: i32) -> (i32, i32) {
    %c0_i32 = arith.constant 0 : i32
    %c0_i32_0 = arith.constant 0 : i32
    %c0_i32_1 = arith.constant 0 : i32
    return %c0_i32, %c0_i32_0 : i32, i32
  }
  func.func @transform_7(%arg0: i32) -> (i32, i32) {
    %c0_i32 = arith.constant 0 : i32
    %c0_i32_0 = arith.constant 0 : i32
    %c0_i32_1 = arith.constant 0 : i32
    return %c0_i32, %c0_i32_0 : i32, i32
  }
  func.func @transform_8(%arg0: i32) -> (i32, i32) {
    %c0_i32 = arith.constant 0 : i32
    %c0_i32_0 = arith.constant 0 : i32
    return %arg0, %c0_i32 : i32, i32
  }
}

module attributes {stable_mosaic.version = 14 : i64} {
  func.func @_layer_user_body(%arg0: i32, %arg1: memref<1000x128xf32, #tpu.memory_space<vmem>>, %arg2: memref<1x1x1000x128xf32, #tpu.memory_space<vmem>>, %arg3: memref<1x1x1000x128xf32, #tpu.memory_space<vmem>>, %arg4: memref<1x1x1000x128xf32, #tpu.memory_space<vmem>>, %arg5: memref<1x1x1000x128xf32, #tpu.memory_space<vmem>>, %arg6: memref<1x1x1000x16xf32, #tpu.memory_space<vmem>>, %arg7: memref<1x1x1000x16xf32, #tpu.memory_space<vmem>>, %arg8: memref<1x1x1000x16xf32, #tpu.memory_space<vmem>>, %arg9: memref<1x1x1000x16xf32, #tpu.memory_space<vmem>>, %arg10: memref<128x128xf32, #tpu.memory_space<vmem>>, %arg11: memref<128x128xf32, #tpu.memory_space<vmem>>, %arg12: memref<128x128xf32, #tpu.memory_space<vmem>>, %arg13: memref<1x128xf32, #tpu.memory_space<vmem>>, %arg14: memref<1000x128xf32, #tpu.memory_space<vmem>>) attributes {dimension_semantics = [#tpu.dimension_semantics<arbitrary>], iteration_bounds = array<i64: 10>, scalar_prefetch = 0 : i64, scratch_operands = 0 : i64, tpu.core_type = #tpu.core_type<tc>, window_params = [{transform_indices = @transform_0, window_bounds = array<i64: 1000, 128>}, {transform_indices = @transform_1, window_bounds = array<i64: 1, 1, 1000, 128>}, {transform_indices = @transform_2, window_bounds = array<i64: 1, 1, 1000, 128>}, {transform_indices = @transform_3, window_bounds = array<i64: 1, 1, 1000, 128>}, {transform_indices = @transform_4, window_bounds = array<i64: 1, 1, 1000, 128>}, {transform_indices = @transform_5, window_bounds = array<i64: 1, 1, 1000, 16>}, {transform_indices = @transform_6, window_bounds = array<i64: 1, 1, 1000, 16>}, {transform_indices = @transform_7, window_bounds = array<i64: 1, 1, 1000, 16>}, {transform_indices = @transform_8, window_bounds = array<i64: 1, 1, 1000, 16>}, {pipeline_mode = #tpu.pipeline_mode<synchronous>, transform_indices = @transform_9, window_bounds = array<i64: 128, 128>}, {pipeline_mode = #tpu.pipeline_mode<synchronous>, transform_indices = @transform_10, window_bounds = array<i64: 128, 128>}, {pipeline_mode = #tpu.pipeline_mode<synchronous>, transform_indices = @transform_11, window_bounds = array<i64: 128, 128>}, {pipeline_mode = #tpu.pipeline_mode<synchronous>, transform_indices = @transform_12, window_bounds = array<i64: 1, 128>}, {transform_indices = @transform_13, window_bounds = array<i64: 1000, 128>}]} {
    %get3A = arith.constant 0 : index
    %get3A_0 = arith.constant 0 : index
    %get3A_1 = vector.load %arg1[%get3A, %get3A_0] : memref<1000x128xf32, #tpu.memory_space<vmem>>, vector<1000x128xf32>
    %get3A_2 = arith.constant 0 : index
    %get3A_3 = arith.constant 0 : index
    %get3A_4 = vector.load %arg10[%get3A_2, %get3A_3] : memref<128x128xf32, #tpu.memory_space<vmem>>, vector<128x128xf32>
    %dot_general3A = arith.constant dense<0.000000e+00> : vector<1000x128xf32>
    %dot_general3A_5 = tpu.matmul %get3A_1, %get3A_4, %dot_general3A {dimension_numbers = #tpu.dot_dimension_numbers<[1], [0], [0], [1], [0, 0, 1, 1], [], []>, transpose_lhs_hint = false} : vector<1000x128xf32>, vector<128x128xf32>, vector<1000x128xf32> -> vector<1000x128xf32>
    %get3A_6 = arith.constant 0 : index
    %get3A_7 = arith.constant 0 : index
    %get3A_8 = arith.constant 0 : index
    %get3A_9 = arith.constant 0 : index
    %get3A_10 = vector.load %arg2[%get3A_6, %get3A_7, %get3A_8, %get3A_9] : memref<1x1x1000x128xf32, #tpu.memory_space<vmem>>, vector<1x1x1000x128xf32>
    %get3A_11 = vector.shape_cast %get3A_10 : vector<1x1x1000x128xf32> to vector<1000x128xf32>
    %get3A_12 = arith.constant 0 : index
    %get3A_13 = arith.constant 0 : index
    %get3A_14 = arith.constant 0 : index
    %get3A_15 = arith.constant 0 : index
    %get3A_16 = vector.load %arg3[%get3A_12, %get3A_13, %get3A_14, %get3A_15] : memref<1x1x1000x128xf32, #tpu.memory_space<vmem>>, vector<1x1x1000x128xf32>
    %get3A_17 = vector.shape_cast %get3A_16 : vector<1x1x1000x128xf32> to vector<1000x128xf32>
    %add3A = arith.addf %get3A_11, %get3A_17 : vector<1000x128xf32>
    %get3A_18 = arith.constant 0 : index
    %get3A_19 = arith.constant 0 : index
    %get3A_20 = arith.constant 0 : index
    %get3A_21 = arith.constant 0 : index
    %get3A_22 = vector.load %arg6[%get3A_18, %get3A_19, %get3A_20, %get3A_21] : memref<1x1x1000x16xf32, #tpu.memory_space<vmem>>, vector<1x1x1000x1xf32>
    %get3A_23 = vector.shape_cast %get3A_22 : vector<1x1x1000x1xf32> to vector<1000x1xf32>
    %get3A_24 = arith.constant 0 : index
    %get3A_25 = arith.constant 0 : index
    %get3A_26 = arith.constant 0 : index
    %get3A_27 = arith.constant 0 : index
    %get3A_28 = vector.load %arg7[%get3A_24, %get3A_25, %get3A_26, %get3A_27] : memref<1x1x1000x16xf32, #tpu.memory_space<vmem>>, vector<1x1x1000x1xf32>
    %get3A_29 = vector.shape_cast %get3A_28 : vector<1x1x1000x1xf32> to vector<1000x1xf32>
    %add3A_30 = arith.addf %get3A_23, %get3A_29 : vector<1000x1xf32>
    %max3A = arith.constant 1.000000e+00 : f32
    %max3A_31 = vector.broadcast %max3A : f32 to vector<1000x1xf32>
    %max3A_32 = arith.maximumf %add3A_30, %max3A_31 : vector<1000x1xf32>
    %div3A = arith.constant 1.000000e+00 : f32
    %div3A_33 = vector.broadcast %div3A : f32 to vector<1000x1xf32>
    %div3A_34 = arith.divf %div3A_33, %max3A_32 : vector<1000x1xf32>
    %mul3A = vector.broadcast %div3A_34 : vector<1000x1xf32> to vector<1000x128xf32>
    %mul3A_35 = arith.mulf %add3A, %mul3A : vector<1000x128xf32>
    %get3A_36 = arith.constant 0 : index
    %get3A_37 = arith.constant 0 : index
    %get3A_38 = vector.load %arg11[%get3A_36, %get3A_37] : memref<128x128xf32, #tpu.memory_space<vmem>>, vector<128x128xf32>
    %dot_general3A_39 = arith.constant dense<0.000000e+00> : vector<1000x128xf32>
    %dot_general3A_40 = tpu.matmul %mul3A_35, %get3A_38, %dot_general3A_39 {dimension_numbers = #tpu.dot_dimension_numbers<[1], [0], [0], [1], [0, 0, 1, 1], [], []>, transpose_lhs_hint = false} : vector<1000x128xf32>, vector<128x128xf32>, vector<1000x128xf32> -> vector<1000x128xf32>
    %add3A_41 = arith.addf %dot_general3A_5, %dot_general3A_40 : vector<1000x128xf32>
    %get3A_42 = arith.constant 0 : index
    %get3A_43 = arith.constant 0 : index
    %get3A_44 = arith.constant 0 : index
    %get3A_45 = arith.constant 0 : index
    %get3A_46 = vector.load %arg4[%get3A_42, %get3A_43, %get3A_44, %get3A_45] : memref<1x1x1000x128xf32, #tpu.memory_space<vmem>>, vector<1x1x1000x128xf32>
    %get3A_47 = vector.shape_cast %get3A_46 : vector<1x1x1000x128xf32> to vector<1000x128xf32>
    %get3A_48 = arith.constant 0 : index
    %get3A_49 = arith.constant 0 : index
    %get3A_50 = arith.constant 0 : index
    %get3A_51 = arith.constant 0 : index
    %get3A_52 = vector.load %arg5[%get3A_48, %get3A_49, %get3A_50, %get3A_51] : memref<1x1x1000x128xf32, #tpu.memory_space<vmem>>, vector<1x1x1000x128xf32>
    %get3A_53 = vector.shape_cast %get3A_52 : vector<1x1x1000x128xf32> to vector<1000x128xf32>
    %add3A_54 = arith.addf %get3A_47, %get3A_53 : vector<1000x128xf32>
    %get3A_55 = arith.constant 0 : index
    %get3A_56 = arith.constant 0 : index
    %get3A_57 = arith.constant 0 : index
    %get3A_58 = arith.constant 0 : index
    %get3A_59 = vector.load %arg8[%get3A_55, %get3A_56, %get3A_57, %get3A_58] : memref<1x1x1000x16xf32, #tpu.memory_space<vmem>>, vector<1x1x1000x1xf32>
    %get3A_60 = vector.shape_cast %get3A_59 : vector<1x1x1000x1xf32> to vector<1000x1xf32>
    %get3A_61 = arith.constant 0 : index
    %get3A_62 = arith.constant 0 : index
    %get3A_63 = arith.constant 0 : index
    %get3A_64 = arith.constant 0 : index
    %get3A_65 = vector.load %arg9[%get3A_61, %get3A_62, %get3A_63, %get3A_64] : memref<1x1x1000x16xf32, #tpu.memory_space<vmem>>, vector<1x1x1000x1xf32>
    %get3A_66 = vector.shape_cast %get3A_65 : vector<1x1x1000x1xf32> to vector<1000x1xf32>
    %add3A_67 = arith.addf %get3A_60, %get3A_66 : vector<1000x1xf32>
    %max3A_68 = arith.constant 1.000000e+00 : f32
    %max3A_69 = vector.broadcast %max3A_68 : f32 to vector<1000x1xf32>
    %max3A_70 = arith.maximumf %add3A_67, %max3A_69 : vector<1000x1xf32>
    %div3A_71 = arith.constant 1.000000e+00 : f32
    %div3A_72 = vector.broadcast %div3A_71 : f32 to vector<1000x1xf32>
    %div3A_73 = arith.divf %div3A_72, %max3A_70 : vector<1000x1xf32>
    %mul3A_74 = vector.broadcast %div3A_73 : vector<1000x1xf32> to vector<1000x128xf32>
    %mul3A_75 = arith.mulf %add3A_54, %mul3A_74 : vector<1000x128xf32>
    %get3A_76 = arith.constant 0 : index
    %get3A_77 = arith.constant 0 : index
    %get3A_78 = vector.load %arg12[%get3A_76, %get3A_77] : memref<128x128xf32, #tpu.memory_space<vmem>>, vector<128x128xf32>
    %dot_general3A_79 = arith.constant dense<0.000000e+00> : vector<1000x128xf32>
    %dot_general3A_80 = tpu.matmul %mul3A_75, %get3A_78, %dot_general3A_79 {dimension_numbers = #tpu.dot_dimension_numbers<[1], [0], [0], [1], [0, 0, 1, 1], [], []>, transpose_lhs_hint = false} : vector<1000x128xf32>, vector<128x128xf32>, vector<1000x128xf32> -> vector<1000x128xf32>
    %add3A_81 = arith.addf %add3A_41, %dot_general3A_80 : vector<1000x128xf32>
    %get3A_82 = arith.constant 0 : index
    %get3A_83 = arith.constant 0 : index
    %get3A_84 = vector.load %arg13[%get3A_82, %get3A_83] : memref<1x128xf32, #tpu.memory_space<vmem>>, vector<1x128xf32>
    %add3A_85 = vector.broadcast %get3A_84 : vector<1x128xf32> to vector<1000x128xf32>
    %add3A_86 = arith.addf %add3A_81, %add3A_85 : vector<1000x128xf32>
    %max3A_87 = arith.constant 0.000000e+00 : f32
    %max3A_88 = vector.broadcast %max3A_87 : f32 to vector<1000x128xf32>
    %max3A_89 = arith.maximumf %add3A_86, %max3A_88 : vector<1000x128xf32>
    %swap3A = arith.constant 0 : index
    %swap3A_90 = arith.constant 0 : index
    %swap3A_91 = vector.load %arg14[%swap3A, %swap3A_90] : memref<1000x128xf32, #tpu.memory_space<vmem>>, vector<1000x128xf32>
    tpu.vector_store %arg14[%swap3A, %swap3A_90], %max3A_89 {strides = array<i32>} : memref<1000x128xf32, #tpu.memory_space<vmem>>, vector<1000x128xf32>,
    return
  }
  func.func @transform_0(%arg0: i32) -> (i32, i32) {
    %c0_i32 = arith.constant 0 : i32
    %c0_i32_0 = arith.constant 0 : i32
    return %arg0, %c0_i32 : i32, i32
  }
  func.func @transform_1(%arg0: i32) -> (i32, i32, i32, i32) {
    %c0_i32 = arith.constant 0 : i32
    %c1_i32 = arith.constant 1 : i32
    %c0_i32_0 = arith.constant 0 : i32
    %c0_i32_1 = arith.constant 0 : i32
    return %c0_i32, %c1_i32, %arg0, %c0_i32_0 : i32, i32, i32, i32
  }
  func.func @transform_2(%arg0: i32) -> (i32, i32, i32, i32) {
    %c1_i32 = arith.constant 1 : i32
    %c1_i32_0 = arith.constant 1 : i32
    %c0_i32 = arith.constant 0 : i32
    %c0_i32_1 = arith.constant 0 : i32
    return %c1_i32, %c1_i32_0, %arg0, %c0_i32 : i32, i32, i32, i32
  }
  func.func @transform_3(%arg0: i32) -> (i32, i32, i32, i32) {
    %c0_i32 = arith.constant 0 : i32
    %c2_i32 = arith.constant 2 : i32
    %c0_i32_0 = arith.constant 0 : i32
    %c0_i32_1 = arith.constant 0 : i32
    return %c0_i32, %c2_i32, %arg0, %c0_i32_0 : i32, i32, i32, i32
  }
  func.func @transform_4(%arg0: i32) -> (i32, i32, i32, i32) {
    %c1_i32 = arith.constant 1 : i32
    %c2_i32 = arith.constant 2 : i32
    %c0_i32 = arith.constant 0 : i32
    %c0_i32_0 = arith.constant 0 : i32
    return %c1_i32, %c2_i32, %arg0, %c0_i32 : i32, i32, i32, i32
  }
  func.func @transform_5(%arg0: i32) -> (i32, i32, i32, i32) {
    %c0_i32 = arith.constant 0 : i32
    %c1_i32 = arith.constant 1 : i32
    %c0_i32_0 = arith.constant 0 : i32
    %c0_i32_1 = arith.constant 0 : i32
    return %c0_i32, %c1_i32, %arg0, %c0_i32_0 : i32, i32, i32, i32
  }
  func.func @transform_6(%arg0: i32) -> (i32, i32, i32, i32) {
    %c1_i32 = arith.constant 1 : i32
    %c1_i32_0 = arith.constant 1 : i32
    %c0_i32 = arith.constant 0 : i32
    %c0_i32_1 = arith.constant 0 : i32
    return %c1_i32, %c1_i32_0, %arg0, %c0_i32 : i32, i32, i32, i32
  }
  func.func @transform_7(%arg0: i32) -> (i32, i32, i32, i32) {
    %c0_i32 = arith.constant 0 : i32
    %c2_i32 = arith.constant 2 : i32
    %c0_i32_0 = arith.constant 0 : i32
    %c0_i32_1 = arith.constant 0 : i32
    return %c0_i32, %c2_i32, %arg0, %c0_i32_0 : i32, i32, i32, i32
  }
  func.func @transform_8(%arg0: i32) -> (i32, i32, i32, i32) {
    %c1_i32 = arith.constant 1 : i32
    %c2_i32 = arith.constant 2 : i32
    %c0_i32 = arith.constant 0 : i32
    %c0_i32_0 = arith.constant 0 : i32
    return %c1_i32, %c2_i32, %arg0, %c0_i32 : i32, i32, i32, i32
  }
  func.func @transform_9(%arg0: i32) -> (i32, i32) {
    %c0_i32 = arith.constant 0 : i32
    %c0_i32_0 = arith.constant 0 : i32
    %c0_i32_1 = arith.constant 0 : i32
    return %c0_i32, %c0_i32_0 : i32, i32
  }
  func.func @transform_10(%arg0: i32) -> (i32, i32) {
    %c0_i32 = arith.constant 0 : i32
    %c0_i32_0 = arith.constant 0 : i32
    %c0_i32_1 = arith.constant 0 : i32
    return %c0_i32, %c0_i32_0 : i32, i32
  }
  func.func @transform_11(%arg0: i32) -> (i32, i32) {
    %c0_i32 = arith.constant 0 : i32
    %c0_i32_0 = arith.constant 0 : i32
    %c0_i32_1 = arith.constant 0 : i32
    return %c0_i32, %c0_i32_0 : i32, i32
  }
  func.func @transform_12(%arg0: i32) -> (i32, i32) {
    %c0_i32 = arith.constant 0 : i32
    %c0_i32_0 = arith.constant 0 : i32
    %c0_i32_1 = arith.constant 0 : i32
    return %c0_i32, %c0_i32_0 : i32, i32
  }
  func.func @transform_13(%arg0: i32) -> (i32, i32) {
    %c0_i32 = arith.constant 0 : i32
    %c0_i32_0 = arith.constant 0 : i32
    return %arg0, %c0_i32 : i32, i32
  }
}

module attributes {stable_mosaic.version = 14 : i64} {
  func.func @_final_user_body(%arg0: i32, %arg1: memref<1000x128xf32, #tpu.memory_space<vmem>>, %arg2: memref<1x1x1000x128xf32, #tpu.memory_space<vmem>>, %arg3: memref<1x1x1000x128xf32, #tpu.memory_space<vmem>>, %arg4: memref<1x1x1000x128xf32, #tpu.memory_space<vmem>>, %arg5: memref<1x1x1000x128xf32, #tpu.memory_space<vmem>>, %arg6: memref<1x1x1000x16xf32, #tpu.memory_space<vmem>>, %arg7: memref<1x1x1000x16xf32, #tpu.memory_space<vmem>>, %arg8: memref<1x1x1000x16xf32, #tpu.memory_space<vmem>>, %arg9: memref<1x1x1000x16xf32, #tpu.memory_space<vmem>>, %arg10: memref<128x128xf32, #tpu.memory_space<vmem>>, %arg11: memref<128x128xf32, #tpu.memory_space<vmem>>, %arg12: memref<128x128xf32, #tpu.memory_space<vmem>>, %arg13: memref<1x128xf32, #tpu.memory_space<vmem>>, %arg14: memref<128x64xf32, #tpu.memory_space<vmem>>, %arg15: memref<1x64xf32, #tpu.memory_space<vmem>>, %arg16: memref<1000x64xf32, #tpu.memory_space<vmem>>) attributes {dimension_semantics = [#tpu.dimension_semantics<arbitrary>], iteration_bounds = array<i64: 10>, scalar_prefetch = 0 : i64, scratch_operands = 0 : i64, tpu.core_type = #tpu.core_type<tc>, window_params = [{transform_indices = @transform_0, window_bounds = array<i64: 1000, 128>}, {transform_indices = @transform_1, window_bounds = array<i64: 1, 1, 1000, 128>}, {transform_indices = @transform_2, window_bounds = array<i64: 1, 1, 1000, 128>}, {transform_indices = @transform_3, window_bounds = array<i64: 1, 1, 1000, 128>}, {transform_indices = @transform_4, window_bounds = array<i64: 1, 1, 1000, 128>}, {transform_indices = @transform_5, window_bounds = array<i64: 1, 1, 1000, 16>}, {transform_indices = @transform_6, window_bounds = array<i64: 1, 1, 1000, 16>}, {transform_indices = @transform_7, window_bounds = array<i64: 1, 1, 1000, 16>}, {transform_indices = @transform_8, window_bounds = array<i64: 1, 1, 1000, 16>}, {pipeline_mode = #tpu.pipeline_mode<synchronous>, transform_indices = @transform_9, window_bounds = array<i64: 128, 128>}, {pipeline_mode = #tpu.pipeline_mode<synchronous>, transform_indices = @transform_10, window_bounds = array<i64: 128, 128>}, {pipeline_mode = #tpu.pipeline_mode<synchronous>, transform_indices = @transform_11, window_bounds = array<i64: 128, 128>}, {pipeline_mode = #tpu.pipeline_mode<synchronous>, transform_indices = @transform_12, window_bounds = array<i64: 1, 128>}, {pipeline_mode = #tpu.pipeline_mode<synchronous>, transform_indices = @transform_13, window_bounds = array<i64: 128, 64>}, {pipeline_mode = #tpu.pipeline_mode<synchronous>, transform_indices = @transform_14, window_bounds = array<i64: 1, 64>}, {transform_indices = @transform_15, window_bounds = array<i64: 1000, 64>}]} {
    %get3A = arith.constant 0 : index
    %get3A_0 = arith.constant 0 : index
    %get3A_1 = vector.load %arg1[%get3A, %get3A_0] : memref<1000x128xf32, #tpu.memory_space<vmem>>, vector<1000x128xf32>
    %get3A_2 = arith.constant 0 : index
    %get3A_3 = arith.constant 0 : index
    %get3A_4 = vector.load %arg10[%get3A_2, %get3A_3] : memref<128x128xf32, #tpu.memory_space<vmem>>, vector<128x128xf32>
    %dot_general3A = arith.constant dense<0.000000e+00> : vector<1000x128xf32>
    %dot_general3A_5 = tpu.matmul %get3A_1, %get3A_4, %dot_general3A {dimension_numbers = #tpu.dot_dimension_numbers<[1], [0], [0], [1], [0, 0, 1, 1], [], []>, transpose_lhs_hint = false} : vector<1000x128xf32>, vector<128x128xf32>, vector<1000x128xf32> -> vector<1000x128xf32>
    %get3A_6 = arith.constant 0 : index
    %get3A_7 = arith.constant 0 : index
    %get3A_8 = arith.constant 0 : index
    %get3A_9 = arith.constant 0 : index
    %get3A_10 = vector.load %arg2[%get3A_6, %get3A_7, %get3A_8, %get3A_9] : memref<1x1x1000x128xf32, #tpu.memory_space<vmem>>, vector<1x1x1000x128xf32>
    %get3A_11 = vector.shape_cast %get3A_10 : vector<1x1x1000x128xf32> to vector<1000x128xf32>
    %get3A_12 = arith.constant 0 : index
    %get3A_13 = arith.constant 0 : index
    %get3A_14 = arith.constant 0 : index
    %get3A_15 = arith.constant 0 : index
    %get3A_16 = vector.load %arg3[%get3A_12, %get3A_13, %get3A_14, %get3A_15] : memref<1x1x1000x128xf32, #tpu.memory_space<vmem>>, vector<1x1x1000x128xf32>
    %get3A_17 = vector.shape_cast %get3A_16 : vector<1x1x1000x128xf32> to vector<1000x128xf32>
    %add3A = arith.addf %get3A_11, %get3A_17 : vector<1000x128xf32>
    %get3A_18 = arith.constant 0 : index
    %get3A_19 = arith.constant 0 : index
    %get3A_20 = arith.constant 0 : index
    %get3A_21 = arith.constant 0 : index
    %get3A_22 = vector.load %arg6[%get3A_18, %get3A_19, %get3A_20, %get3A_21] : memref<1x1x1000x16xf32, #tpu.memory_space<vmem>>, vector<1x1x1000x1xf32>
    %get3A_23 = vector.shape_cast %get3A_22 : vector<1x1x1000x1xf32> to vector<1000x1xf32>
    %get3A_24 = arith.constant 0 : index
    %get3A_25 = arith.constant 0 : index
    %get3A_26 = arith.constant 0 : index
    %get3A_27 = arith.constant 0 : index
    %get3A_28 = vector.load %arg7[%get3A_24, %get3A_25, %get3A_26, %get3A_27] : memref<1x1x1000x16xf32, #tpu.memory_space<vmem>>, vector<1x1x1000x1xf32>
    %get3A_29 = vector.shape_cast %get3A_28 : vector<1x1x1000x1xf32> to vector<1000x1xf32>
    %add3A_30 = arith.addf %get3A_23, %get3A_29 : vector<1000x1xf32>
    %max3A = arith.constant 1.000000e+00 : f32
    %max3A_31 = vector.broadcast %max3A : f32 to vector<1000x1xf32>
    %max3A_32 = arith.maximumf %add3A_30, %max3A_31 : vector<1000x1xf32>
    %div3A = arith.constant 1.000000e+00 : f32
    %div3A_33 = vector.broadcast %div3A : f32 to vector<1000x1xf32>
    %div3A_34 = arith.divf %div3A_33, %max3A_32 : vector<1000x1xf32>
    %mul3A = vector.broadcast %div3A_34 : vector<1000x1xf32> to vector<1000x128xf32>
    %mul3A_35 = arith.mulf %add3A, %mul3A : vector<1000x128xf32>
    %get3A_36 = arith.constant 0 : index
    %get3A_37 = arith.constant 0 : index
    %get3A_38 = vector.load %arg11[%get3A_36, %get3A_37] : memref<128x128xf32, #tpu.memory_space<vmem>>, vector<128x128xf32>
    %dot_general3A_39 = arith.constant dense<0.000000e+00> : vector<1000x128xf32>
    %dot_general3A_40 = tpu.matmul %mul3A_35, %get3A_38, %dot_general3A_39 {dimension_numbers = #tpu.dot_dimension_numbers<[1], [0], [0], [1], [0, 0, 1, 1], [], []>, transpose_lhs_hint = false} : vector<1000x128xf32>, vector<128x128xf32>, vector<1000x128xf32> -> vector<1000x128xf32>
    %add3A_41 = arith.addf %dot_general3A_5, %dot_general3A_40 : vector<1000x128xf32>
    %get3A_42 = arith.constant 0 : index
    %get3A_43 = arith.constant 0 : index
    %get3A_44 = arith.constant 0 : index
    %get3A_45 = arith.constant 0 : index
    %get3A_46 = vector.load %arg4[%get3A_42, %get3A_43, %get3A_44, %get3A_45] : memref<1x1x1000x128xf32, #tpu.memory_space<vmem>>, vector<1x1x1000x128xf32>
    %get3A_47 = vector.shape_cast %get3A_46 : vector<1x1x1000x128xf32> to vector<1000x128xf32>
    %get3A_48 = arith.constant 0 : index
    %get3A_49 = arith.constant 0 : index
    %get3A_50 = arith.constant 0 : index
    %get3A_51 = arith.constant 0 : index
    %get3A_52 = vector.load %arg5[%get3A_48, %get3A_49, %get3A_50, %get3A_51] : memref<1x1x1000x128xf32, #tpu.memory_space<vmem>>, vector<1x1x1000x128xf32>
    %get3A_53 = vector.shape_cast %get3A_52 : vector<1x1x1000x128xf32> to vector<1000x128xf32>
    %add3A_54 = arith.addf %get3A_47, %get3A_53 : vector<1000x128xf32>
    %get3A_55 = arith.constant 0 : index
    %get3A_56 = arith.constant 0 : index
    %get3A_57 = arith.constant 0 : index
    %get3A_58 = arith.constant 0 : index
    %get3A_59 = vector.load %arg8[%get3A_55, %get3A_56, %get3A_57, %get3A_58] : memref<1x1x1000x16xf32, #tpu.memory_space<vmem>>, vector<1x1x1000x1xf32>
    %get3A_60 = vector.shape_cast %get3A_59 : vector<1x1x1000x1xf32> to vector<1000x1xf32>
    %get3A_61 = arith.constant 0 : index
    %get3A_62 = arith.constant 0 : index
    %get3A_63 = arith.constant 0 : index
    %get3A_64 = arith.constant 0 : index
    %get3A_65 = vector.load %arg9[%get3A_61, %get3A_62, %get3A_63, %get3A_64] : memref<1x1x1000x16xf32, #tpu.memory_space<vmem>>, vector<1x1x1000x1xf32>
    %get3A_66 = vector.shape_cast %get3A_65 : vector<1x1x1000x1xf32> to vector<1000x1xf32>
    %add3A_67 = arith.addf %get3A_60, %get3A_66 : vector<1000x1xf32>
    %max3A_68 = arith.constant 1.000000e+00 : f32
    %max3A_69 = vector.broadcast %max3A_68 : f32 to vector<1000x1xf32>
    %max3A_70 = arith.maximumf %add3A_67, %max3A_69 : vector<1000x1xf32>
    %div3A_71 = arith.constant 1.000000e+00 : f32
    %div3A_72 = vector.broadcast %div3A_71 : f32 to vector<1000x1xf32>
    %div3A_73 = arith.divf %div3A_72, %max3A_70 : vector<1000x1xf32>
    %mul3A_74 = vector.broadcast %div3A_73 : vector<1000x1xf32> to vector<1000x128xf32>
    %mul3A_75 = arith.mulf %add3A_54, %mul3A_74 : vector<1000x128xf32>
    %get3A_76 = arith.constant 0 : index
    %get3A_77 = arith.constant 0 : index
    %get3A_78 = vector.load %arg12[%get3A_76, %get3A_77] : memref<128x128xf32, #tpu.memory_space<vmem>>, vector<128x128xf32>
    %dot_general3A_79 = arith.constant dense<0.000000e+00> : vector<1000x128xf32>
    %dot_general3A_80 = tpu.matmul %mul3A_75, %get3A_78, %dot_general3A_79 {dimension_numbers = #tpu.dot_dimension_numbers<[1], [0], [0], [1], [0, 0, 1, 1], [], []>, transpose_lhs_hint = false} : vector<1000x128xf32>, vector<128x128xf32>, vector<1000x128xf32> -> vector<1000x128xf32>
    %add3A_81 = arith.addf %add3A_41, %dot_general3A_80 : vector<1000x128xf32>
    %get3A_82 = arith.constant 0 : index
    %get3A_83 = arith.constant 0 : index
    %get3A_84 = vector.load %arg13[%get3A_82, %get3A_83] : memref<1x128xf32, #tpu.memory_space<vmem>>, vector<1x128xf32>
    %add3A_85 = vector.broadcast %get3A_84 : vector<1x128xf32> to vector<1000x128xf32>
    %add3A_86 = arith.addf %add3A_81, %add3A_85 : vector<1000x128xf32>
    %max3A_87 = arith.constant 0.000000e+00 : f32
    %max3A_88 = vector.broadcast %max3A_87 : f32 to vector<1000x128xf32>
    %max3A_89 = arith.maximumf %add3A_86, %max3A_88 : vector<1000x128xf32>
    %get3A_90 = arith.constant 0 : index
    %get3A_91 = arith.constant 0 : index
    %get3A_92 = vector.load %arg14[%get3A_90, %get3A_91] : memref<128x64xf32, #tpu.memory_space<vmem>>, vector<128x64xf32>
    %dot_general3A_93 = arith.constant dense<0.000000e+00> : vector<1000x64xf32>
    %dot_general3A_94 = tpu.matmul %max3A_89, %get3A_92, %dot_general3A_93 {dimension_numbers = #tpu.dot_dimension_numbers<[1], [0], [0], [1], [0, 0, 1, 1], [], []>, transpose_lhs_hint = false} : vector<1000x128xf32>, vector<128x64xf32>, vector<1000x64xf32> -> vector<1000x64xf32>
    %get3A_95 = arith.constant 0 : index
    %get3A_96 = arith.constant 0 : index
    %get3A_97 = vector.load %arg15[%get3A_95, %get3A_96] : memref<1x64xf32, #tpu.memory_space<vmem>>, vector<1x64xf32>
    %add3A_98 = vector.broadcast %get3A_97 : vector<1x64xf32> to vector<1000x64xf32>
    %add3A_99 = arith.addf %dot_general3A_94, %add3A_98 : vector<1000x64xf32>
    %swap3A = arith.constant 0 : index
    %swap3A_100 = arith.constant 0 : index
    %swap3A_101 = vector.load %arg16[%swap3A, %swap3A_100] : memref<1000x64xf32, #tpu.memory_space<vmem>>, vector<1000x64xf32>
    tpu.vector_store %arg16[%swap3A, %swap3A_100], %add3A_99 {strides = array<i32>} : memref<1000x64xf32, #tpu.memory_space<vmem>>, vector<1000x64xf32>,
    return
  }
  func.func @transform_0(%arg0: i32) -> (i32, i32) {
    %c0_i32 = arith.constant 0 : i32
    %c0_i32_0 = arith.constant 0 : i32
    return %arg0, %c0_i32 : i32, i32
  }
  func.func @transform_1(%arg0: i32) -> (i32, i32, i32, i32) {
    %c0_i32 = arith.constant 0 : i32
    %c0_i32_0 = arith.constant 0 : i32
    %c0_i32_1 = arith.constant 0 : i32
    %c0_i32_2 = arith.constant 0 : i32
    return %c0_i32, %c0_i32_0, %arg0, %c0_i32_1 : i32, i32, i32, i32
  }
  func.func @transform_2(%arg0: i32) -> (i32, i32, i32, i32) {
    %c1_i32 = arith.constant 1 : i32
    %c0_i32 = arith.constant 0 : i32
    %c0_i32_0 = arith.constant 0 : i32
    %c0_i32_1 = arith.constant 0 : i32
    return %c1_i32, %c0_i32, %arg0, %c0_i32_0 : i32, i32, i32, i32
  }
  func.func @transform_3(%arg0: i32) -> (i32, i32, i32, i32) {
    %c0_i32 = arith.constant 0 : i32
    %c1_i32 = arith.constant 1 : i32
    %c0_i32_0 = arith.constant 0 : i32
    %c0_i32_1 = arith.constant 0 : i32
    return %c0_i32, %c1_i32, %arg0, %c0_i32_0 : i32, i32, i32, i32
  }
  func.func @transform_4(%arg0: i32) -> (i32, i32, i32, i32) {
    %c1_i32 = arith.constant 1 : i32
    %c1_i32_0 = arith.constant 1 : i32
    %c0_i32 = arith.constant 0 : i32
    %c0_i32_1 = arith.constant 0 : i32
    return %c1_i32, %c1_i32_0, %arg0, %c0_i32 : i32, i32, i32, i32
  }
  func.func @transform_5(%arg0: i32) -> (i32, i32, i32, i32) {
    %c0_i32 = arith.constant 0 : i32
    %c1_i32 = arith.constant 1 : i32
    %c0_i32_0 = arith.constant 0 : i32
    %c0_i32_1 = arith.constant 0 : i32
    return %c0_i32, %c1_i32, %arg0, %c0_i32_0 : i32, i32, i32, i32
  }
  func.func @transform_6(%arg0: i32) -> (i32, i32, i32, i32) {
    %c1_i32 = arith.constant 1 : i32
    %c1_i32_0 = arith.constant 1 : i32
    %c0_i32 = arith.constant 0 : i32
    %c0_i32_1 = arith.constant 0 : i32
    return %c1_i32, %c1_i32_0, %arg0, %c0_i32 : i32, i32, i32, i32
  }
  func.func @transform_7(%arg0: i32) -> (i32, i32, i32, i32) {
    %c0_i32 = arith.constant 0 : i32
    %c2_i32 = arith.constant 2 : i32
    %c0_i32_0 = arith.constant 0 : i32
    %c0_i32_1 = arith.constant 0 : i32
    return %c0_i32, %c2_i32, %arg0, %c0_i32_0 : i32, i32, i32, i32
  }
  func.func @transform_8(%arg0: i32) -> (i32, i32, i32, i32) {
    %c1_i32 = arith.constant 1 : i32
    %c2_i32 = arith.constant 2 : i32
    %c0_i32 = arith.constant 0 : i32
    %c0_i32_0 = arith.constant 0 : i32
    return %c1_i32, %c2_i32, %arg0, %c0_i32 : i32, i32, i32, i32
  }
  func.func @transform_9(%arg0: i32) -> (i32, i32) {
    %c0_i32 = arith.constant 0 : i32
    %c0_i32_0 = arith.constant 0 : i32
    %c0_i32_1 = arith.constant 0 : i32
    return %c0_i32, %c0_i32_0 : i32, i32
  }
  func.func @transform_10(%arg0: i32) -> (i32, i32) {
    %c0_i32 = arith.constant 0 : i32
    %c0_i32_0 = arith.constant 0 : i32
    %c0_i32_1 = arith.constant 0 : i32
    return %c0_i32, %c0_i32_0 : i32, i32
  }
  func.func @transform_11(%arg0: i32) -> (i32, i32) {
    %c0_i32 = arith.constant 0 : i32
    %c0_i32_0 = arith.constant 0 : i32
    %c0_i32_1 = arith.constant 0 : i32
    return %c0_i32, %c0_i32_0 : i32, i32
  }
  func.func @transform_12(%arg0: i32) -> (i32, i32) {
    %c0_i32 = arith.constant 0 : i32
    %c0_i32_0 = arith.constant 0 : i32
    %c0_i32_1 = arith.constant 0 : i32
    return %c0_i32, %c0_i32_0 : i32, i32
  }
  func.func @transform_13(%arg0: i32) -> (i32, i32) {
    %c0_i32 = arith.constant 0 : i32
    %c0_i32_0 = arith.constant 0 : i32
    %c0_i32_1 = arith.constant 0 : i32
    return %c0_i32, %c0_i32_0 : i32, i32
  }
  func.func @transform_14(%arg0: i32) -> (i32, i32) {
    %c0_i32 = arith.constant 0 : i32
    %c0_i32_0 = arith.constant 0 : i32
    %c0_i32_1 = arith.constant 0 : i32
    return %c0_i32, %c0_i32_0 : i32, i32
  }
  func.func @transform_15(%arg0: i32) -> (i32, i32) {
    %c0_i32 = arith.constant 0 : i32
    %c0_i32_0 = arith.constant 0 : i32
    return %arg0, %c0_i32 : i32, i32
  }
}

</mosaic_0001>

<sc_bundles>
// kernel: kernel.11.cloned.1.call-start
scs
__scs_entry_jumppad:
0x0: {  	(pc) =	sbr.rel $0x88, $3  }
0x1: {  	(tag) =	ssettag $0x0;
	lr =	simm.s32 $0x1  }
0x2: {  	[smem:$0x3F93] =	sst lr;
	_ =	strace $0xD0000000  }
0x3: {  	_ = 	snop  }
0x4: {  	_ = 	snop  }
0x5: {  	_ = 	snop  }
0x6: {  	_ = 	snop  }
0x7: {  	_ = 	snop  }
__scs_overlays_trampoline_lowered:
0x8: {  	[smem:$0x3FA2] =	sst s0  }
0x9: {  	[smem:$0x3FA3] =	sst s1  }
0xa: {  	[smem:$0x3FA4] =	sst s2  }
0xb: {  	[smem:$0x3FA5] =	sst s3  }
0xc: {  	[smem:$0x3FA6] =	sst s4  }
0xd: {  	[smem:$0x3FA7] =	sst s5  }
0xe: {  	[smem:$0x3FA8] =	sst s6  }
0xf: {  	[smem:$0x3FA9] =	sst s7  }
0x10: {  	[smem:$0x3FAA] =	sst s8  }
0x11: {  	[smem:$0x3FAB] =	sst s9;
	s0 =	simm.s32 @!p0 $0x0  }
0x12: {  	s1 =	sld [smem:$0x3F91];
	s0 =	simm.s32 @p0 $0x1  }
0x13: {  	[smem:$0x3FAC] =	sst s0;
	s0 =	simm.s32 @!p1 $0x0  }
0x14: {  	s2 =	sld [smem:$0x3F90];
	s0 =	simm.s32 @p1 $0x1  }
0x15: {  	[smem:$0x3FAD] =	sst s0;
	s0 =	simm.s32 @!p2 $0x0  }
0x16: {  	s3 =	sld [smem:$0x3FDB];
	s0 =	simm.s32 @p2 $0x1  }
0x17: {  	s4 =	simm.s32 $0x1BF5;
	[smem:$0x3FAF] =	sst s0  }
0x18: {  	s0 =	sld [smem:$0x3F92];
	_ =	swait.ge [sflag:s4], $0x0  }
0x19: {  	s7 =	sld [smem:$0x3F93]  }
0x1a: {  	s8 =	sadd.s32 $0xFFFFE003, lr  }
0x1b: {  	s9 =	sadd.s32 $0xFFFFFEF7, lr;
	s5 =	simm.s32 $0xFFFFFFFF;
	p2 =	slt.u32 s8, $0xFFFFF086  }
0x1c: {  	p1 =	slt.u32 s9, $0xF7A;
	s5 =	simm.s32 @!p2 $0x0  }
0x1d: {  	s5 =	simm.s32 @p1 $0x1;
	p0 =	seq.s32 s7, s2  }
0x1e: {  	s7 =	smul.u32 @!p0 $0xF7A, s2;
	p2 =	seq.s32 @!p0 s5, $0x0  }
0x1f: {  	s9 =	smul.u32 $0xF7A, s1;
	s8 =	simm.s32 @!p0 $0x1BF5;
	p2 =	por !p2, p0  }
0x20: {  	[sflag:s8] =	ssyncset.s32 @!p0 $0xFFFFF086;
	s6 =	sadd.s32 @!p0 s3, s7;
	s7 =	simm.s32 @!p0 $0x108  }
0x21: {  	s3 =	sadd.s32 s3, s9;
	s6 =	sadd.s32 @!p0 $0x88, s6;
	s7 =	simm.s32 @p2 $0x1082  }
0x22: {  	[simem:s7], [sflag:s8] =	dma.local @!p0 [hbm:s6], $0xF7A  }
0x23: {  	s9 =	sor.u32 $0xD0000000, s2;
	s6 =	simm.s32 $0x108;
	_ =	swait.ge @!p0 [sflag:s8], $0x0  }
0x24: {  	s3 =	sadd.s32 $0x88, s3;
	s6 =	simm.s32 @!p1 $0x1082;
	[sflag:s4] =	ssyncset.s32 $0xFFFFF086  }
0x25: {  	[simem:s6], [sflag:s4] =	dma.local [hbm:s3], $0xF7A  }
0x26: {  	[smem:$0x3F93] =	sst s1;
	(tag) =	ssettag s2;
	_ =	strace s9  }
0x27: {  	s1 =	sld [smem:$0x3FA3]  }
0x28: {  	s2 =	sld [smem:$0x3FA4]  }
0x29: {  	s4 =	sld [smem:$0x3FA6]  }
0x2a: {  	p0 =	seq.s32 s5, $0x0;
	s5 =	sld [smem:$0x3FA7]  }
0x2b: {  	s6 =	sld [smem:$0x3FA8]  }
0x2c: {  	s7 =	sld [smem:$0x3FA9]  }
0x2d: {  	s3 =	simm.s32 $0x108;
	s8 =	sld [smem:$0x3FAA]  }
0x2e: {  	s3 =	simm.s32 @!p0 $0x1082;
	s9 =	sld [smem:$0x3FAB]  }
0x2f: {  	lr =	sadd.s32 s0, s3;
	s0 =	sld [smem:$0x3FA2]  }
0x30: {  	s3 =	sld [smem:$0x3FA5]  }
0x31: {  	[smem:$0x3FAE] =	sst s10  }
0x32: {  	s10 =	sld [smem:$0x3FAC];
	_ =	sdelay $0x3  }
0x33: {  	p0 =	seq.s32 s10, $0x1;
	s10 =	sld [smem:$0x3FAE];
	_ =	sdelay $0x3  }
0x34: {  	[smem:$0x3FAE] =	sst s10  }
0x35: {  	s10 =	sld [smem:$0x3FAD];
	_ =	sdelay $0x3  }
0x36: {  	p1 =	seq.s32 s10, $0x1;
	s10 =	sld [smem:$0x3FAE];
	_ =	sdelay $0x3  }
0x37: {  	[smem:$0x3FAE] =	sst s10  }
0x38: {  	s10 =	sld [smem:$0x3FAF]  }
0x39: {  	_ = 	snop;
	(pc) =	sbr.ind lr, $3  }
0x3a: {  	_ = 	snop  }
0x3b: {  	_ = 	snop  }
0x3c: {  	p2 =	seq.s32 s10, $0x1;
	s10 =	sld [smem:$0x3FAE]  }
0x3d: {  	_ =	shalt  }
0x3e: {  	_ =	shalt  }
0x3f: {  	_ =	shalt  }
0x40: {  	_ =	shalt  }
0x41: {  	_ =	shalt  }
0x42: {  	_ =	shalt  }
0x43: {  	_ =	shalt  }
0x44: {  	_ =	shalt  }
0x45: {  	_ =	shalt  }
0x46: {  	_ =	shalt  }
0x47: {  	_ =	shalt  }
0x48: {  	_ =	shalt  }
0x49: {  	_ =	shalt  }
0x4a: {  	_ =	shalt  }
0x4b: {  	_ =	shalt  }
0x4c: {  	_ =	shalt  }
0x4d: {  	_ =	shalt  }
0x4e: {  	_ =	shalt  }
0x4f: {  	_ =	shalt  }
0x50: {  	_ =	shalt  }
0x51: {  	_ =	shalt  }
0x52: {  	_ =	shalt  }
0x53: {  	_ =	shalt  }
0x54: {  	_ =	shalt  }
0x55: {  	_ =	shalt  }
0x56: {  	_ =	shalt  }
0x57: {  	_ =	shalt  }
0x58: {  	_ =	shalt  }
0x59: {  	_ =	shalt  }
0x5a: {  	_ =	shalt  }
0x5b: {  	_ =	shalt  }
0x5c: {  	_ =	shalt  }
0x5d: {  	_ =	shalt  }
0x5e: {  	_ =	shalt  }
0x5f: {  	_ =	shalt  }
0x60: {  	_ =	shalt  }
0x61: {  	_ =	shalt  }
0x62: {  	_ =	shalt  }
0x63: {  	_ =	shalt  }
0x64: {  	_ =	shalt  }
0x65: {  	_ =	shalt  }
0x66: {  	_ =	shalt  }
0x67: {  	_ =	shalt  }
0x68: {  	_ =	shalt  }
0x69: {  	_ =	shalt  }
0x6a: {  	_ =	shalt  }
0x6b: {  	_ =	shalt  }
0x6c: {  	_ =	shalt  }
0x6d: {  	_ =	shalt  }
0x6e: {  	_ =	shalt  }
0x6f: {  	_ =	shalt  }
0x70: {  	_ =	shalt  }
0x71: {  	_ =	shalt  }
0x72: {  	_ =	shalt  }
0x73: {  	_ =	shalt  }
0x74: {  	_ =	shalt  }
0x75: {  	_ =	shalt  }
0x76: {  	_ =	shalt  }
0x77: {  	_ =	shalt  }
0x78: {  	_ =	shalt  }
0x79: {  	_ =	shalt  }
0x7a: {  	_ =	shalt  }
0x7b: {  	_ =	shalt  }
0x7c: {  	_ =	shalt  }
0x7d: {  	_ =	shalt  }
0x7e: {  	_ =	shalt  }
0x7f: {  	_ =	shalt  }
0x80: {  	_ =	shalt  }
0x81: {  	_ =	shalt  }
0x82: {  	_ =	shalt  }
0x83: {  	_ =	shalt  }
0x84: {  	_ =	shalt  }
0x85: {  	_ =	shalt  }
0x86: {  	_ =	shalt  }
0x87: {  	_ =	shalt  }
.Lfunc_end0:
.L_simem_size_0:
called_computation.1_lowered:
.L_overlay_start_0:
0x88: {  	s2 =	sld [smem:$0x3FD9]  }
0x89: {  	s3 =	sld [smem:$0x3FFE];
	_ =	sdelay $0x1  }
0x8a: {  	s1 =	srdreg.scid  }
0x8b: {  	s0 =	sand.u32 $0x1, s1  }
0x8c: {  	s16 =	sshll.u32 s0, $0xA;
	s2 =	sadd.s32 s3, s2  }
0x8d: {  	s2 =	sadd.s32 s2, s16  }
0x8e: {  	[smem:$0x3FBA] =	sst s2  }
0x8f: {  	_ = 	snop  }
0x90: {  	(tm) =	ssettm $0x1  }
0x91: {  	s17 =	sld [smem:$0x3FFB];
	_ =	sdelay $0x3  }
0x92: {  	_ =	strace s17  }
0x93: {  	s2 =	sld [smem:$0x3FFC];
	_ =	sdelay $0x3  }
0x94: {  	_ =	strace s2  }
0x95: {  	s2 =	sld [smem:$0x3FFD];
	_ =	sdelay $0x3  }
0x96: {  	_ =	strace s2  }
0x97: {  	_ =	strace $0x8FFFFFFF  }
0x98: {  	s18 =	sld [smem:$0x3FDB];
	_ =	sdelay $0x1  }
0x99: {  	s19 =	simm.s32 $_scs_section_size  }
0x9a: {  	s4 =	simm.s32 $_size__tile_overlayer_lowered;
	s5 =	simm.s32 $_tile_overlayer_lowered  }
0x9b: {  	s22 =	simm.s32 $0x1BFF;
	s21 =	sshll.u32 s5, $0x1;
	s2 =	sadd.s32 s19, s18  }
0x9c: {  	s6 =	simm.s32 $0x0;
	s20 =	sshll.u32 s4, $0x1;
	s4 =	sadd.s32 s21, s2  }
0x9d: {  	[timem:s6], [sflag:s22] =	dma.local [hbm:s4], s20  }
0x9e: {  	_ =	swait.ge [sflag:s22], s20  }
0x9f: {  	s3 =	ssub.s32 $0x0, s20;
	[sflag:s22] =	ssyncset.done $0x0  }
0xa0: {  	[sflag:s22] =	ssyncadd.s32 s3;
	_ =	sdelay $0x1  }
0xa1: {  	s23 =	simm.s32 $0x1B8B  }
0xa2: {  	_ =	swait.ge [sflag:s23], $0x1  }
0xa3: {  	[sflag:s23] =	ssyncset.done $0x0  }
0xa4: {  	s25 =	simm.s32 $0x1B8E;
	s24 =	sld [smem:$0x3FFE];
	[sflag:s23] =	ssyncadd.s32 $0xFFFFFFFF  }
0xa5: {  	s26 =	simm.s32 $execute0_lowered;
	[smem:$0x3FD2] =	sst s25  }
0xa6: {  	s4 =	sshll.u32 s26, $0x1;
	_ =	strace $0x80000049;
	[dreg:$0x1] =	wrdreg $0xFFFFFFFF  }
0xa7: {  	s28 =	simm.s32 $_size_execute0_lowered;
	s2 =	sadd.s32 s2, s4;
	[dreg:$0x0] =	wrdreg $0x0  }
0xa8: {  	s4 =	sshll.u32 s28, $0x1;
	[dreg:$0x2] =	wrdreg s2  }
0xa9: {  	[dreg:$0x3] =	wrdreg s4  }
0xaa: {  	[dreg:$0x4] =	wrdreg $0xC0  }
0xab: {  	_ =	task [dreg:s6], $0x5FFFF  }
0xac: {  	[dreg:$0x1] =	wrdreg $0xFFFFFFFF  }
0xad: {  	[dreg:$0x0] =	wrdreg $0x60  }
0xae: {  	[dreg:$0x2] =	wrdreg s24  }
0xaf: {  	[dreg:$0x3] =	wrdreg $0x41800  }
0xb0: {  	[dreg:$0x4] =	wrdreg $0x9  }
0xb1: {  	_ =	task.clear_ibuf [dreg:s6], $0x5FFFF;
	_ =	strace $0x90000049  }
0xb2: {  	s29 =	simm.s32 $0x9;
	_ =	strace $0x8000004B  }
0xb3: {  	_ =	swait.ge [sflag:s29], $0x1  }
0xb4: {  	[sflag:s29] =	ssyncadd.s32 $0xFFFFFFFF  }
0xb5: {  	_ =	strace $0x9000004B  }
0xb6: {  	_ =	sfence  }
0xb7: {  	s30 =	sld [smem:$0x0];
	_ =	sdelay $0x2  }
0xb8: {  	s31 =	sshll.u32 s1, $0xD;
	s1 =	sshrl.u32 s1, $0x2  }
0xb9: {  	s3 =	sand.u32 $0x4000, s31;
	s1 =	sadd.s32 s1, s30  }
0xba: {  	s0 =	sor.u32 s3, s0;
	s1 =	sshll.u32 s1, $0x11  }
0xbb: {  	s0 =	sor.u32 s1, s0  }
0xbc: {  	s0 =	sadd.s32 $0x8F2B, s0  }
0xbd: {  	[sflag:s0] =	ssyncadd.remote.s32 $0x1  }
0xbe: {  	_ =	sfence.sel $0xFFFF  }
0xbf: {  	[dreg:$0x0] =	wrdreg $0xFFFFFFFF;
	(pc) =	sbr.abs _section_cstart, $3  }
0xc0: {  	[dreg:$0x1] =	wrdreg $0xFFFFFFFF  }
0xc1: {  	_ =	task.clear_ibuf [dreg:s6], $0x2FFFF;
	_ =	strace $0x9FFFFFFF  }
0xc2: {  	(tm) =	ssettm $0x7FFFFFFF  }
0xc3: {  	_ =	shalt  }
tec
execute0_lowered:
.L_overlay_start_1:
0x0: {  	(tag) =	ssettag $0x1  }
0x1: {  	s0 =	rddreg [dreg:$0x0]  }
0x2: {  	s1 =	rddreg [dreg:$0x1]  }
0x3: {  	s3 =	simm.s32 $0x0;
	s2 =	srdreg.scid;
	s28 =	stileid.u32  }
0x4: {  	s29 =	simm.s32 $0x2;
	s30 =	simm.s32 $0x100;
	s31 =	simm.s32 $0x3  }
0x5: {  	[smem:$0x7FF] =	sst s3;
	s2 =	sand.u32 $0x1, s2;
	s4 =	sadd.s32 $0x6600, s0  }
0x6: {  	s5 =	sshll.u32 s28, $0x5;
	s9 =	sadd.s32 $0x63400, s0;
	s22 =	sshll.u32 s28, $0x4  }
0x7: {  	s14 =	sor.u32 $0x10, s28;
	s15 =	sor.u32 $0x20, s28;
	s7 =	sshll.u32 s28, $0x7  }
0x8: {  	s17 =	sor.u32 $0x30, s28;
	s25 =	sshll.u32 s28, $0xB;
	p0 =	seq.s32 s28, $0xF  }
0x9: {  	_ =	strace $0x8000004A;
	s6 =	ssub.s32 $0x2, s2;
	s11 =	sadd.s32 s5, s0  }
0xa: {  	s10 =	smul.u32 $0x4E20, s2;
	s5 =	sadd.s32 s9, s22;
	s23 =	sshll.u32 s14, $0x4  }
0xb: {  	s8 =	sshll.u32 s15, $0x4;
	s16 =	sor.u32 $0x2000, s7;
	s24 =	sshll.u32 s17, $0x4  }
0xc: {  	s19 =	smul.u32 $0x4E200, s2;
	s14 =	sshll.u32 s14, $0xB;
	s15 =	sshll.u32 s15, $0xB  }
0xd: {  	s17 =	sshll.u32 s17, $0xB;
	s21 =	sshrl.u32 s6, $0x1;
	s7 =	sadd.s32 s9, s8  }
0xe: {  	s16 =	smin.u32 s16, $0x2690;
	s8 =	sadd.s32 s9, s24;
	s12 =	ssub.s32 s6, s21  }
0xf: {  	s13 =	sadd.s32 $0x2710, s10;
	s6 =	sadd.s32 s9, s23;
	s18 =	sshrl.u32 s16, $0x3  }
0x10: {  	s20 =	sadd.s32 s19, s25;
	s21 =	sadd.s32 s19, s14;
	s22 =	sadd.s32 s19, s15  }
0x11: {  	s19 =	sadd.s32 s19, s17;
	s23 =	sadd.s32 s10, s16;
	s10 =	sadd.s32 $0x64200, s0  }
0x12: {  	s0 =	sadd.s32 $0x8B400, s0;
	s9 =	sadd.s32 s9, s18;
	s26 =	sshll.u32 s13, $0x4  }
0x13: {  	s13 =	sadd.s32 s16, s13;
	s12 =	smax.u32 s12, $0x1;
	s20 =	sadd.s32 s0, s20  }
0x14: {  	s16 =	sadd.s32 s0, s22;
	s18 =	sadd.s32 s26, s25;
	s14 =	sadd.s32 s26, s14  }
0x15: {  	s15 =	sadd.s32 s26, s15;
	s24 =	sadd.s32 s26, s17;
	[dreg:$0x3] =	wrdreg s12  }
0x16: {  	s17 =	sshll.u32 s2, $0x4;
	s25 =	sshll.u32 s28, $0x1;
	[dreg:$0x4] =	wrdreg s20  }
0x17: {  	s26 =	sadd.s32 s0, s21;
	[dreg:$0x6] =	wrdreg s16;
	s20 =	sadd.s32 s0, s19  }
0x18: {  	s28 =	simm.s32 $0x180;
	s11 =	sadd.s32 s17, s11;
	[dreg:$0x5] =	wrdreg s26  }
0x19: {  	s17 =	sshll.u32 s23, $0x4;
	[dreg:$0x7] =	wrdreg s20;
	s21 =	sadd.s32 s0, s18  }
0x1a: {  	s22 =	sadd.s32 s0, s14;
	s23 =	sadd.s32 s0, s15;
	[dreg:$0x9] =	wrdreg s21  }
0x1b: {  	s26 =	sshll.u32 s13, $0x4;
	s20 =	sadd.s32 s0, s24;
	[dreg:$0xa] =	wrdreg s22  }
0x1c: {  	s12 =	sadd.s32 s0, s17;
	[dreg:$0xb] =	wrdreg s23;
	s21 =	sadd.s32 s0, s26  }
0x1d: {  	s22 =	sadd.s32 $0x260000, s11;
	s23 =	sor.u32 s2, s25;
	s24 =	sadd.s32 $0x269E00, s11  }
0x1e: {  	s25 =	sadd.s32 $0x26EC20, s11;
	s26 =	sadd.s32 $0x264E20, s11;
	s0 =	simm.s32 $0x80  }
0x1f: {  	s2 =	simm.s32 $0x1;
	s11 =	simm.s32 $0x0;
	[dreg:$0x8] =	wrdreg s12  }
.LBB2_1:
0x20: {  	[tilespmem:s28], [sflag:$0x2] =	stream.linear.gather [hbm4b:s10+s3], $0x4000, $0x38;
	[tilespmem:$0x17A00] =	vst v63  }
0x21: {  	_ =	swait.ge [sflag:s29], $0x4000  }
0x22: {  	[sflag:s29] =	ssyncset.done $0x0  }
0x23: {  	[sflag:s29] =	ssyncadd.s32 $0xFFFFC000  }
0x24: {  	[tilespmem:s30], [sflag:$0x3] =	stream.linear.gather [hbm4b:s5+s3], $0x80, $0x38;
	[tilespmem:$0x17A00] =	vst v63  }
0x25: {  	_ =	swait.ge [sflag:s31], $0x80  }
0x26: {  	[sflag:s31] =	ssyncset.done $0x0  }
0x27: {  	[sflag:s31] =	ssyncadd.s32 $0xFFFFFF80  }
0x28: {  	[spmem:s1] =	stream.indirect.scatter [tilespmem:s28], [sflag:$0x2], $0x80, s30, s0, $0xb8;
	[tilespmem:$0x17A00] =	vst v63  }
0x29: {  	_ =	swait.ge [sflag:s29], $0x4000  }
0x2a: {  	[sflag:s29] =	ssyncset.done $0x0  }
0x2b: {  	[sflag:s29] =	ssyncadd.s32 $0xFFFFC000  }
0x2c: {  	[tilespmem:s30], [sflag:$0x3] =	stream.linear.gather [hbm4b:s6+s3], $0x80, $0x38;
	[tilespmem:$0x17A00] =	vst v63  }
0x2d: {  	_ =	swait.ge [sflag:s31], $0x80  }
0x2e: {  	[sflag:s31] =	ssyncset.done $0x0  }
0x2f: {  	[sflag:s31] =	ssyncadd.s32 $0xFFFFFF80  }
0x30: {  	[spmem:s1] =	stream.indirect.scatter [tilespmem:s28], [sflag:$0x2], $0x80, s30, s0, $0xb8;
	[tilespmem:$0x17A00] =	vst v63  }
0x31: {  	_ =	swait.ge [sflag:s29], $0x4000  }
0x32: {  	[sflag:s29] =	ssyncset.done $0x0  }
0x33: {  	[sflag:s29] =	ssyncadd.s32 $0xFFFFC000  }
0x34: {  	[tilespmem:s30], [sflag:$0x3] =	stream.linear.gather [hbm4b:s7+s3], $0x80, $0x38;
	[tilespmem:$0x17A00] =	vst v63  }
0x35: {  	_ =	swait.ge [sflag:s31], $0x80  }
0x36: {  	[sflag:s31] =	ssyncset.done $0x0  }
0x37: {  	[sflag:s31] =	ssyncadd.s32 $0xFFFFFF80  }
0x38: {  	[spmem:s1] =	stream.indirect.scatter [tilespmem:s28], [sflag:$0x2], $0x80, s30, s0, $0xb8;
	[tilespmem:$0x17A00] =	vst v63  }
0x39: {  	_ =	swait.ge [sflag:s29], $0x4000  }
0x3a: {  	[sflag:s29] =	ssyncset.done $0x0  }
0x3b: {  	[sflag:s29] =	ssyncadd.s32 $0xFFFFC000  }
0x3c: {  	[tilespmem:s30], [sflag:$0x3] =	stream.linear.gather [hbm4b:s8+s3], $0x80, $0x38;
	[tilespmem:$0x17A00] =	vst v63  }
0x3d: {  	_ =	swait.ge [sflag:s31], $0x80  }
0x3e: {  	[sflag:s31] =	ssyncset.done $0x0  }
0x3f: {  	[sflag:s31] =	ssyncadd.s32 $0xFFFFFF80  }
0x40: {  	[spmem:s1] =	stream.indirect.scatter [tilespmem:s28], [sflag:$0x2], $0x80, s30, s0, $0xb8;
	[tilespmem:$0x17A00] =	vst v63  }
0x41: {  	_ =	swait.ge [sflag:s29], $0x4000  }
0x42: {  	[sflag:s29] =	ssyncset.done $0x0  }
0x43: {  	s12 =	simm.s32 @!p0 $0x0;
	s13 =	simm.s32 @!p0 $0x100;
	[sflag:s29] =	ssyncadd.s32 $0xFFFFC000  }
0x44: {  	[tilespmem:s13], [sflag:$0x3] =	stream.linear.gather @!p0 [hbm4b:s9+s12], $0x80, $0x38;
	[tilespmem:$0x17A00] =	vst v63  }
0x45: {  	s12 =	simm.s32 @!p0 $0x3  }
0x46: {  	_ =	swait.ge @!p0 [sflag:s12], $0x80  }
0x47: {  	[sflag:s12] =	ssyncset.done @!p0 $0x0  }
0x48: {  	s14 =	simm.s32 @!p0 $0x180;
	[sflag:s12] =	ssyncadd.s32 @!p0 $0xFFFFFF80;
	s12 =	simm.s32 @!p0 $0x80  }
0x49: {  	[spmem:s1] =	stream.indirect.scatter @!p0 [tilespmem:s14], [sflag:$0x2], $0x80, s13, s12, $0xb8;
	[tilespmem:$0x17A00] =	vst v63  }
0x4a: {  	s12 =	simm.s32 @!p0 $0x2  }
0x4b: {  	_ =	swait.ge @!p0 [sflag:s12], $0x4000  }
0x4c: {  	p1 =	sgt.u32 s23, $0x4E1;
	[sflag:s12] =	ssyncset.done @!p0 $0x0  }
0x4d: {  	s15 =	simm.s32 @!p1 $0x3;
	s13 =	simm.s32 @!p1 $0x0;
	[sflag:s12] =	ssyncadd.s32 @!p0 $0xFFFFC000  }
0x4e: {  	s14 =	simm.s32 @!p1 $0x80;
	s12 =	sadd.s32 @!p1 $0x0, s24;
	[bflag:$0x0] =	sbarrier.arrive $0xFFFF  }
0x4f: {  	[tilespmem:s14], [sflag:$0x3] =	stream.linear.gather @!p1 [hbm4b:s12+s13], $0x80, $0x38;
	[tilespmem:$0x17A00] =	vst v63  }
0x50: {  	_ =	swait.ge @!p1 [sflag:s15], $0x80  }
0x51: {  	[sflag:s15] =	ssyncset.done @!p1 $0x0  }
0x52: {  	p2 =	por p1, p1;
	s12 =	sadd.s32 @!p1 $0x0, s22;
	[sflag:s15] =	ssyncadd.s32 @!p1 $0xFFFFFF80  }
0x53: {  	[tilespmem:s13], [sflag:$0x3] =	stream.linear.gather @!p2 [hbm4b:s12+s13], $0x80, $0x38;
	[tilespmem:$0x17A00] =	vst v63  }
0x54: {  	_ =	swait.ge @!p2 [sflag:s15], $0x80  }
0x55: {  	[sflag:s15] =	ssyncset.done @!p2 $0x0  }
0x56: {  	s12 =	simm.s32 @!p2 $0x180;
	[sflag:s15] =	ssyncadd.s32 @!p2 $0xFFFFFF80;
	s15 =	simm.s32 @!p2 $0x1  }
0x57: {  	[tilespmem:s12], [sflag:$0x1] =	stream.indirect.gather @!p2 [hbm4b:s4+s14], $0x80, s13, s14, $0xb8;
	[tilespmem:$0x17A00] =	vst v63  }
0x58: {  	_ =	swait.ge @!p2 [sflag:s15], $0x4000  }
0x59: {  	s13 =	sadd.s32 $0x20, s23;
	[sflag:s15] =	ssyncset.done @!p2 $0x0  }
0x5a: {  	p3 =	sgt.u32 s13, $0x4E1;
	[sflag:s15] =	ssyncadd.s32 @!p2 $0xFFFFC000;
	s15 =	simm.s32 @!p2 $0x2  }
0x5b: {  	[spmem:s1] =	stream.indirect.scatter.add.f32 @!p2 [tilespmem:s12], [sflag:$0x2], $0x80, s14, s14, $0xb8;
	[tilespmem:$0x17A00] =	vst v63  }
0x5c: {  	s12 =	simm.s32 $0x200;
	s14 =	simm.s32 $0x400;
	_ =	swait.ge @!p2 [sflag:s15], $0x4000  }
.LBB2_2:
0x5d: {  	s16 =	sadd.s32 @!p3 s12, s24;
	s17 =	simm.s32 @!p3 $0x0;
	[sflag:s15] =	ssyncset.done @!p2 $0x0  }
0x5e: {  	s18 =	simm.s32 @!p3 $0x80;
	s19 =	simm.s32 @!p3 $0x3;
	[sflag:s15] =	ssyncadd.s32 @!p2 $0xFFFFC000  }
0x5f: {  	[tilespmem:s18], [sflag:$0x3] =	stream.linear.gather @!p3 [hbm4b:s16+s17], $0x80, $0x38;
	[tilespmem:$0x17A00] =	vst v63  }
0x60: {  	s15 =	smov.u32 s14;
	s14 =	sadd.s32 $0x200, s14;
	_ =	swait.ge @!p3 [sflag:s19], $0x80  }
0x61: {  	p4 =	sne.s32 s14, $0x5000;
	s16 =	sadd.s32 @!p3 s12, s22;
	[sflag:s19] =	ssyncset.done @!p3 $0x0  }
0x62: {  	p2 =	por p3, p3;
	s12 =	smov.u32 s15;
	[sflag:s19] =	ssyncadd.s32 @!p3 $0xFFFFFF80  }
0x63: {  	[tilespmem:s17], [sflag:$0x3] =	stream.linear.gather @!p2 [hbm4b:s16+s17], $0x80, $0x38;
	[tilespmem:$0x17A00] =	vst v63  }
0x64: {  	_ =	swait.ge @!p2 [sflag:s19], $0x80  }
0x65: {  	s16 =	simm.s32 @!p2 $0x180;
	[sflag:s19] =	ssyncset.done @!p2 $0x0  }
0x66: {  	s15 =	simm.s32 @!p2 $0x1;
	[sflag:s19] =	ssyncadd.s32 @!p2 $0xFFFFFF80  }
0x67: {  	[tilespmem:s16], [sflag:$0x1] =	stream.indirect.gather @!p2 [hbm4b:s4+s18], $0x80, s17, s18, $0xb8;
	[tilespmem:$0x17A00] =	vst v63  }
.Ltmp0:
0x68: {  	_ =	swait.ge @!p2 [sflag:s15], $0x4000;
	(pc) =	sbr.rel @p4 .LBB2_2-.Ltmp0, $4  }
0x69: {  	[sflag:s15] =	ssyncset.done @!p2 $0x0  }
0x6a: {  	s13 =	sadd.s32 $0x20, s13;
	[sflag:s15] =	ssyncadd.s32 @!p2 $0xFFFFC000;
	s15 =	simm.s32 @!p2 $0x2  }
0x6b: {  	[spmem:s1] =	stream.indirect.scatter.add.f32 @!p2 [tilespmem:s16], [sflag:$0x2], $0x80, s18, s18, $0xb8;
	[tilespmem:$0x17A00] =	vst v63  }
0x6c: {  	p3 =	sgt.u32 s13, $0x4E1;
	_ =	swait.ge @!p2 [sflag:s15], $0x4000  }
0x6d: {  	s13 =	sadd.s32 @!p3 s12, s24;
	s14 =	simm.s32 @!p3 $0x0;
	[sflag:s15] =	ssyncset.done @!p2 $0x0  }
0x6e: {  	s16 =	simm.s32 @!p3 $0x80;
	s17 =	simm.s32 @!p3 $0x3;
	[sflag:s15] =	ssyncadd.s32 @!p2 $0xFFFFC000  }
0x6f: {  	[tilespmem:s16], [sflag:$0x3] =	stream.linear.gather @!p3 [hbm4b:s13+s14], $0x80, $0x38;
	[tilespmem:$0x17A00] =	vst v63  }
0x70: {  	_ =	swait.ge @!p3 [sflag:s17], $0x80  }
0x71: {  	[sflag:s17] =	ssyncset.done @!p3 $0x0  }
0x72: {  	s12 =	sadd.s32 @!p3 s12, s22;
	p2 =	por p3, p3;
	[sflag:s17] =	ssyncadd.s32 @!p3 $0xFFFFFF80  }
0x73: {  	[tilespmem:s14], [sflag:$0x3] =	stream.linear.gather @!p2 [hbm4b:s12+s14], $0x80, $0x38;
	[tilespmem:$0x17A00] =	vst v63  }
0x74: {  	_ =	swait.ge @!p2 [sflag:s17], $0x80  }
0x75: {  	[sflag:s17] =	ssyncset.done @!p2 $0x0  }
0x76: {  	s13 =	simm.s32 @!p2 $0x1;
	s12 =	simm.s32 @!p2 $0x180;
	[sflag:s17] =	ssyncadd.s32 @!p2 $0xFFFFFF80  }
0x77: {  	[tilespmem:s12], [sflag:$0x1] =	stream.indirect.gather @!p2 [hbm4b:s4+s16], $0x80, s14, s16, $0xb8;
	[tilespmem:$0x17A00] =	vst v63  }
0x78: {  	_ =	swait.ge @!p2 [sflag:s13], $0x4000  }
0x79: {  	[sflag:s13] =	ssyncset.done @!p2 $0x0  }
0x7a: {  	[sflag:s13] =	ssyncadd.s32 @!p2 $0xFFFFC000;
	s13 =	simm.s32 @!p2 $0x2  }
0x7b: {  	[spmem:s1] =	stream.indirect.scatter.add.f32 @!p2 [tilespmem:s12], [sflag:$0x2], $0x80, s16, s16, $0xb8;
	[tilespmem:$0x17A00] =	vst v63  }
0x7c: {  	_ =	swait.ge @!p2 [sflag:s13], $0x4000  }
0x7d: {  	[sflag:s13] =	ssyncset.done @!p2 $0x0  }
0x7e: {  	[sflag:s13] =	ssyncadd.s32 @!p2 $0xFFFFC000  }
0x7f: {  	[bflag:$0x0] =	sbarrier.arrive $0xFFFF  }
0x80: {  	[tilespmem:s30], [sflag:$0x3] =	stream.linear.gather [hbm4b:s5+s3], $0x80, $0x38;
	[tilespmem:$0x17A00] =	vst v63  }
0x81: {  	_ =	swait.ge [sflag:s31], $0x80  }
0x82: {  	[sflag:s31] =	ssyncset.done $0x0  }
0x83: {  	[sflag:s31] =	ssyncadd.s32 $0xFFFFFF80  }
0x84: {  	[tilespmem:s28], [sflag:$0x1] =	stream.indirect.gather [spmem:s1], $0x80, s30, s0, $0xb8;
	[tilespmem:$0x17A00] =	vst v63  }
0x85: {  	_ =	swait.ge [sflag:s2], $0x4000  }
0x86: {  	[sflag:s2] =	ssyncset.done $0x0  }
0x87: {  	s16 =	rddreg [dreg:$0x4];
	[sflag:s2] =	ssyncadd.s32 $0xFFFFC000  }
0x88: {  	[hbm4b:s16+s3] =	stream.linear.scatter [tilespmem:s28], [sflag:$0x2], $0x4000, $0x38;
	[tilespmem:$0x17A00] =	vst v63  }
0x89: {  	_ =	swait.ge [sflag:s29], $0x4000  }
0x8a: {  	[sflag:s29] =	ssyncset.done $0x0  }
0x8b: {  	[sflag:s29] =	ssyncadd.s32 $0xFFFFC000  }
0x8c: {  	[tilespmem:s30], [sflag:$0x3] =	stream.linear.gather [hbm4b:s6+s3], $0x80, $0x38;
	[tilespmem:$0x17A00] =	vst v63  }
0x8d: {  	_ =	swait.ge [sflag:s31], $0x80  }
0x8e: {  	[sflag:s31] =	ssyncset.done $0x0  }
0x8f: {  	[sflag:s31] =	ssyncadd.s32 $0xFFFFFF80  }
0x90: {  	[tilespmem:s28], [sflag:$0x1] =	stream.indirect.gather [spmem:s1], $0x80, s30, s0, $0xb8;
	[tilespmem:$0x17A00] =	vst v63  }
0x91: {  	_ =	swait.ge [sflag:s2], $0x4000  }
0x92: {  	[sflag:s2] =	ssyncset.done $0x0  }
0x93: {  	s17 =	rddreg [dreg:$0x5];
	[sflag:s2] =	ssyncadd.s32 $0xFFFFC000  }
0x94: {  	[hbm4b:s17+s3] =	stream.linear.scatter [tilespmem:s28], [sflag:$0x2], $0x4000, $0x38;
	[tilespmem:$0x17A00] =	vst v63  }
0x95: {  	_ =	swait.ge [sflag:s29], $0x4000  }
0x96: {  	[sflag:s29] =	ssyncset.done $0x0  }
0x97: {  	[sflag:s29] =	ssyncadd.s32 $0xFFFFC000  }
0x98: {  	[tilespmem:s30], [sflag:$0x3] =	stream.linear.gather [hbm4b:s7+s3], $0x80, $0x38;
	[tilespmem:$0x17A00] =	vst v63  }
0x99: {  	_ =	swait.ge [sflag:s31], $0x80  }
0x9a: {  	[sflag:s31] =	ssyncset.done $0x0  }
0x9b: {  	[sflag:s31] =	ssyncadd.s32 $0xFFFFFF80  }
0x9c: {  	[tilespmem:s28], [sflag:$0x1] =	stream.indirect.gather [spmem:s1], $0x80, s30, s0, $0xb8;
	[tilespmem:$0x17A00] =	vst v63  }
0x9d: {  	_ =	swait.ge [sflag:s2], $0x4000  }
0x9e: {  	[sflag:s2] =	ssyncset.done $0x0  }
0x9f: {  	s18 =	rddreg [dreg:$0x6];
	[sflag:s2] =	ssyncadd.s32 $0xFFFFC000  }
0xa0: {  	[hbm4b:s18+s3] =	stream.linear.scatter [tilespmem:s28], [sflag:$0x2], $0x4000, $0x38;
	[tilespmem:$0x17A00] =	vst v63  }
0xa1: {  	_ =	swait.ge [sflag:s29], $0x4000  }
0xa2: {  	[sflag:s29] =	ssyncset.done $0x0  }
0xa3: {  	[sflag:s29] =	ssyncadd.s32 $0xFFFFC000  }
0xa4: {  	[tilespmem:s30], [sflag:$0x3] =	stream.linear.gather [hbm4b:s8+s3], $0x80, $0x38;
	[tilespmem:$0x17A00] =	vst v63  }
0xa5: {  	_ =	swait.ge [sflag:s31], $0x80  }
0xa6: {  	[sflag:s31] =	ssyncset.done $0x0  }
0xa7: {  	[sflag:s31] =	ssyncadd.s32 $0xFFFFFF80  }
0xa8: {  	[tilespmem:s28], [sflag:$0x1] =	stream.indirect.gather [spmem:s1], $0x80, s30, s0, $0xb8;
	[tilespmem:$0x17A00] =	vst v63  }
0xa9: {  	_ =	swait.ge [sflag:s2], $0x4000  }
0xaa: {  	[sflag:s2] =	ssyncset.done $0x0  }
0xab: {  	s19 =	rddreg [dreg:$0x7];
	[sflag:s2] =	ssyncadd.s32 $0xFFFFC000  }
0xac: {  	[hbm4b:s19+s3] =	stream.linear.scatter [tilespmem:s28], [sflag:$0x2], $0x4000, $0x38;
	[tilespmem:$0x17A00] =	vst v63  }
0xad: {  	_ =	swait.ge [sflag:s29], $0x4000  }
0xae: {  	s14 =	simm.s32 @!p0 $0x3;
	[sflag:s29] =	ssyncset.done $0x0  }
0xaf: {  	s12 =	simm.s32 @!p0 $0x0;
	s13 =	simm.s32 @!p0 $0x100;
	[sflag:s29] =	ssyncadd.s32 $0xFFFFC000  }
0xb0: {  	[tilespmem:s13], [sflag:$0x3] =	stream.linear.gather @!p0 [hbm4b:s9+s12], $0x80, $0x38;
	[tilespmem:$0x17A00] =	vst v63  }
0xb1: {  	_ =	swait.ge @!p0 [sflag:s14], $0x80  }
0xb2: {  	s15 =	simm.s32 @!p0 $0x80;
	[sflag:s14] =	ssyncset.done @!p0 $0x0  }
0xb3: {  	s16 =	simm.s32 @!p0 $0x180;
	s17 =	simm.s32 @!p0 $0x1;
	[sflag:s14] =	ssyncadd.s32 @!p0 $0xFFFFFF80  }
0xb4: {  	[tilespmem:s16], [sflag:$0x1] =	stream.indirect.gather @!p0 [spmem:s1], $0x80, s13, s15, $0xb8;
	[tilespmem:$0x17A00] =	vst v63  }
0xb5: {  	_ =	swait.ge @!p0 [sflag:s17], $0x4000  }
0xb6: {  	[sflag:s17] =	ssyncset.done @!p0 $0x0  }
0xb7: {  	[sflag:s17] =	ssyncadd.s32 @!p0 $0xFFFFC000;
	s17 =	rddreg [dreg:$0x8]  }
0xb8: {  	[hbm4b:s17+s12] =	stream.linear.scatter @!p0 [tilespmem:s16], [sflag:$0x2], $0x4000, $0x38;
	[tilespmem:$0x17A00] =	vst v63  }
0xb9: {  	s17 =	simm.s32 @!p0 $0x2  }
0xba: {  	_ =	swait.ge @!p0 [sflag:s17], $0x4000  }
0xbb: {  	[sflag:s17] =	ssyncset.done @!p0 $0x0  }
0xbc: {  	[sflag:s17] =	ssyncadd.s32 @!p0 $0xFFFFC000  }
0xbd: {  	[bflag:$0x0] =	sbarrier.arrive $0xFFFF  }
0xbe: {  	[tilespmem:s28], [sflag:$0x2] =	stream.linear.gather [hbm4b:s10+s3], $0x4000, $0x38;
	[tilespmem:$0x17A00] =	vst v63  }
0xbf: {  	_ =	swait.ge [sflag:s29], $0x4000  }
0xc0: {  	[sflag:s29] =	ssyncset.done $0x0  }
0xc1: {  	[sflag:s29] =	ssyncadd.s32 $0xFFFFC000  }
0xc2: {  	[tilespmem:s30], [sflag:$0x3] =	stream.linear.gather [hbm4b:s5+s3], $0x80, $0x38;
	[tilespmem:$0x17A00] =	vst v63  }
0xc3: {  	_ =	swait.ge [sflag:s31], $0x80  }
0xc4: {  	[sflag:s31] =	ssyncset.done $0x0  }
0xc5: {  	[sflag:s31] =	ssyncadd.s32 $0xFFFFFF80  }
0xc6: {  	[spmem:s1] =	stream.indirect.scatter [tilespmem:s28], [sflag:$0x2], $0x80, s30, s0, $0xb8;
	[tilespmem:$0x17A00] =	vst v63  }
0xc7: {  	_ =	swait.ge [sflag:s29], $0x4000  }
0xc8: {  	[sflag:s29] =	ssyncset.done $0x0  }
0xc9: {  	[sflag:s29] =	ssyncadd.s32 $0xFFFFC000  }
0xca: {  	[tilespmem:s30], [sflag:$0x3] =	stream.linear.gather [hbm4b:s6+s3], $0x80, $0x38;
	[tilespmem:$0x17A00] =	vst v63  }
0xcb: {  	_ =	swait.ge [sflag:s31], $0x80  }
0xcc: {  	[sflag:s31] =	ssyncset.done $0x0  }
0xcd: {  	[sflag:s31] =	ssyncadd.s32 $0xFFFFFF80  }
0xce: {  	[spmem:s1] =	stream.indirect.scatter [tilespmem:s28], [sflag:$0x2], $0x80, s30, s0, $0xb8;
	[tilespmem:$0x17A00] =	vst v63  }
0xcf: {  	_ =	swait.ge [sflag:s29], $0x4000  }
0xd0: {  	[sflag:s29] =	ssyncset.done $0x0  }
0xd1: {  	[sflag:s29] =	ssyncadd.s32 $0xFFFFC000  }
0xd2: {  	[tilespmem:s30], [sflag:$0x3] =	stream.linear.gather [hbm4b:s7+s3], $0x80, $0x38;
	[tilespmem:$0x17A00] =	vst v63  }
0xd3: {  	_ =	swait.ge [sflag:s31], $0x80  }
0xd4: {  	[sflag:s31] =	ssyncset.done $0x0  }
0xd5: {  	[sflag:s31] =	ssyncadd.s32 $0xFFFFFF80  }
0xd6: {  	[spmem:s1] =	stream.indirect.scatter [tilespmem:s28], [sflag:$0x2], $0x80, s30, s0, $0xb8;
	[tilespmem:$0x17A00] =	vst v63  }
0xd7: {  	_ =	swait.ge [sflag:s29], $0x4000  }
0xd8: {  	[sflag:s29] =	ssyncset.done $0x0  }
0xd9: {  	[sflag:s29] =	ssyncadd.s32 $0xFFFFC000  }
0xda: {  	[tilespmem:s30], [sflag:$0x3] =	stream.linear.gather [hbm4b:s8+s3], $0x80, $0x38;
	[tilespmem:$0x17A00] =	vst v63  }
0xdb: {  	_ =	swait.ge [sflag:s31], $0x80  }
0xdc: {  	[sflag:s31] =	ssyncset.done $0x0  }
0xdd: {  	[sflag:s31] =	ssyncadd.s32 $0xFFFFFF80  }
0xde: {  	[spmem:s1] =	stream.indirect.scatter [tilespmem:s28], [sflag:$0x2], $0x80, s30, s0, $0xb8;
	[tilespmem:$0x17A00] =	vst v63  }
0xdf: {  	_ =	swait.ge [sflag:s29], $0x4000  }
0xe0: {  	[sflag:s29] =	ssyncset.done $0x0  }
0xe1: {  	[sflag:s29] =	ssyncadd.s32 $0xFFFFC000  }
0xe2: {  	[tilespmem:s13], [sflag:$0x3] =	stream.linear.gather @!p0 [hbm4b:s9+s12], $0x80, $0x38;
	[tilespmem:$0x17A00] =	vst v63  }
0xe3: {  	_ =	swait.ge @!p0 [sflag:s14], $0x80  }
0xe4: {  	[sflag:s14] =	ssyncset.done @!p0 $0x0  }
0xe5: {  	[sflag:s14] =	ssyncadd.s32 @!p0 $0xFFFFFF80  }
0xe6: {  	[spmem:s1] =	stream.indirect.scatter @!p0 [tilespmem:s16], [sflag:$0x2], $0x80, s13, s15, $0xb8;
	[tilespmem:$0x17A00] =	vst v63  }
0xe7: {  	_ =	swait.ge @!p0 [sflag:s17], $0x4000  }
0xe8: {  	[sflag:s17] =	ssyncset.done @!p0 $0x0  }
0xe9: {  	s12 =	sadd.s32 @!p1 $0x0, s25;
	s14 =	simm.s32 @!p1 $0x80;
	[sflag:s17] =	ssyncadd.s32 @!p0 $0xFFFFC000  }
0xea: {  	s13 =	simm.s32 @!p1 $0x0;
	s15 =	simm.s32 @!p1 $0x3;
	[bflag:$0x0] =	sbarrier.arrive $0xFFFF  }
0xeb: {  	[tilespmem:s14], [sflag:$0x3] =	stream.linear.gather @!p1 [hbm4b:s12+s13], $0x80, $0x38;
	[tilespmem:$0x17A00] =	vst v63  }
0xec: {  	_ =	swait.ge @!p1 [sflag:s15], $0x80  }
0xed: {  	[sflag:s15] =	ssyncset.done @!p1 $0x0  }
0xee: {  	s12 =	sadd.s32 @!p1 $0x0, s26;
	[sflag:s15] =	ssyncadd.s32 @!p1 $0xFFFFFF80;
	p1 =	por p1, p1  }
0xef: {  	[tilespmem:s13], [sflag:$0x3] =	stream.linear.gather @!p1 [hbm4b:s12+s13], $0x80, $0x38;
	[tilespmem:$0x17A00] =	vst v63  }
0xf0: {  	_ =	swait.ge @!p1 [sflag:s15], $0x80  }
0xf1: {  	[sflag:s15] =	ssyncset.done @!p1 $0x0  }
0xf2: {  	s12 =	simm.s32 @!p1 $0x180;
	[sflag:s15] =	ssyncadd.s32 @!p1 $0xFFFFFF80;
	s15 =	simm.s32 @!p1 $0x1  }
0xf3: {  	[tilespmem:s12], [sflag:$0x1] =	stream.indirect.gather @!p1 [hbm4b:s4+s14], $0x80, s13, s14, $0xb8;
	[tilespmem:$0x17A00] =	vst v63  }
0xf4: {  	_ =	swait.ge @!p1 [sflag:s15], $0x4000  }
0xf5: {  	s13 =	sadd.s32 $0x20, s23;
	[sflag:s15] =	ssyncset.done @!p1 $0x0  }
0xf6: {  	p2 =	sgt.u32 s13, $0x4E1;
	[sflag:s15] =	ssyncadd.s32 @!p1 $0xFFFFC000;
	s15 =	simm.s32 @!p1 $0x2  }
0xf7: {  	[spmem:s1] =	stream.indirect.scatter.add.f32 @!p1 [tilespmem:s12], [sflag:$0x2], $0x80, s14, s14, $0xb8;
	[tilespmem:$0x17A00] =	vst v63  }
0xf8: {  	s12 =	simm.s32 $0x200;
	s14 =	simm.s32 $0x400;
	_ =	swait.ge @!p1 [sflag:s15], $0x4000  }
.LBB2_4:
0xf9: {  	s16 =	sadd.s32 @!p2 s12, s25;
	s17 =	simm.s32 @!p2 $0x0;
	[sflag:s15] =	ssyncset.done @!p1 $0x0  }
0xfa: {  	s18 =	simm.s32 @!p2 $0x80;
	s19 =	simm.s32 @!p2 $0x3;
	[sflag:s15] =	ssyncadd.s32 @!p1 $0xFFFFC000  }
0xfb: {  	[tilespmem:s18], [sflag:$0x3] =	stream.linear.gather @!p2 [hbm4b:s16+s17], $0x80, $0x38;
	[tilespmem:$0x17A00] =	vst v63  }
0xfc: {  	s15 =	smov.u32 s14;
	s14 =	sadd.s32 $0x200, s14;
	_ =	swait.ge @!p2 [sflag:s19], $0x80  }
0xfd: {  	p3 =	sne.s32 s14, $0x5000;
	s16 =	sadd.s32 @!p2 s12, s26;
	[sflag:s19] =	ssyncset.done @!p2 $0x0  }
0xfe: {  	p1 =	por p2, p2;
	s12 =	smov.u32 s15;
	[sflag:s19] =	ssyncadd.s32 @!p2 $0xFFFFFF80  }
0xff: {  	[tilespmem:s17], [sflag:$0x3] =	stream.linear.gather @!p1 [hbm4b:s16+s17], $0x80, $0x38;
	[tilespmem:$0x17A00] =	vst v63  }
0x100: {  	_ =	swait.ge @!p1 [sflag:s19], $0x80  }
0x101: {  	s16 =	simm.s32 @!p1 $0x180;
	[sflag:s19] =	ssyncset.done @!p1 $0x0  }
0x102: {  	s15 =	simm.s32 @!p1 $0x1;
	[sflag:s19] =	ssyncadd.s32 @!p1 $0xFFFFFF80  }
0x103: {  	[tilespmem:s16], [sflag:$0x1] =	stream.indirect.gather @!p1 [hbm4b:s4+s18], $0x80, s17, s18, $0xb8;
	[tilespmem:$0x17A00] =	vst v63  }
.Ltmp1:
0x104: {  	_ =	swait.ge @!p1 [sflag:s15], $0x4000;
	(pc) =	sbr.rel @p3 .LBB2_4-.Ltmp1, $4  }
0x105: {  	[sflag:s15] =	ssyncset.done @!p1 $0x0  }
0x106: {  	s13 =	sadd.s32 $0x20, s13;
	[sflag:s15] =	ssyncadd.s32 @!p1 $0xFFFFC000;
	s15 =	simm.s32 @!p1 $0x2  }
0x107: {  	[spmem:s1] =	stream.indirect.scatter.add.f32 @!p1 [tilespmem:s16], [sflag:$0x2], $0x80, s18, s18, $0xb8;
	[tilespmem:$0x17A00] =	vst v63  }
0x108: {  	p2 =	sgt.u32 s13, $0x4E1;
	_ =	swait.ge @!p1 [sflag:s15], $0x4000  }
0x109: {  	s13 =	sadd.s32 @!p2 s12, s25;
	[sflag:s15] =	ssyncset.done @!p1 $0x0  }
0x10a: {  	s14 =	simm.s32 @!p2 $0x0;
	[sflag:s15] =	ssyncadd.s32 @!p1 $0xFFFFC000;
	s15 =	simm.s32 @!p2 $0x80  }
0x10b: {  	[tilespmem:s15], [sflag:$0x3] =	stream.linear.gather @!p2 [hbm4b:s13+s14], $0x80, $0x38;
	[tilespmem:$0x17A00] =	vst v63  }
0x10c: {  	s13 =	simm.s32 @!p2 $0x3  }
0x10d: {  	_ =	swait.ge @!p2 [sflag:s13], $0x80  }
0x10e: {  	[sflag:s13] =	ssyncset.done @!p2 $0x0  }
0x10f: {  	s12 =	sadd.s32 @!p2 s12, s26;
	p1 =	por p2, p2;
	[sflag:s13] =	ssyncadd.s32 @!p2 $0xFFFFFF80  }
0x110: {  	[tilespmem:s14], [sflag:$0x3] =	stream.linear.gather @!p1 [hbm4b:s12+s14], $0x80, $0x38;
	[tilespmem:$0x17A00] =	vst v63  }
0x111: {  	_ =	swait.ge @!p1 [sflag:s13], $0x80  }
0x112: {  	[sflag:s13] =	ssyncset.done @!p1 $0x0  }
0x113: {  	s12 =	simm.s32 @!p1 $0x180;
	[sflag:s13] =	ssyncadd.s32 @!p1 $0xFFFFFF80;
	s13 =	simm.s32 @!p1 $0x1  }
0x114: {  	[tilespmem:s12], [sflag:$0x1] =	stream.indirect.gather @!p1 [hbm4b:s4+s15], $0x80, s14, s15, $0xb8;
	[tilespmem:$0x17A00] =	vst v63  }
0x115: {  	_ =	swait.ge @!p1 [sflag:s13], $0x4000  }
0x116: {  	[sflag:s13] =	ssyncset.done @!p1 $0x0  }
0x117: {  	[sflag:s13] =	ssyncadd.s32 @!p1 $0xFFFFC000;
	s13 =	simm.s32 @!p1 $0x2  }
0x118: {  	[spmem:s1] =	stream.indirect.scatter.add.f32 @!p1 [tilespmem:s12], [sflag:$0x2], $0x80, s15, s15, $0xb8;
	[tilespmem:$0x17A00] =	vst v63  }
0x119: {  	_ =	swait.ge @!p1 [sflag:s13], $0x4000  }
0x11a: {  	[sflag:s13] =	ssyncset.done @!p1 $0x0  }
0x11b: {  	[sflag:s13] =	ssyncadd.s32 @!p1 $0xFFFFC000  }
0x11c: {  	[bflag:$0x0] =	sbarrier.arrive $0xFFFF  }
0x11d: {  	[tilespmem:s30], [sflag:$0x3] =	stream.linear.gather [hbm4b:s5+s3], $0x80, $0x38;
	[tilespmem:$0x17A00] =	vst v63  }
0x11e: {  	_ =	swait.ge [sflag:s31], $0x80  }
0x11f: {  	[sflag:s31] =	ssyncset.done $0x0  }
0x120: {  	[sflag:s31] =	ssyncadd.s32 $0xFFFFFF80  }
0x121: {  	[tilespmem:s28], [sflag:$0x1] =	stream.indirect.gather [spmem:s1], $0x80, s30, s0, $0xb8;
	[tilespmem:$0x17A00] =	vst v63  }
0x122: {  	_ =	swait.ge [sflag:s2], $0x4000  }
0x123: {  	[sflag:s2] =	ssyncset.done $0x0  }
0x124: {  	s16 =	rddreg [dreg:$0x9];
	[sflag:s2] =	ssyncadd.s32 $0xFFFFC000  }
0x125: {  	[hbm4b:s16+s3] =	stream.linear.scatter [tilespmem:s28], [sflag:$0x2], $0x4000, $0x38;
	[tilespmem:$0x17A00] =	vst v63  }
0x126: {  	_ =	swait.ge [sflag:s29], $0x4000  }
0x127: {  	[sflag:s29] =	ssyncset.done $0x0  }
0x128: {  	[sflag:s29] =	ssyncadd.s32 $0xFFFFC000  }
0x129: {  	[tilespmem:s30], [sflag:$0x3] =	stream.linear.gather [hbm4b:s6+s3], $0x80, $0x38;
	[tilespmem:$0x17A00] =	vst v63  }
0x12a: {  	_ =	swait.ge [sflag:s31], $0x80  }
0x12b: {  	[sflag:s31] =	ssyncset.done $0x0  }
0x12c: {  	[sflag:s31] =	ssyncadd.s32 $0xFFFFFF80  }
0x12d: {  	[tilespmem:s28], [sflag:$0x1] =	stream.indirect.gather [spmem:s1], $0x80, s30, s0, $0xb8;
	[tilespmem:$0x17A00] =	vst v63  }
0x12e: {  	_ =	swait.ge [sflag:s2], $0x4000  }
0x12f: {  	[sflag:s2] =	ssyncset.done $0x0  }
0x130: {  	s17 =	rddreg [dreg:$0xa];
	[sflag:s2] =	ssyncadd.s32 $0xFFFFC000  }
0x131: {  	[hbm4b:s17+s3] =	stream.linear.scatter [tilespmem:s28], [sflag:$0x2], $0x4000, $0x38;
	[tilespmem:$0x17A00] =	vst v63  }
0x132: {  	_ =	swait.ge [sflag:s29], $0x4000  }
0x133: {  	[sflag:s29] =	ssyncset.done $0x0  }
0x134: {  	[sflag:s29] =	ssyncadd.s32 $0xFFFFC000  }
0x135: {  	[tilespmem:s30], [sflag:$0x3] =	stream.linear.gather [hbm4b:s7+s3], $0x80, $0x38;
	[tilespmem:$0x17A00] =	vst v63  }
0x136: {  	_ =	swait.ge [sflag:s31], $0x80  }
0x137: {  	[sflag:s31] =	ssyncset.done $0x0  }
0x138: {  	[sflag:s31] =	ssyncadd.s32 $0xFFFFFF80  }
0x139: {  	[tilespmem:s28], [sflag:$0x1] =	stream.indirect.gather [spmem:s1], $0x80, s30, s0, $0xb8;
	[tilespmem:$0x17A00] =	vst v63  }
0x13a: {  	_ =	swait.ge [sflag:s2], $0x4000  }
0x13b: {  	[sflag:s2] =	ssyncset.done $0x0  }
0x13c: {  	s18 =	rddreg [dreg:$0xb];
	[sflag:s2] =	ssyncadd.s32 $0xFFFFC000  }
0x13d: {  	[hbm4b:s18+s3] =	stream.linear.scatter [tilespmem:s28], [sflag:$0x2], $0x4000, $0x38;
	[tilespmem:$0x17A00] =	vst v63  }
0x13e: {  	_ =	swait.ge [sflag:s29], $0x4000  }
0x13f: {  	[sflag:s29] =	ssyncset.done $0x0  }
0x140: {  	[sflag:s29] =	ssyncadd.s32 $0xFFFFC000  }
0x141: {  	[tilespmem:s30], [sflag:$0x3] =	stream.linear.gather [hbm4b:s8+s3], $0x80, $0x38;
	[tilespmem:$0x17A00] =	vst v63  }
0x142: {  	_ =	swait.ge [sflag:s31], $0x80  }
0x143: {  	[sflag:s31] =	ssyncset.done $0x0  }
0x144: {  	[sflag:s31] =	ssyncadd.s32 $0xFFFFFF80  }
0x145: {  	[tilespmem:s28], [sflag:$0x1] =	stream.indirect.gather [spmem:s1], $0x80, s30, s0, $0xb8;
	[tilespmem:$0x17A00] =	vst v63  }
0x146: {  	_ =	swait.ge [sflag:s2], $0x4000  }
0x147: {  	[sflag:s2] =	ssyncset.done $0x0  }
0x148: {  	[sflag:s2] =	ssyncadd.s32 $0xFFFFC000  }
0x149: {  	[hbm4b:s20+s3] =	stream.linear.scatter [tilespmem:s28], [sflag:$0x2], $0x4000, $0x38;
	[tilespmem:$0x17A00] =	vst v63  }
0x14a: {  	_ =	swait.ge [sflag:s29], $0x4000  }
0x14b: {  	s14 =	simm.s32 @!p0 $0x3;
	[sflag:s29] =	ssyncset.done $0x0  }
0x14c: {  	s12 =	simm.s32 @!p0 $0x0;
	s13 =	simm.s32 @!p0 $0x100;
	[sflag:s29] =	ssyncadd.s32 $0xFFFFC000  }
0x14d: {  	[tilespmem:s13], [sflag:$0x3] =	stream.linear.gather @!p0 [hbm4b:s9+s12], $0x80, $0x38;
	[tilespmem:$0x17A00] =	vst v63  }
0x14e: {  	_ =	swait.ge @!p0 [sflag:s14], $0x80  }
0x14f: {  	[sflag:s14] =	ssyncset.done @!p0 $0x0  }
0x150: {  	s15 =	simm.s32 @!p0 $0x180;
	[sflag:s14] =	ssyncadd.s32 @!p0 $0xFFFFFF80;
	s14 =	simm.s32 @!p0 $0x80  }
0x151: {  	[tilespmem:s15], [sflag:$0x1] =	stream.indirect.gather @!p0 [spmem:s1], $0x80, s13, s14, $0xb8;
	[tilespmem:$0x17A00] =	vst v63  }
0x152: {  	s13 =	simm.s32 @!p0 $0x1  }
0x153: {  	_ =	swait.ge @!p0 [sflag:s13], $0x4000  }
0x154: {  	[sflag:s13] =	ssyncset.done @!p0 $0x0  }
0x155: {  	[sflag:s13] =	ssyncadd.s32 @!p0 $0xFFFFC000  }
0x156: {  	[hbm4b:s21+s12] =	stream.linear.scatter @!p0 [tilespmem:s15], [sflag:$0x2], $0x4000, $0x38;
	[tilespmem:$0x17A00] =	vst v63  }
0x157: {  	s12 =	simm.s32 @!p0 $0x2  }
0x158: {  	_ =	swait.ge @!p0 [sflag:s12], $0x4000  }
0x159: {  	s11 =	sadd.s32 $0x1, s11;
	s19 =	rddreg [dreg:$0x3]  }
0x15a: {  	p1 =	sne.s32 s11, s19  }
.Ltmp2:
0x15b: {  	_ = 	snop;
	(pc) =	sbr.rel @p1 .LBB2_1-.Ltmp2, $3  }
0x15c: {  	[sflag:s12] =	ssyncset.done @!p0 $0x0  }
0x15d: {  	[sflag:s12] =	ssyncadd.s32 @!p0 $0xFFFFC000  }
0x15e: {  	[bflag:$0x0] =	sbarrier.arrive $0xFFFF;
	_ =	sdelay $0x1  }
0x15f: {  	_ =	sfence.sel $0x180000  }
0x160: {  	[bflag:$0x0] =	sbarrier.arrive $0xFFFF  }
0x161: {  	_ =	strace $0x9000004A  }
0x162: {  	s0 =	stileid.u32;
	[bflag:$0x2] =	sbarrier.arrive $0xFFFF  }
0x163: {  	p0 =	sne.s32 s0, $0x0;
	s0 =	rddreg [dreg:$0x2]  }
0x164: {  	s0 =	sadd.s32 @!p0 $0x100000, s0  }
0x165: {  	[sflag:s0] =	ssyncadd.tile.s32 @!p0 $0x1;
	_ =	shalt  }
.Lfunc_end2:
_tile_overlayer_lowered:
.L_overlay_start_2:
0x166: {  	(tag) =	ssettag $0x2  }
0x167: {  	s0 =	rddreg [dreg:$0x0];
	s2 =	stileid.u32  }
0x168: {  	s1 =	rddreg [dreg:$0x1];
	p0 =	sne.s32 s2, $0x0  }
0x169: {  	s3 =	rddreg [dreg:$0x2];
	[bflag:$0x3] =	sbarrier.arrive $0xFFFF;
	s2 =	simm.s32 @!p0 $0x1C02  }
0x16a: {  	[timem:s3], [sflag:s2] =	dma.local @!p0 [hbm:s0], s1  }
0x16b: {  	s0 =	simm.s32 @!p0 $0x2  }
0x16c: {  	_ =	swait.ge @!p0 [sflag:s0], s1  }
0x16d: {  	s1 =	ssub.s32 @!p0 $0x0, s1;
	[sflag:s0] =	ssyncset.done @!p0 $0x0  }
0x16e: {  	[sflag:s0] =	ssyncadd.s32 @!p0 s1  }
0x16f: {  	[bflag:$0x3] =	sbarrier.arrive $0xFFFF  }
0x170: {  	_ =	shalt  }

// kernel: kernel.8.cloned.1.call-start
scs
__scs_entry_jumppad:
0x0: {  	(pc) =	sbr.rel $0x88, $3  }
0x1: {  	(tag) =	ssettag $0x0;
	lr =	simm.s32 $0x1  }
0x2: {  	[smem:$0x3F93] =	sst lr;
	_ =	strace $0xD0000000  }
0x3: {  	_ = 	snop  }
0x4: {  	_ = 	snop  }
0x5: {  	_ = 	snop  }
0x6: {  	_ = 	snop  }
0x7: {  	_ = 	snop  }
__scs_overlays_trampoline_lowered:
0x8: {  	[smem:$0x3FA2] =	sst s0  }
0x9: {  	[smem:$0x3FA3] =	sst s1  }
0xa: {  	[smem:$0x3FA4] =	sst s2  }
0xb: {  	[smem:$0x3FA5] =	sst s3  }
0xc: {  	[smem:$0x3FA6] =	sst s4  }
0xd: {  	[smem:$0x3FA7] =	sst s5  }
0xe: {  	[smem:$0x3FA8] =	sst s6  }
0xf: {  	[smem:$0x3FA9] =	sst s7  }
0x10: {  	[smem:$0x3FAA] =	sst s8  }
0x11: {  	[smem:$0x3FAB] =	sst s9;
	s0 =	simm.s32 @!p0 $0x0  }
0x12: {  	s1 =	sld [smem:$0x3F91];
	s0 =	simm.s32 @p0 $0x1  }
0x13: {  	[smem:$0x3FAC] =	sst s0;
	s0 =	simm.s32 @!p1 $0x0  }
0x14: {  	s2 =	sld [smem:$0x3F90];
	s0 =	simm.s32 @p1 $0x1  }
0x15: {  	[smem:$0x3FAD] =	sst s0;
	s0 =	simm.s32 @!p2 $0x0  }
0x16: {  	s3 =	sld [smem:$0x3FDB];
	s0 =	simm.s32 @p2 $0x1  }
0x17: {  	s4 =	simm.s32 $0x1BF5;
	[smem:$0x3FAF] =	sst s0  }
0x18: {  	s0 =	sld [smem:$0x3F92];
	_ =	swait.ge [sflag:s4], $0x0  }
0x19: {  	s7 =	sld [smem:$0x3F93]  }
0x1a: {  	s8 =	sadd.s32 $0xFFFFE003, lr  }
0x1b: {  	s9 =	sadd.s32 $0xFFFFFEF7, lr;
	s5 =	simm.s32 $0xFFFFFFFF;
	p2 =	slt.u32 s8, $0xFFFFF086  }
0x1c: {  	p1 =	slt.u32 s9, $0xF7A;
	s5 =	simm.s32 @!p2 $0x0  }
0x1d: {  	s5 =	simm.s32 @p1 $0x1;
	p0 =	seq.s32 s7, s2  }
0x1e: {  	s7 =	smul.u32 @!p0 $0xF7A, s2;
	p2 =	seq.s32 @!p0 s5, $0x0  }
0x1f: {  	s9 =	smul.u32 $0xF7A, s1;
	s8 =	simm.s32 @!p0 $0x1BF5;
	p2 =	por !p2, p0  }
0x20: {  	[sflag:s8] =	ssyncset.s32 @!p0 $0xFFFFF086;
	s6 =	sadd.s32 @!p0 s3, s7;
	s7 =	simm.s32 @!p0 $0x108  }
0x21: {  	s3 =	sadd.s32 s3, s9;
	s6 =	sadd.s32 @!p0 $0x88, s6;
	s7 =	simm.s32 @p2 $0x1082  }
0x22: {  	[simem:s7], [sflag:s8] =	dma.local @!p0 [hbm:s6], $0xF7A  }
0x23: {  	s9 =	sor.u32 $0xD0000000, s2;
	s6 =	simm.s32 $0x108;
	_ =	swait.ge @!p0 [sflag:s8], $0x0  }
0x24: {  	s3 =	sadd.s32 $0x88, s3;
	s6 =	simm.s32 @!p1 $0x1082;
	[sflag:s4] =	ssyncset.s32 $0xFFFFF086  }
0x25: {  	[simem:s6], [sflag:s4] =	dma.local [hbm:s3], $0xF7A  }
0x26: {  	[smem:$0x3F93] =	sst s1;
	(tag) =	ssettag s2;
	_ =	strace s9  }
0x27: {  	s1 =	sld [smem:$0x3FA3]  }
0x28: {  	s2 =	sld [smem:$0x3FA4]  }
0x29: {  	s4 =	sld [smem:$0x3FA6]  }
0x2a: {  	p0 =	seq.s32 s5, $0x0;
	s5 =	sld [smem:$0x3FA7]  }
0x2b: {  	s6 =	sld [smem:$0x3FA8]  }
0x2c: {  	s7 =	sld [smem:$0x3FA9]  }
0x2d: {  	s3 =	simm.s32 $0x108;
	s8 =	sld [smem:$0x3FAA]  }
0x2e: {  	s3 =	simm.s32 @!p0 $0x1082;
	s9 =	sld [smem:$0x3FAB]  }
0x2f: {  	lr =	sadd.s32 s0, s3;
	s0 =	sld [smem:$0x3FA2]  }
0x30: {  	s3 =	sld [smem:$0x3FA5]  }
0x31: {  	[smem:$0x3FAE] =	sst s10  }
0x32: {  	s10 =	sld [smem:$0x3FAC];
	_ =	sdelay $0x3  }
0x33: {  	p0 =	seq.s32 s10, $0x1;
	s10 =	sld [smem:$0x3FAE];
	_ =	sdelay $0x3  }
0x34: {  	[smem:$0x3FAE] =	sst s10  }
0x35: {  	s10 =	sld [smem:$0x3FAD];
	_ =	sdelay $0x3  }
0x36: {  	p1 =	seq.s32 s10, $0x1;
	s10 =	sld [smem:$0x3FAE];
	_ =	sdelay $0x3  }
0x37: {  	[smem:$0x3FAE] =	sst s10  }
0x38: {  	s10 =	sld [smem:$0x3FAF]  }
0x39: {  	_ = 	snop;
	(pc) =	sbr.ind lr, $3  }
0x3a: {  	_ = 	snop  }
0x3b: {  	_ = 	snop  }
0x3c: {  	p2 =	seq.s32 s10, $0x1;
	s10 =	sld [smem:$0x3FAE]  }
0x3d: {  	_ =	shalt  }
0x3e: {  	_ =	shalt  }
0x3f: {  	_ =	shalt  }
0x40: {  	_ =	shalt  }
0x41: {  	_ =	shalt  }
0x42: {  	_ =	shalt  }
0x43: {  	_ =	shalt  }
0x44: {  	_ =	shalt  }
0x45: {  	_ =	shalt  }
0x46: {  	_ =	shalt  }
0x47: {  	_ =	shalt  }
0x48: {  	_ =	shalt  }
0x49: {  	_ =	shalt  }
0x4a: {  	_ =	shalt  }
0x4b: {  	_ =	shalt  }
0x4c: {  	_ =	shalt  }
0x4d: {  	_ =	shalt  }
0x4e: {  	_ =	shalt  }
0x4f: {  	_ =	shalt  }
0x50: {  	_ =	shalt  }
0x51: {  	_ =	shalt  }
0x52: {  	_ =	shalt  }
0x53: {  	_ =	shalt  }
0x54: {  	_ =	shalt  }
0x55: {  	_ =	shalt  }
0x56: {  	_ =	shalt  }
0x57: {  	_ =	shalt  }
0x58: {  	_ =	shalt  }
0x59: {  	_ =	shalt  }
0x5a: {  	_ =	shalt  }
0x5b: {  	_ =	shalt  }
0x5c: {  	_ =	shalt  }
0x5d: {  	_ =	shalt  }
0x5e: {  	_ =	shalt  }
0x5f: {  	_ =	shalt  }
0x60: {  	_ =	shalt  }
0x61: {  	_ =	shalt  }
0x62: {  	_ =	shalt  }
0x63: {  	_ =	shalt  }
0x64: {  	_ =	shalt  }
0x65: {  	_ =	shalt  }
0x66: {  	_ =	shalt  }
0x67: {  	_ =	shalt  }
0x68: {  	_ =	shalt  }
0x69: {  	_ =	shalt  }
0x6a: {  	_ =	shalt  }
0x6b: {  	_ =	shalt  }
0x6c: {  	_ =	shalt  }
0x6d: {  	_ =	shalt  }
0x6e: {  	_ =	shalt  }
0x6f: {  	_ =	shalt  }
0x70: {  	_ =	shalt  }
0x71: {  	_ =	shalt  }
0x72: {  	_ =	shalt  }
0x73: {  	_ =	shalt  }
0x74: {  	_ =	shalt  }
0x75: {  	_ =	shalt  }
0x76: {  	_ =	shalt  }
0x77: {  	_ =	shalt  }
0x78: {  	_ =	shalt  }
0x79: {  	_ =	shalt  }
0x7a: {  	_ =	shalt  }
0x7b: {  	_ =	shalt  }
0x7c: {  	_ =	shalt  }
0x7d: {  	_ =	shalt  }
0x7e: {  	_ =	shalt  }
0x7f: {  	_ =	shalt  }
0x80: {  	_ =	shalt  }
0x81: {  	_ =	shalt  }
0x82: {  	_ =	shalt  }
0x83: {  	_ =	shalt  }
0x84: {  	_ =	shalt  }
0x85: {  	_ =	shalt  }
0x86: {  	_ =	shalt  }
0x87: {  	_ =	shalt  }
.Lfunc_end0:
.L_simem_size_0:
called_computation_lowered:
.L_overlay_start_0:
0x88: {  	s2 =	sld [smem:$0x3FD9]  }
0x89: {  	s3 =	sld [smem:$0x3FFE];
	_ =	sdelay $0x1  }
0x8a: {  	s1 =	srdreg.scid  }
0x8b: {  	s0 =	sand.u32 $0x1, s1  }
0x8c: {  	s17 =	sshll.u32 s0, $0xA;
	s2 =	sadd.s32 s3, s2  }
0x8d: {  	s2 =	sadd.s32 s2, s17  }
0x8e: {  	[smem:$0x3FBA] =	sst s2  }
0x8f: {  	_ = 	snop  }
0x90: {  	s2 =	sld [smem:$0x3FD0];
	(tm) =	ssettm $0x1  }
0x91: {  	s18 =	sld [smem:$0x3FFB];
	_ =	sdelay $0x3  }
0x92: {  	_ =	strace s18  }
0x93: {  	s3 =	sld [smem:$0x3FFC];
	_ =	sdelay $0x3  }
0x94: {  	_ =	strace s3  }
0x95: {  	s3 =	sld [smem:$0x3FFD];
	_ =	sdelay $0x3  }
0x96: {  	_ =	strace s3  }
0x97: {  	_ =	strace $0x8FFFFFFF  }
0x98: {  	s19 =	sld [smem:$0x3FDB];
	_ =	sdelay $0x1  }
0x99: {  	s4 =	simm.s32 $_scs_section_size  }
0x9a: {  	s5 =	simm.s32 $_size__tile_overlayer_lowered;
	s6 =	simm.s32 $_tile_overlayer_lowered  }
0x9b: {  	s22 =	simm.s32 $0x1BFF;
	s21 =	sshll.u32 s6, $0x1;
	s3 =	sadd.s32 s4, s19  }
0x9c: {  	s7 =	simm.s32 $0x0;
	s20 =	sshll.u32 s5, $0x1;
	s5 =	sadd.s32 s21, s3  }
0x9d: {  	[timem:s7], [sflag:s22] =	dma.local [hbm:s5], s20  }
0x9e: {  	_ =	swait.ge [sflag:s22], s20  }
0x9f: {  	s4 =	ssub.s32 $0x0, s20;
	[sflag:s22] =	ssyncset.done $0x0  }
0xa0: {  	[sflag:s22] =	ssyncadd.s32 s4;
	_ =	sdelay $0x1  }
0xa1: {  	s23 =	simm.s32 $0x1B8B  }
0xa2: {  	_ =	swait.ge [sflag:s23], $0x1  }
0xa3: {  	[sflag:s23] =	ssyncset.done $0x0  }
0xa4: {  	s25 =	simm.s32 $0x1B8E;
	s24 =	sld [smem:$0x3FFE];
	[sflag:s23] =	ssyncadd.s32 $0xFFFFFFFF  }
0xa5: {  	s26 =	simm.s32 $execute0_lowered;
	[smem:$0x3FD2] =	sst s25  }
0xa6: {  	s5 =	sshll.u32 s26, $0x1;
	_ =	strace $0x80000046;
	[dreg:$0x1] =	wrdreg $0xFFFFFFFF  }
0xa7: {  	s28 =	simm.s32 $_size_execute0_lowered;
	s3 =	sadd.s32 s3, s5;
	[dreg:$0x0] =	wrdreg $0x0  }
0xa8: {  	s5 =	sshll.u32 s28, $0x1;
	[dreg:$0x2] =	wrdreg s3  }
0xa9: {  	[dreg:$0x3] =	wrdreg s5  }
0xaa: {  	[dreg:$0x4] =	wrdreg $0xC0  }
0xab: {  	_ =	task [dreg:s7], $0x5FFFF  }
0xac: {  	[dreg:$0x1] =	wrdreg $0xFFFFFFFF  }
0xad: {  	[dreg:$0x0] =	wrdreg $0x60  }
0xae: {  	[dreg:$0x2] =	wrdreg s24  }
0xaf: {  	[dreg:$0x3] =	wrdreg s2  }
0xb0: {  	[dreg:$0x4] =	wrdreg $0x41800  }
0xb1: {  	[dreg:$0x5] =	wrdreg $0x9  }
0xb2: {  	_ =	task.clear_ibuf [dreg:s7], $0x6FFFF;
	_ =	strace $0x90000046  }
0xb3: {  	s29 =	simm.s32 $0x9;
	_ =	strace $0x80000048  }
0xb4: {  	_ =	swait.ge [sflag:s29], $0x1  }
0xb5: {  	[sflag:s29] =	ssyncadd.s32 $0xFFFFFFFF  }
0xb6: {  	_ =	strace $0x90000048  }
0xb7: {  	_ =	sfence  }
0xb8: {  	s30 =	sld [smem:$0x0];
	_ =	sdelay $0x2  }
0xb9: {  	s31 =	sshll.u32 s1, $0xD;
	s1 =	sshrl.u32 s1, $0x2  }
0xba: {  	s3 =	sand.u32 $0x4000, s31;
	s1 =	sadd.s32 s1, s30  }
0xbb: {  	s0 =	sor.u32 s3, s0;
	s1 =	sshll.u32 s1, $0x11  }
0xbc: {  	s0 =	sor.u32 s1, s0  }
0xbd: {  	s0 =	sadd.s32 $0x8F2B, s0  }
0xbe: {  	[sflag:s0] =	ssyncadd.remote.s32 $0x1  }
0xbf: {  	_ =	sfence.sel $0xFFFF  }
0xc0: {  	[dreg:$0x0] =	wrdreg $0xFFFFFFFF;
	(pc) =	sbr.abs _section_cstart, $3  }
0xc1: {  	[dreg:$0x1] =	wrdreg $0xFFFFFFFF  }
0xc2: {  	_ =	task.clear_ibuf [dreg:s7], $0x2FFFF;
	_ =	strace $0x9FFFFFFF  }
0xc3: {  	(tm) =	ssettm $0x7FFFFFFF  }
tec
execute0_lowered:
.L_overlay_start_1:
0x0: {  	(tag) =	ssettag $0x1  }
0x1: {  	s0 =	srdreg.scid  }
0x2: {  	s17 =	rddreg [dreg:$0x0];
	s26 =	stileid.u32  }
0x3: {  	s14 =	sand.u32 $0x1, s0;
	s5 =	sadd.s32 $0x63400, s17;
	s24 =	sshll.u32 s26, $0x4  }
0x4: {  	s6 =	sor.u32 $0x10, s26;
	s9 =	sor.u32 $0x20, s26;
	s4 =	sshll.u32 s26, $0x7  }
0x5: {  	s10 =	sor.u32 $0x30, s26;
	s15 =	sshll.u32 s26, $0xB;
	s0 =	ssub.s32 $0x2, s14  }
0x6: {  	s7 =	smul.u32 $0x7530, s14;
	s2 =	sshll.u32 s6, $0x4;
	s3 =	sshll.u32 s9, $0x4  }
0x7: {  	s4 =	sor.u32 $0x2000, s4;
	s11 =	sshll.u32 s10, $0x4;
	s13 =	smul.u32 $0x75300, s14  }
0x8: {  	s6 =	sshll.u32 s6, $0xB;
	s9 =	sshll.u32 s9, $0xB;
	s10 =	sshll.u32 s10, $0xB  }
0x9: {  	s1 =	sshrl.u32 s0, $0x1;
	s2 =	sadd.s32 s5, s2;
	s3 =	sadd.s32 s5, s3  }
0xa: {  	s12 =	smin.u32 s4, $0x2690;
	s4 =	sadd.s32 s5, s11;
	s18 =	ssub.s32 s0, s1  }
0xb: {  	s0 =	sadd.s32 $0x2710, s7;
	s8 =	sadd.s32 $0x4E20, s7;
	s1 =	sadd.s32 s5, s24  }
0xc: {  	s25 =	sshrl.u32 s12, $0x3;
	s11 =	sadd.s32 s13, s15;
	s16 =	sadd.s32 s13, s6  }
0xd: {  	s19 =	sadd.s32 s13, s9;
	s13 =	sadd.s32 s13, s10;
	s7 =	sadd.s32 s7, s12  }
0xe: {  	s5 =	sadd.s32 s5, s25;
	s20 =	sshll.u32 s0, $0x4;
	s23 =	sshll.u32 s8, $0x4  }
0xf: {  	s0 =	sadd.s32 s0, s12;
	s8 =	sadd.s32 s8, s12;
	s12 =	sadd.s32 $0x8B400, s17  }
0x10: {  	s21 =	sadd.s32 s20, s15;
	s22 =	sadd.s32 s20, s6;
	s24 =	sadd.s32 s20, s9  }
0x11: {  	s20 =	sadd.s32 s20, s10;
	s15 =	sadd.s32 s23, s15;
	s25 =	sadd.s32 s23, s6  }
0x12: {  	s9 =	sadd.s32 s23, s9;
	s6 =	simm.s32 $0x0;
	s10 =	sadd.s32 s23, s10  }
0x13: {  	s23 =	sadd.s32 $0x175A00, s17;
	s28 =	sadd.s32 s12, s11;
	[smem:$0x7FF] =	sst s6  }
0x14: {  	[dreg:$0x4] =	wrdreg s28;
	s11 =	sadd.s32 s23, s11  }
0x15: {  	[dreg:$0x5] =	wrdreg s11;
	s11 =	sadd.s32 s12, s16  }
0x16: {  	s16 =	sadd.s32 s23, s16;
	[dreg:$0x6] =	wrdreg s11  }
0x17: {  	[dreg:$0x7] =	wrdreg s16;
	s16 =	sadd.s32 s12, s19  }
0x18: {  	s19 =	sadd.s32 s23, s19;
	[dreg:$0x8] =	wrdreg s16  }
0x19: {  	s11 =	sadd.s32 s12, s24;
	[dreg:$0x9] =	wrdreg s19  }
0x1a: {  	s16 =	sadd.s32 s12, s13;
	[dreg:$0x12] =	wrdreg s11  }
0x1b: {  	s7 =	sshll.u32 s7, $0x4;
	s19 =	sadd.s32 s23, s13;
	[dreg:$0xa] =	wrdreg s16  }
0x1c: {  	s13 =	sadd.s32 s12, s7;
	[dreg:$0xb] =	wrdreg s19  }
0x1d: {  	s7 =	sadd.s32 s23, s7;
	[dreg:$0xc] =	wrdreg s13  }
0x1e: {  	s11 =	sadd.s32 s12, s10;
	[dreg:$0xd] =	wrdreg s7  }
0x1f: {  	s16 =	sadd.s32 s12, s21;
	[dreg:$0x1b] =	wrdreg s11  }
0x20: {  	s19 =	sadd.s32 s23, s21;
	[dreg:$0xe] =	wrdreg s16  }
0x21: {  	s21 =	sadd.s32 s12, s22;
	[dreg:$0xf] =	wrdreg s19  }
0x22: {  	s22 =	sadd.s32 s23, s22;
	[dreg:$0x10] =	wrdreg s21  }
0x23: {  	s13 =	sadd.s32 s23, s24;
	[dreg:$0x11] =	wrdreg s22  }
0x24: {  	s24 =	sadd.s32 s12, s25;
	[dreg:$0x13] =	wrdreg s13  }
0x25: {  	s16 =	sadd.s32 s12, s20;
	[dreg:$0x19] =	wrdreg s24  }
0x26: {  	s0 =	sshll.u32 s0, $0x4;
	s19 =	sadd.s32 s23, s20;
	[dreg:$0x14] =	wrdreg s16  }
0x27: {  	s20 =	sadd.s32 s12, s0;
	[dreg:$0x15] =	wrdreg s19  }
0x28: {  	s0 =	sadd.s32 s23, s0;
	[dreg:$0x16] =	wrdreg s20  }
0x29: {  	s29 =	simm.s32 $0x80;
	s22 =	sadd.s32 s12, s15;
	[dreg:$0x17] =	wrdreg s0  }
0x2a: {  	s21 =	sshll.u32 s8, $0x4;
	s8 =	sadd.s32 s12, s9;
	[dreg:$0x18] =	wrdreg s22  }
0x2b: {  	s30 =	simm.s32 $0x1;
	s13 =	sadd.s32 s23, s15;
	[dreg:$0x1a] =	wrdreg s8  }
0x2c: {  	s31 =	simm.s32 $0x0;
	s15 =	sadd.s32 s23, s25;
	[dreg:$0x1d] =	wrdreg s13  }
0x2d: {  	p0 =	seq.s32 s26, $0xF;
	s28 =	simm.s32 $0x3;
	[dreg:$0x1e] =	wrdreg s15  }
0x2e: {  	s24 =	sadd.s32 $0x63A00, s17;
	s25 =	smax.u32 s18, $0x1;
	s20 =	rddreg [dreg:$0x1]  }
0x2f: {  	s12 =	sadd.s32 s12, s21;
	s16 =	sadd.s32 s23, s9;
	s13 =	rddreg [dreg:$0x2]  }
0x30: {  	s19 =	sadd.s32 s23, s10;
	s0 =	sadd.s32 s23, s21;
	[dreg:$0x1c] =	wrdreg s12  }
0x31: {  	s21 =	sshll.u32 s26, $0x5;
	s22 =	sshll.u32 s14, $0x4;
	[dreg:$0x1f] =	wrdreg s16  }
0x32: {  	s23 =	sshll.u32 s26, $0x1;
	s15 =	sadd.s32 $0x15200, s17;
	[smem:$0x7FA] =	sst s19  }
0x33: {  	s26 =	simm.s32 $0x100;
	[smem:$0x7FB] =	sst s0;
	s0 =	sadd.s32 s21, s20  }
0x34: {  	s7 =	sadd.s32 s21, s17;
	s14 =	sor.u32 s14, s23;
	s16 =	sadd.s32 $0x64200, s17  }
0x35: {  	s12 =	sadd.s32 s22, s0;
	_ =	strace $0x80000047;
	[smem:$0x7FC] =	sst s24  }
0x36: {  	s7 =	sadd.s32 s22, s7;
	[smem:$0x7FD] =	sst s25;
	s24 =	simm.s32 $0x180  }
0x37: {  	s25 =	simm.s32 $0x2;
	s19 =	sadd.s32 $0x6600, s7;
	s20 =	sadd.s32 $0xB420, s7  }
0x38: {  	s21 =	sadd.s32 $0x10240, s7;
	s22 =	sadd.s32 $0x4E20, s12;
	s23 =	sadd.s32 $0x9C40, s12  }
.LBB2_1:
0x39: {  	[tilespmem:s24], [sflag:$0x2] =	stream.linear.gather [hbm4b:s16+s6], $0x4000, $0x38;
	[tilespmem:$0x17A00] =	vst v63  }
0x3a: {  	_ =	swait.ge [sflag:s25], $0x4000  }
0x3b: {  	[sflag:s25] =	ssyncset.done $0x0  }
0x3c: {  	[sflag:s25] =	ssyncadd.s32 $0xFFFFC000  }
0x3d: {  	[tilespmem:s26], [sflag:$0x3] =	stream.linear.gather [hbm4b:s1+s6], $0x80, $0x38;
	[tilespmem:$0x17A00] =	vst v63  }
0x3e: {  	_ =	swait.ge [sflag:s28], $0x80  }
0x3f: {  	[sflag:s28] =	ssyncset.done $0x0  }
0x40: {  	[sflag:s28] =	ssyncadd.s32 $0xFFFFFF80  }
0x41: {  	[spmem:s13] =	stream.indirect.scatter [tilespmem:s24], [sflag:$0x2], $0x80, s26, s29, $0xb8;
	[tilespmem:$0x17A00] =	vst v63  }
0x42: {  	_ =	swait.ge [sflag:s25], $0x4000  }
0x43: {  	[sflag:s25] =	ssyncset.done $0x0  }
0x44: {  	[sflag:s25] =	ssyncadd.s32 $0xFFFFC000  }
0x45: {  	[tilespmem:s26], [sflag:$0x3] =	stream.linear.gather [hbm4b:s2+s6], $0x80, $0x38;
	[tilespmem:$0x17A00] =	vst v63  }
0x46: {  	_ =	swait.ge [sflag:s28], $0x80  }
0x47: {  	[sflag:s28] =	ssyncset.done $0x0  }
0x48: {  	[sflag:s28] =	ssyncadd.s32 $0xFFFFFF80  }
0x49: {  	[spmem:s13] =	stream.indirect.scatter [tilespmem:s24], [sflag:$0x2], $0x80, s26, s29, $0xb8;
	[tilespmem:$0x17A00] =	vst v63  }
0x4a: {  	_ =	swait.ge [sflag:s25], $0x4000  }
0x4b: {  	[sflag:s25] =	ssyncset.done $0x0  }
0x4c: {  	[sflag:s25] =	ssyncadd.s32 $0xFFFFC000  }
0x4d: {  	[tilespmem:s26], [sflag:$0x3] =	stream.linear.gather [hbm4b:s3+s6], $0x80, $0x38;
	[tilespmem:$0x17A00] =	vst v63  }
0x4e: {  	_ =	swait.ge [sflag:s28], $0x80  }
0x4f: {  	[sflag:s28] =	ssyncset.done $0x0  }
0x50: {  	[sflag:s28] =	ssyncadd.s32 $0xFFFFFF80  }
0x51: {  	[spmem:s13] =	stream.indirect.scatter [tilespmem:s24], [sflag:$0x2], $0x80, s26, s29, $0xb8;
	[tilespmem:$0x17A00] =	vst v63  }
0x52: {  	_ =	swait.ge [sflag:s25], $0x4000  }
0x53: {  	[sflag:s25] =	ssyncset.done $0x0  }
0x54: {  	[sflag:s25] =	ssyncadd.s32 $0xFFFFC000  }
0x55: {  	[tilespmem:s26], [sflag:$0x3] =	stream.linear.gather [hbm4b:s4+s6], $0x80, $0x38;
	[tilespmem:$0x17A00] =	vst v63  }
0x56: {  	_ =	swait.ge [sflag:s28], $0x80  }
0x57: {  	[sflag:s28] =	ssyncset.done $0x0  }
0x58: {  	[sflag:s28] =	ssyncadd.s32 $0xFFFFFF80  }
0x59: {  	[spmem:s13] =	stream.indirect.scatter [tilespmem:s24], [sflag:$0x2], $0x80, s26, s29, $0xb8;
	[tilespmem:$0x17A00] =	vst v63  }
0x5a: {  	_ =	swait.ge [sflag:s25], $0x4000  }
0x5b: {  	[sflag:s25] =	ssyncset.done $0x0  }
0x5c: {  	s0 =	simm.s32 @!p0 $0x0;
	s7 =	simm.s32 @!p0 $0x100;
	[sflag:s25] =	ssyncadd.s32 $0xFFFFC000  }
0x5d: {  	[tilespmem:s7], [sflag:$0x3] =	stream.linear.gather @!p0 [hbm4b:s5+s0], $0x80, $0x38;
	[tilespmem:$0x17A00] =	vst v63  }
0x5e: {  	s0 =	simm.s32 @!p0 $0x3  }
0x5f: {  	_ =	swait.ge @!p0 [sflag:s0], $0x80  }
0x60: {  	[sflag:s0] =	ssyncset.done @!p0 $0x0  }
0x61: {  	s8 =	simm.s32 @!p0 $0x180;
	[sflag:s0] =	ssyncadd.s32 @!p0 $0xFFFFFF80;
	s0 =	simm.s32 @!p0 $0x80  }
0x62: {  	[spmem:s13] =	stream.indirect.scatter @!p0 [tilespmem:s8], [sflag:$0x2], $0x80, s7, s0, $0xb8;
	[tilespmem:$0x17A00] =	vst v63  }
0x63: {  	s0 =	simm.s32 @!p0 $0x2  }
0x64: {  	_ =	swait.ge @!p0 [sflag:s0], $0x4000  }
0x65: {  	p1 =	sgt.u32 s14, $0x4E1;
	[sflag:s0] =	ssyncset.done @!p0 $0x0  }
0x66: {  	s9 =	simm.s32 @!p1 $0x3;
	s7 =	simm.s32 @!p1 $0x0;
	[sflag:s0] =	ssyncadd.s32 @!p0 $0xFFFFC000  }
0x67: {  	s8 =	simm.s32 @!p1 $0x80;
	s0 =	sadd.s32 @!p1 $0x0, s19;
	[bflag:$0x0] =	sbarrier.arrive $0xFFFF  }
0x68: {  	[tilespmem:s8], [sflag:$0x3] =	stream.linear.gather @!p1 [hbm4b:s0+s7], $0x80, $0x38;
	[tilespmem:$0x17A00] =	vst v63  }
0x69: {  	_ =	swait.ge @!p1 [sflag:s9], $0x80  }
0x6a: {  	[sflag:s9] =	ssyncset.done @!p1 $0x0  }
0x6b: {  	p2 =	por p1, p1;
	s0 =	sadd.s32 @!p1 $0x0, s12;
	[sflag:s9] =	ssyncadd.s32 @!p1 $0xFFFFFF80  }
0x6c: {  	[tilespmem:s7], [sflag:$0x3] =	stream.linear.gather @!p2 [hbm4b:s0+s7], $0x80, $0x38;
	[tilespmem:$0x17A00] =	vst v63  }
0x6d: {  	_ =	swait.ge @!p2 [sflag:s9], $0x80  }
0x6e: {  	[sflag:s9] =	ssyncset.done @!p2 $0x0  }
0x6f: {  	s0 =	simm.s32 @!p2 $0x180;
	[sflag:s9] =	ssyncadd.s32 @!p2 $0xFFFFFF80;
	s9 =	simm.s32 @!p2 $0x1  }
0x70: {  	[tilespmem:s0], [sflag:$0x1] =	stream.indirect.gather @!p2 [hbm4b:s15+s8], $0x80, s7, s8, $0xb8;
	[tilespmem:$0x17A00] =	vst v63  }
0x71: {  	_ =	swait.ge @!p2 [sflag:s9], $0x4000  }
0x72: {  	s7 =	sadd.s32 $0x20, s14;
	[sflag:s9] =	ssyncset.done @!p2 $0x0  }
0x73: {  	p3 =	sgt.u32 s7, $0x4E1;
	[sflag:s9] =	ssyncadd.s32 @!p2 $0xFFFFC000;
	s9 =	simm.s32 @!p2 $0x2  }
0x74: {  	[spmem:s13] =	stream.indirect.scatter.add.f32 @!p2 [tilespmem:s0], [sflag:$0x2], $0x80, s8, s8, $0xb8;
	[tilespmem:$0x17A00] =	vst v63  }
0x75: {  	s0 =	simm.s32 $0x200;
	s8 =	simm.s32 $0x400;
	_ =	swait.ge @!p2 [sflag:s9], $0x4000  }
.LBB2_2:
0x76: {  	s10 =	sadd.s32 @!p3 s0, s19;
	s11 =	simm.s32 @!p3 $0x0;
	[sflag:s9] =	ssyncset.done @!p2 $0x0  }
0x77: {  	s18 =	simm.s32 @!p3 $0x80;
	s17 =	simm.s32 @!p3 $0x3;
	[sflag:s9] =	ssyncadd.s32 @!p2 $0xFFFFC000  }
0x78: {  	[tilespmem:s18], [sflag:$0x3] =	stream.linear.gather @!p3 [hbm4b:s10+s11], $0x80, $0x38;
	[tilespmem:$0x17A00] =	vst v63  }
0x79: {  	s9 =	smov.u32 s8;
	s8 =	sadd.s32 $0x200, s8;
	_ =	swait.ge @!p3 [sflag:s17], $0x80  }
0x7a: {  	p4 =	sne.s32 s8, $0x5000;
	s10 =	sadd.s32 @!p3 s0, s12;
	[sflag:s17] =	ssyncset.done @!p3 $0x0  }
0x7b: {  	p2 =	por p3, p3;
	s0 =	smov.u32 s9;
	[sflag:s17] =	ssyncadd.s32 @!p3 $0xFFFFFF80  }
0x7c: {  	[tilespmem:s11], [sflag:$0x3] =	stream.linear.gather @!p2 [hbm4b:s10+s11], $0x80, $0x38;
	[tilespmem:$0x17A00] =	vst v63  }
0x7d: {  	_ =	swait.ge @!p2 [sflag:s17], $0x80  }
0x7e: {  	s10 =	simm.s32 @!p2 $0x180;
	[sflag:s17] =	ssyncset.done @!p2 $0x0  }
0x7f: {  	s9 =	simm.s32 @!p2 $0x1;
	[sflag:s17] =	ssyncadd.s32 @!p2 $0xFFFFFF80  }
0x80: {  	[tilespmem:s10], [sflag:$0x1] =	stream.indirect.gather @!p2 [hbm4b:s15+s18], $0x80, s11, s18, $0xb8;
	[tilespmem:$0x17A00] =	vst v63  }
.Ltmp0:
0x81: {  	_ =	swait.ge @!p2 [sflag:s9], $0x4000;
	(pc) =	sbr.rel @p4 .LBB2_2-.Ltmp0, $4  }
0x82: {  	[sflag:s9] =	ssyncset.done @!p2 $0x0  }
0x83: {  	s7 =	sadd.s32 $0x20, s7;
	[sflag:s9] =	ssyncadd.s32 @!p2 $0xFFFFC000;
	s9 =	simm.s32 @!p2 $0x2  }
0x84: {  	[spmem:s13] =	stream.indirect.scatter.add.f32 @!p2 [tilespmem:s10], [sflag:$0x2], $0x80, s18, s18, $0xb8;
	[tilespmem:$0x17A00] =	vst v63  }
0x85: {  	p3 =	sgt.u32 s7, $0x4E1;
	_ =	swait.ge @!p2 [sflag:s9], $0x4000  }
0x86: {  	s7 =	sadd.s32 @!p3 s0, s19;
	s8 =	simm.s32 @!p3 $0x0;
	[sflag:s9] =	ssyncset.done @!p2 $0x0  }
0x87: {  	s10 =	simm.s32 @!p3 $0x80;
	s11 =	simm.s32 @!p3 $0x3;
	[sflag:s9] =	ssyncadd.s32 @!p2 $0xFFFFC000  }
0x88: {  	[tilespmem:s10], [sflag:$0x3] =	stream.linear.gather @!p3 [hbm4b:s7+s8], $0x80, $0x38;
	[tilespmem:$0x17A00] =	vst v63  }
0x89: {  	_ =	swait.ge @!p3 [sflag:s11], $0x80  }
0x8a: {  	[sflag:s11] =	ssyncset.done @!p3 $0x0  }
0x8b: {  	s0 =	sadd.s32 @!p3 s0, s12;
	p2 =	por p3, p3;
	[sflag:s11] =	ssyncadd.s32 @!p3 $0xFFFFFF80  }
0x8c: {  	[tilespmem:s8], [sflag:$0x3] =	stream.linear.gather @!p2 [hbm4b:s0+s8], $0x80, $0x38;
	[tilespmem:$0x17A00] =	vst v63  }
0x8d: {  	_ =	swait.ge @!p2 [sflag:s11], $0x80  }
0x8e: {  	[sflag:s11] =	ssyncset.done @!p2 $0x0  }
0x8f: {  	s7 =	simm.s32 @!p2 $0x1;
	s0 =	simm.s32 @!p2 $0x180;
	[sflag:s11] =	ssyncadd.s32 @!p2 $0xFFFFFF80  }
0x90: {  	[tilespmem:s0], [sflag:$0x1] =	stream.indirect.gather @!p2 [hbm4b:s15+s10], $0x80, s8, s10, $0xb8;
	[tilespmem:$0x17A00] =	vst v63  }
0x91: {  	_ =	swait.ge @!p2 [sflag:s7], $0x4000  }
0x92: {  	[sflag:s7] =	ssyncset.done @!p2 $0x0  }
0x93: {  	[sflag:s7] =	ssyncadd.s32 @!p2 $0xFFFFC000;
	s7 =	simm.s32 @!p2 $0x2  }
0x94: {  	[spmem:s13] =	stream.indirect.scatter.add.f32 @!p2 [tilespmem:s0], [sflag:$0x2], $0x80, s10, s10, $0xb8;
	[tilespmem:$0x17A00] =	vst v63  }
0x95: {  	_ =	swait.ge @!p2 [sflag:s7], $0x4000  }
0x96: {  	[sflag:s7] =	ssyncset.done @!p2 $0x0  }
0x97: {  	[sflag:s7] =	ssyncadd.s32 @!p2 $0xFFFFC000  }
0x98: {  	[bflag:$0x0] =	sbarrier.arrive $0xFFFF  }
0x99: {  	[tilespmem:s26], [sflag:$0x3] =	stream.linear.gather [hbm4b:s1+s6], $0x80, $0x38;
	[tilespmem:$0x17A00] =	vst v63  }
0x9a: {  	_ =	swait.ge [sflag:s28], $0x80  }
0x9b: {  	[sflag:s28] =	ssyncset.done $0x0  }
0x9c: {  	[sflag:s28] =	ssyncadd.s32 $0xFFFFFF80  }
0x9d: {  	[tilespmem:s24], [sflag:$0x1] =	stream.indirect.gather [spmem:s13], $0x80, s26, s29, $0xb8;
	[tilespmem:$0x17A00] =	vst v63  }
0x9e: {  	_ =	swait.ge [sflag:s30], $0x4000  }
0x9f: {  	[sflag:s30] =	ssyncset.done $0x0  }
0xa0: {  	s18 =	rddreg [dreg:$0x4];
	[sflag:s30] =	ssyncadd.s32 $0xFFFFC000  }
0xa1: {  	[hbm4b:s18+s6] =	stream.linear.scatter [tilespmem:s24], [sflag:$0x2], $0x4000, $0x38;
	[tilespmem:$0x17A00] =	vst v63  }
0xa2: {  	_ =	swait.ge [sflag:s25], $0x4000  }
0xa3: {  	[sflag:s25] =	ssyncset.done $0x0  }
0xa4: {  	[sflag:s25] =	ssyncadd.s32 $0xFFFFC000  }
0xa5: {  	[tilespmem:s26], [sflag:$0x3] =	stream.linear.gather [hbm4b:s2+s6], $0x80, $0x38;
	[tilespmem:$0x17A00] =	vst v63  }
0xa6: {  	_ =	swait.ge [sflag:s28], $0x80  }
0xa7: {  	[sflag:s28] =	ssyncset.done $0x0  }
0xa8: {  	[sflag:s28] =	ssyncadd.s32 $0xFFFFFF80  }
0xa9: {  	[tilespmem:s24], [sflag:$0x1] =	stream.indirect.gather [spmem:s13], $0x80, s26, s29, $0xb8;
	[tilespmem:$0x17A00] =	vst v63  }
0xaa: {  	_ =	swait.ge [sflag:s30], $0x4000  }
0xab: {  	[sflag:s30] =	ssyncset.done $0x0  }
0xac: {  	s7 =	rddreg [dreg:$0x6];
	[sflag:s30] =	ssyncadd.s32 $0xFFFFC000  }
0xad: {  	[hbm4b:s7+s6] =	stream.linear.scatter [tilespmem:s24], [sflag:$0x2], $0x4000, $0x38;
	[tilespmem:$0x17A00] =	vst v63  }
0xae: {  	_ =	swait.ge [sflag:s25], $0x4000  }
0xaf: {  	[sflag:s25] =	ssyncset.done $0x0  }
0xb0: {  	[sflag:s25] =	ssyncadd.s32 $0xFFFFC000  }
0xb1: {  	[tilespmem:s26], [sflag:$0x3] =	stream.linear.gather [hbm4b:s3+s6], $0x80, $0x38;
	[tilespmem:$0x17A00] =	vst v63  }
0xb2: {  	_ =	swait.ge [sflag:s28], $0x80  }
0xb3: {  	[sflag:s28] =	ssyncset.done $0x0  }
0xb4: {  	[sflag:s28] =	ssyncadd.s32 $0xFFFFFF80  }
0xb5: {  	[tilespmem:s24], [sflag:$0x1] =	stream.indirect.gather [spmem:s13], $0x80, s26, s29, $0xb8;
	[tilespmem:$0x17A00] =	vst v63  }
0xb6: {  	_ =	swait.ge [sflag:s30], $0x4000  }
0xb7: {  	[sflag:s30] =	ssyncset.done $0x0  }
0xb8: {  	s8 =	rddreg [dreg:$0x8];
	[sflag:s30] =	ssyncadd.s32 $0xFFFFC000  }
0xb9: {  	[hbm4b:s8+s6] =	stream.linear.scatter [tilespmem:s24], [sflag:$0x2], $0x4000, $0x38;
	[tilespmem:$0x17A00] =	vst v63  }
0xba: {  	_ =	swait.ge [sflag:s25], $0x4000  }
0xbb: {  	[sflag:s25] =	ssyncset.done $0x0  }
0xbc: {  	[sflag:s25] =	ssyncadd.s32 $0xFFFFC000  }
0xbd: {  	[tilespmem:s26], [sflag:$0x3] =	stream.linear.gather [hbm4b:s4+s6], $0x80, $0x38;
	[tilespmem:$0x17A00] =	vst v63  }
0xbe: {  	_ =	swait.ge [sflag:s28], $0x80  }
0xbf: {  	[sflag:s28] =	ssyncset.done $0x0  }
0xc0: {  	[sflag:s28] =	ssyncadd.s32 $0xFFFFFF80  }
0xc1: {  	[tilespmem:s24], [sflag:$0x1] =	stream.indirect.gather [spmem:s13], $0x80, s26, s29, $0xb8;
	[tilespmem:$0x17A00] =	vst v63  }
0xc2: {  	_ =	swait.ge [sflag:s30], $0x4000  }
0xc3: {  	[sflag:s30] =	ssyncset.done $0x0  }
0xc4: {  	s9 =	rddreg [dreg:$0xa];
	[sflag:s30] =	ssyncadd.s32 $0xFFFFC000  }
0xc5: {  	[hbm4b:s9+s6] =	stream.linear.scatter [tilespmem:s24], [sflag:$0x2], $0x4000, $0x38;
	[tilespmem:$0x17A00] =	vst v63  }
0xc6: {  	_ =	swait.ge [sflag:s25], $0x4000  }
0xc7: {  	s0 =	simm.s32 @!p0 $0x0;
	[sflag:s25] =	ssyncset.done $0x0  }
0xc8: {  	s7 =	simm.s32 @!p0 $0x100;
	s8 =	simm.s32 @!p0 $0x3;
	[sflag:s25] =	ssyncadd.s32 $0xFFFFC000  }
0xc9: {  	[tilespmem:s7], [sflag:$0x3] =	stream.linear.gather @!p0 [hbm4b:s5+s0], $0x80, $0x38;
	[tilespmem:$0x17A00] =	vst v63  }
0xca: {  	_ =	swait.ge @!p0 [sflag:s8], $0x80  }
0xcb: {  	s11 =	simm.s32 @!p0 $0x1;
	[sflag:s8] =	ssyncset.done @!p0 $0x0  }
0xcc: {  	s10 =	simm.s32 @!p0 $0x180;
	s9 =	simm.s32 @!p0 $0x80;
	[sflag:s8] =	ssyncadd.s32 @!p0 $0xFFFFFF80  }
0xcd: {  	[tilespmem:s10], [sflag:$0x1] =	stream.indirect.gather @!p0 [spmem:s13], $0x80, s7, s9, $0xb8;
	[tilespmem:$0x17A00] =	vst v63  }
0xce: {  	_ =	swait.ge @!p0 [sflag:s11], $0x4000  }
0xcf: {  	[sflag:s11] =	ssyncset.done @!p0 $0x0  }
0xd0: {  	[sflag:s11] =	ssyncadd.s32 @!p0 $0xFFFFC000;
	s11 =	rddreg [dreg:$0xc]  }
0xd1: {  	[hbm4b:s11+s0] =	stream.linear.scatter @!p0 [tilespmem:s10], [sflag:$0x2], $0x4000, $0x38;
	[tilespmem:$0x17A00] =	vst v63  }
0xd2: {  	s11 =	simm.s32 @!p0 $0x2  }
0xd3: {  	_ =	swait.ge @!p0 [sflag:s11], $0x4000  }
0xd4: {  	[sflag:s11] =	ssyncset.done @!p0 $0x0  }
0xd5: {  	[sflag:s11] =	ssyncadd.s32 @!p0 $0xFFFFC000  }
0xd6: {  	[bflag:$0x0] =	sbarrier.arrive $0xFFFF  }
0xd7: {  	[tilespmem:s24], [sflag:$0x2] =	stream.linear.gather [hbm4b:s16+s6], $0x4000, $0x38;
	[tilespmem:$0x17A00] =	vst v63  }
0xd8: {  	_ =	swait.ge [sflag:s25], $0x4000  }
0xd9: {  	[sflag:s25] =	ssyncset.done $0x0  }
0xda: {  	[sflag:s25] =	ssyncadd.s32 $0xFFFFC000  }
0xdb: {  	[tilespmem:s26], [sflag:$0x3] =	stream.linear.gather [hbm4b:s1+s6], $0x80, $0x38;
	[tilespmem:$0x17A00] =	vst v63  }
0xdc: {  	_ =	swait.ge [sflag:s28], $0x80  }
0xdd: {  	[sflag:s28] =	ssyncset.done $0x0  }
0xde: {  	[sflag:s28] =	ssyncadd.s32 $0xFFFFFF80  }
0xdf: {  	[spmem:s13] =	stream.indirect.scatter [tilespmem:s24], [sflag:$0x2], $0x80, s26, s29, $0xb8;
	[tilespmem:$0x17A00] =	vst v63  }
0xe0: {  	_ =	swait.ge [sflag:s25], $0x4000  }
0xe1: {  	[sflag:s25] =	ssyncset.done $0x0  }
0xe2: {  	[sflag:s25] =	ssyncadd.s32 $0xFFFFC000  }
0xe3: {  	[tilespmem:s26], [sflag:$0x3] =	stream.linear.gather [hbm4b:s2+s6], $0x80, $0x38;
	[tilespmem:$0x17A00] =	vst v63  }
0xe4: {  	_ =	swait.ge [sflag:s28], $0x80  }
0xe5: {  	[sflag:s28] =	ssyncset.done $0x0  }
0xe6: {  	[sflag:s28] =	ssyncadd.s32 $0xFFFFFF80  }
0xe7: {  	[spmem:s13] =	stream.indirect.scatter [tilespmem:s24], [sflag:$0x2], $0x80, s26, s29, $0xb8;
	[tilespmem:$0x17A00] =	vst v63  }
0xe8: {  	_ =	swait.ge [sflag:s25], $0x4000  }
0xe9: {  	[sflag:s25] =	ssyncset.done $0x0  }
0xea: {  	[sflag:s25] =	ssyncadd.s32 $0xFFFFC000  }
0xeb: {  	[tilespmem:s26], [sflag:$0x3] =	stream.linear.gather [hbm4b:s3+s6], $0x80, $0x38;
	[tilespmem:$0x17A00] =	vst v63  }
0xec: {  	_ =	swait.ge [sflag:s28], $0x80  }
0xed: {  	[sflag:s28] =	ssyncset.done $0x0  }
0xee: {  	[sflag:s28] =	ssyncadd.s32 $0xFFFFFF80  }
0xef: {  	[spmem:s13] =	stream.indirect.scatter [tilespmem:s24], [sflag:$0x2], $0x80, s26, s29, $0xb8;
	[tilespmem:$0x17A00] =	vst v63  }
0xf0: {  	_ =	swait.ge [sflag:s25], $0x4000  }
0xf1: {  	[sflag:s25] =	ssyncset.done $0x0  }
0xf2: {  	[sflag:s25] =	ssyncadd.s32 $0xFFFFC000  }
0xf3: {  	[tilespmem:s26], [sflag:$0x3] =	stream.linear.gather [hbm4b:s4+s6], $0x80, $0x38;
	[tilespmem:$0x17A00] =	vst v63  }
0xf4: {  	_ =	swait.ge [sflag:s28], $0x80  }
0xf5: {  	[sflag:s28] =	ssyncset.done $0x0  }
0xf6: {  	[sflag:s28] =	ssyncadd.s32 $0xFFFFFF80  }
0xf7: {  	[spmem:s13] =	stream.indirect.scatter [tilespmem:s24], [sflag:$0x2], $0x80, s26, s29, $0xb8;
	[tilespmem:$0x17A00] =	vst v63  }
0xf8: {  	_ =	swait.ge [sflag:s25], $0x4000  }
0xf9: {  	[sflag:s25] =	ssyncset.done $0x0  }
0xfa: {  	[sflag:s25] =	ssyncadd.s32 $0xFFFFC000  }
0xfb: {  	[tilespmem:s7], [sflag:$0x3] =	stream.linear.gather @!p0 [hbm4b:s5+s0], $0x80, $0x38;
	[tilespmem:$0x17A00] =	vst v63  }
0xfc: {  	_ =	swait.ge @!p0 [sflag:s8], $0x80  }
0xfd: {  	[sflag:s8] =	ssyncset.done @!p0 $0x0  }
0xfe: {  	[sflag:s8] =	ssyncadd.s32 @!p0 $0xFFFFFF80  }
0xff: {  	[spmem:s13] =	stream.indirect.scatter @!p0 [tilespmem:s10], [sflag:$0x2], $0x80, s7, s9, $0xb8;
	[tilespmem:$0x17A00] =	vst v63  }
0x100: {  	_ =	swait.ge @!p0 [sflag:s11], $0x4000  }
0x101: {  	[sflag:s11] =	ssyncset.done @!p0 $0x0  }
0x102: {  	[sflag:s11] =	ssyncadd.s32 @!p0 $0xFFFFC000;
	s11 =	sld [smem:$0x7FC];
	_ =	sdelay $0x1  }
0x103: {  	s10 =	simm.s32 $0x0  }
0x104: {  	[tilespmem:s24], [sflag:$0x2] =	stream.linear.gather [hbm4b:s11+s10], $0x4000, $0x38;
	[tilespmem:$0x17A00] =	vst v63  }
0x105: {  	s17 =	sadd.s32 $0x0, s14;
	_ =	swait.ge [sflag:s25], $0x4000  }
0x106: {  	p3 =	sgt.u32 s17, $0x4E1;
	[sflag:s25] =	ssyncset.done $0x0  }
0x107: {  	s0 =	simm.s32 @!p3 $0x0;
	[sflag:s25] =	ssyncadd.s32 $0xFFFFC000  }
0x108: {  	s8 =	simm.s32 @!p3 $0x3;
	s7 =	simm.s32 @!p3 $0x80;
	[bflag:$0x0] =	sbarrier.arrive $0xFFFF  }
0x109: {  	[tilespmem:s7], [sflag:$0x3] =	stream.linear.gather @!p3 [hbm4b:s19+s0], $0x80, $0x38;
	[tilespmem:$0x17A00] =	vst v63  }
0x10a: {  	p2 =	por p3, p3;
	_ =	swait.ge @!p3 [sflag:s8], $0x80  }
0x10b: {  	s18 =	sadd.s32 $0x20, s14;
	s0 =	simm.s32 @!p2 $0x180;
	[sflag:s8] =	ssyncset.done @!p3 $0x0  }
0x10c: {  	[sflag:s8] =	ssyncadd.s32 @!p2 $0xFFFFFF80;
	s8 =	simm.s32 @!p3 $0x2;
	p3 =	sgt.u32 s18, $0x4E1  }
0x10d: {  	[spmem:s13] =	stream.indirect.scatter.add.f32 @!p2 [tilespmem:s0], [sflag:$0x2], $0x80, s7, s7, $0xb8;
	[tilespmem:$0x17A00] =	vst v63  }
0x10e: {  	s7 =	simm.s32 $0x40;
	s0 =	sadd.s32 $0x200, s19;
	_ =	swait.ge @!p2 [sflag:s8], $0x4000  }
.LBB2_4:
0x10f: {  	s9 =	simm.s32 @!p3 $0x0;
	s10 =	simm.s32 @!p3 $0x80  }
0x110: {  	[sflag:s8] =	ssyncset.done @!p2 $0x0;
	s11 =	smov.u32 s7;
	s7 =	sadd.s32 $0x20, s7  }
0x111: {  	s17 =	simm.s32 @!p3 $0x3;
	[sflag:s8] =	ssyncadd.s32 @!p2 $0xFFFFC000;
	p4 =	sne.s32 s7, $0x500  }
0x112: {  	[tilespmem:s10], [sflag:$0x3] =	stream.linear.gather @!p3 [hbm4b:s0+s9], $0x80, $0x38;
	[tilespmem:$0x17A00] =	vst v63  }
.Ltmp1:
0x113: {  	_ =	swait.ge @!p3 [sflag:s17], $0x80;
	(pc) =	sbr.rel @p4 .LBB2_4-.Ltmp1, $4  }
0x114: {  	s8 =	simm.s32 @!p3 $0x2;
	p2 =	por p3, p3;
	[sflag:s17] =	ssyncset.done @!p3 $0x0  }
0x115: {  	s9 =	sadd.s32 s11, s14;
	s11 =	simm.s32 @!p2 $0x180;
	[sflag:s17] =	ssyncadd.s32 @!p2 $0xFFFFFF80  }
0x116: {  	[spmem:s13] =	stream.indirect.scatter.add.f32 @!p2 [tilespmem:s11], [sflag:$0x2], $0x80, s10, s10, $0xb8;
	[tilespmem:$0x17A00] =	vst v63  }
0x117: {  	s0 =	sadd.s32 $0x200, s0;
	p3 =	sgt.u32 s9, $0x4E1;
	_ =	swait.ge @!p2 [sflag:s8], $0x4000  }
0x118: {  	s7 =	simm.s32 @!p3 $0x0;
	[sflag:s8] =	ssyncset.done @!p2 $0x0  }
0x119: {  	s9 =	simm.s32 @!p3 $0x80;
	s10 =	simm.s32 @!p3 $0x3;
	[sflag:s8] =	ssyncadd.s32 @!p2 $0xFFFFC000  }
0x11a: {  	[tilespmem:s9], [sflag:$0x3] =	stream.linear.gather @!p3 [hbm4b:s0+s7], $0x80, $0x38;
	[tilespmem:$0x17A00] =	vst v63  }
0x11b: {  	_ =	swait.ge @!p3 [sflag:s10], $0x80  }
0x11c: {  	p2 =	por p3, p3;
	[sflag:s10] =	ssyncset.done @!p3 $0x0  }
0x11d: {  	s0 =	simm.s32 @!p3 $0x2;
	s7 =	simm.s32 @!p2 $0x180;
	[sflag:s10] =	ssyncadd.s32 @!p2 $0xFFFFFF80  }
0x11e: {  	[spmem:s13] =	stream.indirect.scatter.add.f32 @!p2 [tilespmem:s7], [sflag:$0x2], $0x80, s9, s9, $0xb8;
	[tilespmem:$0x17A00] =	vst v63  }
0x11f: {  	_ =	swait.ge @!p2 [sflag:s0], $0x4000  }
0x120: {  	[sflag:s0] =	ssyncset.done @!p2 $0x0  }
0x121: {  	[sflag:s0] =	ssyncadd.s32 @!p2 $0xFFFFC000  }
0x122: {  	[bflag:$0x0] =	sbarrier.arrive $0xFFFF  }
0x123: {  	[tilespmem:s26], [sflag:$0x3] =	stream.linear.gather [hbm4b:s1+s6], $0x80, $0x38;
	[tilespmem:$0x17A00] =	vst v63  }
0x124: {  	_ =	swait.ge [sflag:s28], $0x80  }
0x125: {  	[sflag:s28] =	ssyncset.done $0x0  }
0x126: {  	[sflag:s28] =	ssyncadd.s32 $0xFFFFFF80  }
0x127: {  	[tilespmem:s24], [sflag:$0x1] =	stream.indirect.gather [spmem:s13], $0x80, s26, s29, $0xb8;
	[tilespmem:$0x17A00] =	vst v63  }
0x128: {  	_ =	swait.ge [sflag:s30], $0x4000  }
0x129: {  	[sflag:s30] =	ssyncset.done $0x0  }
0x12a: {  	s10 =	rddreg [dreg:$0x5];
	[sflag:s30] =	ssyncadd.s32 $0xFFFFC000  }
0x12b: {  	[hbm4b:s10+s6] =	stream.linear.scatter [tilespmem:s24], [sflag:$0x2], $0x4000, $0x38;
	[tilespmem:$0x17A00] =	vst v63  }
0x12c: {  	_ =	swait.ge [sflag:s25], $0x4000  }
0x12d: {  	[sflag:s25] =	ssyncset.done $0x0  }
0x12e: {  	[sflag:s25] =	ssyncadd.s32 $0xFFFFC000  }
0x12f: {  	[tilespmem:s26], [sflag:$0x3] =	stream.linear.gather [hbm4b:s2+s6], $0x80, $0x38;
	[tilespmem:$0x17A00] =	vst v63  }
0x130: {  	_ =	swait.ge [sflag:s28], $0x80  }
0x131: {  	[sflag:s28] =	ssyncset.done $0x0  }
0x132: {  	[sflag:s28] =	ssyncadd.s32 $0xFFFFFF80  }
0x133: {  	[tilespmem:s24], [sflag:$0x1] =	stream.indirect.gather [spmem:s13], $0x80, s26, s29, $0xb8;
	[tilespmem:$0x17A00] =	vst v63  }
0x134: {  	_ =	swait.ge [sflag:s30], $0x4000  }
0x135: {  	[sflag:s30] =	ssyncset.done $0x0  }
0x136: {  	s11 =	rddreg [dreg:$0x7];
	[sflag:s30] =	ssyncadd.s32 $0xFFFFC000  }
0x137: {  	[hbm4b:s11+s6] =	stream.linear.scatter [tilespmem:s24], [sflag:$0x2], $0x4000, $0x38;
	[tilespmem:$0x17A00] =	vst v63  }
0x138: {  	_ =	swait.ge [sflag:s25], $0x4000  }
0x139: {  	[sflag:s25] =	ssyncset.done $0x0  }
0x13a: {  	[sflag:s25] =	ssyncadd.s32 $0xFFFFC000  }
0x13b: {  	[tilespmem:s26], [sflag:$0x3] =	stream.linear.gather [hbm4b:s3+s6], $0x80, $0x38;
	[tilespmem:$0x17A00] =	vst v63  }
0x13c: {  	_ =	swait.ge [sflag:s28], $0x80  }
0x13d: {  	[sflag:s28] =	ssyncset.done $0x0  }
0x13e: {  	[sflag:s28] =	ssyncadd.s32 $0xFFFFFF80  }
0x13f: {  	[tilespmem:s24], [sflag:$0x1] =	stream.indirect.gather [spmem:s13], $0x80, s26, s29, $0xb8;
	[tilespmem:$0x17A00] =	vst v63  }
0x140: {  	_ =	swait.ge [sflag:s30], $0x4000  }
0x141: {  	[sflag:s30] =	ssyncset.done $0x0  }
0x142: {  	s17 =	rddreg [dreg:$0x9];
	[sflag:s30] =	ssyncadd.s32 $0xFFFFC000  }
0x143: {  	[hbm4b:s17+s6] =	stream.linear.scatter [tilespmem:s24], [sflag:$0x2], $0x4000, $0x38;
	[tilespmem:$0x17A00] =	vst v63  }
0x144: {  	_ =	swait.ge [sflag:s25], $0x4000  }
0x145: {  	[sflag:s25] =	ssyncset.done $0x0  }
0x146: {  	[sflag:s25] =	ssyncadd.s32 $0xFFFFC000  }
0x147: {  	[tilespmem:s26], [sflag:$0x3] =	stream.linear.gather [hbm4b:s4+s6], $0x80, $0x38;
	[tilespmem:$0x17A00] =	vst v63  }
0x148: {  	_ =	swait.ge [sflag:s28], $0x80  }
0x149: {  	[sflag:s28] =	ssyncset.done $0x0  }
0x14a: {  	[sflag:s28] =	ssyncadd.s32 $0xFFFFFF80  }
0x14b: {  	[tilespmem:s24], [sflag:$0x1] =	stream.indirect.gather [spmem:s13], $0x80, s26, s29, $0xb8;
	[tilespmem:$0x17A00] =	vst v63  }
0x14c: {  	_ =	swait.ge [sflag:s30], $0x4000  }
0x14d: {  	[sflag:s30] =	ssyncset.done $0x0  }
0x14e: {  	s18 =	rddreg [dreg:$0xb];
	[sflag:s30] =	ssyncadd.s32 $0xFFFFC000  }
0x14f: {  	[hbm4b:s18+s6] =	stream.linear.scatter [tilespmem:s24], [sflag:$0x2], $0x4000, $0x38;
	[tilespmem:$0x17A00] =	vst v63  }
0x150: {  	_ =	swait.ge [sflag:s25], $0x4000  }
0x151: {  	s8 =	simm.s32 @!p0 $0x3;
	[sflag:s25] =	ssyncset.done $0x0  }
0x152: {  	s7 =	simm.s32 @!p0 $0x100;
	s0 =	simm.s32 @!p0 $0x0;
	[sflag:s25] =	ssyncadd.s32 $0xFFFFC000  }
0x153: {  	[tilespmem:s7], [sflag:$0x3] =	stream.linear.gather @!p0 [hbm4b:s5+s0], $0x80, $0x38;
	[tilespmem:$0x17A00] =	vst v63  }
0x154: {  	_ =	swait.ge @!p0 [sflag:s8], $0x80  }
0x155: {  	s9 =	simm.s32 @!p0 $0x80;
	[sflag:s8] =	ssyncset.done @!p0 $0x0  }
0x156: {  	s10 =	simm.s32 @!p0 $0x180;
	s11 =	simm.s32 @!p0 $0x1;
	[sflag:s8] =	ssyncadd.s32 @!p0 $0xFFFFFF80  }
0x157: {  	[tilespmem:s10], [sflag:$0x1] =	stream.indirect.gather @!p0 [spmem:s13], $0x80, s7, s9, $0xb8;
	[tilespmem:$0x17A00] =	vst v63  }
0x158: {  	_ =	swait.ge @!p0 [sflag:s11], $0x4000  }
0x159: {  	[sflag:s11] =	ssyncset.done @!p0 $0x0  }
0x15a: {  	[sflag:s11] =	ssyncadd.s32 @!p0 $0xFFFFC000;
	s11 =	rddreg [dreg:$0xd]  }
0x15b: {  	[hbm4b:s11+s0] =	stream.linear.scatter @!p0 [tilespmem:s10], [sflag:$0x2], $0x4000, $0x38;
	[tilespmem:$0x17A00] =	vst v63  }
0x15c: {  	s11 =	simm.s32 @!p0 $0x2  }
0x15d: {  	_ =	swait.ge @!p0 [sflag:s11], $0x4000  }
0x15e: {  	[sflag:s11] =	ssyncset.done @!p0 $0x0  }
0x15f: {  	[sflag:s11] =	ssyncadd.s32 @!p0 $0xFFFFC000  }
0x160: {  	[bflag:$0x0] =	sbarrier.arrive $0xFFFF  }
0x161: {  	[tilespmem:s24], [sflag:$0x2] =	stream.linear.gather [hbm4b:s16+s6], $0x4000, $0x38;
	[tilespmem:$0x17A00] =	vst v63  }
0x162: {  	_ =	swait.ge [sflag:s25], $0x4000  }
0x163: {  	[sflag:s25] =	ssyncset.done $0x0  }
0x164: {  	[sflag:s25] =	ssyncadd.s32 $0xFFFFC000  }
0x165: {  	[tilespmem:s26], [sflag:$0x3] =	stream.linear.gather [hbm4b:s1+s6], $0x80, $0x38;
	[tilespmem:$0x17A00] =	vst v63  }
0x166: {  	_ =	swait.ge [sflag:s28], $0x80  }
0x167: {  	[sflag:s28] =	ssyncset.done $0x0  }
0x168: {  	[sflag:s28] =	ssyncadd.s32 $0xFFFFFF80  }
0x169: {  	[spmem:s13] =	stream.indirect.scatter [tilespmem:s24], [sflag:$0x2], $0x80, s26, s29, $0xb8;
	[tilespmem:$0x17A00] =	vst v63  }
0x16a: {  	_ =	swait.ge [sflag:s25], $0x4000  }
0x16b: {  	[sflag:s25] =	ssyncset.done $0x0  }
0x16c: {  	[sflag:s25] =	ssyncadd.s32 $0xFFFFC000  }
0x16d: {  	[tilespmem:s26], [sflag:$0x3] =	stream.linear.gather [hbm4b:s2+s6], $0x80, $0x38;
	[tilespmem:$0x17A00] =	vst v63  }
0x16e: {  	_ =	swait.ge [sflag:s28], $0x80  }
0x16f: {  	[sflag:s28] =	ssyncset.done $0x0  }
0x170: {  	[sflag:s28] =	ssyncadd.s32 $0xFFFFFF80  }
0x171: {  	[spmem:s13] =	stream.indirect.scatter [tilespmem:s24], [sflag:$0x2], $0x80, s26, s29, $0xb8;
	[tilespmem:$0x17A00] =	vst v63  }
0x172: {  	_ =	swait.ge [sflag:s25], $0x4000  }
0x173: {  	[sflag:s25] =	ssyncset.done $0x0  }
0x174: {  	[sflag:s25] =	ssyncadd.s32 $0xFFFFC000  }
0x175: {  	[tilespmem:s26], [sflag:$0x3] =	stream.linear.gather [hbm4b:s3+s6], $0x80, $0x38;
	[tilespmem:$0x17A00] =	vst v63  }
0x176: {  	_ =	swait.ge [sflag:s28], $0x80  }
0x177: {  	[sflag:s28] =	ssyncset.done $0x0  }
0x178: {  	[sflag:s28] =	ssyncadd.s32 $0xFFFFFF80  }
0x179: {  	[spmem:s13] =	stream.indirect.scatter [tilespmem:s24], [sflag:$0x2], $0x80, s26, s29, $0xb8;
	[tilespmem:$0x17A00] =	vst v63  }
0x17a: {  	_ =	swait.ge [sflag:s25], $0x4000  }
0x17b: {  	[sflag:s25] =	ssyncset.done $0x0  }
0x17c: {  	[sflag:s25] =	ssyncadd.s32 $0xFFFFC000  }
0x17d: {  	[tilespmem:s26], [sflag:$0x3] =	stream.linear.gather [hbm4b:s4+s6], $0x80, $0x38;
	[tilespmem:$0x17A00] =	vst v63  }
0x17e: {  	_ =	swait.ge [sflag:s28], $0x80  }
0x17f: {  	[sflag:s28] =	ssyncset.done $0x0  }
0x180: {  	[sflag:s28] =	ssyncadd.s32 $0xFFFFFF80  }
0x181: {  	[spmem:s13] =	stream.indirect.scatter [tilespmem:s24], [sflag:$0x2], $0x80, s26, s29, $0xb8;
	[tilespmem:$0x17A00] =	vst v63  }
0x182: {  	_ =	swait.ge [sflag:s25], $0x4000  }
0x183: {  	[sflag:s25] =	ssyncset.done $0x0  }
0x184: {  	[sflag:s25] =	ssyncadd.s32 $0xFFFFC000  }
0x185: {  	[tilespmem:s7], [sflag:$0x3] =	stream.linear.gather @!p0 [hbm4b:s5+s0], $0x80, $0x38;
	[tilespmem:$0x17A00] =	vst v63  }
0x186: {  	_ =	swait.ge @!p0 [sflag:s8], $0x80  }
0x187: {  	[sflag:s8] =	ssyncset.done @!p0 $0x0  }
0x188: {  	[sflag:s8] =	ssyncadd.s32 @!p0 $0xFFFFFF80  }
0x189: {  	[spmem:s13] =	stream.indirect.scatter @!p0 [tilespmem:s10], [sflag:$0x2], $0x80, s7, s9, $0xb8;
	[tilespmem:$0x17A00] =	vst v63  }
0x18a: {  	_ =	swait.ge @!p0 [sflag:s11], $0x4000  }
0x18b: {  	[sflag:s11] =	ssyncset.done @!p0 $0x0  }
0x18c: {  	s0 =	sadd.s32 @!p1 $0x0, s20;
	s8 =	simm.s32 @!p1 $0x80;
	[sflag:s11] =	ssyncadd.s32 @!p0 $0xFFFFC000  }
0x18d: {  	s7 =	simm.s32 @!p1 $0x0;
	s9 =	simm.s32 @!p1 $0x3;
	[bflag:$0x0] =	sbarrier.arrive $0xFFFF  }
0x18e: {  	[tilespmem:s8], [sflag:$0x3] =	stream.linear.gather @!p1 [hbm4b:s0+s7], $0x80, $0x38;
	[tilespmem:$0x17A00] =	vst v63  }
0x18f: {  	_ =	swait.ge @!p1 [sflag:s9], $0x80  }
0x190: {  	[sflag:s9] =	ssyncset.done @!p1 $0x0  }
0x191: {  	p2 =	por p1, p1;
	s0 =	sadd.s32 @!p1 $0x0, s22;
	[sflag:s9] =	ssyncadd.s32 @!p1 $0xFFFFFF80  }
0x192: {  	[tilespmem:s7], [sflag:$0x3] =	stream.linear.gather @!p2 [hbm4b:s0+s7], $0x80, $0x38;
	[tilespmem:$0x17A00] =	vst v63  }
0x193: {  	_ =	swait.ge @!p2 [sflag:s9], $0x80  }
0x194: {  	[sflag:s9] =	ssyncset.done @!p2 $0x0  }
0x195: {  	s0 =	simm.s32 @!p2 $0x180;
	[sflag:s9] =	ssyncadd.s32 @!p2 $0xFFFFFF80;
	s9 =	simm.s32 @!p2 $0x1  }
0x196: {  	[tilespmem:s0], [sflag:$0x1] =	stream.indirect.gather @!p2 [hbm4b:s15+s8], $0x80, s7, s8, $0xb8;
	[tilespmem:$0x17A00] =	vst v63  }
0x197: {  	_ =	swait.ge @!p2 [sflag:s9], $0x4000  }
0x198: {  	s7 =	sadd.s32 $0x20, s14;
	[sflag:s9] =	ssyncset.done @!p2 $0x0  }
0x199: {  	p3 =	sgt.u32 s7, $0x4E1;
	[sflag:s9] =	ssyncadd.s32 @!p2 $0xFFFFC000;
	s9 =	simm.s32 @!p2 $0x2  }
0x19a: {  	[spmem:s13] =	stream.indirect.scatter.add.f32 @!p2 [tilespmem:s0], [sflag:$0x2], $0x80, s8, s8, $0xb8;
	[tilespmem:$0x17A00] =	vst v63  }
0x19b: {  	s0 =	simm.s32 $0x200;
	s8 =	simm.s32 $0x400;
	_ =	swait.ge @!p2 [sflag:s9], $0x4000  }
.LBB2_6:
0x19c: {  	s10 =	sadd.s32 @!p3 s0, s20;
	s11 =	simm.s32 @!p3 $0x0;
	[sflag:s9] =	ssyncset.done @!p2 $0x0  }
0x19d: {  	s17 =	simm.s32 @!p3 $0x80;
	s18 =	simm.s32 @!p3 $0x3;
	[sflag:s9] =	ssyncadd.s32 @!p2 $0xFFFFC000  }
0x19e: {  	[tilespmem:s17], [sflag:$0x3] =	stream.linear.gather @!p3 [hbm4b:s10+s11], $0x80, $0x38;
	[tilespmem:$0x17A00] =	vst v63  }
0x19f: {  	s9 =	smov.u32 s8;
	s8 =	sadd.s32 $0x200, s8;
	_ =	swait.ge @!p3 [sflag:s18], $0x80  }
0x1a0: {  	p4 =	sne.s32 s8, $0x5000;
	s10 =	sadd.s32 @!p3 s0, s22;
	[sflag:s18] =	ssyncset.done @!p3 $0x0  }
0x1a1: {  	p2 =	por p3, p3;
	s0 =	smov.u32 s9;
	[sflag:s18] =	ssyncadd.s32 @!p3 $0xFFFFFF80  }
0x1a2: {  	[tilespmem:s11], [sflag:$0x3] =	stream.linear.gather @!p2 [hbm4b:s10+s11], $0x80, $0x38;
	[tilespmem:$0x17A00] =	vst v63  }
0x1a3: {  	_ =	swait.ge @!p2 [sflag:s18], $0x80  }
0x1a4: {  	s10 =	simm.s32 @!p2 $0x180;
	[sflag:s18] =	ssyncset.done @!p2 $0x0  }
0x1a5: {  	s9 =	simm.s32 @!p2 $0x1;
	[sflag:s18] =	ssyncadd.s32 @!p2 $0xFFFFFF80  }
0x1a6: {  	[tilespmem:s10], [sflag:$0x1] =	stream.indirect.gather @!p2 [hbm4b:s15+s17], $0x80, s11, s17, $0xb8;
	[tilespmem:$0x17A00] =	vst v63  }
.Ltmp2:
0x1a7: {  	_ =	swait.ge @!p2 [sflag:s9], $0x4000;
	(pc) =	sbr.rel @p4 .LBB2_6-.Ltmp2, $4  }
0x1a8: {  	[sflag:s9] =	ssyncset.done @!p2 $0x0  }
0x1a9: {  	s7 =	sadd.s32 $0x20, s7;
	[sflag:s9] =	ssyncadd.s32 @!p2 $0xFFFFC000;
	s9 =	simm.s32 @!p2 $0x2  }
0x1aa: {  	[spmem:s13] =	stream.indirect.scatter.add.f32 @!p2 [tilespmem:s10], [sflag:$0x2], $0x80, s17, s17, $0xb8;
	[tilespmem:$0x17A00] =	vst v63  }
0x1ab: {  	p3 =	sgt.u32 s7, $0x4E1;
	_ =	swait.ge @!p2 [sflag:s9], $0x4000  }
0x1ac: {  	s7 =	sadd.s32 @!p3 s0, s20;
	s8 =	simm.s32 @!p3 $0x0;
	[sflag:s9] =	ssyncset.done @!p2 $0x0  }
0x1ad: {  	s10 =	simm.s32 @!p3 $0x80;
	s11 =	simm.s32 @!p3 $0x3;
	[sflag:s9] =	ssyncadd.s32 @!p2 $0xFFFFC000  }
0x1ae: {  	[tilespmem:s10], [sflag:$0x3] =	stream.linear.gather @!p3 [hbm4b:s7+s8], $0x80, $0x38;
	[tilespmem:$0x17A00] =	vst v63  }
0x1af: {  	_ =	swait.ge @!p3 [sflag:s11], $0x80  }
0x1b0: {  	[sflag:s11] =	ssyncset.done @!p3 $0x0  }
0x1b1: {  	s0 =	sadd.s32 @!p3 s0, s22;
	p2 =	por p3, p3;
	[sflag:s11] =	ssyncadd.s32 @!p3 $0xFFFFFF80  }
0x1b2: {  	[tilespmem:s8], [sflag:$0x3] =	stream.linear.gather @!p2 [hbm4b:s0+s8], $0x80, $0x38;
	[tilespmem:$0x17A00] =	vst v63  }
0x1b3: {  	_ =	swait.ge @!p2 [sflag:s11], $0x80  }
0x1b4: {  	[sflag:s11] =	ssyncset.done @!p2 $0x0  }
0x1b5: {  	s7 =	simm.s32 @!p2 $0x1;
	s0 =	simm.s32 @!p2 $0x180;
	[sflag:s11] =	ssyncadd.s32 @!p2 $0xFFFFFF80  }
0x1b6: {  	[tilespmem:s0], [sflag:$0x1] =	stream.indirect.gather @!p2 [hbm4b:s15+s10], $0x80, s8, s10, $0xb8;
	[tilespmem:$0x17A00] =	vst v63  }
0x1b7: {  	_ =	swait.ge @!p2 [sflag:s7], $0x4000  }
0x1b8: {  	[sflag:s7] =	ssyncset.done @!p2 $0x0  }
0x1b9: {  	[sflag:s7] =	ssyncadd.s32 @!p2 $0xFFFFC000;
	s7 =	simm.s32 @!p2 $0x2  }
0x1ba: {  	[spmem:s13] =	stream.indirect.scatter.add.f32 @!p2 [tilespmem:s0], [sflag:$0x2], $0x80, s10, s10, $0xb8;
	[tilespmem:$0x17A00] =	vst v63  }
0x1bb: {  	_ =	swait.ge @!p2 [sflag:s7], $0x4000  }
0x1bc: {  	[sflag:s7] =	ssyncset.done @!p2 $0x0  }
0x1bd: {  	[sflag:s7] =	ssyncadd.s32 @!p2 $0xFFFFC000  }
0x1be: {  	[bflag:$0x0] =	sbarrier.arrive $0xFFFF  }
0x1bf: {  	[tilespmem:s26], [sflag:$0x3] =	stream.linear.gather [hbm4b:s1+s6], $0x80, $0x38;
	[tilespmem:$0x17A00] =	vst v63  }
0x1c0: {  	_ =	swait.ge [sflag:s28], $0x80  }
0x1c1: {  	[sflag:s28] =	ssyncset.done $0x0  }
0x1c2: {  	[sflag:s28] =	ssyncadd.s32 $0xFFFFFF80  }
0x1c3: {  	[tilespmem:s24], [sflag:$0x1] =	stream.indirect.gather [spmem:s13], $0x80, s26, s29, $0xb8;
	[tilespmem:$0x17A00] =	vst v63  }
0x1c4: {  	_ =	swait.ge [sflag:s30], $0x4000  }
0x1c5: {  	[sflag:s30] =	ssyncset.done $0x0  }
0x1c6: {  	s18 =	rddreg [dreg:$0xe];
	[sflag:s30] =	ssyncadd.s32 $0xFFFFC000  }
0x1c7: {  	[hbm4b:s18+s6] =	stream.linear.scatter [tilespmem:s24], [sflag:$0x2], $0x4000, $0x38;
	[tilespmem:$0x17A00] =	vst v63  }
0x1c8: {  	_ =	swait.ge [sflag:s25], $0x4000  }
0x1c9: {  	[sflag:s25] =	ssyncset.done $0x0  }
0x1ca: {  	[sflag:s25] =	ssyncadd.s32 $0xFFFFC000  }
0x1cb: {  	[tilespmem:s26], [sflag:$0x3] =	stream.linear.gather [hbm4b:s2+s6], $0x80, $0x38;
	[tilespmem:$0x17A00] =	vst v63  }
0x1cc: {  	_ =	swait.ge [sflag:s28], $0x80  }
0x1cd: {  	[sflag:s28] =	ssyncset.done $0x0  }
0x1ce: {  	[sflag:s28] =	ssyncadd.s32 $0xFFFFFF80  }
0x1cf: {  	[tilespmem:s24], [sflag:$0x1] =	stream.indirect.gather [spmem:s13], $0x80, s26, s29, $0xb8;
	[tilespmem:$0x17A00] =	vst v63  }
0x1d0: {  	_ =	swait.ge [sflag:s30], $0x4000  }
0x1d1: {  	[sflag:s30] =	ssyncset.done $0x0  }
0x1d2: {  	s7 =	rddreg [dreg:$0x10];
	[sflag:s30] =	ssyncadd.s32 $0xFFFFC000  }
0x1d3: {  	[hbm4b:s7+s6] =	stream.linear.scatter [tilespmem:s24], [sflag:$0x2], $0x4000, $0x38;
	[tilespmem:$0x17A00] =	vst v63  }
0x1d4: {  	_ =	swait.ge [sflag:s25], $0x4000  }
0x1d5: {  	[sflag:s25] =	ssyncset.done $0x0  }
0x1d6: {  	[sflag:s25] =	ssyncadd.s32 $0xFFFFC000  }
0x1d7: {  	[tilespmem:s26], [sflag:$0x3] =	stream.linear.gather [hbm4b:s3+s6], $0x80, $0x38;
	[tilespmem:$0x17A00] =	vst v63  }
0x1d8: {  	_ =	swait.ge [sflag:s28], $0x80  }
0x1d9: {  	[sflag:s28] =	ssyncset.done $0x0  }
0x1da: {  	[sflag:s28] =	ssyncadd.s32 $0xFFFFFF80  }
0x1db: {  	[tilespmem:s24], [sflag:$0x1] =	stream.indirect.gather [spmem:s13], $0x80, s26, s29, $0xb8;
	[tilespmem:$0x17A00] =	vst v63  }
0x1dc: {  	_ =	swait.ge [sflag:s30], $0x4000  }
0x1dd: {  	[sflag:s30] =	ssyncset.done $0x0  }
0x1de: {  	s8 =	rddreg [dreg:$0x12];
	[sflag:s30] =	ssyncadd.s32 $0xFFFFC000  }
0x1df: {  	[hbm4b:s8+s6] =	stream.linear.scatter [tilespmem:s24], [sflag:$0x2], $0x4000, $0x38;
	[tilespmem:$0x17A00] =	vst v63  }
0x1e0: {  	_ =	swait.ge [sflag:s25], $0x4000  }
0x1e1: {  	[sflag:s25] =	ssyncset.done $0x0  }
0x1e2: {  	[sflag:s25] =	ssyncadd.s32 $0xFFFFC000  }
0x1e3: {  	[tilespmem:s26], [sflag:$0x3] =	stream.linear.gather [hbm4b:s4+s6], $0x80, $0x38;
	[tilespmem:$0x17A00] =	vst v63  }
0x1e4: {  	_ =	swait.ge [sflag:s28], $0x80  }
0x1e5: {  	[sflag:s28] =	ssyncset.done $0x0  }
0x1e6: {  	[sflag:s28] =	ssyncadd.s32 $0xFFFFFF80  }
0x1e7: {  	[tilespmem:s24], [sflag:$0x1] =	stream.indirect.gather [spmem:s13], $0x80, s26, s29, $0xb8;
	[tilespmem:$0x17A00] =	vst v63  }
0x1e8: {  	_ =	swait.ge [sflag:s30], $0x4000  }
0x1e9: {  	[sflag:s30] =	ssyncset.done $0x0  }
0x1ea: {  	s9 =	rddreg [dreg:$0x14];
	[sflag:s30] =	ssyncadd.s32 $0xFFFFC000  }
0x1eb: {  	[hbm4b:s9+s6] =	stream.linear.scatter [tilespmem:s24], [sflag:$0x2], $0x4000, $0x38;
	[tilespmem:$0x17A00] =	vst v63  }
0x1ec: {  	_ =	swait.ge [sflag:s25], $0x4000  }
0x1ed: {  	s0 =	simm.s32 @!p0 $0x0;
	[sflag:s25] =	ssyncset.done $0x0  }
0x1ee: {  	s7 =	simm.s32 @!p0 $0x100;
	s8 =	simm.s32 @!p0 $0x3;
	[sflag:s25] =	ssyncadd.s32 $0xFFFFC000  }
0x1ef: {  	[tilespmem:s7], [sflag:$0x3] =	stream.linear.gather @!p0 [hbm4b:s5+s0], $0x80, $0x38;
	[tilespmem:$0x17A00] =	vst v63  }
0x1f0: {  	_ =	swait.ge @!p0 [sflag:s8], $0x80  }
0x1f1: {  	s11 =	simm.s32 @!p0 $0x1;
	[sflag:s8] =	ssyncset.done @!p0 $0x0  }
0x1f2: {  	s10 =	simm.s32 @!p0 $0x180;
	s9 =	simm.s32 @!p0 $0x80;
	[sflag:s8] =	ssyncadd.s32 @!p0 $0xFFFFFF80  }
0x1f3: {  	[tilespmem:s10], [sflag:$0x1] =	stream.indirect.gather @!p0 [spmem:s13], $0x80, s7, s9, $0xb8;
	[tilespmem:$0x17A00] =	vst v63  }
0x1f4: {  	_ =	swait.ge @!p0 [sflag:s11], $0x4000  }
0x1f5: {  	[sflag:s11] =	ssyncset.done @!p0 $0x0  }
0x1f6: {  	[sflag:s11] =	ssyncadd.s32 @!p0 $0xFFFFC000;
	s11 =	rddreg [dreg:$0x16]  }
0x1f7: {  	[hbm4b:s11+s0] =	stream.linear.scatter @!p0 [tilespmem:s10], [sflag:$0x2], $0x4000, $0x38;
	[tilespmem:$0x17A00] =	vst v63  }
0x1f8: {  	s11 =	simm.s32 @!p0 $0x2  }
0x1f9: {  	_ =	swait.ge @!p0 [sflag:s11], $0x4000  }
0x1fa: {  	[sflag:s11] =	ssyncset.done @!p0 $0x0  }
0x1fb: {  	[sflag:s11] =	ssyncadd.s32 @!p0 $0xFFFFC000  }
0x1fc: {  	[bflag:$0x0] =	sbarrier.arrive $0xFFFF  }
0x1fd: {  	[tilespmem:s24], [sflag:$0x2] =	stream.linear.gather [hbm4b:s16+s6], $0x4000, $0x38;
	[tilespmem:$0x17A00] =	vst v63  }
0x1fe: {  	_ =	swait.ge [sflag:s25], $0x4000  }
0x1ff: {  	[sflag:s25] =	ssyncset.done $0x0  }
0x200: {  	[sflag:s25] =	ssyncadd.s32 $0xFFFFC000  }
0x201: {  	[tilespmem:s26], [sflag:$0x3] =	stream.linear.gather [hbm4b:s1+s6], $0x80, $0x38;
	[tilespmem:$0x17A00] =	vst v63  }
0x202: {  	_ =	swait.ge [sflag:s28], $0x80  }
0x203: {  	[sflag:s28] =	ssyncset.done $0x0  }
0x204: {  	[sflag:s28] =	ssyncadd.s32 $0xFFFFFF80  }
0x205: {  	[spmem:s13] =	stream.indirect.scatter [tilespmem:s24], [sflag:$0x2], $0x80, s26, s29, $0xb8;
	[tilespmem:$0x17A00] =	vst v63  }
0x206: {  	_ =	swait.ge [sflag:s25], $0x4000  }
0x207: {  	[sflag:s25] =	ssyncset.done $0x0  }
0x208: {  	[sflag:s25] =	ssyncadd.s32 $0xFFFFC000  }
0x209: {  	[tilespmem:s26], [sflag:$0x3] =	stream.linear.gather [hbm4b:s2+s6], $0x80, $0x38;
	[tilespmem:$0x17A00] =	vst v63  }
0x20a: {  	_ =	swait.ge [sflag:s28], $0x80  }
0x20b: {  	[sflag:s28] =	ssyncset.done $0x0  }
0x20c: {  	[sflag:s28] =	ssyncadd.s32 $0xFFFFFF80  }
0x20d: {  	[spmem:s13] =	stream.indirect.scatter [tilespmem:s24], [sflag:$0x2], $0x80, s26, s29, $0xb8;
	[tilespmem:$0x17A00] =	vst v63  }
0x20e: {  	_ =	swait.ge [sflag:s25], $0x4000  }
0x20f: {  	[sflag:s25] =	ssyncset.done $0x0  }
0x210: {  	[sflag:s25] =	ssyncadd.s32 $0xFFFFC000  }
0x211: {  	[tilespmem:s26], [sflag:$0x3] =	stream.linear.gather [hbm4b:s3+s6], $0x80, $0x38;
	[tilespmem:$0x17A00] =	vst v63  }
0x212: {  	_ =	swait.ge [sflag:s28], $0x80  }
0x213: {  	[sflag:s28] =	ssyncset.done $0x0  }
0x214: {  	[sflag:s28] =	ssyncadd.s32 $0xFFFFFF80  }
0x215: {  	[spmem:s13] =	stream.indirect.scatter [tilespmem:s24], [sflag:$0x2], $0x80, s26, s29, $0xb8;
	[tilespmem:$0x17A00] =	vst v63  }
0x216: {  	_ =	swait.ge [sflag:s25], $0x4000  }
0x217: {  	[sflag:s25] =	ssyncset.done $0x0  }
0x218: {  	[sflag:s25] =	ssyncadd.s32 $0xFFFFC000  }
0x219: {  	[tilespmem:s26], [sflag:$0x3] =	stream.linear.gather [hbm4b:s4+s6], $0x80, $0x38;
	[tilespmem:$0x17A00] =	vst v63  }
0x21a: {  	_ =	swait.ge [sflag:s28], $0x80  }
0x21b: {  	[sflag:s28] =	ssyncset.done $0x0  }
0x21c: {  	[sflag:s28] =	ssyncadd.s32 $0xFFFFFF80  }
0x21d: {  	[spmem:s13] =	stream.indirect.scatter [tilespmem:s24], [sflag:$0x2], $0x80, s26, s29, $0xb8;
	[tilespmem:$0x17A00] =	vst v63  }
0x21e: {  	_ =	swait.ge [sflag:s25], $0x4000  }
0x21f: {  	[sflag:s25] =	ssyncset.done $0x0  }
0x220: {  	[sflag:s25] =	ssyncadd.s32 $0xFFFFC000  }
0x221: {  	[tilespmem:s7], [sflag:$0x3] =	stream.linear.gather @!p0 [hbm4b:s5+s0], $0x80, $0x38;
	[tilespmem:$0x17A00] =	vst v63  }
0x222: {  	_ =	swait.ge @!p0 [sflag:s8], $0x80  }
0x223: {  	[sflag:s8] =	ssyncset.done @!p0 $0x0  }
0x224: {  	[sflag:s8] =	ssyncadd.s32 @!p0 $0xFFFFFF80  }
0x225: {  	[spmem:s13] =	stream.indirect.scatter @!p0 [tilespmem:s10], [sflag:$0x2], $0x80, s7, s9, $0xb8;
	[tilespmem:$0x17A00] =	vst v63  }
0x226: {  	_ =	swait.ge @!p0 [sflag:s11], $0x4000  }
0x227: {  	[sflag:s11] =	ssyncset.done @!p0 $0x0  }
0x228: {  	[sflag:s11] =	ssyncadd.s32 @!p0 $0xFFFFC000;
	s11 =	sld [smem:$0x7FC];
	_ =	sdelay $0x1  }
0x229: {  	s10 =	simm.s32 $0x0  }
0x22a: {  	[tilespmem:s24], [sflag:$0x2] =	stream.linear.gather [hbm4b:s11+s10], $0x4000, $0x38;
	[tilespmem:$0x17A00] =	vst v63  }
0x22b: {  	s17 =	sadd.s32 $0x0, s14;
	_ =	swait.ge [sflag:s25], $0x4000  }
0x22c: {  	p3 =	sgt.u32 s17, $0x4E1;
	[sflag:s25] =	ssyncset.done $0x0  }
0x22d: {  	s0 =	simm.s32 @!p3 $0x0;
	[sflag:s25] =	ssyncadd.s32 $0xFFFFC000  }
0x22e: {  	s8 =	simm.s32 @!p3 $0x3;
	s7 =	simm.s32 @!p3 $0x80;
	[bflag:$0x0] =	sbarrier.arrive $0xFFFF  }
0x22f: {  	[tilespmem:s7], [sflag:$0x3] =	stream.linear.gather @!p3 [hbm4b:s20+s0], $0x80, $0x38;
	[tilespmem:$0x17A00] =	vst v63  }
0x230: {  	p2 =	por p3, p3;
	_ =	swait.ge @!p3 [sflag:s8], $0x80  }
0x231: {  	s18 =	sadd.s32 $0x20, s14;
	s0 =	simm.s32 @!p2 $0x180;
	[sflag:s8] =	ssyncset.done @!p3 $0x0  }
0x232: {  	[sflag:s8] =	ssyncadd.s32 @!p2 $0xFFFFFF80;
	s8 =	simm.s32 @!p3 $0x2;
	p3 =	sgt.u32 s18, $0x4E1  }
0x233: {  	[spmem:s13] =	stream.indirect.scatter.add.f32 @!p2 [tilespmem:s0], [sflag:$0x2], $0x80, s7, s7, $0xb8;
	[tilespmem:$0x17A00] =	vst v63  }
0x234: {  	s7 =	simm.s32 $0x40;
	s0 =	sadd.s32 $0x200, s20;
	_ =	swait.ge @!p2 [sflag:s8], $0x4000  }
.LBB2_8:
0x235: {  	s9 =	simm.s32 @!p3 $0x0;
	s10 =	simm.s32 @!p3 $0x80  }
0x236: {  	[sflag:s8] =	ssyncset.done @!p2 $0x0;
	s11 =	smov.u32 s7;
	s7 =	sadd.s32 $0x20, s7  }
0x237: {  	s17 =	simm.s32 @!p3 $0x3;
	[sflag:s8] =	ssyncadd.s32 @!p2 $0xFFFFC000;
	p4 =	sne.s32 s7, $0x500  }
0x238: {  	[tilespmem:s10], [sflag:$0x3] =	stream.linear.gather @!p3 [hbm4b:s0+s9], $0x80, $0x38;
	[tilespmem:$0x17A00] =	vst v63  }
.Ltmp3:
0x239: {  	_ =	swait.ge @!p3 [sflag:s17], $0x80;
	(pc) =	sbr.rel @p4 .LBB2_8-.Ltmp3, $4  }
0x23a: {  	s8 =	simm.s32 @!p3 $0x2;
	p2 =	por p3, p3;
	[sflag:s17] =	ssyncset.done @!p3 $0x0  }
0x23b: {  	s9 =	sadd.s32 s11, s14;
	s11 =	simm.s32 @!p2 $0x180;
	[sflag:s17] =	ssyncadd.s32 @!p2 $0xFFFFFF80  }
0x23c: {  	[spmem:s13] =	stream.indirect.scatter.add.f32 @!p2 [tilespmem:s11], [sflag:$0x2], $0x80, s10, s10, $0xb8;
	[tilespmem:$0x17A00] =	vst v63  }
0x23d: {  	s0 =	sadd.s32 $0x200, s0;
	p3 =	sgt.u32 s9, $0x4E1;
	_ =	swait.ge @!p2 [sflag:s8], $0x4000  }
0x23e: {  	s7 =	simm.s32 @!p3 $0x0;
	[sflag:s8] =	ssyncset.done @!p2 $0x0  }
0x23f: {  	s9 =	simm.s32 @!p3 $0x80;
	s10 =	simm.s32 @!p3 $0x3;
	[sflag:s8] =	ssyncadd.s32 @!p2 $0xFFFFC000  }
0x240: {  	[tilespmem:s9], [sflag:$0x3] =	stream.linear.gather @!p3 [hbm4b:s0+s7], $0x80, $0x38;
	[tilespmem:$0x17A00] =	vst v63  }
0x241: {  	_ =	swait.ge @!p3 [sflag:s10], $0x80  }
0x242: {  	p2 =	por p3, p3;
	[sflag:s10] =	ssyncset.done @!p3 $0x0  }
0x243: {  	s0 =	simm.s32 @!p3 $0x2;
	s7 =	simm.s32 @!p2 $0x180;
	[sflag:s10] =	ssyncadd.s32 @!p2 $0xFFFFFF80  }
0x244: {  	[spmem:s13] =	stream.indirect.scatter.add.f32 @!p2 [tilespmem:s7], [sflag:$0x2], $0x80, s9, s9, $0xb8;
	[tilespmem:$0x17A00] =	vst v63  }
0x245: {  	_ =	swait.ge @!p2 [sflag:s0], $0x4000  }
0x246: {  	[sflag:s0] =	ssyncset.done @!p2 $0x0  }
0x247: {  	[sflag:s0] =	ssyncadd.s32 @!p2 $0xFFFFC000  }
0x248: {  	[bflag:$0x0] =	sbarrier.arrive $0xFFFF  }
0x249: {  	[tilespmem:s26], [sflag:$0x3] =	stream.linear.gather [hbm4b:s1+s6], $0x80, $0x38;
	[tilespmem:$0x17A00] =	vst v63  }
0x24a: {  	_ =	swait.ge [sflag:s28], $0x80  }
0x24b: {  	[sflag:s28] =	ssyncset.done $0x0  }
0x24c: {  	[sflag:s28] =	ssyncadd.s32 $0xFFFFFF80  }
0x24d: {  	[tilespmem:s24], [sflag:$0x1] =	stream.indirect.gather [spmem:s13], $0x80, s26, s29, $0xb8;
	[tilespmem:$0x17A00] =	vst v63  }
0x24e: {  	_ =	swait.ge [sflag:s30], $0x4000  }
0x24f: {  	[sflag:s30] =	ssyncset.done $0x0  }
0x250: {  	s10 =	rddreg [dreg:$0xf];
	[sflag:s30] =	ssyncadd.s32 $0xFFFFC000  }
0x251: {  	[hbm4b:s10+s6] =	stream.linear.scatter [tilespmem:s24], [sflag:$0x2], $0x4000, $0x38;
	[tilespmem:$0x17A00] =	vst v63  }
0x252: {  	_ =	swait.ge [sflag:s25], $0x4000  }
0x253: {  	[sflag:s25] =	ssyncset.done $0x0  }
0x254: {  	[sflag:s25] =	ssyncadd.s32 $0xFFFFC000  }
0x255: {  	[tilespmem:s26], [sflag:$0x3] =	stream.linear.gather [hbm4b:s2+s6], $0x80, $0x38;
	[tilespmem:$0x17A00] =	vst v63  }
0x256: {  	_ =	swait.ge [sflag:s28], $0x80  }
0x257: {  	[sflag:s28] =	ssyncset.done $0x0  }
0x258: {  	[sflag:s28] =	ssyncadd.s32 $0xFFFFFF80  }
0x259: {  	[tilespmem:s24], [sflag:$0x1] =	stream.indirect.gather [spmem:s13], $0x80, s26, s29, $0xb8;
	[tilespmem:$0x17A00] =	vst v63  }
0x25a: {  	_ =	swait.ge [sflag:s30], $0x4000  }
0x25b: {  	[sflag:s30] =	ssyncset.done $0x0  }
0x25c: {  	s11 =	rddreg [dreg:$0x11];
	[sflag:s30] =	ssyncadd.s32 $0xFFFFC000  }
0x25d: {  	[hbm4b:s11+s6] =	stream.linear.scatter [tilespmem:s24], [sflag:$0x2], $0x4000, $0x38;
	[tilespmem:$0x17A00] =	vst v63  }
0x25e: {  	_ =	swait.ge [sflag:s25], $0x4000  }
0x25f: {  	[sflag:s25] =	ssyncset.done $0x0  }
0x260: {  	[sflag:s25] =	ssyncadd.s32 $0xFFFFC000  }
0x261: {  	[tilespmem:s26], [sflag:$0x3] =	stream.linear.gather [hbm4b:s3+s6], $0x80, $0x38;
	[tilespmem:$0x17A00] =	vst v63  }
0x262: {  	_ =	swait.ge [sflag:s28], $0x80  }
0x263: {  	[sflag:s28] =	ssyncset.done $0x0  }
0x264: {  	[sflag:s28] =	ssyncadd.s32 $0xFFFFFF80  }
0x265: {  	[tilespmem:s24], [sflag:$0x1] =	stream.indirect.gather [spmem:s13], $0x80, s26, s29, $0xb8;
	[tilespmem:$0x17A00] =	vst v63  }
0x266: {  	_ =	swait.ge [sflag:s30], $0x4000  }
0x267: {  	[sflag:s30] =	ssyncset.done $0x0  }
0x268: {  	s17 =	rddreg [dreg:$0x13];
	[sflag:s30] =	ssyncadd.s32 $0xFFFFC000  }
0x269: {  	[hbm4b:s17+s6] =	stream.linear.scatter [tilespmem:s24], [sflag:$0x2], $0x4000, $0x38;
	[tilespmem:$0x17A00] =	vst v63  }
0x26a: {  	_ =	swait.ge [sflag:s25], $0x4000  }
0x26b: {  	[sflag:s25] =	ssyncset.done $0x0  }
0x26c: {  	[sflag:s25] =	ssyncadd.s32 $0xFFFFC000  }
0x26d: {  	[tilespmem:s26], [sflag:$0x3] =	stream.linear.gather [hbm4b:s4+s6], $0x80, $0x38;
	[tilespmem:$0x17A00] =	vst v63  }
0x26e: {  	_ =	swait.ge [sflag:s28], $0x80  }
0x26f: {  	[sflag:s28] =	ssyncset.done $0x0  }
0x270: {  	[sflag:s28] =	ssyncadd.s32 $0xFFFFFF80  }
0x271: {  	[tilespmem:s24], [sflag:$0x1] =	stream.indirect.gather [spmem:s13], $0x80, s26, s29, $0xb8;
	[tilespmem:$0x17A00] =	vst v63  }
0x272: {  	_ =	swait.ge [sflag:s30], $0x4000  }
0x273: {  	[sflag:s30] =	ssyncset.done $0x0  }
0x274: {  	s18 =	rddreg [dreg:$0x15];
	[sflag:s30] =	ssyncadd.s32 $0xFFFFC000  }
0x275: {  	[hbm4b:s18+s6] =	stream.linear.scatter [tilespmem:s24], [sflag:$0x2], $0x4000, $0x38;
	[tilespmem:$0x17A00] =	vst v63  }
0x276: {  	_ =	swait.ge [sflag:s25], $0x4000  }
0x277: {  	s8 =	simm.s32 @!p0 $0x3;
	[sflag:s25] =	ssyncset.done $0x0  }
0x278: {  	s7 =	simm.s32 @!p0 $0x100;
	s0 =	simm.s32 @!p0 $0x0;
	[sflag:s25] =	ssyncadd.s32 $0xFFFFC000  }
0x279: {  	[tilespmem:s7], [sflag:$0x3] =	stream.linear.gather @!p0 [hbm4b:s5+s0], $0x80, $0x38;
	[tilespmem:$0x17A00] =	vst v63  }
0x27a: {  	_ =	swait.ge @!p0 [sflag:s8], $0x80  }
0x27b: {  	s9 =	simm.s32 @!p0 $0x80;
	[sflag:s8] =	ssyncset.done @!p0 $0x0  }
0x27c: {  	s10 =	simm.s32 @!p0 $0x180;
	s11 =	simm.s32 @!p0 $0x1;
	[sflag:s8] =	ssyncadd.s32 @!p0 $0xFFFFFF80  }
0x27d: {  	[tilespmem:s10], [sflag:$0x1] =	stream.indirect.gather @!p0 [spmem:s13], $0x80, s7, s9, $0xb8;
	[tilespmem:$0x17A00] =	vst v63  }
0x27e: {  	_ =	swait.ge @!p0 [sflag:s11], $0x4000  }
0x27f: {  	[sflag:s11] =	ssyncset.done @!p0 $0x0  }
0x280: {  	[sflag:s11] =	ssyncadd.s32 @!p0 $0xFFFFC000;
	s11 =	rddreg [dreg:$0x17]  }
0x281: {  	[hbm4b:s11+s0] =	stream.linear.scatter @!p0 [tilespmem:s10], [sflag:$0x2], $0x4000, $0x38;
	[tilespmem:$0x17A00] =	vst v63  }
0x282: {  	s11 =	simm.s32 @!p0 $0x2  }
0x283: {  	_ =	swait.ge @!p0 [sflag:s11], $0x4000  }
0x284: {  	[sflag:s11] =	ssyncset.done @!p0 $0x0  }
0x285: {  	[sflag:s11] =	ssyncadd.s32 @!p0 $0xFFFFC000  }
0x286: {  	[bflag:$0x0] =	sbarrier.arrive $0xFFFF  }
0x287: {  	[tilespmem:s24], [sflag:$0x2] =	stream.linear.gather [hbm4b:s16+s6], $0x4000, $0x38;
	[tilespmem:$0x17A00] =	vst v63  }
0x288: {  	_ =	swait.ge [sflag:s25], $0x4000  }
0x289: {  	[sflag:s25] =	ssyncset.done $0x0  }
0x28a: {  	[sflag:s25] =	ssyncadd.s32 $0xFFFFC000  }
0x28b: {  	[tilespmem:s26], [sflag:$0x3] =	stream.linear.gather [hbm4b:s1+s6], $0x80, $0x38;
	[tilespmem:$0x17A00] =	vst v63  }
0x28c: {  	_ =	swait.ge [sflag:s28], $0x80  }
0x28d: {  	[sflag:s28] =	ssyncset.done $0x0  }
0x28e: {  	[sflag:s28] =	ssyncadd.s32 $0xFFFFFF80  }
0x28f: {  	[spmem:s13] =	stream.indirect.scatter [tilespmem:s24], [sflag:$0x2], $0x80, s26, s29, $0xb8;
	[tilespmem:$0x17A00] =	vst v63  }
0x290: {  	_ =	swait.ge [sflag:s25], $0x4000  }
0x291: {  	[sflag:s25] =	ssyncset.done $0x0  }
0x292: {  	[sflag:s25] =	ssyncadd.s32 $0xFFFFC000  }
0x293: {  	[tilespmem:s26], [sflag:$0x3] =	stream.linear.gather [hbm4b:s2+s6], $0x80, $0x38;
	[tilespmem:$0x17A00] =	vst v63  }
0x294: {  	_ =	swait.ge [sflag:s28], $0x80  }
0x295: {  	[sflag:s28] =	ssyncset.done $0x0  }
0x296: {  	[sflag:s28] =	ssyncadd.s32 $0xFFFFFF80  }
0x297: {  	[spmem:s13] =	stream.indirect.scatter [tilespmem:s24], [sflag:$0x2], $0x80, s26, s29, $0xb8;
	[tilespmem:$0x17A00] =	vst v63  }
0x298: {  	_ =	swait.ge [sflag:s25], $0x4000  }
0x299: {  	[sflag:s25] =	ssyncset.done $0x0  }
0x29a: {  	[sflag:s25] =	ssyncadd.s32 $0xFFFFC000  }
0x29b: {  	[tilespmem:s26], [sflag:$0x3] =	stream.linear.gather [hbm4b:s3+s6], $0x80, $0x38;
	[tilespmem:$0x17A00] =	vst v63  }
0x29c: {  	_ =	swait.ge [sflag:s28], $0x80  }
0x29d: {  	[sflag:s28] =	ssyncset.done $0x0  }
0x29e: {  	[sflag:s28] =	ssyncadd.s32 $0xFFFFFF80  }
0x29f: {  	[spmem:s13] =	stream.indirect.scatter [tilespmem:s24], [sflag:$0x2], $0x80, s26, s29, $0xb8;
	[tilespmem:$0x17A00] =	vst v63  }
0x2a0: {  	_ =	swait.ge [sflag:s25], $0x4000  }
0x2a1: {  	[sflag:s25] =	ssyncset.done $0x0  }
0x2a2: {  	[sflag:s25] =	ssyncadd.s32 $0xFFFFC000  }
0x2a3: {  	[tilespmem:s26], [sflag:$0x3] =	stream.linear.gather [hbm4b:s4+s6], $0x80, $0x38;
	[tilespmem:$0x17A00] =	vst v63  }
0x2a4: {  	_ =	swait.ge [sflag:s28], $0x80  }
0x2a5: {  	[sflag:s28] =	ssyncset.done $0x0  }
0x2a6: {  	[sflag:s28] =	ssyncadd.s32 $0xFFFFFF80  }
0x2a7: {  	[spmem:s13] =	stream.indirect.scatter [tilespmem:s24], [sflag:$0x2], $0x80, s26, s29, $0xb8;
	[tilespmem:$0x17A00] =	vst v63  }
0x2a8: {  	_ =	swait.ge [sflag:s25], $0x4000  }
0x2a9: {  	[sflag:s25] =	ssyncset.done $0x0  }
0x2aa: {  	[sflag:s25] =	ssyncadd.s32 $0xFFFFC000  }
0x2ab: {  	[tilespmem:s7], [sflag:$0x3] =	stream.linear.gather @!p0 [hbm4b:s5+s0], $0x80, $0x38;
	[tilespmem:$0x17A00] =	vst v63  }
0x2ac: {  	_ =	swait.ge @!p0 [sflag:s8], $0x80  }
0x2ad: {  	[sflag:s8] =	ssyncset.done @!p0 $0x0  }
0x2ae: {  	[sflag:s8] =	ssyncadd.s32 @!p0 $0xFFFFFF80  }
0x2af: {  	[spmem:s13] =	stream.indirect.scatter @!p0 [tilespmem:s10], [sflag:$0x2], $0x80, s7, s9, $0xb8;
	[tilespmem:$0x17A00] =	vst v63  }
0x2b0: {  	_ =	swait.ge @!p0 [sflag:s11], $0x4000  }
0x2b1: {  	[sflag:s11] =	ssyncset.done @!p0 $0x0  }
0x2b2: {  	s0 =	sadd.s32 @!p1 $0x0, s21;
	s8 =	simm.s32 @!p1 $0x80;
	[sflag:s11] =	ssyncadd.s32 @!p0 $0xFFFFC000  }
0x2b3: {  	s7 =	simm.s32 @!p1 $0x0;
	s9 =	simm.s32 @!p1 $0x3;
	[bflag:$0x0] =	sbarrier.arrive $0xFFFF  }
0x2b4: {  	[tilespmem:s8], [sflag:$0x3] =	stream.linear.gather @!p1 [hbm4b:s0+s7], $0x80, $0x38;
	[tilespmem:$0x17A00] =	vst v63  }
0x2b5: {  	_ =	swait.ge @!p1 [sflag:s9], $0x80  }
0x2b6: {  	[sflag:s9] =	ssyncset.done @!p1 $0x0  }
0x2b7: {  	s0 =	sadd.s32 @!p1 $0x0, s23;
	[sflag:s9] =	ssyncadd.s32 @!p1 $0xFFFFFF80;
	p1 =	por p1, p1  }
0x2b8: {  	[tilespmem:s7], [sflag:$0x3] =	stream.linear.gather @!p1 [hbm4b:s0+s7], $0x80, $0x38;
	[tilespmem:$0x17A00] =	vst v63  }
0x2b9: {  	_ =	swait.ge @!p1 [sflag:s9], $0x80  }
0x2ba: {  	[sflag:s9] =	ssyncset.done @!p1 $0x0  }
0x2bb: {  	s0 =	simm.s32 @!p1 $0x180;
	[sflag:s9] =	ssyncadd.s32 @!p1 $0xFFFFFF80;
	s9 =	simm.s32 @!p1 $0x1  }
0x2bc: {  	[tilespmem:s0], [sflag:$0x1] =	stream.indirect.gather @!p1 [hbm4b:s15+s8], $0x80, s7, s8, $0xb8;
	[tilespmem:$0x17A00] =	vst v63  }
0x2bd: {  	_ =	swait.ge @!p1 [sflag:s9], $0x4000  }
0x2be: {  	s7 =	sadd.s32 $0x20, s14;
	[sflag:s9] =	ssyncset.done @!p1 $0x0  }
0x2bf: {  	p2 =	sgt.u32 s7, $0x4E1;
	[sflag:s9] =	ssyncadd.s32 @!p1 $0xFFFFC000;
	s9 =	simm.s32 @!p1 $0x2  }
0x2c0: {  	[spmem:s13] =	stream.indirect.scatter.add.f32 @!p1 [tilespmem:s0], [sflag:$0x2], $0x80, s8, s8, $0xb8;
	[tilespmem:$0x17A00] =	vst v63  }
0x2c1: {  	s0 =	simm.s32 $0x200;
	s8 =	simm.s32 $0x400;
	_ =	swait.ge @!p1 [sflag:s9], $0x4000  }
.LBB2_10:
0x2c2: {  	s10 =	sadd.s32 @!p2 s0, s21;
	s11 =	simm.s32 @!p2 $0x0;
	[sflag:s9] =	ssyncset.done @!p1 $0x0  }
0x2c3: {  	s17 =	simm.s32 @!p2 $0x80;
	s18 =	simm.s32 @!p2 $0x3;
	[sflag:s9] =	ssyncadd.s32 @!p1 $0xFFFFC000  }
0x2c4: {  	[tilespmem:s17], [sflag:$0x3] =	stream.linear.gather @!p2 [hbm4b:s10+s11], $0x80, $0x38;
	[tilespmem:$0x17A00] =	vst v63  }
0x2c5: {  	s9 =	smov.u32 s8;
	s8 =	sadd.s32 $0x200, s8;
	_ =	swait.ge @!p2 [sflag:s18], $0x80  }
0x2c6: {  	p3 =	sne.s32 s8, $0x5000;
	s10 =	sadd.s32 @!p2 s0, s23;
	[sflag:s18] =	ssyncset.done @!p2 $0x0  }
0x2c7: {  	p1 =	por p2, p2;
	s0 =	smov.u32 s9;
	[sflag:s18] =	ssyncadd.s32 @!p2 $0xFFFFFF80  }
0x2c8: {  	[tilespmem:s11], [sflag:$0x3] =	stream.linear.gather @!p1 [hbm4b:s10+s11], $0x80, $0x38;
	[tilespmem:$0x17A00] =	vst v63  }
0x2c9: {  	_ =	swait.ge @!p1 [sflag:s18], $0x80  }
0x2ca: {  	s10 =	simm.s32 @!p1 $0x180;
	[sflag:s18] =	ssyncset.done @!p1 $0x0  }
0x2cb: {  	s9 =	simm.s32 @!p1 $0x1;
	[sflag:s18] =	ssyncadd.s32 @!p1 $0xFFFFFF80  }
0x2cc: {  	[tilespmem:s10], [sflag:$0x1] =	stream.indirect.gather @!p1 [hbm4b:s15+s17], $0x80, s11, s17, $0xb8;
	[tilespmem:$0x17A00] =	vst v63  }
.Ltmp4:
0x2cd: {  	_ =	swait.ge @!p1 [sflag:s9], $0x4000;
	(pc) =	sbr.rel @p3 .LBB2_10-.Ltmp4, $4  }
0x2ce: {  	[sflag:s9] =	ssyncset.done @!p1 $0x0  }
0x2cf: {  	s7 =	sadd.s32 $0x20, s7;
	[sflag:s9] =	ssyncadd.s32 @!p1 $0xFFFFC000;
	s9 =	simm.s32 @!p1 $0x2  }
0x2d0: {  	[spmem:s13] =	stream.indirect.scatter.add.f32 @!p1 [tilespmem:s10], [sflag:$0x2], $0x80, s17, s17, $0xb8;
	[tilespmem:$0x17A00] =	vst v63  }
0x2d1: {  	p2 =	sgt.u32 s7, $0x4E1;
	_ =	swait.ge @!p1 [sflag:s9], $0x4000  }
0x2d2: {  	s7 =	sadd.s32 @!p2 s0, s21;
	s8 =	simm.s32 @!p2 $0x0;
	[sflag:s9] =	ssyncset.done @!p1 $0x0  }
0x2d3: {  	s10 =	simm.s32 @!p2 $0x80;
	s11 =	simm.s32 @!p2 $0x3;
	[sflag:s9] =	ssyncadd.s32 @!p1 $0xFFFFC000  }
0x2d4: {  	[tilespmem:s10], [sflag:$0x3] =	stream.linear.gather @!p2 [hbm4b:s7+s8], $0x80, $0x38;
	[tilespmem:$0x17A00] =	vst v63  }
0x2d5: {  	_ =	swait.ge @!p2 [sflag:s11], $0x80  }
0x2d6: {  	[sflag:s11] =	ssyncset.done @!p2 $0x0  }
0x2d7: {  	s0 =	sadd.s32 @!p2 s0, s23;
	p1 =	por p2, p2;
	[sflag:s11] =	ssyncadd.s32 @!p2 $0xFFFFFF80  }
0x2d8: {  	[tilespmem:s8], [sflag:$0x3] =	stream.linear.gather @!p1 [hbm4b:s0+s8], $0x80, $0x38;
	[tilespmem:$0x17A00] =	vst v63  }
0x2d9: {  	_ =	swait.ge @!p1 [sflag:s11], $0x80  }
0x2da: {  	[sflag:s11] =	ssyncset.done @!p1 $0x0  }
0x2db: {  	s7 =	simm.s32 @!p1 $0x1;
	s0 =	simm.s32 @!p1 $0x180;
	[sflag:s11] =	ssyncadd.s32 @!p1 $0xFFFFFF80  }
0x2dc: {  	[tilespmem:s0], [sflag:$0x1] =	stream.indirect.gather @!p1 [hbm4b:s15+s10], $0x80, s8, s10, $0xb8;
	[tilespmem:$0x17A00] =	vst v63  }
0x2dd: {  	_ =	swait.ge @!p1 [sflag:s7], $0x4000  }
0x2de: {  	[sflag:s7] =	ssyncset.done @!p1 $0x0  }
0x2df: {  	[sflag:s7] =	ssyncadd.s32 @!p1 $0xFFFFC000;
	s7 =	simm.s32 @!p1 $0x2  }
0x2e0: {  	[spmem:s13] =	stream.indirect.scatter.add.f32 @!p1 [tilespmem:s0], [sflag:$0x2], $0x80, s10, s10, $0xb8;
	[tilespmem:$0x17A00] =	vst v63  }
0x2e1: {  	_ =	swait.ge @!p1 [sflag:s7], $0x4000  }
0x2e2: {  	[sflag:s7] =	ssyncset.done @!p1 $0x0  }
0x2e3: {  	[sflag:s7] =	ssyncadd.s32 @!p1 $0xFFFFC000  }
0x2e4: {  	[bflag:$0x0] =	sbarrier.arrive $0xFFFF  }
0x2e5: {  	[tilespmem:s26], [sflag:$0x3] =	stream.linear.gather [hbm4b:s1+s6], $0x80, $0x38;
	[tilespmem:$0x17A00] =	vst v63  }
0x2e6: {  	_ =	swait.ge [sflag:s28], $0x80  }
0x2e7: {  	[sflag:s28] =	ssyncset.done $0x0  }
0x2e8: {  	[sflag:s28] =	ssyncadd.s32 $0xFFFFFF80  }
0x2e9: {  	[tilespmem:s24], [sflag:$0x1] =	stream.indirect.gather [spmem:s13], $0x80, s26, s29, $0xb8;
	[tilespmem:$0x17A00] =	vst v63  }
0x2ea: {  	_ =	swait.ge [sflag:s30], $0x4000  }
0x2eb: {  	[sflag:s30] =	ssyncset.done $0x0  }
0x2ec: {  	s18 =	rddreg [dreg:$0x18];
	[sflag:s30] =	ssyncadd.s32 $0xFFFFC000  }
0x2ed: {  	[hbm4b:s18+s6] =	stream.linear.scatter [tilespmem:s24], [sflag:$0x2], $0x4000, $0x38;
	[tilespmem:$0x17A00] =	vst v63  }
0x2ee: {  	_ =	swait.ge [sflag:s25], $0x4000  }
0x2ef: {  	[sflag:s25] =	ssyncset.done $0x0  }
0x2f0: {  	[sflag:s25] =	ssyncadd.s32 $0xFFFFC000  }
0x2f1: {  	[tilespmem:s26], [sflag:$0x3] =	stream.linear.gather [hbm4b:s2+s6], $0x80, $0x38;
	[tilespmem:$0x17A00] =	vst v63  }
0x2f2: {  	_ =	swait.ge [sflag:s28], $0x80  }
0x2f3: {  	[sflag:s28] =	ssyncset.done $0x0  }
0x2f4: {  	[sflag:s28] =	ssyncadd.s32 $0xFFFFFF80  }
0x2f5: {  	[tilespmem:s24], [sflag:$0x1] =	stream.indirect.gather [spmem:s13], $0x80, s26, s29, $0xb8;
	[tilespmem:$0x17A00] =	vst v63  }
0x2f6: {  	_ =	swait.ge [sflag:s30], $0x4000  }
0x2f7: {  	[sflag:s30] =	ssyncset.done $0x0  }
0x2f8: {  	s7 =	rddreg [dreg:$0x19];
	[sflag:s30] =	ssyncadd.s32 $0xFFFFC000  }
0x2f9: {  	[hbm4b:s7+s6] =	stream.linear.scatter [tilespmem:s24], [sflag:$0x2], $0x4000, $0x38;
	[tilespmem:$0x17A00] =	vst v63  }
0x2fa: {  	_ =	swait.ge [sflag:s25], $0x4000  }
0x2fb: {  	[sflag:s25] =	ssyncset.done $0x0  }
0x2fc: {  	[sflag:s25] =	ssyncadd.s32 $0xFFFFC000  }
0x2fd: {  	[tilespmem:s26], [sflag:$0x3] =	stream.linear.gather [hbm4b:s3+s6], $0x80, $0x38;
	[tilespmem:$0x17A00] =	vst v63  }
0x2fe: {  	_ =	swait.ge [sflag:s28], $0x80  }
0x2ff: {  	[sflag:s28] =	ssyncset.done $0x0  }
0x300: {  	[sflag:s28] =	ssyncadd.s32 $0xFFFFFF80  }
0x301: {  	[tilespmem:s24], [sflag:$0x1] =	stream.indirect.gather [spmem:s13], $0x80, s26, s29, $0xb8;
	[tilespmem:$0x17A00] =	vst v63  }
0x302: {  	_ =	swait.ge [sflag:s30], $0x4000  }
0x303: {  	[sflag:s30] =	ssyncset.done $0x0  }
0x304: {  	s8 =	rddreg [dreg:$0x1a];
	[sflag:s30] =	ssyncadd.s32 $0xFFFFC000  }
0x305: {  	[hbm4b:s8+s6] =	stream.linear.scatter [tilespmem:s24], [sflag:$0x2], $0x4000, $0x38;
	[tilespmem:$0x17A00] =	vst v63  }
0x306: {  	_ =	swait.ge [sflag:s25], $0x4000  }
0x307: {  	[sflag:s25] =	ssyncset.done $0x0  }
0x308: {  	[sflag:s25] =	ssyncadd.s32 $0xFFFFC000  }
0x309: {  	[tilespmem:s26], [sflag:$0x3] =	stream.linear.gather [hbm4b:s4+s6], $0x80, $0x38;
	[tilespmem:$0x17A00] =	vst v63  }
0x30a: {  	_ =	swait.ge [sflag:s28], $0x80  }
0x30b: {  	[sflag:s28] =	ssyncset.done $0x0  }
0x30c: {  	[sflag:s28] =	ssyncadd.s32 $0xFFFFFF80  }
0x30d: {  	[tilespmem:s24], [sflag:$0x1] =	stream.indirect.gather [spmem:s13], $0x80, s26, s29, $0xb8;
	[tilespmem:$0x17A00] =	vst v63  }
0x30e: {  	_ =	swait.ge [sflag:s30], $0x4000  }
0x30f: {  	[sflag:s30] =	ssyncset.done $0x0  }
0x310: {  	s9 =	rddreg [dreg:$0x1b];
	[sflag:s30] =	ssyncadd.s32 $0xFFFFC000  }
0x311: {  	[hbm4b:s9+s6] =	stream.linear.scatter [tilespmem:s24], [sflag:$0x2], $0x4000, $0x38;
	[tilespmem:$0x17A00] =	vst v63  }
0x312: {  	_ =	swait.ge [sflag:s25], $0x4000  }
0x313: {  	s0 =	simm.s32 @!p0 $0x0;
	[sflag:s25] =	ssyncset.done $0x0  }
0x314: {  	s7 =	simm.s32 @!p0 $0x100;
	s8 =	simm.s32 @!p0 $0x3;
	[sflag:s25] =	ssyncadd.s32 $0xFFFFC000  }
0x315: {  	[tilespmem:s7], [sflag:$0x3] =	stream.linear.gather @!p0 [hbm4b:s5+s0], $0x80, $0x38;
	[tilespmem:$0x17A00] =	vst v63  }
0x316: {  	_ =	swait.ge @!p0 [sflag:s8], $0x80  }
0x317: {  	s11 =	simm.s32 @!p0 $0x1;
	[sflag:s8] =	ssyncset.done @!p0 $0x0  }
0x318: {  	s10 =	simm.s32 @!p0 $0x180;
	s9 =	simm.s32 @!p0 $0x80;
	[sflag:s8] =	ssyncadd.s32 @!p0 $0xFFFFFF80  }
0x319: {  	[tilespmem:s10], [sflag:$0x1] =	stream.indirect.gather @!p0 [spmem:s13], $0x80, s7, s9, $0xb8;
	[tilespmem:$0x17A00] =	vst v63  }
0x31a: {  	_ =	swait.ge @!p0 [sflag:s11], $0x4000  }
0x31b: {  	[sflag:s11] =	ssyncset.done @!p0 $0x0  }
0x31c: {  	[sflag:s11] =	ssyncadd.s32 @!p0 $0xFFFFC000;
	s11 =	rddreg [dreg:$0x1c]  }
0x31d: {  	[hbm4b:s11+s0] =	stream.linear.scatter @!p0 [tilespmem:s10], [sflag:$0x2], $0x4000, $0x38;
	[tilespmem:$0x17A00] =	vst v63  }
0x31e: {  	s11 =	simm.s32 @!p0 $0x2  }
0x31f: {  	_ =	swait.ge @!p0 [sflag:s11], $0x4000  }
0x320: {  	[sflag:s11] =	ssyncset.done @!p0 $0x0  }
0x321: {  	[sflag:s11] =	ssyncadd.s32 @!p0 $0xFFFFC000  }
0x322: {  	[bflag:$0x0] =	sbarrier.arrive $0xFFFF  }
0x323: {  	[tilespmem:s24], [sflag:$0x2] =	stream.linear.gather [hbm4b:s16+s6], $0x4000, $0x38;
	[tilespmem:$0x17A00] =	vst v63  }
0x324: {  	_ =	swait.ge [sflag:s25], $0x4000  }
0x325: {  	[sflag:s25] =	ssyncset.done $0x0  }
0x326: {  	[sflag:s25] =	ssyncadd.s32 $0xFFFFC000  }
0x327: {  	[tilespmem:s26], [sflag:$0x3] =	stream.linear.gather [hbm4b:s1+s6], $0x80, $0x38;
	[tilespmem:$0x17A00] =	vst v63  }
0x328: {  	_ =	swait.ge [sflag:s28], $0x80  }
0x329: {  	[sflag:s28] =	ssyncset.done $0x0  }
0x32a: {  	[sflag:s28] =	ssyncadd.s32 $0xFFFFFF80  }
0x32b: {  	[spmem:s13] =	stream.indirect.scatter [tilespmem:s24], [sflag:$0x2], $0x80, s26, s29, $0xb8;
	[tilespmem:$0x17A00] =	vst v63  }
0x32c: {  	_ =	swait.ge [sflag:s25], $0x4000  }
0x32d: {  	[sflag:s25] =	ssyncset.done $0x0  }
0x32e: {  	[sflag:s25] =	ssyncadd.s32 $0xFFFFC000  }
0x32f: {  	[tilespmem:s26], [sflag:$0x3] =	stream.linear.gather [hbm4b:s2+s6], $0x80, $0x38;
	[tilespmem:$0x17A00] =	vst v63  }
0x330: {  	_ =	swait.ge [sflag:s28], $0x80  }
0x331: {  	[sflag:s28] =	ssyncset.done $0x0  }
0x332: {  	[sflag:s28] =	ssyncadd.s32 $0xFFFFFF80  }
0x333: {  	[spmem:s13] =	stream.indirect.scatter [tilespmem:s24], [sflag:$0x2], $0x80, s26, s29, $0xb8;
	[tilespmem:$0x17A00] =	vst v63  }
0x334: {  	_ =	swait.ge [sflag:s25], $0x4000  }
0x335: {  	[sflag:s25] =	ssyncset.done $0x0  }
0x336: {  	[sflag:s25] =	ssyncadd.s32 $0xFFFFC000  }
0x337: {  	[tilespmem:s26], [sflag:$0x3] =	stream.linear.gather [hbm4b:s3+s6], $0x80, $0x38;
	[tilespmem:$0x17A00] =	vst v63  }
0x338: {  	_ =	swait.ge [sflag:s28], $0x80  }
0x339: {  	[sflag:s28] =	ssyncset.done $0x0  }
0x33a: {  	[sflag:s28] =	ssyncadd.s32 $0xFFFFFF80  }
0x33b: {  	[spmem:s13] =	stream.indirect.scatter [tilespmem:s24], [sflag:$0x2], $0x80, s26, s29, $0xb8;
	[tilespmem:$0x17A00] =	vst v63  }
0x33c: {  	_ =	swait.ge [sflag:s25], $0x4000  }
0x33d: {  	[sflag:s25] =	ssyncset.done $0x0  }
0x33e: {  	[sflag:s25] =	ssyncadd.s32 $0xFFFFC000  }
0x33f: {  	[tilespmem:s26], [sflag:$0x3] =	stream.linear.gather [hbm4b:s4+s6], $0x80, $0x38;
	[tilespmem:$0x17A00] =	vst v63  }
0x340: {  	_ =	swait.ge [sflag:s28], $0x80  }
0x341: {  	[sflag:s28] =	ssyncset.done $0x0  }
0x342: {  	[sflag:s28] =	ssyncadd.s32 $0xFFFFFF80  }
0x343: {  	[spmem:s13] =	stream.indirect.scatter [tilespmem:s24], [sflag:$0x2], $0x80, s26, s29, $0xb8;
	[tilespmem:$0x17A00] =	vst v63  }
0x344: {  	_ =	swait.ge [sflag:s25], $0x4000  }
0x345: {  	[sflag:s25] =	ssyncset.done $0x0  }
0x346: {  	[sflag:s25] =	ssyncadd.s32 $0xFFFFC000  }
0x347: {  	[tilespmem:s7], [sflag:$0x3] =	stream.linear.gather @!p0 [hbm4b:s5+s0], $0x80, $0x38;
	[tilespmem:$0x17A00] =	vst v63  }
0x348: {  	_ =	swait.ge @!p0 [sflag:s8], $0x80  }
0x349: {  	[sflag:s8] =	ssyncset.done @!p0 $0x0  }
0x34a: {  	[sflag:s8] =	ssyncadd.s32 @!p0 $0xFFFFFF80  }
0x34b: {  	[spmem:s13] =	stream.indirect.scatter @!p0 [tilespmem:s10], [sflag:$0x2], $0x80, s7, s9, $0xb8;
	[tilespmem:$0x17A00] =	vst v63  }
0x34c: {  	_ =	swait.ge @!p0 [sflag:s11], $0x4000  }
0x34d: {  	[sflag:s11] =	ssyncset.done @!p0 $0x0  }
0x34e: {  	[sflag:s11] =	ssyncadd.s32 @!p0 $0xFFFFC000;
	s11 =	sld [smem:$0x7FC];
	_ =	sdelay $0x1  }
0x34f: {  	s10 =	simm.s32 $0x0  }
0x350: {  	[tilespmem:s24], [sflag:$0x2] =	stream.linear.gather [hbm4b:s11+s10], $0x4000, $0x38;
	[tilespmem:$0x17A00] =	vst v63  }
0x351: {  	s17 =	sadd.s32 $0x0, s14;
	_ =	swait.ge [sflag:s25], $0x4000  }
0x352: {  	p2 =	sgt.u32 s17, $0x4E1;
	[sflag:s25] =	ssyncset.done $0x0  }
0x353: {  	s0 =	simm.s32 @!p2 $0x0;
	[sflag:s25] =	ssyncadd.s32 $0xFFFFC000  }
0x354: {  	s8 =	simm.s32 @!p2 $0x3;
	s7 =	simm.s32 @!p2 $0x80;
	[bflag:$0x0] =	sbarrier.arrive $0xFFFF  }
0x355: {  	[tilespmem:s7], [sflag:$0x3] =	stream.linear.gather @!p2 [hbm4b:s21+s0], $0x80, $0x38;
	[tilespmem:$0x17A00] =	vst v63  }
0x356: {  	p1 =	por p2, p2;
	_ =	swait.ge @!p2 [sflag:s8], $0x80  }
0x357: {  	s18 =	sadd.s32 $0x20, s14;
	s0 =	simm.s32 @!p1 $0x180;
	[sflag:s8] =	ssyncset.done @!p2 $0x0  }
0x358: {  	[sflag:s8] =	ssyncadd.s32 @!p1 $0xFFFFFF80;
	s8 =	simm.s32 @!p2 $0x2;
	p2 =	sgt.u32 s18, $0x4E1  }
0x359: {  	[spmem:s13] =	stream.indirect.scatter.add.f32 @!p1 [tilespmem:s0], [sflag:$0x2], $0x80, s7, s7, $0xb8;
	[tilespmem:$0x17A00] =	vst v63  }
0x35a: {  	s7 =	simm.s32 $0x40;
	s0 =	sadd.s32 $0x200, s21;
	_ =	swait.ge @!p1 [sflag:s8], $0x4000  }
.LBB2_12:
0x35b: {  	s9 =	simm.s32 @!p2 $0x0;
	s10 =	simm.s32 @!p2 $0x80  }
0x35c: {  	[sflag:s8] =	ssyncset.done @!p1 $0x0;
	s11 =	smov.u32 s7;
	s7 =	sadd.s32 $0x20, s7  }
0x35d: {  	s17 =	simm.s32 @!p2 $0x3;
	[sflag:s8] =	ssyncadd.s32 @!p1 $0xFFFFC000;
	p3 =	sne.s32 s7, $0x500  }
0x35e: {  	[tilespmem:s10], [sflag:$0x3] =	stream.linear.gather @!p2 [hbm4b:s0+s9], $0x80, $0x38;
	[tilespmem:$0x17A00] =	vst v63  }
.Ltmp5:
0x35f: {  	_ =	swait.ge @!p2 [sflag:s17], $0x80;
	(pc) =	sbr.rel @p3 .LBB2_12-.Ltmp5, $4  }
0x360: {  	s8 =	simm.s32 @!p2 $0x2;
	p1 =	por p2, p2;
	[sflag:s17] =	ssyncset.done @!p2 $0x0  }
0x361: {  	s9 =	sadd.s32 s11, s14;
	s11 =	simm.s32 @!p1 $0x180;
	[sflag:s17] =	ssyncadd.s32 @!p1 $0xFFFFFF80  }
0x362: {  	[spmem:s13] =	stream.indirect.scatter.add.f32 @!p1 [tilespmem:s11], [sflag:$0x2], $0x80, s10, s10, $0xb8;
	[tilespmem:$0x17A00] =	vst v63  }
0x363: {  	s0 =	sadd.s32 $0x200, s0;
	p2 =	sgt.u32 s9, $0x4E1;
	_ =	swait.ge @!p1 [sflag:s8], $0x4000  }
0x364: {  	s7 =	simm.s32 @!p2 $0x0;
	[sflag:s8] =	ssyncset.done @!p1 $0x0  }
0x365: {  	s9 =	simm.s32 @!p2 $0x80;
	s10 =	simm.s32 @!p2 $0x3;
	[sflag:s8] =	ssyncadd.s32 @!p1 $0xFFFFC000  }
0x366: {  	[tilespmem:s9], [sflag:$0x3] =	stream.linear.gather @!p2 [hbm4b:s0+s7], $0x80, $0x38;
	[tilespmem:$0x17A00] =	vst v63  }
0x367: {  	_ =	swait.ge @!p2 [sflag:s10], $0x80  }
0x368: {  	p1 =	por p2, p2;
	[sflag:s10] =	ssyncset.done @!p2 $0x0  }
0x369: {  	s0 =	simm.s32 @!p2 $0x2;
	s7 =	simm.s32 @!p1 $0x180;
	[sflag:s10] =	ssyncadd.s32 @!p1 $0xFFFFFF80  }
0x36a: {  	[spmem:s13] =	stream.indirect.scatter.add.f32 @!p1 [tilespmem:s7], [sflag:$0x2], $0x80, s9, s9, $0xb8;
	[tilespmem:$0x17A00] =	vst v63  }
0x36b: {  	_ =	swait.ge @!p1 [sflag:s0], $0x4000  }
0x36c: {  	[sflag:s0] =	ssyncset.done @!p1 $0x0  }
0x36d: {  	[sflag:s0] =	ssyncadd.s32 @!p1 $0xFFFFC000  }
0x36e: {  	[bflag:$0x0] =	sbarrier.arrive $0xFFFF  }
0x36f: {  	[tilespmem:s26], [sflag:$0x3] =	stream.linear.gather [hbm4b:s1+s6], $0x80, $0x38;
	[tilespmem:$0x17A00] =	vst v63  }
0x370: {  	_ =	swait.ge [sflag:s28], $0x80  }
0x371: {  	[sflag:s28] =	ssyncset.done $0x0  }
0x372: {  	[sflag:s28] =	ssyncadd.s32 $0xFFFFFF80  }
0x373: {  	[tilespmem:s24], [sflag:$0x1] =	stream.indirect.gather [spmem:s13], $0x80, s26, s29, $0xb8;
	[tilespmem:$0x17A00] =	vst v63  }
0x374: {  	_ =	swait.ge [sflag:s30], $0x4000  }
0x375: {  	[sflag:s30] =	ssyncset.done $0x0  }
0x376: {  	s9 =	rddreg [dreg:$0x1d];
	[sflag:s30] =	ssyncadd.s32 $0xFFFFC000  }
0x377: {  	[hbm4b:s9+s6] =	stream.linear.scatter [tilespmem:s24], [sflag:$0x2], $0x4000, $0x38;
	[tilespmem:$0x17A00] =	vst v63  }
0x378: {  	_ =	swait.ge [sflag:s25], $0x4000  }
0x379: {  	[sflag:s25] =	ssyncset.done $0x0  }
0x37a: {  	[sflag:s25] =	ssyncadd.s32 $0xFFFFC000  }
0x37b: {  	[tilespmem:s26], [sflag:$0x3] =	stream.linear.gather [hbm4b:s2+s6], $0x80, $0x38;
	[tilespmem:$0x17A00] =	vst v63  }
0x37c: {  	_ =	swait.ge [sflag:s28], $0x80  }
0x37d: {  	[sflag:s28] =	ssyncset.done $0x0  }
0x37e: {  	[sflag:s28] =	ssyncadd.s32 $0xFFFFFF80  }
0x37f: {  	[tilespmem:s24], [sflag:$0x1] =	stream.indirect.gather [spmem:s13], $0x80, s26, s29, $0xb8;
	[tilespmem:$0x17A00] =	vst v63  }
0x380: {  	_ =	swait.ge [sflag:s30], $0x4000  }
0x381: {  	[sflag:s30] =	ssyncset.done $0x0  }
0x382: {  	s10 =	rddreg [dreg:$0x1e];
	[sflag:s30] =	ssyncadd.s32 $0xFFFFC000  }
0x383: {  	[hbm4b:s10+s6] =	stream.linear.scatter [tilespmem:s24], [sflag:$0x2], $0x4000, $0x38;
	[tilespmem:$0x17A00] =	vst v63  }
0x384: {  	_ =	swait.ge [sflag:s25], $0x4000  }
0x385: {  	[sflag:s25] =	ssyncset.done $0x0  }
0x386: {  	[sflag:s25] =	ssyncadd.s32 $0xFFFFC000  }
0x387: {  	[tilespmem:s26], [sflag:$0x3] =	stream.linear.gather [hbm4b:s3+s6], $0x80, $0x38;
	[tilespmem:$0x17A00] =	vst v63  }
0x388: {  	_ =	swait.ge [sflag:s28], $0x80  }
0x389: {  	[sflag:s28] =	ssyncset.done $0x0  }
0x38a: {  	[sflag:s28] =	ssyncadd.s32 $0xFFFFFF80  }
0x38b: {  	[tilespmem:s24], [sflag:$0x1] =	stream.indirect.gather [spmem:s13], $0x80, s26, s29, $0xb8;
	[tilespmem:$0x17A00] =	vst v63  }
0x38c: {  	_ =	swait.ge [sflag:s30], $0x4000  }
0x38d: {  	[sflag:s30] =	ssyncset.done $0x0  }
0x38e: {  	s11 =	rddreg [dreg:$0x1f];
	[sflag:s30] =	ssyncadd.s32 $0xFFFFC000  }
0x38f: {  	[hbm4b:s11+s6] =	stream.linear.scatter [tilespmem:s24], [sflag:$0x2], $0x4000, $0x38;
	[tilespmem:$0x17A00] =	vst v63  }
0x390: {  	_ =	swait.ge [sflag:s25], $0x4000  }
0x391: {  	[sflag:s25] =	ssyncset.done $0x0  }
0x392: {  	[sflag:s25] =	ssyncadd.s32 $0xFFFFC000  }
0x393: {  	[tilespmem:s26], [sflag:$0x3] =	stream.linear.gather [hbm4b:s4+s6], $0x80, $0x38;
	[tilespmem:$0x17A00] =	vst v63  }
0x394: {  	_ =	swait.ge [sflag:s28], $0x80  }
0x395: {  	[sflag:s28] =	ssyncset.done $0x0  }
0x396: {  	[sflag:s28] =	ssyncadd.s32 $0xFFFFFF80  }
0x397: {  	[tilespmem:s24], [sflag:$0x1] =	stream.indirect.gather [spmem:s13], $0x80, s26, s29, $0xb8;
	[tilespmem:$0x17A00] =	vst v63  }
0x398: {  	_ =	swait.ge [sflag:s30], $0x4000  }
0x399: {  	s17 =	sld [smem:$0x7FA]  }
0x39a: {  	[sflag:s30] =	ssyncset.done $0x0  }
0x39b: {  	[sflag:s30] =	ssyncadd.s32 $0xFFFFC000  }
0x39c: {  	[hbm4b:s17+s6] =	stream.linear.scatter [tilespmem:s24], [sflag:$0x2], $0x4000, $0x38;
	[tilespmem:$0x17A00] =	vst v63  }
0x39d: {  	_ =	swait.ge [sflag:s25], $0x4000  }
0x39e: {  	s8 =	simm.s32 @!p0 $0x3;
	[sflag:s25] =	ssyncset.done $0x0  }
0x39f: {  	s7 =	simm.s32 @!p0 $0x100;
	s0 =	simm.s32 @!p0 $0x0;
	[sflag:s25] =	ssyncadd.s32 $0xFFFFC000  }
0x3a0: {  	[tilespmem:s7], [sflag:$0x3] =	stream.linear.gather @!p0 [hbm4b:s5+s0], $0x80, $0x38;
	[tilespmem:$0x17A00] =	vst v63  }
0x3a1: {  	_ =	swait.ge @!p0 [sflag:s8], $0x80  }
0x3a2: {  	[sflag:s8] =	ssyncset.done @!p0 $0x0  }
0x3a3: {  	s9 =	simm.s32 @!p0 $0x180;
	[sflag:s8] =	ssyncadd.s32 @!p0 $0xFFFFFF80;
	s8 =	simm.s32 @!p0 $0x80  }
0x3a4: {  	[tilespmem:s9], [sflag:$0x1] =	stream.indirect.gather @!p0 [spmem:s13], $0x80, s7, s8, $0xb8;
	[tilespmem:$0x17A00] =	vst v63  }
0x3a5: {  	s7 =	simm.s32 @!p0 $0x1  }
0x3a6: {  	_ =	swait.ge @!p0 [sflag:s7], $0x4000  }
0x3a7: {  	[sflag:s7] =	ssyncset.done @!p0 $0x0  }
0x3a8: {  	[sflag:s7] =	ssyncadd.s32 @!p0 $0xFFFFC000;
	s7 =	sld [smem:$0x7FB];
	_ =	sdelay $0x2  }
0x3a9: {  	[hbm4b:s7+s0] =	stream.linear.scatter @!p0 [tilespmem:s9], [sflag:$0x2], $0x4000, $0x38;
	[tilespmem:$0x17A00] =	vst v63  }
0x3aa: {  	s0 =	simm.s32 @!p0 $0x2  }
0x3ab: {  	_ =	swait.ge @!p0 [sflag:s0], $0x4000  }
0x3ac: {  	s18 =	sld [smem:$0x7FD];
	_ =	sdelay $0x1  }
0x3ad: {  	s31 =	sadd.s32 $0x1, s31  }
0x3ae: {  	p1 =	sne.s32 s31, s18  }
.Ltmp6:
0x3af: {  	_ = 	snop;
	(pc) =	sbr.rel @p1 .LBB2_1-.Ltmp6, $3  }
0x3b0: {  	[sflag:s0] =	ssyncset.done @!p0 $0x0  }
0x3b1: {  	[sflag:s0] =	ssyncadd.s32 @!p0 $0xFFFFC000  }
0x3b2: {  	[bflag:$0x0] =	sbarrier.arrive $0xFFFF;
	_ =	sdelay $0x1  }
0x3b3: {  	_ =	sfence.sel $0x180000  }
0x3b4: {  	[bflag:$0x0] =	sbarrier.arrive $0xFFFF  }
0x3b5: {  	_ =	strace $0x90000047  }
0x3b6: {  	s0 =	stileid.u32;
	[bflag:$0x2] =	sbarrier.arrive $0xFFFF  }
0x3b7: {  	p0 =	sne.s32 s0, $0x0;
	s0 =	rddreg [dreg:$0x3]  }
0x3b8: {  	s0 =	sadd.s32 @!p0 $0x100000, s0  }
0x3b9: {  	[sflag:s0] =	ssyncadd.tile.s32 @!p0 $0x1;
	_ =	shalt  }
.Lfunc_end2:
_tile_overlayer_lowered:
.L_overlay_start_2:
0x3ba: {  	(tag) =	ssettag $0x2  }
0x3bb: {  	s0 =	rddreg [dreg:$0x0];
	s2 =	stileid.u32  }
0x3bc: {  	s1 =	rddreg [dreg:$0x1];
	p0 =	sne.s32 s2, $0x0  }
0x3bd: {  	s3 =	rddreg [dreg:$0x2];
	[bflag:$0x3] =	sbarrier.arrive $0xFFFF;
	s2 =	simm.s32 @!p0 $0x1C02  }
0x3be: {  	[timem:s3], [sflag:s2] =	dma.local @!p0 [hbm:s0], s1  }
0x3bf: {  	s0 =	simm.s32 @!p0 $0x2  }
0x3c0: {  	_ =	swait.ge @!p0 [sflag:s0], s1  }
0x3c1: {  	s1 =	ssub.s32 @!p0 $0x0, s1;
	[sflag:s0] =	ssyncset.done @!p0 $0x0  }
0x3c2: {  	[sflag:s0] =	ssyncadd.s32 @!p0 s1  }
0x3c3: {  	[bflag:$0x3] =	sbarrier.arrive $0xFFFF  }
0x3c4: {  	_ =	shalt  }

</sc_bundles>
